<compile_context>
chip_gen: v7x
topology: tpu7x:2x2x1
jax: 0.10.2.dev20260603
libtpu: 0.0.44.dev20260713+nightly
codegen_flags: <defaults>
</compile_context>

<pallas_src>
import functools

import jax
import jax.numpy as jnp
from jax import lax
from jax.experimental import pallas as pl
from jax.experimental.pallas import tpu as pltpu
from jax.experimental.pallas import tpu_sc as plsc

B = 128
D = 768
F = 65536
K = 64

FC = 4096
RB = 8


def _enc_body(x_ref, pb_ref, w_ref, b_ref, z_ref):
    xc = x_ref[...] - pb_ref[...][None, :]
    z = lax.dot_general(xc, w_ref[...], (((1,), (1,)), ((), ())),
                        precision=lax.Precision.DEFAULT,
                        preferred_element_type=jnp.float32)
    z_ref[...] = z + b_ref[...][0][None, :]


def _encode(x, pre_bias, W_enc, b_enc):
    grid = F // FC
    return pl.pallas_call(
        _enc_body,
        grid=(grid,),
        in_specs=[
            pl.BlockSpec((B, D), lambda i: (0, 0)),
            pl.BlockSpec((D,), lambda i: (0,)),
            pl.BlockSpec((FC, D), lambda i: (i, 0)),
            pl.BlockSpec((1, FC), lambda i: (0, i)),
        ],
        out_specs=pl.BlockSpec((B, FC), lambda i: (0, i)),
        out_shape=jax.ShapeDtypeStruct((B, F), jnp.float32),
    )(x, pre_bias, W_enc, b_enc.reshape(1, F))


def _topk_body(z_ref, sparse_ref):
    z = z_ref[...]
    b = lax.bitcast_convert_type(z, jnp.int32)
    m = (b >> 31) | jnp.int32(-2147483648)
    u = lax.bitcast_convert_type(b ^ m, jnp.uint32)

    def bit_step(i, t):
        cand = t | (jnp.uint32(1) << (jnp.uint32(31) - i.astype(jnp.uint32)))
        cnt = jnp.sum((u >= cand[:, None]).astype(jnp.float32), axis=1)
        return jnp.where(cnt >= K, cand, t)

    T = lax.fori_loop(0, 32, bit_step, jnp.zeros((RB,), jnp.uint32))
    Tb = T[:, None]

    gt = u > Tb
    eq = u == Tb
    n_gt = jnp.sum(gt.astype(jnp.float32), axis=1, keepdims=True)
    need_eq = jnp.float32(K) - n_gt

    eqf = eq.astype(jnp.float32).reshape(RB * 512, 128)
    r_i = lax.broadcasted_iota(jnp.int32, (128, 128), 0)
    c_i = lax.broadcasted_iota(jnp.int32, (128, 128), 1)
    incl = (r_i <= c_i).astype(jnp.float32)
    within = lax.dot_general(eqf, incl, (((1,), (0,)), ((), ())),
                             precision=lax.Precision.HIGHEST,
                             preferred_element_type=jnp.float32)
    chunk_tot = jnp.sum(eqf, axis=1).reshape(RB, 512)
    r2 = lax.broadcasted_iota(jnp.int32, (512, 512), 0)
    c2 = lax.broadcasted_iota(jnp.int32, (512, 512), 1)
    strict = (r2 < c2).astype(jnp.float32)
    offs = lax.dot_general(chunk_tot, strict, (((1,), (0,)), ((), ())),
                           precision=lax.Precision.HIGHEST,
                           preferred_element_type=jnp.float32)
    rank = (within.reshape(RB, 512, 128)
            + offs[:, :, None]).reshape(RB, F)

    sel = gt | (eq & (rank <= need_eq))
    sparse_ref[...] = jnp.where(sel, jnp.maximum(z, 0.0), 0.0)


def _topk_sparse(z):
    grid = B // RB
    return pl.pallas_call(
        _topk_body,
        grid=(grid,),
        in_specs=[pl.BlockSpec((RB, F), lambda i: (i, 0))],
        out_specs=pl.BlockSpec((RB, F), lambda i: (i, 0)),
        out_shape=jax.ShapeDtypeStruct((B, F), jnp.float32),
    )(z)



CAP = 2048
HALF = 16384

_MINI = -2147483648


def _monot(v):
    bi = lax.bitcast_convert_type(v, jnp.int32)
    m = (bi >> 31) | _MINI
    return lax.bitcast_convert_type(bi ^ m, jnp.uint32)


def _inv_monot(k):
    ki = lax.bitcast_convert_type(k, jnp.int32)
    bi = jnp.where(ki < 0, ki ^ _MINI, ~ki)
    return lax.bitcast_convert_type(bi, jnp.float32)


def _sc_topk(z):
    NC, NS = 2, 16
    NW = NC * NS
    rows_per_w = B // NW
    mesh = plsc.VectorSubcoreMesh(core_axis_name="c", subcore_axis_name="s",
                                  num_cores=NC, num_subcores=NS)

    @functools.partial(
        pl.kernel,
        out_type=jax.ShapeDtypeStruct((B, F), jnp.float32),
        mesh=mesh,
        compiler_params=pltpu.CompilerParams(needs_layout_passes=False),
        scratch_types=[
            pltpu.VMEM((F,), jnp.float32),
            pltpu.VMEM((4224,), jnp.int32),
            pltpu.VMEM((256,), jnp.int32),
            pltpu.VMEM((CAP,), jnp.int32),
            pltpu.VMEM((CAP,), jnp.int32),
            pltpu.VMEM((K,), jnp.int32),
            pltpu.VMEM((K,), jnp.int32),
            pltpu.VMEM((HALF,), jnp.float32),
            pltpu.VMEM((K,), jnp.float32),
            pltpu.VMEM((K,), jnp.int32),
            pltpu.SemaphoreType.DMA,
            pltpu.SemaphoreType.DMA,
        ],
    )
    def body(z_hbm, out_hbm, rowb, hist, sbuf, ck, ci, selk, seli, zbuf,
             selv, idxg, zsem, ssem):
        wid = lax.axis_index("s") * NC + lax.axis_index("c")
        lane = lax.iota(jnp.int32, 16)
        lane257 = lane * 257
        ones16 = jnp.ones((16,), jnp.int32)
        zero16f = jnp.zeros((16,), jnp.float32)

        def zero_hist():
            @plsc.parallel_loop(0, 264, unroll=8)
            def _zh(i):
                hist[pl.ds(i * 16, 16)] = jnp.zeros((16,), jnp.int32)

        @plsc.parallel_loop(0, HALF // 16, unroll=8)
        def _zb0(i):
            zbuf[pl.ds(i * 16, 16)] = zero16f

        def scan_hist(need):
            def sb(i, c):
                carry, bcount = c
                g = 15 - i
                acc = hist[pl.ds(g * 16, 16)]
                for l in range(1, 16):
                    acc = acc + hist[pl.ds(l * 257 + g * 16, 16)]
                cs = plsc.cumsum(lax.rev(acc, (0,)))
                sg = lax.rev(cs + carry, (0,))
                sbuf[pl.ds(g * 16, 16)] = sg
                carry = carry + jnp.max(cs)
                bcount = bcount + plsc.all_reduce_population_count(sg >= need)
                return carry, bcount
            _, bcount = lax.fori_loop(
                0, 16, sb, (jnp.int32(0), jnp.zeros((16,), jnp.int32)))
            bstar = jnp.max(bcount) - 1
            up = jnp.minimum(bstar + 1, 255)
            sa_v = plsc.load_gather(sbuf, [jnp.broadcast_to(up, (16,))])
            ca_v = plsc.load_gather(sbuf, [jnp.broadcast_to(bstar, (16,))])
            s_above = jnp.where(bstar >= 255, 0, jnp.max(sa_v))
            return bstar, s_above, jnp.max(ca_v)

        def hist_cand(nv, cnt, lo, hi, shift):
            zero_hist()
            sh = jnp.uint32(shift)

            @plsc.parallel_loop(0, nv, unroll=4)
            def _hc(i):
                base = i * 16
                idx = ci[pl.ds(base, 16)]
                k = _monot(plsc.load_gather(rowb, [idx]))
                valid = (base + lane) < cnt
                m = valid & (k >= lo) & (k < hi)
                b = lax.bitcast_convert_type((k - lo) >> sh,
                                             jnp.int32) & 255
                plsc.addupdate_scatter(hist, [lane257 + b], ones16, mask=m)

        def hist_row(lo, hi, shift):
            zero_hist()
            sh = jnp.uint32(shift)

            @plsc.parallel_loop(0, 4096, unroll=8)
            def _hr(i):
                k = _monot(rowb[pl.ds(i * 16, 16)])
                m = (k >= lo) & (k < hi)
                b = lax.bitcast_convert_type((k - lo) >> sh,
                                             jnp.int32) & 255
                plsc.addupdate_scatter(hist, [lane257 + b], ones16, mask=m)

        def refine(level1, use_cand, nv, cnt):
            b1, sa1, _ = level1
            lo = b1.astype(jnp.uint32) << 24
            need = jnp.int32(K) - sa1
            width = jnp.uint32(1) << 24
            for shift in (16, 8, 0):
                if use_cand:
                    hist_cand(nv, cnt, lo, lo + width, shift)
                else:
                    hist_row(lo, lo + width, shift)
                bl, sal, _ = scan_hist(need)
                lo = lo + (bl.astype(jnp.uint32) << shift)
                need = need - sal
                width = jnp.uint32(1) << shift
            return lo, need

        def final_select(use_cand, nv, cnt, t_u, need_eq):
            def step(base, eqc, selc):
                if use_cand:
                    idx = ci[pl.ds(base, 16)]
                    k = _monot(plsc.load_gather(rowb, [idx]))
                    valid = (base + lane) < cnt
                else:
                    k = _monot(rowb[pl.ds(base, 16)])
                    idx = base + lane
                    valid = (base + lane) < F
                gt = valid & (k > t_u)
                eq = valid & (k == t_u)
                eqr = eqc + plsc.cumsum(eq.astype(jnp.int32))
                sel = gt | (eq & (eqr <= need_eq))
                addr = selc + plsc.cumsum(sel.astype(jnp.int32)) - 1
                plsc.store_scatter(selk, [addr],
                                   lax.bitcast_convert_type(k, jnp.int32), mask=sel)
                plsc.store_scatter(seli, [addr], idx, mask=sel)
                eqc = eqc + plsc.all_reduce_population_count(eq)
                selc = selc + plsc.all_reduce_population_count(sel)
                return eqc, selc
            z16 = jnp.zeros((16,), jnp.int32)

            @plsc.parallel_loop(0, nv, unroll=4, carry=(z16, z16))
            def _fs(i, c):
                eqc, selc = c
                return step(i * 16, eqc, selc)

        def row_body(r, _):
            row = wid * rows_per_w + r
            qdescs = [
                pltpu.async_copy(z_hbm.at[row, pl.ds(q * 16384, 16384)],
                                 rowb.at[pl.ds(q * 16384, 16384)], zsem)
                for q in range(4)
            ]

            zero_hist()
            for q in range(4):
                qdescs[q].wait()

                @plsc.parallel_loop(0, 1024, unroll=8)
                def _h1(i, _q=q):
                    k = _monot(rowb[pl.ds(_q * 16384 + i * 16, 16)])
                    b = lax.bitcast_convert_type(k >> jnp.uint32(24),
                                                 jnp.int32)
                    plsc.addupdate_scatter(hist, [lane257 + b], ones16,
                                           mask=ones16 > 0)

            lvl1 = scan_hist(jnp.int32(K))
            b1, _, c1 = lvl1
            lo1 = b1.astype(jnp.uint32) << 24

            @pl.when(c1 <= CAP)
            def _fast():
                @plsc.parallel_loop(0, 4096, unroll=8,
                                    carry=jnp.zeros((16,), jnp.int32))
                def _cb(i, carry):
                    base = i * 16
                    k = _monot(rowb[pl.ds(base, 16)])
                    m = k >= lo1
                    addr = carry + plsc.cumsum(m.astype(jnp.int32)) - 1
                    plsc.store_scatter(ci, [addr], base + lane, mask=m)
                    return carry + plsc.all_reduce_population_count(m)
                nv = (c1 + 15) // 16
                t_u, need_eq = refine(lvl1, True, nv, c1)
                final_select(True, nv, c1, t_u, need_eq)

            @pl.when(c1 > CAP)
            def _slow():
                t_u, need_eq = refine(lvl1, False, 4096, jnp.int32(F))
                final_select(False, 4096, jnp.int32(F), t_u, need_eq)

            for q in range(F // HALF):
                sc = []
                for j in range(K // 16):
                    kv = lax.bitcast_convert_type(selk[pl.ds(j * 16, 16)],
                                                  jnp.uint32)
                    val = jnp.maximum(_inv_monot(kv), 0.0)
                    idx = seli[pl.ds(j * 16, 16)]
                    inb = (idx >= q * HALF) & (idx < (q + 1) * HALF)
                    locc = (idx - q * HALF) & (HALF - 1)
                    plsc.store_scatter(zbuf, [locc], val, mask=inb)
                    sc.append((locc, inb))
                pltpu.sync_copy(zbuf, out_hbm.at[row, pl.ds(q * HALF, HALF)])
                for locc, inb in sc:
                    plsc.store_scatter(zbuf, [locc], zero16f, mask=inb)
            return 0

        lax.fori_loop(0, rows_per_w, row_body, 0)

    return body(z)


def _dec_body(s_ref, w_ref, pb_ref, out_ref):
    i = pl.program_id(0)
    part = lax.dot_general(s_ref[...], w_ref[...], (((1,), (1,)), ((), ())),
                           precision=lax.Precision.DEFAULT,
                           preferred_element_type=jnp.float32)

    @pl.when(i == 0)
    def _init():
        out_ref[...] = part + pb_ref[...][None, :]

    @pl.when(i != 0)
    def _acc():
        out_ref[...] += part


def _decode(sparse, W_dec, pre_bias):
    grid = F // FC
    return pl.pallas_call(
        _dec_body,
        grid=(grid,),
        in_specs=[
            pl.BlockSpec((B, FC), lambda i: (0, i)),
            pl.BlockSpec((D, FC), lambda i: (0, i)),
            pl.BlockSpec((D,), lambda i: (0,)),
        ],
        out_specs=pl.BlockSpec((B, D), lambda i: (0, 0)),
        out_shape=jax.ShapeDtypeStruct((B, D), jnp.float32),
    )(sparse, W_dec, pre_bias)


def kernel(x, pre_bias, W_enc, b_enc, W_dec):
    z = _encode(x, pre_bias, W_enc, b_enc)
    sparse = _sc_topk(z)
    x_hat = _decode(sparse, W_dec, pre_bias)
    return (x_hat, sparse)

# --- scband reference (transcript-rebuilt; emitter-appended) ---
"""Pipeline reference for scband-top-ksae-55087250538647 (READ-ONLY COPY).

The authoritative reference and input builder live on the scoring server;
editing this copy changes nothing except your own understanding.
"""

import jax, jax.numpy as jnp
import numpy as np

B = 128
D = 768
F = 65536
K = 64


def setup_inputs(seed: int = 0) -> dict:
    key = jax.random.key(seed)
    k1, k2, k3 = jax.random.split(key, 3)
    x = jax.random.normal(k1, (B, D), dtype=jnp.float32)
    pre_bias = jnp.zeros((D,), dtype=jnp.float32)
    # torch nn.Linear(d_model, n_features): weight [F, D]
    W_enc = jax.random.normal(k2, (F, D), dtype=jnp.float32) * (1.0 / np.sqrt(D))
    b_enc = jnp.zeros((F,), dtype=jnp.float32)
    # torch nn.Linear(n_features, d_model, bias=False): weight [D, F], columns unit-normalized (dim=0)
    W_dec = jax.random.normal(k3, (D, F), dtype=jnp.float32)
    W_dec = W_dec / (jnp.linalg.norm(W_dec, axis=0, keepdims=True) + 1e-12)
    return {"x": x, "pre_bias": pre_bias, "W_enc": W_enc, "b_enc": b_enc, "W_dec": W_dec}


def reference(x, pre_bias, W_enc, b_enc, W_dec):
    centered = x - pre_bias
    z = centered @ W_enc.T + b_enc                      # [B, F]
    topk_vals, topk_idx = jax.lax.top_k(z, K)           # [B, K]
    rows = jnp.arange(z.shape[0])[:, None]
    sparse = jnp.zeros_like(z).at[rows, topk_idx].set(jax.nn.relu(topk_vals))
    x_hat = sparse @ W_dec.T + pre_bias                 # [B, D]
    return (x_hat, sparse)

if __name__ == "__main__":
    import jax
    _d = setup_inputs()
    print(jax.jit(kernel)(*tuple(_d.values())))

</pallas_src>

<mosaic_0001>
#map = affine_map<(d0, d1) -> (0, 0)>
module attributes {stable_mosaic.version = 14 : i64} {
  func.func @body(%arg0: i32, %arg1: i32, %arg2: memref<128x65536xf32, #tpu.memory_space<hbm>>, %arg3: memref<128x65536xf32, #tpu.memory_space<hbm>>, %arg4: memref<65536xf32, #tpu.memory_space<vmem>>, %arg5: memref<4224xi32, #tpu.memory_space<vmem>>, %arg6: memref<256xi32, #tpu.memory_space<vmem>>, %arg7: memref<2048xi32, #tpu.memory_space<vmem>>, %arg8: memref<2048xi32, #tpu.memory_space<vmem>>, %arg9: memref<64xi32, #tpu.memory_space<vmem>>, %arg10: memref<64xi32, #tpu.memory_space<vmem>>, %arg11: memref<16384xf32, #tpu.memory_space<vmem>>, %arg12: memref<64xf32, #tpu.memory_space<vmem>>, %arg13: memref<64xi32, #tpu.memory_space<vmem>>, %arg14: memref<!tpu.dma_semaphore, #tpu.memory_space<semaphore_mem>>, %arg15: memref<!tpu.dma_semaphore, #tpu.memory_space<semaphore_mem>>) attributes {dimension_semantics = [#tpu.dimension_semantics<core_parallel>, #tpu.dimension_semantics<subcore_parallel>], iteration_bounds = array<i64: 2, 16>, scalar_prefetch = 0 : i64, scratch_operands = 12 : i64, tpu.core_type = #tpu.core_type<sc_vector_subcore>, window_params = [{transform_indices = #map}, {transform_indices = #map}]} {
    %mul3A = arith.constant 2 : i32
    %mul3A_0 = arith.muli %arg1, %mul3A : i32
    %add3A = arith.addi %mul3A_0, %arg0 : i32
    %iota3A = tpu.iota {dimensions = array<i32: 0>} : vector<16xi32>
    %mul3A_1 = arith.constant 257 : i32
    %mul3A_2 = vector.broadcast %mul3A_1 : i32 to vector<16xi32>
    %mul3A_3 = arith.muli %iota3A, %mul3A_2 : vector<16xi32>
    %broadcast_in_dim3A = arith.constant 1 : i32
    %broadcast_in_dim3A_4 = vector.broadcast %broadcast_in_dim3A : i32 to vector<16xi32>
    %broadcast_in_dim3A_5 = arith.constant 0.000000e+00 : f32
    %broadcast_in_dim3A_6 = vector.broadcast %broadcast_in_dim3A_5 : f32 to vector<16xf32>
    %parallel_loop3A = arith.constant 0 : i32
    %parallel_loop3A_7 = arith.constant 1024 : i32
    %parallel_loop3A_8 = arith.constant 1 : i32
    scf.for %parallel_loop3A_15 = %parallel_loop3A to %parallel_loop3A_7 step %parallel_loop3A_8  : i32 {
      %parallel_loop3A_16 = arith.constant 16 : i32
      %parallel_loop3A_17 = arith.muli %parallel_loop3A_15, %parallel_loop3A_16 : i32
      %parallel_loop3A_18 = arith.index_cast %parallel_loop3A_17 : i32 to index
      %parallel_loop3A_19 = tpu.vector_load %arg11[%parallel_loop3A_18] {strides = array<i32>} : memref<16384xf32, #tpu.memory_space<vmem>>, vector<16xf32>,
      tpu.vector_store %arg11[%parallel_loop3A_18], %broadcast_in_dim3A_6 {strides = array<i32>} : memref<16384xf32, #tpu.memory_space<vmem>>, vector<16xf32>,
    } {sc.loop_unroll_factor = 8 : i64, sc.parallel_access}
    %scan3A = arith.constant 0 : i32
    %scan3A_9 = arith.constant 0 : i32
    %scan3A_10 = arith.constant 4 : i32
    %scan3A_11 = arith.addi %scan3A_9, %scan3A_10 : i32
    %scan3A_12 = arith.constant 1 : i32
    %scan3A_13 = scf.for %scan3A_15 = %scan3A_9 to %scan3A_11 step %scan3A_12 iter_args(%scan3A_16 = %scan3A) -> (i32)  : i32 {
      %mul3A_17 = arith.constant 4 : i32
      %mul3A_18 = arith.muli %add3A, %mul3A_17 : i32
      %add3A_19 = arith.addi %mul3A_18, %scan3A_15 : i32
      %dma_start3A = arith.constant 0 : i32
      %dma_start3A_20 = tpu.memref_slice %arg4[%dma_start3A] : memref<65536xf32, #tpu.memory_space<vmem>> -> memref<16384xf32, #tpu.memory_space<vmem>>
      %dma_start3A_21 = arith.constant 0 : i32
      %dma_start3A_22 = tpu.memref_slice %arg2[%add3A_19, %dma_start3A_21] : memref<128x65536xf32, #tpu.memory_space<hbm>> -> memref<1x16384xf32, #tpu.memory_space<hbm>>
      %dma_start3A_23 = tpu.memref_squeeze %dma_start3A_22 : memref<1x16384xf32, #tpu.memory_space<hbm>> -> memref<16384xf32, #tpu.memory_space<hbm>>
      %dma_start3A_24 = arith.constant 0 : i32
      %dma_start3A_25 = tpu.memref_slice %arg4[%dma_start3A_24] : memref<65536xf32, #tpu.memory_space<vmem>> -> memref<16384xf32, #tpu.memory_space<vmem>>
      %dma_start3A_26 = arith.constant 0 : i32
      %dma_start3A_27 = tpu.memref_slice %arg2[%add3A_19, %dma_start3A_26] : memref<128x65536xf32, #tpu.memory_space<hbm>> -> memref<1x16384xf32, #tpu.memory_space<hbm>>
      %dma_start3A_28 = tpu.memref_squeeze %dma_start3A_27 : memref<1x16384xf32, #tpu.memory_space<hbm>> -> memref<16384xf32, #tpu.memory_space<hbm>>
      tpu.enqueue_dma source(%dma_start3A_28 : memref<16384xf32, #tpu.memory_space<hbm>>) target(%dma_start3A_25 : memref<16384xf32, #tpu.memory_space<vmem>>) target_semaphore(%arg14 : memref<!tpu.dma_semaphore, #tpu.memory_space<semaphore_mem>>)
      %dma_start3A_29 = arith.constant 16384 : i32
      %dma_start3A_30 = tpu.memref_slice %arg4[%dma_start3A_29] : memref<65536xf32, #tpu.memory_space<vmem>> -> memref<16384xf32, #tpu.memory_space<vmem>>
      %dma_start3A_31 = arith.constant 16384 : i32
      %dma_start3A_32 = tpu.memref_slice %arg2[%add3A_19, %dma_start3A_31] : memref<128x65536xf32, #tpu.memory_space<hbm>> -> memref<1x16384xf32, #tpu.memory_space<hbm>>
      %dma_start3A_33 = tpu.memref_squeeze %dma_start3A_32 : memref<1x16384xf32, #tpu.memory_space<hbm>> -> memref<16384xf32, #tpu.memory_space<hbm>>
      %dma_start3A_34 = arith.constant 16384 : i32
      %dma_start3A_35 = tpu.memref_slice %arg4[%dma_start3A_34] : memref<65536xf32, #tpu.memory_space<vmem>> -> memref<16384xf32, #tpu.memory_space<vmem>>
      %dma_start3A_36 = arith.constant 16384 : i32
      %dma_start3A_37 = tpu.memref_slice %arg2[%add3A_19, %dma_start3A_36] : memref<128x65536xf32, #tpu.memory_space<hbm>> -> memref<1x16384xf32, #tpu.memory_space<hbm>>
      %dma_start3A_38 = tpu.memref_squeeze %dma_start3A_37 : memref<1x16384xf32, #tpu.memory_space<hbm>> -> memref<16384xf32, #tpu.memory_space<hbm>>
      tpu.enqueue_dma source(%dma_start3A_38 : memref<16384xf32, #tpu.memory_space<hbm>>) target(%dma_start3A_35 : memref<16384xf32, #tpu.memory_space<vmem>>) target_semaphore(%arg14 : memref<!tpu.dma_semaphore, #tpu.memory_space<semaphore_mem>>)
      %dma_start3A_39 = arith.constant 32768 : i32
      %dma_start3A_40 = tpu.memref_slice %arg4[%dma_start3A_39] : memref<65536xf32, #tpu.memory_space<vmem>> -> memref<16384xf32, #tpu.memory_space<vmem>>
      %dma_start3A_41 = arith.constant 32768 : i32
      %dma_start3A_42 = tpu.memref_slice %arg2[%add3A_19, %dma_start3A_41] : memref<128x65536xf32, #tpu.memory_space<hbm>> -> memref<1x16384xf32, #tpu.memory_space<hbm>>
      %dma_start3A_43 = tpu.memref_squeeze %dma_start3A_42 : memref<1x16384xf32, #tpu.memory_space<hbm>> -> memref<16384xf32, #tpu.memory_space<hbm>>
      %dma_start3A_44 = arith.constant 32768 : i32
      %dma_start3A_45 = tpu.memref_slice %arg4[%dma_start3A_44] : memref<65536xf32, #tpu.memory_space<vmem>> -> memref<16384xf32, #tpu.memory_space<vmem>>
      %dma_start3A_46 = arith.constant 32768 : i32
      %dma_start3A_47 = tpu.memref_slice %arg2[%add3A_19, %dma_start3A_46] : memref<128x65536xf32, #tpu.memory_space<hbm>> -> memref<1x16384xf32, #tpu.memory_space<hbm>>
      %dma_start3A_48 = tpu.memref_squeeze %dma_start3A_47 : memref<1x16384xf32, #tpu.memory_space<hbm>> -> memref<16384xf32, #tpu.memory_space<hbm>>
      tpu.enqueue_dma source(%dma_start3A_48 : memref<16384xf32, #tpu.memory_space<hbm>>) target(%dma_start3A_45 : memref<16384xf32, #tpu.memory_space<vmem>>) target_semaphore(%arg14 : memref<!tpu.dma_semaphore, #tpu.memory_space<semaphore_mem>>)
      %dma_start3A_49 = arith.constant 49152 : i32
      %dma_start3A_50 = tpu.memref_slice %arg4[%dma_start3A_49] : memref<65536xf32, #tpu.memory_space<vmem>> -> memref<16384xf32, #tpu.memory_space<vmem>>
      %dma_start3A_51 = arith.constant 49152 : i32
      %dma_start3A_52 = tpu.memref_slice %arg2[%add3A_19, %dma_start3A_51] : memref<128x65536xf32, #tpu.memory_space<hbm>> -> memref<1x16384xf32, #tpu.memory_space<hbm>>
      %dma_start3A_53 = tpu.memref_squeeze %dma_start3A_52 : memref<1x16384xf32, #tpu.memory_space<hbm>> -> memref<16384xf32, #tpu.memory_space<hbm>>
      %dma_start3A_54 = arith.constant 49152 : i32
      %dma_start3A_55 = tpu.memref_slice %arg4[%dma_start3A_54] : memref<65536xf32, #tpu.memory_space<vmem>> -> memref<16384xf32, #tpu.memory_space<vmem>>
      %dma_start3A_56 = arith.constant 49152 : i32
      %dma_start3A_57 = tpu.memref_slice %arg2[%add3A_19, %dma_start3A_56] : memref<128x65536xf32, #tpu.memory_space<hbm>> -> memref<1x16384xf32, #tpu.memory_space<hbm>>
      %dma_start3A_58 = tpu.memref_squeeze %dma_start3A_57 : memref<1x16384xf32, #tpu.memory_space<hbm>> -> memref<16384xf32, #tpu.memory_space<hbm>>
      tpu.enqueue_dma source(%dma_start3A_58 : memref<16384xf32, #tpu.memory_space<hbm>>) target(%dma_start3A_55 : memref<16384xf32, #tpu.memory_space<vmem>>) target_semaphore(%arg14 : memref<!tpu.dma_semaphore, #tpu.memory_space<semaphore_mem>>)
      %parallel_loop3A_59 = arith.constant 0 : i32
      %parallel_loop3A_60 = arith.constant 264 : i32
      %parallel_loop3A_61 = arith.constant 1 : i32
      scf.for %parallel_loop3A_667 = %parallel_loop3A_59 to %parallel_loop3A_60 step %parallel_loop3A_61  : i32 {
        %parallel_loop3A_668 = arith.constant 0 : i32
        %parallel_loop3A_669 = vector.broadcast %parallel_loop3A_668 : i32 to vector<16xi32>
        %parallel_loop3A_670 = arith.constant 16 : i32
        %parallel_loop3A_671 = arith.muli %parallel_loop3A_667, %parallel_loop3A_670 : i32
        %parallel_loop3A_672 = arith.index_cast %parallel_loop3A_671 : i32 to index
        %parallel_loop3A_673 = tpu.vector_load %arg5[%parallel_loop3A_672] {strides = array<i32>} : memref<4224xi32, #tpu.memory_space<vmem>>, vector<16xi32>,
        tpu.vector_store %arg5[%parallel_loop3A_672], %parallel_loop3A_669 {strides = array<i32>} : memref<4224xi32, #tpu.memory_space<vmem>>, vector<16xi32>,
      } {sc.loop_unroll_factor = 8 : i64, sc.parallel_access}
      %dma_wait3A = arith.constant 0 : i32
      %dma_wait3A_62 = tpu.memref_slice %arg4[%dma_wait3A] : memref<65536xf32, #tpu.memory_space<vmem>> -> memref<16384xf32, #tpu.memory_space<vmem>>
      %dma_wait3A_63 = arith.constant 0 : i32
      %dma_wait3A_64 = tpu.memref_slice %arg2[%add3A_19, %dma_wait3A_63] : memref<128x65536xf32, #tpu.memory_space<hbm>> -> memref<1x16384xf32, #tpu.memory_space<hbm>>
      %dma_wait3A_65 = tpu.memref_squeeze %dma_wait3A_64 : memref<1x16384xf32, #tpu.memory_space<hbm>> -> memref<16384xf32, #tpu.memory_space<hbm>>
      %dma_wait3A_66 = arith.constant 0 : i32
      %dma_wait3A_67 = tpu.memref_slice %arg4[%dma_wait3A_66] : memref<65536xf32, #tpu.memory_space<vmem>> -> memref<16384xf32, #tpu.memory_space<vmem>>
      %dma_wait3A_68 = arith.constant 0 : i32
      %dma_wait3A_69 = tpu.memref_slice %arg2[%add3A_19, %dma_wait3A_68] : memref<128x65536xf32, #tpu.memory_space<hbm>> -> memref<1x16384xf32, #tpu.memory_space<hbm>>
      %dma_wait3A_70 = tpu.memref_squeeze %dma_wait3A_69 : memref<1x16384xf32, #tpu.memory_space<hbm>> -> memref<16384xf32, #tpu.memory_space<hbm>>
      tpu.wait_dma2 semaphore(%arg14 : memref<!tpu.dma_semaphore, #tpu.memory_space<semaphore_mem>>) src(%dma_wait3A_70 : memref<16384xf32, #tpu.memory_space<hbm>>) dst(%dma_wait3A_67 : memref<16384xf32, #tpu.memory_space<vmem>>)
      %parallel_loop3A_71 = arith.constant 0 : i32
      %parallel_loop3A_72 = arith.constant 1024 : i32
      %parallel_loop3A_73 = arith.constant 1 : i32
      scf.for %parallel_loop3A_667 = %parallel_loop3A_71 to %parallel_loop3A_72 step %parallel_loop3A_73  : i32 {
        %parallel_loop3A_668 = arith.constant 16 : i32
        %parallel_loop3A_669 = arith.muli %parallel_loop3A_667, %parallel_loop3A_668 : i32
        %parallel_loop3A_670 = arith.constant 0 : i32
        %parallel_loop3A_671 = arith.addi %parallel_loop3A_670, %parallel_loop3A_669 : i32
        %parallel_loop3A_672 = arith.index_cast %parallel_loop3A_671 : i32 to index
        %parallel_loop3A_673 = tpu.vector_load %arg4[%parallel_loop3A_672] {strides = array<i32>} : memref<65536xf32, #tpu.memory_space<vmem>>, vector<16xf32>,
        %parallel_loop3A_674 = tpu.bitcast %parallel_loop3A_673 : vector<16xf32> -> vector<16xi32>
        %parallel_loop3A_675 = arith.constant 31 : i32
        %parallel_loop3A_676 = vector.broadcast %parallel_loop3A_675 : i32 to vector<16xi32>
        %parallel_loop3A_677 = arith.shrsi %parallel_loop3A_674, %parallel_loop3A_676 : vector<16xi32>
        %parallel_loop3A_678 = arith.constant -2147483648 : i32
        %parallel_loop3A_679 = vector.broadcast %parallel_loop3A_678 : i32 to vector<16xi32>
        %parallel_loop3A_680 = arith.ori %parallel_loop3A_677, %parallel_loop3A_679 : vector<16xi32>
        %parallel_loop3A_681 = arith.xori %parallel_loop3A_674, %parallel_loop3A_680 : vector<16xi32>
        %parallel_loop3A_682 = tpu.bitcast %parallel_loop3A_681 : vector<16xi32> -> vector<16xi32>
        %parallel_loop3A_683 = arith.constant 24 : i32
        %parallel_loop3A_684 = vector.broadcast %parallel_loop3A_683 : i32 to vector<16xi32>
        %parallel_loop3A_685 = arith.shrui %parallel_loop3A_682, %parallel_loop3A_684 : vector<16xi32>
        %parallel_loop3A_686 = tpu.bitcast %parallel_loop3A_685 : vector<16xi32> -> vector<16xi32>
        %parallel_loop3A_687 = arith.addi %mul3A_3, %parallel_loop3A_686 : vector<16xi32>
        %parallel_loop3A_688 = arith.constant 0 : i32
        %parallel_loop3A_689 = vector.broadcast %parallel_loop3A_688 : i32 to vector<16xi32>
        %parallel_loop3A_690 = arith.cmpi sgt, %broadcast_in_dim3A_4, %parallel_loop3A_689 : vector<16xi32>
        tpu.vector_store_idx %arg5[%parallel_loop3A_687], %broadcast_in_dim3A_4 masked %parallel_loop3A_690 {add = true} : memref<4224xi32, #tpu.memory_space<vmem>>[vector<16xi32>], vector<16xi32>, vector<16xi1>
      } {sc.loop_unroll_factor = 8 : i64, sc.parallel_access}
      %dma_wait3A_74 = arith.constant 16384 : i32
      %dma_wait3A_75 = tpu.memref_slice %arg4[%dma_wait3A_74] : memref<65536xf32, #tpu.memory_space<vmem>> -> memref<16384xf32, #tpu.memory_space<vmem>>
      %dma_wait3A_76 = arith.constant 16384 : i32
      %dma_wait3A_77 = tpu.memref_slice %arg2[%add3A_19, %dma_wait3A_76] : memref<128x65536xf32, #tpu.memory_space<hbm>> -> memref<1x16384xf32, #tpu.memory_space<hbm>>
      %dma_wait3A_78 = tpu.memref_squeeze %dma_wait3A_77 : memref<1x16384xf32, #tpu.memory_space<hbm>> -> memref<16384xf32, #tpu.memory_space<hbm>>
      %dma_wait3A_79 = arith.constant 16384 : i32
      %dma_wait3A_80 = tpu.memref_slice %arg4[%dma_wait3A_79] : memref<65536xf32, #tpu.memory_space<vmem>> -> memref<16384xf32, #tpu.memory_space<vmem>>
      %dma_wait3A_81 = arith.constant 16384 : i32
      %dma_wait3A_82 = tpu.memref_slice %arg2[%add3A_19, %dma_wait3A_81] : memref<128x65536xf32, #tpu.memory_space<hbm>> -> memref<1x16384xf32, #tpu.memory_space<hbm>>
      %dma_wait3A_83 = tpu.memref_squeeze %dma_wait3A_82 : memref<1x16384xf32, #tpu.memory_space<hbm>> -> memref<16384xf32, #tpu.memory_space<hbm>>
      tpu.wait_dma2 semaphore(%arg14 : memref<!tpu.dma_semaphore, #tpu.memory_space<semaphore_mem>>) src(%dma_wait3A_83 : memref<16384xf32, #tpu.memory_space<hbm>>) dst(%dma_wait3A_80 : memref<16384xf32, #tpu.memory_space<vmem>>)
      %parallel_loop3A_84 = arith.constant 0 : i32
      %parallel_loop3A_85 = arith.constant 1024 : i32
      %parallel_loop3A_86 = arith.constant 1 : i32
      scf.for %parallel_loop3A_667 = %parallel_loop3A_84 to %parallel_loop3A_85 step %parallel_loop3A_86  : i32 {
        %parallel_loop3A_668 = arith.constant 16 : i32
        %parallel_loop3A_669 = arith.muli %parallel_loop3A_667, %parallel_loop3A_668 : i32
        %parallel_loop3A_670 = arith.constant 16384 : i32
        %parallel_loop3A_671 = arith.addi %parallel_loop3A_670, %parallel_loop3A_669 : i32
        %parallel_loop3A_672 = arith.index_cast %parallel_loop3A_671 : i32 to index
        %parallel_loop3A_673 = tpu.vector_load %arg4[%parallel_loop3A_672] {strides = array<i32>} : memref<65536xf32, #tpu.memory_space<vmem>>, vector<16xf32>,
        %parallel_loop3A_674 = tpu.bitcast %parallel_loop3A_673 : vector<16xf32> -> vector<16xi32>
        %parallel_loop3A_675 = arith.constant 31 : i32
        %parallel_loop3A_676 = vector.broadcast %parallel_loop3A_675 : i32 to vector<16xi32>
        %parallel_loop3A_677 = arith.shrsi %parallel_loop3A_674, %parallel_loop3A_676 : vector<16xi32>
        %parallel_loop3A_678 = arith.constant -2147483648 : i32
        %parallel_loop3A_679 = vector.broadcast %parallel_loop3A_678 : i32 to vector<16xi32>
        %parallel_loop3A_680 = arith.ori %parallel_loop3A_677, %parallel_loop3A_679 : vector<16xi32>
        %parallel_loop3A_681 = arith.xori %parallel_loop3A_674, %parallel_loop3A_680 : vector<16xi32>
        %parallel_loop3A_682 = tpu.bitcast %parallel_loop3A_681 : vector<16xi32> -> vector<16xi32>
        %parallel_loop3A_683 = arith.constant 24 : i32
        %parallel_loop3A_684 = vector.broadcast %parallel_loop3A_683 : i32 to vector<16xi32>
        %parallel_loop3A_685 = arith.shrui %parallel_loop3A_682, %parallel_loop3A_684 : vector<16xi32>
        %parallel_loop3A_686 = tpu.bitcast %parallel_loop3A_685 : vector<16xi32> -> vector<16xi32>
        %parallel_loop3A_687 = arith.addi %mul3A_3, %parallel_loop3A_686 : vector<16xi32>
        %parallel_loop3A_688 = arith.constant 0 : i32
        %parallel_loop3A_689 = vector.broadcast %parallel_loop3A_688 : i32 to vector<16xi32>
        %parallel_loop3A_690 = arith.cmpi sgt, %broadcast_in_dim3A_4, %parallel_loop3A_689 : vector<16xi32>
        tpu.vector_store_idx %arg5[%parallel_loop3A_687], %broadcast_in_dim3A_4 masked %parallel_loop3A_690 {add = true} : memref<4224xi32, #tpu.memory_space<vmem>>[vector<16xi32>], vector<16xi32>, vector<16xi1>
      } {sc.loop_unroll_factor = 8 : i64, sc.parallel_access}
      %dma_wait3A_87 = arith.constant 32768 : i32
      %dma_wait3A_88 = tpu.memref_slice %arg4[%dma_wait3A_87] : memref<65536xf32, #tpu.memory_space<vmem>> -> memref<16384xf32, #tpu.memory_space<vmem>>
      %dma_wait3A_89 = arith.constant 32768 : i32
      %dma_wait3A_90 = tpu.memref_slice %arg2[%add3A_19, %dma_wait3A_89] : memref<128x65536xf32, #tpu.memory_space<hbm>> -> memref<1x16384xf32, #tpu.memory_space<hbm>>
      %dma_wait3A_91 = tpu.memref_squeeze %dma_wait3A_90 : memref<1x16384xf32, #tpu.memory_space<hbm>> -> memref<16384xf32, #tpu.memory_space<hbm>>
      %dma_wait3A_92 = arith.constant 32768 : i32
      %dma_wait3A_93 = tpu.memref_slice %arg4[%dma_wait3A_92] : memref<65536xf32, #tpu.memory_space<vmem>> -> memref<16384xf32, #tpu.memory_space<vmem>>
      %dma_wait3A_94 = arith.constant 32768 : i32
      %dma_wait3A_95 = tpu.memref_slice %arg2[%add3A_19, %dma_wait3A_94] : memref<128x65536xf32, #tpu.memory_space<hbm>> -> memref<1x16384xf32, #tpu.memory_space<hbm>>
      %dma_wait3A_96 = tpu.memref_squeeze %dma_wait3A_95 : memref<1x16384xf32, #tpu.memory_space<hbm>> -> memref<16384xf32, #tpu.memory_space<hbm>>
      tpu.wait_dma2 semaphore(%arg14 : memref<!tpu.dma_semaphore, #tpu.memory_space<semaphore_mem>>) src(%dma_wait3A_96 : memref<16384xf32, #tpu.memory_space<hbm>>) dst(%dma_wait3A_93 : memref<16384xf32, #tpu.memory_space<vmem>>)
      %parallel_loop3A_97 = arith.constant 0 : i32
      %parallel_loop3A_98 = arith.constant 1024 : i32
      %parallel_loop3A_99 = arith.constant 1 : i32
      scf.for %parallel_loop3A_667 = %parallel_loop3A_97 to %parallel_loop3A_98 step %parallel_loop3A_99  : i32 {
        %parallel_loop3A_668 = arith.constant 16 : i32
        %parallel_loop3A_669 = arith.muli %parallel_loop3A_667, %parallel_loop3A_668 : i32
        %parallel_loop3A_670 = arith.constant 32768 : i32
        %parallel_loop3A_671 = arith.addi %parallel_loop3A_670, %parallel_loop3A_669 : i32
        %parallel_loop3A_672 = arith.index_cast %parallel_loop3A_671 : i32 to index
        %parallel_loop3A_673 = tpu.vector_load %arg4[%parallel_loop3A_672] {strides = array<i32>} : memref<65536xf32, #tpu.memory_space<vmem>>, vector<16xf32>,
        %parallel_loop3A_674 = tpu.bitcast %parallel_loop3A_673 : vector<16xf32> -> vector<16xi32>
        %parallel_loop3A_675 = arith.constant 31 : i32
        %parallel_loop3A_676 = vector.broadcast %parallel_loop3A_675 : i32 to vector<16xi32>
        %parallel_loop3A_677 = arith.shrsi %parallel_loop3A_674, %parallel_loop3A_676 : vector<16xi32>
        %parallel_loop3A_678 = arith.constant -2147483648 : i32
        %parallel_loop3A_679 = vector.broadcast %parallel_loop3A_678 : i32 to vector<16xi32>
        %parallel_loop3A_680 = arith.ori %parallel_loop3A_677, %parallel_loop3A_679 : vector<16xi32>
        %parallel_loop3A_681 = arith.xori %parallel_loop3A_674, %parallel_loop3A_680 : vector<16xi32>
        %parallel_loop3A_682 = tpu.bitcast %parallel_loop3A_681 : vector<16xi32> -> vector<16xi32>
        %parallel_loop3A_683 = arith.constant 24 : i32
        %parallel_loop3A_684 = vector.broadcast %parallel_loop3A_683 : i32 to vector<16xi32>
        %parallel_loop3A_685 = arith.shrui %parallel_loop3A_682, %parallel_loop3A_684 : vector<16xi32>
        %parallel_loop3A_686 = tpu.bitcast %parallel_loop3A_685 : vector<16xi32> -> vector<16xi32>
        %parallel_loop3A_687 = arith.addi %mul3A_3, %parallel_loop3A_686 : vector<16xi32>
        %parallel_loop3A_688 = arith.constant 0 : i32
        %parallel_loop3A_689 = vector.broadcast %parallel_loop3A_688 : i32 to vector<16xi32>
        %parallel_loop3A_690 = arith.cmpi sgt, %broadcast_in_dim3A_4, %parallel_loop3A_689 : vector<16xi32>
        tpu.vector_store_idx %arg5[%parallel_loop3A_687], %broadcast_in_dim3A_4 masked %parallel_loop3A_690 {add = true} : memref<4224xi32, #tpu.memory_space<vmem>>[vector<16xi32>], vector<16xi32>, vector<16xi1>
      } {sc.loop_unroll_factor = 8 : i64, sc.parallel_access}
      %dma_wait3A_100 = arith.constant 49152 : i32
      %dma_wait3A_101 = tpu.memref_slice %arg4[%dma_wait3A_100] : memref<65536xf32, #tpu.memory_space<vmem>> -> memref<16384xf32, #tpu.memory_space<vmem>>
      %dma_wait3A_102 = arith.constant 49152 : i32
      %dma_wait3A_103 = tpu.memref_slice %arg2[%add3A_19, %dma_wait3A_102] : memref<128x65536xf32, #tpu.memory_space<hbm>> -> memref<1x16384xf32, #tpu.memory_space<hbm>>
      %dma_wait3A_104 = tpu.memref_squeeze %dma_wait3A_103 : memref<1x16384xf32, #tpu.memory_space<hbm>> -> memref<16384xf32, #tpu.memory_space<hbm>>
      %dma_wait3A_105 = arith.constant 49152 : i32
      %dma_wait3A_106 = tpu.memref_slice %arg4[%dma_wait3A_105] : memref<65536xf32, #tpu.memory_space<vmem>> -> memref<16384xf32, #tpu.memory_space<vmem>>
      %dma_wait3A_107 = arith.constant 49152 : i32
      %dma_wait3A_108 = tpu.memref_slice %arg2[%add3A_19, %dma_wait3A_107] : memref<128x65536xf32, #tpu.memory_space<hbm>> -> memref<1x16384xf32, #tpu.memory_space<hbm>>
      %dma_wait3A_109 = tpu.memref_squeeze %dma_wait3A_108 : memref<1x16384xf32, #tpu.memory_space<hbm>> -> memref<16384xf32, #tpu.memory_space<hbm>>
      tpu.wait_dma2 semaphore(%arg14 : memref<!tpu.dma_semaphore, #tpu.memory_space<semaphore_mem>>) src(%dma_wait3A_109 : memref<16384xf32, #tpu.memory_space<hbm>>) dst(%dma_wait3A_106 : memref<16384xf32, #tpu.memory_space<vmem>>)
      %parallel_loop3A_110 = arith.constant 0 : i32
      %parallel_loop3A_111 = arith.constant 1024 : i32
      %parallel_loop3A_112 = arith.constant 1 : i32
      scf.for %parallel_loop3A_667 = %parallel_loop3A_110 to %parallel_loop3A_111 step %parallel_loop3A_112  : i32 {
        %parallel_loop3A_668 = arith.constant 16 : i32
        %parallel_loop3A_669 = arith.muli %parallel_loop3A_667, %parallel_loop3A_668 : i32
        %parallel_loop3A_670 = arith.constant 49152 : i32
        %parallel_loop3A_671 = arith.addi %parallel_loop3A_670, %parallel_loop3A_669 : i32
        %parallel_loop3A_672 = arith.index_cast %parallel_loop3A_671 : i32 to index
        %parallel_loop3A_673 = tpu.vector_load %arg4[%parallel_loop3A_672] {strides = array<i32>} : memref<65536xf32, #tpu.memory_space<vmem>>, vector<16xf32>,
        %parallel_loop3A_674 = tpu.bitcast %parallel_loop3A_673 : vector<16xf32> -> vector<16xi32>
        %parallel_loop3A_675 = arith.constant 31 : i32
        %parallel_loop3A_676 = vector.broadcast %parallel_loop3A_675 : i32 to vector<16xi32>
        %parallel_loop3A_677 = arith.shrsi %parallel_loop3A_674, %parallel_loop3A_676 : vector<16xi32>
        %parallel_loop3A_678 = arith.constant -2147483648 : i32
        %parallel_loop3A_679 = vector.broadcast %parallel_loop3A_678 : i32 to vector<16xi32>
        %parallel_loop3A_680 = arith.ori %parallel_loop3A_677, %parallel_loop3A_679 : vector<16xi32>
        %parallel_loop3A_681 = arith.xori %parallel_loop3A_674, %parallel_loop3A_680 : vector<16xi32>
        %parallel_loop3A_682 = tpu.bitcast %parallel_loop3A_681 : vector<16xi32> -> vector<16xi32>
        %parallel_loop3A_683 = arith.constant 24 : i32
        %parallel_loop3A_684 = vector.broadcast %parallel_loop3A_683 : i32 to vector<16xi32>
        %parallel_loop3A_685 = arith.shrui %parallel_loop3A_682, %parallel_loop3A_684 : vector<16xi32>
        %parallel_loop3A_686 = tpu.bitcast %parallel_loop3A_685 : vector<16xi32> -> vector<16xi32>
        %parallel_loop3A_687 = arith.addi %mul3A_3, %parallel_loop3A_686 : vector<16xi32>
        %parallel_loop3A_688 = arith.constant 0 : i32
        %parallel_loop3A_689 = vector.broadcast %parallel_loop3A_688 : i32 to vector<16xi32>
        %parallel_loop3A_690 = arith.cmpi sgt, %broadcast_in_dim3A_4, %parallel_loop3A_689 : vector<16xi32>
        tpu.vector_store_idx %arg5[%parallel_loop3A_687], %broadcast_in_dim3A_4 masked %parallel_loop3A_690 {add = true} : memref<4224xi32, #tpu.memory_space<vmem>>[vector<16xi32>], vector<16xi32>, vector<16xi1>
      } {sc.loop_unroll_factor = 8 : i64, sc.parallel_access}
      %broadcast_in_dim3A_113 = arith.constant 0 : i32
      %broadcast_in_dim3A_114 = vector.broadcast %broadcast_in_dim3A_113 : i32 to vector<16xi32>
      %scan3A_115 = arith.constant 64 : i32
      %scan3A_116 = arith.constant 0 : i32
      %scan3A_117 = arith.constant 0 : i32
      %scan3A_118 = arith.constant 16 : i32
      %scan3A_119 = arith.addi %scan3A_117, %scan3A_118 : i32
      %scan3A_120 = arith.constant 1 : i32
      %scan3A_121:2 = scf.for %scan3A_667 = %scan3A_117 to %scan3A_119 step %scan3A_120 iter_args(%scan3A_668 = %scan3A_116, %scan3A_669 = %broadcast_in_dim3A_114) -> (i32, vector<16xi32>)  : i32 {
        %sub3A_670 = arith.constant 15 : i32
        %sub3A_671 = arith.subi %sub3A_670, %scan3A_667 : i32
        %mul3A_672 = arith.constant 16 : i32
        %mul3A_673 = arith.muli %sub3A_671, %mul3A_672 : i32
        %get3A_674 = arith.index_cast %mul3A_673 : i32 to index
        %get3A_675 = tpu.vector_load %arg5[%get3A_674] {strides = array<i32>} : memref<4224xi32, #tpu.memory_space<vmem>>, vector<16xi32>,
        %mul3A_676 = arith.constant 16 : i32
        %mul3A_677 = arith.muli %sub3A_671, %mul3A_676 : i32
        %add3A_678 = arith.constant 257 : i32
        %add3A_679 = arith.addi %add3A_678, %mul3A_677 : i32
        %get3A_680 = arith.index_cast %add3A_679 : i32 to index
        %get3A_681 = tpu.vector_load %arg5[%get3A_680] {strides = array<i32>} : memref<4224xi32, #tpu.memory_space<vmem>>, vector<16xi32>,
        %add3A_682 = arith.addi %get3A_675, %get3A_681 : vector<16xi32>
        %mul3A_683 = arith.constant 16 : i32
        %mul3A_684 = arith.muli %sub3A_671, %mul3A_683 : i32
        %add3A_685 = arith.constant 514 : i32
        %add3A_686 = arith.addi %add3A_685, %mul3A_684 : i32
        %get3A_687 = arith.index_cast %add3A_686 : i32 to index
        %get3A_688 = tpu.vector_load %arg5[%get3A_687] {strides = array<i32>} : memref<4224xi32, #tpu.memory_space<vmem>>, vector<16xi32>,
        %add3A_689 = arith.addi %add3A_682, %get3A_688 : vector<16xi32>
        %mul3A_690 = arith.constant 16 : i32
        %mul3A_691 = arith.muli %sub3A_671, %mul3A_690 : i32
        %add3A_692 = arith.constant 771 : i32
        %add3A_693 = arith.addi %add3A_692, %mul3A_691 : i32
        %get3A_694 = arith.index_cast %add3A_693 : i32 to index
        %get3A_695 = tpu.vector_load %arg5[%get3A_694] {strides = array<i32>} : memref<4224xi32, #tpu.memory_space<vmem>>, vector<16xi32>,
        %add3A_696 = arith.addi %add3A_689, %get3A_695 : vector<16xi32>
        %mul3A_697 = arith.constant 16 : i32
        %mul3A_698 = arith.muli %sub3A_671, %mul3A_697 : i32
        %add3A_699 = arith.constant 1028 : i32
        %add3A_700 = arith.addi %add3A_699, %mul3A_698 : i32
        %get3A_701 = arith.index_cast %add3A_700 : i32 to index
        %get3A_702 = tpu.vector_load %arg5[%get3A_701] {strides = array<i32>} : memref<4224xi32, #tpu.memory_space<vmem>>, vector<16xi32>,
        %add3A_703 = arith.addi %add3A_696, %get3A_702 : vector<16xi32>
        %mul3A_704 = arith.constant 16 : i32
        %mul3A_705 = arith.muli %sub3A_671, %mul3A_704 : i32
        %add3A_706 = arith.constant 1285 : i32
        %add3A_707 = arith.addi %add3A_706, %mul3A_705 : i32
        %get3A_708 = arith.index_cast %add3A_707 : i32 to index
        %get3A_709 = tpu.vector_load %arg5[%get3A_708] {strides = array<i32>} : memref<4224xi32, #tpu.memory_space<vmem>>, vector<16xi32>,
        %add3A_710 = arith.addi %add3A_703, %get3A_709 : vector<16xi32>
        %mul3A_711 = arith.constant 16 : i32
        %mul3A_712 = arith.muli %sub3A_671, %mul3A_711 : i32
        %add3A_713 = arith.constant 1542 : i32
        %add3A_714 = arith.addi %add3A_713, %mul3A_712 : i32
        %get3A_715 = arith.index_cast %add3A_714 : i32 to index
        %get3A_716 = tpu.vector_load %arg5[%get3A_715] {strides = array<i32>} : memref<4224xi32, #tpu.memory_space<vmem>>, vector<16xi32>,
        %add3A_717 = arith.addi %add3A_710, %get3A_716 : vector<16xi32>
        %mul3A_718 = arith.constant 16 : i32
        %mul3A_719 = arith.muli %sub3A_671, %mul3A_718 : i32
        %add3A_720 = arith.constant 1799 : i32
        %add3A_721 = arith.addi %add3A_720, %mul3A_719 : i32
        %get3A_722 = arith.index_cast %add3A_721 : i32 to index
        %get3A_723 = tpu.vector_load %arg5[%get3A_722] {strides = array<i32>} : memref<4224xi32, #tpu.memory_space<vmem>>, vector<16xi32>,
        %add3A_724 = arith.addi %add3A_717, %get3A_723 : vector<16xi32>
        %mul3A_725 = arith.constant 16 : i32
        %mul3A_726 = arith.muli %sub3A_671, %mul3A_725 : i32
        %add3A_727 = arith.constant 2056 : i32
        %add3A_728 = arith.addi %add3A_727, %mul3A_726 : i32
        %get3A_729 = arith.index_cast %add3A_728 : i32 to index
        %get3A_730 = tpu.vector_load %arg5[%get3A_729] {strides = array<i32>} : memref<4224xi32, #tpu.memory_space<vmem>>, vector<16xi32>,
        %add3A_731 = arith.addi %add3A_724, %get3A_730 : vector<16xi32>
        %mul3A_732 = arith.constant 16 : i32
        %mul3A_733 = arith.muli %sub3A_671, %mul3A_732 : i32
        %add3A_734 = arith.constant 2313 : i32
        %add3A_735 = arith.addi %add3A_734, %mul3A_733 : i32
        %get3A_736 = arith.index_cast %add3A_735 : i32 to index
        %get3A_737 = tpu.vector_load %arg5[%get3A_736] {strides = array<i32>} : memref<4224xi32, #tpu.memory_space<vmem>>, vector<16xi32>,
        %add3A_738 = arith.addi %add3A_731, %get3A_737 : vector<16xi32>
        %mul3A_739 = arith.constant 16 : i32
        %mul3A_740 = arith.muli %sub3A_671, %mul3A_739 : i32
        %add3A_741 = arith.constant 2570 : i32
        %add3A_742 = arith.addi %add3A_741, %mul3A_740 : i32
        %get3A_743 = arith.index_cast %add3A_742 : i32 to index
        %get3A_744 = tpu.vector_load %arg5[%get3A_743] {strides = array<i32>} : memref<4224xi32, #tpu.memory_space<vmem>>, vector<16xi32>,
        %add3A_745 = arith.addi %add3A_738, %get3A_744 : vector<16xi32>
        %mul3A_746 = arith.constant 16 : i32
        %mul3A_747 = arith.muli %sub3A_671, %mul3A_746 : i32
        %add3A_748 = arith.constant 2827 : i32
        %add3A_749 = arith.addi %add3A_748, %mul3A_747 : i32
        %get3A_750 = arith.index_cast %add3A_749 : i32 to index
        %get3A_751 = tpu.vector_load %arg5[%get3A_750] {strides = array<i32>} : memref<4224xi32, #tpu.memory_space<vmem>>, vector<16xi32>,
        %add3A_752 = arith.addi %add3A_745, %get3A_751 : vector<16xi32>
        %mul3A_753 = arith.constant 16 : i32
        %mul3A_754 = arith.muli %sub3A_671, %mul3A_753 : i32
        %add3A_755 = arith.constant 3084 : i32
        %add3A_756 = arith.addi %add3A_755, %mul3A_754 : i32
        %get3A_757 = arith.index_cast %add3A_756 : i32 to index
        %get3A_758 = tpu.vector_load %arg5[%get3A_757] {strides = array<i32>} : memref<4224xi32, #tpu.memory_space<vmem>>, vector<16xi32>,
        %add3A_759 = arith.addi %add3A_752, %get3A_758 : vector<16xi32>
        %mul3A_760 = arith.constant 16 : i32
        %mul3A_761 = arith.muli %sub3A_671, %mul3A_760 : i32
        %add3A_762 = arith.constant 3341 : i32
        %add3A_763 = arith.addi %add3A_762, %mul3A_761 : i32
        %get3A_764 = arith.index_cast %add3A_763 : i32 to index
        %get3A_765 = tpu.vector_load %arg5[%get3A_764] {strides = array<i32>} : memref<4224xi32, #tpu.memory_space<vmem>>, vector<16xi32>,
        %add3A_766 = arith.addi %add3A_759, %get3A_765 : vector<16xi32>
        %mul3A_767 = arith.constant 16 : i32
        %mul3A_768 = arith.muli %sub3A_671, %mul3A_767 : i32
        %add3A_769 = arith.constant 3598 : i32
        %add3A_770 = arith.addi %add3A_769, %mul3A_768 : i32
        %get3A_771 = arith.index_cast %add3A_770 : i32 to index
        %get3A_772 = tpu.vector_load %arg5[%get3A_771] {strides = array<i32>} : memref<4224xi32, #tpu.memory_space<vmem>>, vector<16xi32>,
        %add3A_773 = arith.addi %add3A_766, %get3A_772 : vector<16xi32>
        %mul3A_774 = arith.constant 16 : i32
        %mul3A_775 = arith.muli %sub3A_671, %mul3A_774 : i32
        %add3A_776 = arith.constant 3855 : i32
        %add3A_777 = arith.addi %add3A_776, %mul3A_775 : i32
        %get3A_778 = arith.index_cast %add3A_777 : i32 to index
        %get3A_779 = tpu.vector_load %arg5[%get3A_778] {strides = array<i32>} : memref<4224xi32, #tpu.memory_space<vmem>>, vector<16xi32>,
        %add3A_780 = arith.addi %add3A_773, %get3A_779 : vector<16xi32>
        %rev3A = arith.constant 15 : i32
        %rev3A_781 = vector.broadcast %rev3A : i32 to vector<16xi32>
        %rev3A_782 = tpu.iota {dimensions = array<i32: 0>} : vector<16xi32>
        %rev3A_783 = arith.subi %rev3A_781, %rev3A_782 : vector<16xi32>
        %rev3A_784 = tpu.dynamic_gather %add3A_780[%rev3A_783] in [0] : vector<16xi32>, vector<16xi32> -> vector<16xi32>
        %broadcast_in_dim3A_785 = arith.constant true
        %broadcast_in_dim3A_786 = vector.broadcast %broadcast_in_dim3A_785 : i1 to vector<16xi1>
        %masked_cumsum3A = tpu.scan <sum>, %rev3A_784 masked %broadcast_in_dim3A_786 : vector<16xi32>, vector<16xi1> -> vector<16xi32>
        %add3A_787 = vector.broadcast %scan3A_668 : i32 to vector<16xi32>
        %add3A_788 = arith.addi %masked_cumsum3A, %add3A_787 : vector<16xi32>
        %rev3A_789 = arith.constant 15 : i32
        %rev3A_790 = vector.broadcast %rev3A_789 : i32 to vector<16xi32>
        %rev3A_791 = tpu.iota {dimensions = array<i32: 0>} : vector<16xi32>
        %rev3A_792 = arith.subi %rev3A_790, %rev3A_791 : vector<16xi32>
        %rev3A_793 = tpu.dynamic_gather %add3A_788[%rev3A_792] in [0] : vector<16xi32>, vector<16xi32> -> vector<16xi32>
        %mul3A_794 = arith.constant 16 : i32
        %mul3A_795 = arith.muli %sub3A_671, %mul3A_794 : i32
        %swap3A = arith.index_cast %mul3A_795 : i32 to index
        %swap3A_796 = tpu.vector_load %arg6[%swap3A] {strides = array<i32>} : memref<256xi32, #tpu.memory_space<vmem>>, vector<16xi32>,
        tpu.vector_store %arg6[%swap3A], %rev3A_793 {strides = array<i32>} : memref<256xi32, #tpu.memory_space<vmem>>, vector<16xi32>,
        %reduce_max3A_797 = arith.constant true
        %reduce_max3A_798 = vector.broadcast %reduce_max3A_797 : i1 to vector<16xi1>
        %reduce_max3A_799 = arith.constant -2147483648 : i32
        %reduce_max3A_800 = vector.broadcast %reduce_max3A_799 : i32 to vector<16xi32>
        %reduce_max3A_801 = arith.xori %masked_cumsum3A, %reduce_max3A_800 : vector<16xi32>
        %reduce_max3A_802 = tpu.scan <max>, %reduce_max3A_801 masked %reduce_max3A_798 : vector<16xi32>, vector<16xi1> -> vector<16xi32>
        %reduce_max3A_803 = arith.xori %reduce_max3A_802, %reduce_max3A_800 : vector<16xi32>
        %reduce_max3A_804 = vector.extract %reduce_max3A_803[15] : i32 from vector<16xi32>
        %add3A_805 = arith.addi %scan3A_668, %reduce_max3A_804 : i32
        %ge3A_806 = vector.broadcast %scan3A_115 : i32 to vector<16xi32>
        %ge3A_807 = arith.cmpi sge, %rev3A_793, %ge3A_806 : vector<16xi32>
        %all_reduce_population_count3A = tpu.all_reduce %ge3A_807 {dim = 0 : i64, kind = #tpu.reduction_kind<sum>} : vector<16xi1> -> vector<16xi32>
        %add3A_808 = arith.addi %scan3A_669, %all_reduce_population_count3A : vector<16xi32>
        scf.yield %add3A_805, %add3A_808 : i32, vector<16xi32>
      }
      %scan3A_122 = arith.constant 16 : i32
      %reduce_max3A = arith.constant true
      %reduce_max3A_123 = vector.broadcast %reduce_max3A : i1 to vector<16xi1>
      %reduce_max3A_124 = arith.constant -2147483648 : i32
      %reduce_max3A_125 = vector.broadcast %reduce_max3A_124 : i32 to vector<16xi32>
      %reduce_max3A_126 = arith.xori %scan3A_121#1, %reduce_max3A_125 : vector<16xi32>
      %reduce_max3A_127 = tpu.scan <max>, %reduce_max3A_126 masked %reduce_max3A_123 : vector<16xi32>, vector<16xi1> -> vector<16xi32>
      %reduce_max3A_128 = arith.xori %reduce_max3A_127, %reduce_max3A_125 : vector<16xi32>
      %reduce_max3A_129 = vector.extract %reduce_max3A_128[15] : i32 from vector<16xi32>
      %sub3A = arith.constant 1 : i32
      %sub3A_130 = arith.subi %reduce_max3A_129, %sub3A : i32
      %add3A_131 = arith.constant 1 : i32
      %add3A_132 = arith.addi %sub3A_130, %add3A_131 : i32
      %min3A = arith.constant 255 : i32
      %min3A_133 = arith.minsi %add3A_132, %min3A : i32
      %broadcast_in_dim3A_134 = vector.broadcast %min3A_133 : i32 to vector<16xi32>
      %gather3A = tpu.vector_load_idx %arg6[%broadcast_in_dim3A_134] : memref<256xi32, #tpu.memory_space<vmem>>[vector<16xi32>], vector<16xi32>,
      %broadcast_in_dim3A_135 = vector.broadcast %sub3A_130 : i32 to vector<16xi32>
      %gather3A_136 = tpu.vector_load_idx %arg6[%broadcast_in_dim3A_135] : memref<256xi32, #tpu.memory_space<vmem>>[vector<16xi32>], vector<16xi32>,
      %ge3A = arith.constant 255 : i32
      %ge3A_137 = arith.cmpi sge, %sub3A_130, %ge3A : i32
      %reduce_max3A_138 = arith.constant true
      %reduce_max3A_139 = vector.broadcast %reduce_max3A_138 : i1 to vector<16xi1>
      %reduce_max3A_140 = arith.constant -2147483648 : i32
      %reduce_max3A_141 = vector.broadcast %reduce_max3A_140 : i32 to vector<16xi32>
      %reduce_max3A_142 = arith.xori %gather3A, %reduce_max3A_141 : vector<16xi32>
      %reduce_max3A_143 = tpu.scan <max>, %reduce_max3A_142 masked %reduce_max3A_139 : vector<16xi32>, vector<16xi1> -> vector<16xi32>
      %reduce_max3A_144 = arith.xori %reduce_max3A_143, %reduce_max3A_141 : vector<16xi32>
      %reduce_max3A_145 = vector.extract %reduce_max3A_144[15] : i32 from vector<16xi32>
      %jit3A = arith.constant 0 : i32
      %select_n3A = arith.select %ge3A_137, %jit3A, %reduce_max3A_145 : i32
      %reduce_max3A_146 = arith.constant true
      %reduce_max3A_147 = vector.broadcast %reduce_max3A_146 : i1 to vector<16xi1>
      %reduce_max3A_148 = arith.constant -2147483648 : i32
      %reduce_max3A_149 = vector.broadcast %reduce_max3A_148 : i32 to vector<16xi32>
      %reduce_max3A_150 = arith.xori %gather3A_136, %reduce_max3A_149 : vector<16xi32>
      %reduce_max3A_151 = tpu.scan <max>, %reduce_max3A_150 masked %reduce_max3A_147 : vector<16xi32>, vector<16xi1> -> vector<16xi32>
      %reduce_max3A_152 = arith.xori %reduce_max3A_151, %reduce_max3A_149 : vector<16xi32>
      %reduce_max3A_153 = vector.extract %reduce_max3A_152[15] : i32 from vector<16xi32>
      %shift_left3A = arith.constant 24 : i32
      %shift_left3A_154 = arith.shli %sub3A_130, %shift_left3A : i32
      %le3A = arith.constant 2048 : i32
      %le3A_155 = arith.cmpi sle, %reduce_max3A_153, %le3A : i32
      %convert_element_type3A = arith.extui %le3A_155 : i1 to i32
      %cond3A = arith.constant 0 : i32
      %cond3A_156 = arith.cmpi ne, %convert_element_type3A, %cond3A : i32
      scf.if %cond3A_156 {
        %broadcast_in_dim3A_667 = arith.constant 0 : i32
        %broadcast_in_dim3A_668 = vector.broadcast %broadcast_in_dim3A_667 : i32 to vector<16xi32>
        %parallel_loop3A_669 = arith.constant 0 : i32
        %parallel_loop3A_670 = arith.constant 4096 : i32
        %parallel_loop3A_671 = arith.constant 1 : i32
        %parallel_loop3A_672 = scf.for %parallel_loop3A_890 = %parallel_loop3A_669 to %parallel_loop3A_670 step %parallel_loop3A_671 iter_args(%parallel_loop3A_891 = %broadcast_in_dim3A_668) -> (vector<16xi32>)  : i32 {
          %parallel_loop3A_892 = arith.constant 16 : i32
          %parallel_loop3A_893 = arith.muli %parallel_loop3A_890, %parallel_loop3A_892 : i32
          %parallel_loop3A_894 = arith.index_cast %parallel_loop3A_893 : i32 to index
          %parallel_loop3A_895 = tpu.vector_load %arg4[%parallel_loop3A_894] {strides = array<i32>} : memref<65536xf32, #tpu.memory_space<vmem>>, vector<16xf32>,
          %parallel_loop3A_896 = tpu.bitcast %parallel_loop3A_895 : vector<16xf32> -> vector<16xi32>
          %parallel_loop3A_897 = arith.constant 31 : i32
          %parallel_loop3A_898 = vector.broadcast %parallel_loop3A_897 : i32 to vector<16xi32>
          %parallel_loop3A_899 = arith.shrsi %parallel_loop3A_896, %parallel_loop3A_898 : vector<16xi32>
          %parallel_loop3A_900 = arith.constant -2147483648 : i32
          %parallel_loop3A_901 = vector.broadcast %parallel_loop3A_900 : i32 to vector<16xi32>
          %parallel_loop3A_902 = arith.ori %parallel_loop3A_899, %parallel_loop3A_901 : vector<16xi32>
          %parallel_loop3A_903 = arith.xori %parallel_loop3A_896, %parallel_loop3A_902 : vector<16xi32>
          %parallel_loop3A_904 = tpu.bitcast %parallel_loop3A_903 : vector<16xi32> -> vector<16xi32>
          %parallel_loop3A_905 = vector.broadcast %shift_left3A_154 : i32 to vector<16xi32>
          %parallel_loop3A_906 = arith.cmpi uge, %parallel_loop3A_904, %parallel_loop3A_905 : vector<16xi32>
          %parallel_loop3A_907 = arith.extui %parallel_loop3A_906 : vector<16xi1> to vector<16xi32>
          %parallel_loop3A_908 = arith.constant true
          %parallel_loop3A_909 = vector.broadcast %parallel_loop3A_908 : i1 to vector<16xi1>
          %parallel_loop3A_910 = tpu.scan <sum>, %parallel_loop3A_907 masked %parallel_loop3A_909 : vector<16xi32>, vector<16xi1> -> vector<16xi32>
          %parallel_loop3A_911 = arith.addi %parallel_loop3A_891, %parallel_loop3A_910 : vector<16xi32>
          %parallel_loop3A_912 = arith.constant 1 : i32
          %parallel_loop3A_913 = vector.broadcast %parallel_loop3A_912 : i32 to vector<16xi32>
          %parallel_loop3A_914 = arith.subi %parallel_loop3A_911, %parallel_loop3A_913 : vector<16xi32>
          %parallel_loop3A_915 = vector.broadcast %parallel_loop3A_893 : i32 to vector<16xi32>
          %parallel_loop3A_916 = arith.addi %parallel_loop3A_915, %iota3A : vector<16xi32>
          tpu.vector_store_idx %arg8[%parallel_loop3A_914], %parallel_loop3A_916 masked %parallel_loop3A_906 : memref<2048xi32, #tpu.memory_space<vmem>>[vector<16xi32>], vector<16xi32>, vector<16xi1>
          %parallel_loop3A_917 = tpu.all_reduce %parallel_loop3A_906 {dim = 0 : i64, kind = #tpu.reduction_kind<sum>} : vector<16xi1> -> vector<16xi32>
          %parallel_loop3A_918 = arith.addi %parallel_loop3A_891, %parallel_loop3A_917 : vector<16xi32>
          scf.yield %parallel_loop3A_918 : vector<16xi32>
        } {sc.loop_unroll_factor = 8 : i64, sc.parallel_access}
        %add3A_673 = arith.constant 15 : i32
        %add3A_674 = arith.addi %reduce_max3A_153, %add3A_673 : i32
        %jit3A_675 = arith.constant 16 : i32
        %div3A = arith.divsi %add3A_674, %jit3A_675 : i32
        %sign3A = arith.constant 0 : i32
        %sign3A_676 = arith.cmpi sgt, %add3A_674, %sign3A : i32
        %sign3A_677 = arith.extui %sign3A_676 : i1 to i32
        %sign3A_678 = arith.constant 0 : i32
        %sign3A_679 = arith.cmpi slt, %add3A_674, %sign3A_678 : i32
        %sign3A_680 = arith.extui %sign3A_679 : i1 to i32
        %sign3A_681 = arith.subi %sign3A_677, %sign3A_680 : i32
        %sign3A_682 = arith.constant 0 : i32
        %sign3A_683 = arith.cmpi sgt, %jit3A_675, %sign3A_682 : i32
        %sign3A_684 = arith.extui %sign3A_683 : i1 to i32
        %sign3A_685 = arith.constant 0 : i32
        %sign3A_686 = arith.cmpi slt, %jit3A_675, %sign3A_685 : i32
        %sign3A_687 = arith.extui %sign3A_686 : i1 to i32
        %sign3A_688 = arith.subi %sign3A_684, %sign3A_687 : i32
        %ne3A = arith.cmpi ne, %sign3A_681, %sign3A_688 : i32
        %rem3A = arith.remsi %add3A_674, %jit3A_675 : i32
        %ne3A_689 = arith.constant 0 : i32
        %ne3A_690 = arith.cmpi ne, %rem3A, %ne3A_689 : i32
        %and3A_691 = arith.andi %ne3A, %ne3A_690 : i1
        %sub3A_692 = arith.constant 1 : i32
        %sub3A_693 = arith.subi %div3A, %sub3A_692 : i32
        %select_n3A_694 = arith.select %and3A_691, %sub3A_693, %div3A : i32
        %shift_left3A_695 = arith.constant 24 : i32
        %shift_left3A_696 = arith.shli %sub3A_130, %shift_left3A_695 : i32
        %sub3A_697 = arith.constant 64 : i32
        %sub3A_698 = arith.subi %sub3A_697, %select_n3A : i32
        %shift_left3A_699 = arith.constant 1 : i32
        %shift_left3A_700 = arith.constant 24 : i32
        %shift_left3A_701 = arith.shli %shift_left3A_699, %shift_left3A_700 : i32
        %add3A_702 = arith.addi %shift_left3A_696, %shift_left3A_701 : i32
        %parallel_loop3A_703 = arith.constant 0 : i32
        %parallel_loop3A_704 = arith.constant 264 : i32
        %parallel_loop3A_705 = arith.constant 1 : i32
        scf.for %parallel_loop3A_890 = %parallel_loop3A_703 to %parallel_loop3A_704 step %parallel_loop3A_705  : i32 {
          %parallel_loop3A_891 = arith.constant 0 : i32
          %parallel_loop3A_892 = vector.broadcast %parallel_loop3A_891 : i32 to vector<16xi32>
          %parallel_loop3A_893 = arith.constant 16 : i32
          %parallel_loop3A_894 = arith.muli %parallel_loop3A_890, %parallel_loop3A_893 : i32
          %parallel_loop3A_895 = arith.index_cast %parallel_loop3A_894 : i32 to index
          %parallel_loop3A_896 = tpu.vector_load %arg5[%parallel_loop3A_895] {strides = array<i32>} : memref<4224xi32, #tpu.memory_space<vmem>>, vector<16xi32>,
          tpu.vector_store %arg5[%parallel_loop3A_895], %parallel_loop3A_892 {strides = array<i32>} : memref<4224xi32, #tpu.memory_space<vmem>>, vector<16xi32>,
        } {sc.loop_unroll_factor = 8 : i64, sc.parallel_access}
        %parallel_loop3A_706 = arith.constant 0 : i32
        %parallel_loop3A_707 = arith.constant 1 : i32
        %parallel_loop3A_708 = arith.constant 16 : i32
        scf.for %parallel_loop3A_890 = %parallel_loop3A_706 to %select_n3A_694 step %parallel_loop3A_707  : i32 {
          %parallel_loop3A_891 = arith.constant 16 : i32
          %parallel_loop3A_892 = arith.muli %parallel_loop3A_890, %parallel_loop3A_891 : i32
          %parallel_loop3A_893 = arith.index_cast %parallel_loop3A_892 : i32 to index
          %parallel_loop3A_894 = tpu.vector_load %arg8[%parallel_loop3A_893] {strides = array<i32>} : memref<2048xi32, #tpu.memory_space<vmem>>, vector<16xi32>,
          %parallel_loop3A_895 = tpu.vector_load_idx %arg4[%parallel_loop3A_894] : memref<65536xf32, #tpu.memory_space<vmem>>[vector<16xi32>], vector<16xf32>,
          %parallel_loop3A_896 = tpu.bitcast %parallel_loop3A_895 : vector<16xf32> -> vector<16xi32>
          %parallel_loop3A_897 = arith.constant 31 : i32
          %parallel_loop3A_898 = vector.broadcast %parallel_loop3A_897 : i32 to vector<16xi32>
          %parallel_loop3A_899 = arith.shrsi %parallel_loop3A_896, %parallel_loop3A_898 : vector<16xi32>
          %parallel_loop3A_900 = arith.constant -2147483648 : i32
          %parallel_loop3A_901 = vector.broadcast %parallel_loop3A_900 : i32 to vector<16xi32>
          %parallel_loop3A_902 = arith.ori %parallel_loop3A_899, %parallel_loop3A_901 : vector<16xi32>
          %parallel_loop3A_903 = arith.xori %parallel_loop3A_896, %parallel_loop3A_902 : vector<16xi32>
          %parallel_loop3A_904 = tpu.bitcast %parallel_loop3A_903 : vector<16xi32> -> vector<16xi32>
          %parallel_loop3A_905 = vector.broadcast %parallel_loop3A_892 : i32 to vector<16xi32>
          %parallel_loop3A_906 = arith.addi %parallel_loop3A_905, %iota3A : vector<16xi32>
          %parallel_loop3A_907 = vector.broadcast %reduce_max3A_153 : i32 to vector<16xi32>
          %parallel_loop3A_908 = arith.cmpi slt, %parallel_loop3A_906, %parallel_loop3A_907 : vector<16xi32>
          %parallel_loop3A_909 = vector.broadcast %shift_left3A_696 : i32 to vector<16xi32>
          %parallel_loop3A_910 = arith.cmpi uge, %parallel_loop3A_904, %parallel_loop3A_909 : vector<16xi32>
          %parallel_loop3A_911 = arith.andi %parallel_loop3A_908, %parallel_loop3A_910 : vector<16xi1>
          %parallel_loop3A_912 = vector.broadcast %add3A_702 : i32 to vector<16xi32>
          %parallel_loop3A_913 = arith.cmpi ult, %parallel_loop3A_904, %parallel_loop3A_912 : vector<16xi32>
          %parallel_loop3A_914 = arith.andi %parallel_loop3A_911, %parallel_loop3A_913 : vector<16xi1>
          %parallel_loop3A_915 = vector.broadcast %shift_left3A_696 : i32 to vector<16xi32>
          %parallel_loop3A_916 = arith.subi %parallel_loop3A_904, %parallel_loop3A_915 : vector<16xi32>
          %parallel_loop3A_917 = vector.broadcast %parallel_loop3A_708 : i32 to vector<16xi32>
          %parallel_loop3A_918 = arith.shrui %parallel_loop3A_916, %parallel_loop3A_917 : vector<16xi32>
          %parallel_loop3A_919 = tpu.bitcast %parallel_loop3A_918 : vector<16xi32> -> vector<16xi32>
          %parallel_loop3A_920 = arith.constant 255 : i32
          %parallel_loop3A_921 = vector.broadcast %parallel_loop3A_920 : i32 to vector<16xi32>
          %parallel_loop3A_922 = arith.andi %parallel_loop3A_919, %parallel_loop3A_921 : vector<16xi32>
          %parallel_loop3A_923 = arith.addi %mul3A_3, %parallel_loop3A_922 : vector<16xi32>
          tpu.vector_store_idx %arg5[%parallel_loop3A_923], %broadcast_in_dim3A_4 masked %parallel_loop3A_914 {add = true} : memref<4224xi32, #tpu.memory_space<vmem>>[vector<16xi32>], vector<16xi32>, vector<16xi1>
        } {sc.loop_unroll_factor = 4 : i64, sc.parallel_access}
        %broadcast_in_dim3A_709 = arith.constant 0 : i32
        %broadcast_in_dim3A_710 = vector.broadcast %broadcast_in_dim3A_709 : i32 to vector<16xi32>
        %scan3A_711 = arith.constant 0 : i32
        %scan3A_712 = arith.constant 0 : i32
        %scan3A_713 = arith.constant 16 : i32
        %scan3A_714 = arith.addi %scan3A_712, %scan3A_713 : i32
        %scan3A_715 = arith.constant 1 : i32
        %scan3A_716:2 = scf.for %scan3A_890 = %scan3A_712 to %scan3A_714 step %scan3A_715 iter_args(%scan3A_891 = %scan3A_711, %scan3A_892 = %broadcast_in_dim3A_710) -> (i32, vector<16xi32>)  : i32 {
          %sub3A_893 = arith.constant 15 : i32
          %sub3A_894 = arith.subi %sub3A_893, %scan3A_890 : i32
          %mul3A_895 = arith.constant 16 : i32
          %mul3A_896 = arith.muli %sub3A_894, %mul3A_895 : i32
          %get3A_897 = arith.index_cast %mul3A_896 : i32 to index
          %get3A_898 = tpu.vector_load %arg5[%get3A_897] {strides = array<i32>} : memref<4224xi32, #tpu.memory_space<vmem>>, vector<16xi32>,
          %mul3A_899 = arith.constant 16 : i32
          %mul3A_900 = arith.muli %sub3A_894, %mul3A_899 : i32
          %add3A_901 = arith.constant 257 : i32
          %add3A_902 = arith.addi %add3A_901, %mul3A_900 : i32
          %get3A_903 = arith.index_cast %add3A_902 : i32 to index
          %get3A_904 = tpu.vector_load %arg5[%get3A_903] {strides = array<i32>} : memref<4224xi32, #tpu.memory_space<vmem>>, vector<16xi32>,
          %add3A_905 = arith.addi %get3A_898, %get3A_904 : vector<16xi32>
          %mul3A_906 = arith.constant 16 : i32
          %mul3A_907 = arith.muli %sub3A_894, %mul3A_906 : i32
          %add3A_908 = arith.constant 514 : i32
          %add3A_909 = arith.addi %add3A_908, %mul3A_907 : i32
          %get3A_910 = arith.index_cast %add3A_909 : i32 to index
          %get3A_911 = tpu.vector_load %arg5[%get3A_910] {strides = array<i32>} : memref<4224xi32, #tpu.memory_space<vmem>>, vector<16xi32>,
          %add3A_912 = arith.addi %add3A_905, %get3A_911 : vector<16xi32>
          %mul3A_913 = arith.constant 16 : i32
          %mul3A_914 = arith.muli %sub3A_894, %mul3A_913 : i32
          %add3A_915 = arith.constant 771 : i32
          %add3A_916 = arith.addi %add3A_915, %mul3A_914 : i32
          %get3A_917 = arith.index_cast %add3A_916 : i32 to index
          %get3A_918 = tpu.vector_load %arg5[%get3A_917] {strides = array<i32>} : memref<4224xi32, #tpu.memory_space<vmem>>, vector<16xi32>,
          %add3A_919 = arith.addi %add3A_912, %get3A_918 : vector<16xi32>
          %mul3A_920 = arith.constant 16 : i32
          %mul3A_921 = arith.muli %sub3A_894, %mul3A_920 : i32
          %add3A_922 = arith.constant 1028 : i32
          %add3A_923 = arith.addi %add3A_922, %mul3A_921 : i32
          %get3A_924 = arith.index_cast %add3A_923 : i32 to index
          %get3A_925 = tpu.vector_load %arg5[%get3A_924] {strides = array<i32>} : memref<4224xi32, #tpu.memory_space<vmem>>, vector<16xi32>,
          %add3A_926 = arith.addi %add3A_919, %get3A_925 : vector<16xi32>
          %mul3A_927 = arith.constant 16 : i32
          %mul3A_928 = arith.muli %sub3A_894, %mul3A_927 : i32
          %add3A_929 = arith.constant 1285 : i32
          %add3A_930 = arith.addi %add3A_929, %mul3A_928 : i32
          %get3A_931 = arith.index_cast %add3A_930 : i32 to index
          %get3A_932 = tpu.vector_load %arg5[%get3A_931] {strides = array<i32>} : memref<4224xi32, #tpu.memory_space<vmem>>, vector<16xi32>,
          %add3A_933 = arith.addi %add3A_926, %get3A_932 : vector<16xi32>
          %mul3A_934 = arith.constant 16 : i32
          %mul3A_935 = arith.muli %sub3A_894, %mul3A_934 : i32
          %add3A_936 = arith.constant 1542 : i32
          %add3A_937 = arith.addi %add3A_936, %mul3A_935 : i32
          %get3A_938 = arith.index_cast %add3A_937 : i32 to index
          %get3A_939 = tpu.vector_load %arg5[%get3A_938] {strides = array<i32>} : memref<4224xi32, #tpu.memory_space<vmem>>, vector<16xi32>,
          %add3A_940 = arith.addi %add3A_933, %get3A_939 : vector<16xi32>
          %mul3A_941 = arith.constant 16 : i32
          %mul3A_942 = arith.muli %sub3A_894, %mul3A_941 : i32
          %add3A_943 = arith.constant 1799 : i32
          %add3A_944 = arith.addi %add3A_943, %mul3A_942 : i32
          %get3A_945 = arith.index_cast %add3A_944 : i32 to index
          %get3A_946 = tpu.vector_load %arg5[%get3A_945] {strides = array<i32>} : memref<4224xi32, #tpu.memory_space<vmem>>, vector<16xi32>,
          %add3A_947 = arith.addi %add3A_940, %get3A_946 : vector<16xi32>
          %mul3A_948 = arith.constant 16 : i32
          %mul3A_949 = arith.muli %sub3A_894, %mul3A_948 : i32
          %add3A_950 = arith.constant 2056 : i32
          %add3A_951 = arith.addi %add3A_950, %mul3A_949 : i32
          %get3A_952 = arith.index_cast %add3A_951 : i32 to index
          %get3A_953 = tpu.vector_load %arg5[%get3A_952] {strides = array<i32>} : memref<4224xi32, #tpu.memory_space<vmem>>, vector<16xi32>,
          %add3A_954 = arith.addi %add3A_947, %get3A_953 : vector<16xi32>
          %mul3A_955 = arith.constant 16 : i32
          %mul3A_956 = arith.muli %sub3A_894, %mul3A_955 : i32
          %add3A_957 = arith.constant 2313 : i32
          %add3A_958 = arith.addi %add3A_957, %mul3A_956 : i32
          %get3A_959 = arith.index_cast %add3A_958 : i32 to index
          %get3A_960 = tpu.vector_load %arg5[%get3A_959] {strides = array<i32>} : memref<4224xi32, #tpu.memory_space<vmem>>, vector<16xi32>,
          %add3A_961 = arith.addi %add3A_954, %get3A_960 : vector<16xi32>
          %mul3A_962 = arith.constant 16 : i32
          %mul3A_963 = arith.muli %sub3A_894, %mul3A_962 : i32
          %add3A_964 = arith.constant 2570 : i32
          %add3A_965 = arith.addi %add3A_964, %mul3A_963 : i32
          %get3A_966 = arith.index_cast %add3A_965 : i32 to index
          %get3A_967 = tpu.vector_load %arg5[%get3A_966] {strides = array<i32>} : memref<4224xi32, #tpu.memory_space<vmem>>, vector<16xi32>,
          %add3A_968 = arith.addi %add3A_961, %get3A_967 : vector<16xi32>
          %mul3A_969 = arith.constant 16 : i32
          %mul3A_970 = arith.muli %sub3A_894, %mul3A_969 : i32
          %add3A_971 = arith.constant 2827 : i32
          %add3A_972 = arith.addi %add3A_971, %mul3A_970 : i32
          %get3A_973 = arith.index_cast %add3A_972 : i32 to index
          %get3A_974 = tpu.vector_load %arg5[%get3A_973] {strides = array<i32>} : memref<4224xi32, #tpu.memory_space<vmem>>, vector<16xi32>,
          %add3A_975 = arith.addi %add3A_968, %get3A_974 : vector<16xi32>
          %mul3A_976 = arith.constant 16 : i32
          %mul3A_977 = arith.muli %sub3A_894, %mul3A_976 : i32
          %add3A_978 = arith.constant 3084 : i32
          %add3A_979 = arith.addi %add3A_978, %mul3A_977 : i32
          %get3A_980 = arith.index_cast %add3A_979 : i32 to index
          %get3A_981 = tpu.vector_load %arg5[%get3A_980] {strides = array<i32>} : memref<4224xi32, #tpu.memory_space<vmem>>, vector<16xi32>,
          %add3A_982 = arith.addi %add3A_975, %get3A_981 : vector<16xi32>
          %mul3A_983 = arith.constant 16 : i32
          %mul3A_984 = arith.muli %sub3A_894, %mul3A_983 : i32
          %add3A_985 = arith.constant 3341 : i32
          %add3A_986 = arith.addi %add3A_985, %mul3A_984 : i32
          %get3A_987 = arith.index_cast %add3A_986 : i32 to index
          %get3A_988 = tpu.vector_load %arg5[%get3A_987] {strides = array<i32>} : memref<4224xi32, #tpu.memory_space<vmem>>, vector<16xi32>,
          %add3A_989 = arith.addi %add3A_982, %get3A_988 : vector<16xi32>
          %mul3A_990 = arith.constant 16 : i32
          %mul3A_991 = arith.muli %sub3A_894, %mul3A_990 : i32
          %add3A_992 = arith.constant 3598 : i32
          %add3A_993 = arith.addi %add3A_992, %mul3A_991 : i32
          %get3A_994 = arith.index_cast %add3A_993 : i32 to index
          %get3A_995 = tpu.vector_load %arg5[%get3A_994] {strides = array<i32>} : memref<4224xi32, #tpu.memory_space<vmem>>, vector<16xi32>,
          %add3A_996 = arith.addi %add3A_989, %get3A_995 : vector<16xi32>
          %mul3A_997 = arith.constant 16 : i32
          %mul3A_998 = arith.muli %sub3A_894, %mul3A_997 : i32
          %add3A_999 = arith.constant 3855 : i32
          %add3A_1000 = arith.addi %add3A_999, %mul3A_998 : i32
          %get3A_1001 = arith.index_cast %add3A_1000 : i32 to index
          %get3A_1002 = tpu.vector_load %arg5[%get3A_1001] {strides = array<i32>} : memref<4224xi32, #tpu.memory_space<vmem>>, vector<16xi32>,
          %add3A_1003 = arith.addi %add3A_996, %get3A_1002 : vector<16xi32>
          %rev3A = arith.constant 15 : i32
          %rev3A_1004 = vector.broadcast %rev3A : i32 to vector<16xi32>
          %rev3A_1005 = tpu.iota {dimensions = array<i32: 0>} : vector<16xi32>
          %rev3A_1006 = arith.subi %rev3A_1004, %rev3A_1005 : vector<16xi32>
          %rev3A_1007 = tpu.dynamic_gather %add3A_1003[%rev3A_1006] in [0] : vector<16xi32>, vector<16xi32> -> vector<16xi32>
          %broadcast_in_dim3A_1008 = arith.constant true
          %broadcast_in_dim3A_1009 = vector.broadcast %broadcast_in_dim3A_1008 : i1 to vector<16xi1>
          %masked_cumsum3A = tpu.scan <sum>, %rev3A_1007 masked %broadcast_in_dim3A_1009 : vector<16xi32>, vector<16xi1> -> vector<16xi32>
          %add3A_1010 = vector.broadcast %scan3A_891 : i32 to vector<16xi32>
          %add3A_1011 = arith.addi %masked_cumsum3A, %add3A_1010 : vector<16xi32>
          %rev3A_1012 = arith.constant 15 : i32
          %rev3A_1013 = vector.broadcast %rev3A_1012 : i32 to vector<16xi32>
          %rev3A_1014 = tpu.iota {dimensions = array<i32: 0>} : vector<16xi32>
          %rev3A_1015 = arith.subi %rev3A_1013, %rev3A_1014 : vector<16xi32>
          %rev3A_1016 = tpu.dynamic_gather %add3A_1011[%rev3A_1015] in [0] : vector<16xi32>, vector<16xi32> -> vector<16xi32>
          %mul3A_1017 = arith.constant 16 : i32
          %mul3A_1018 = arith.muli %sub3A_894, %mul3A_1017 : i32
          %swap3A = arith.index_cast %mul3A_1018 : i32 to index
          %swap3A_1019 = tpu.vector_load %arg6[%swap3A] {strides = array<i32>} : memref<256xi32, #tpu.memory_space<vmem>>, vector<16xi32>,
          tpu.vector_store %arg6[%swap3A], %rev3A_1016 {strides = array<i32>} : memref<256xi32, #tpu.memory_space<vmem>>, vector<16xi32>,
          %reduce_max3A_1020 = arith.constant true
          %reduce_max3A_1021 = vector.broadcast %reduce_max3A_1020 : i1 to vector<16xi1>
          %reduce_max3A_1022 = arith.constant -2147483648 : i32
          %reduce_max3A_1023 = vector.broadcast %reduce_max3A_1022 : i32 to vector<16xi32>
          %reduce_max3A_1024 = arith.xori %masked_cumsum3A, %reduce_max3A_1023 : vector<16xi32>
          %reduce_max3A_1025 = tpu.scan <max>, %reduce_max3A_1024 masked %reduce_max3A_1021 : vector<16xi32>, vector<16xi1> -> vector<16xi32>
          %reduce_max3A_1026 = arith.xori %reduce_max3A_1025, %reduce_max3A_1023 : vector<16xi32>
          %reduce_max3A_1027 = vector.extract %reduce_max3A_1026[15] : i32 from vector<16xi32>
          %add3A_1028 = arith.addi %scan3A_891, %reduce_max3A_1027 : i32
          %ge3A_1029 = vector.broadcast %sub3A_698 : i32 to vector<16xi32>
          %ge3A_1030 = arith.cmpi sge, %rev3A_1016, %ge3A_1029 : vector<16xi32>
          %all_reduce_population_count3A = tpu.all_reduce %ge3A_1030 {dim = 0 : i64, kind = #tpu.reduction_kind<sum>} : vector<16xi1> -> vector<16xi32>
          %add3A_1031 = arith.addi %scan3A_892, %all_reduce_population_count3A : vector<16xi32>
          scf.yield %add3A_1028, %add3A_1031 : i32, vector<16xi32>
        }
        %scan3A_717 = arith.constant 16 : i32
        %reduce_max3A_718 = arith.constant true
        %reduce_max3A_719 = vector.broadcast %reduce_max3A_718 : i1 to vector<16xi1>
        %reduce_max3A_720 = arith.constant -2147483648 : i32
        %reduce_max3A_721 = vector.broadcast %reduce_max3A_720 : i32 to vector<16xi32>
        %reduce_max3A_722 = arith.xori %scan3A_716#1, %reduce_max3A_721 : vector<16xi32>
        %reduce_max3A_723 = tpu.scan <max>, %reduce_max3A_722 masked %reduce_max3A_719 : vector<16xi32>, vector<16xi1> -> vector<16xi32>
        %reduce_max3A_724 = arith.xori %reduce_max3A_723, %reduce_max3A_721 : vector<16xi32>
        %reduce_max3A_725 = vector.extract %reduce_max3A_724[15] : i32 from vector<16xi32>
        %sub3A_726 = arith.constant 1 : i32
        %sub3A_727 = arith.subi %reduce_max3A_725, %sub3A_726 : i32
        %add3A_728 = arith.constant 1 : i32
        %add3A_729 = arith.addi %sub3A_727, %add3A_728 : i32
        %min3A_730 = arith.constant 255 : i32
        %min3A_731 = arith.minsi %add3A_729, %min3A_730 : i32
        %broadcast_in_dim3A_732 = vector.broadcast %min3A_731 : i32 to vector<16xi32>
        %gather3A_733 = tpu.vector_load_idx %arg6[%broadcast_in_dim3A_732] : memref<256xi32, #tpu.memory_space<vmem>>[vector<16xi32>], vector<16xi32>,
        %broadcast_in_dim3A_734 = vector.broadcast %sub3A_727 : i32 to vector<16xi32>
        %gather3A_735 = tpu.vector_load_idx %arg6[%broadcast_in_dim3A_734] : memref<256xi32, #tpu.memory_space<vmem>>[vector<16xi32>], vector<16xi32>,
        %ge3A_736 = arith.constant 255 : i32
        %ge3A_737 = arith.cmpi sge, %sub3A_727, %ge3A_736 : i32
        %reduce_max3A_738 = arith.constant true
        %reduce_max3A_739 = vector.broadcast %reduce_max3A_738 : i1 to vector<16xi1>
        %reduce_max3A_740 = arith.constant -2147483648 : i32
        %reduce_max3A_741 = vector.broadcast %reduce_max3A_740 : i32 to vector<16xi32>
        %reduce_max3A_742 = arith.xori %gather3A_733, %reduce_max3A_741 : vector<16xi32>
        %reduce_max3A_743 = tpu.scan <max>, %reduce_max3A_742 masked %reduce_max3A_739 : vector<16xi32>, vector<16xi1> -> vector<16xi32>
        %reduce_max3A_744 = arith.xori %reduce_max3A_743, %reduce_max3A_741 : vector<16xi32>
        %reduce_max3A_745 = vector.extract %reduce_max3A_744[15] : i32 from vector<16xi32>
        %jit3A_746 = arith.constant 0 : i32
        %select_n3A_747 = arith.select %ge3A_737, %jit3A_746, %reduce_max3A_745 : i32
        %reduce_max3A_748 = arith.constant true
        %reduce_max3A_749 = vector.broadcast %reduce_max3A_748 : i1 to vector<16xi1>
        %reduce_max3A_750 = arith.constant -2147483648 : i32
        %reduce_max3A_751 = vector.broadcast %reduce_max3A_750 : i32 to vector<16xi32>
        %reduce_max3A_752 = arith.xori %gather3A_735, %reduce_max3A_751 : vector<16xi32>
        %reduce_max3A_753 = tpu.scan <max>, %reduce_max3A_752 masked %reduce_max3A_749 : vector<16xi32>, vector<16xi1> -> vector<16xi32>
        %reduce_max3A_754 = arith.xori %reduce_max3A_753, %reduce_max3A_751 : vector<16xi32>
        %reduce_max3A_755 = vector.extract %reduce_max3A_754[15] : i32 from vector<16xi32>
        %shift_left3A_756 = arith.constant 16 : i32
        %shift_left3A_757 = arith.shli %sub3A_727, %shift_left3A_756 : i32
        %add3A_758 = arith.addi %shift_left3A_696, %shift_left3A_757 : i32
        %sub3A_759 = arith.subi %sub3A_698, %select_n3A_747 : i32
        %shift_left3A_760 = arith.constant 1 : i32
        %shift_left3A_761 = arith.constant 16 : i32
        %shift_left3A_762 = arith.shli %shift_left3A_760, %shift_left3A_761 : i32
        %add3A_763 = arith.addi %add3A_758, %shift_left3A_762 : i32
        %parallel_loop3A_764 = arith.constant 0 : i32
        %parallel_loop3A_765 = arith.constant 264 : i32
        %parallel_loop3A_766 = arith.constant 1 : i32
        scf.for %parallel_loop3A_890 = %parallel_loop3A_764 to %parallel_loop3A_765 step %parallel_loop3A_766  : i32 {
          %parallel_loop3A_891 = arith.constant 0 : i32
          %parallel_loop3A_892 = vector.broadcast %parallel_loop3A_891 : i32 to vector<16xi32>
          %parallel_loop3A_893 = arith.constant 16 : i32
          %parallel_loop3A_894 = arith.muli %parallel_loop3A_890, %parallel_loop3A_893 : i32
          %parallel_loop3A_895 = arith.index_cast %parallel_loop3A_894 : i32 to index
          %parallel_loop3A_896 = tpu.vector_load %arg5[%parallel_loop3A_895] {strides = array<i32>} : memref<4224xi32, #tpu.memory_space<vmem>>, vector<16xi32>,
          tpu.vector_store %arg5[%parallel_loop3A_895], %parallel_loop3A_892 {strides = array<i32>} : memref<4224xi32, #tpu.memory_space<vmem>>, vector<16xi32>,
        } {sc.loop_unroll_factor = 8 : i64, sc.parallel_access}
        %parallel_loop3A_767 = arith.constant 0 : i32
        %parallel_loop3A_768 = arith.constant 1 : i32
        %parallel_loop3A_769 = arith.constant 8 : i32
        scf.for %parallel_loop3A_890 = %parallel_loop3A_767 to %select_n3A_694 step %parallel_loop3A_768  : i32 {
          %parallel_loop3A_891 = arith.constant 16 : i32
          %parallel_loop3A_892 = arith.muli %parallel_loop3A_890, %parallel_loop3A_891 : i32
          %parallel_loop3A_893 = arith.index_cast %parallel_loop3A_892 : i32 to index
          %parallel_loop3A_894 = tpu.vector_load %arg8[%parallel_loop3A_893] {strides = array<i32>} : memref<2048xi32, #tpu.memory_space<vmem>>, vector<16xi32>,
          %parallel_loop3A_895 = tpu.vector_load_idx %arg4[%parallel_loop3A_894] : memref<65536xf32, #tpu.memory_space<vmem>>[vector<16xi32>], vector<16xf32>,
          %parallel_loop3A_896 = tpu.bitcast %parallel_loop3A_895 : vector<16xf32> -> vector<16xi32>
          %parallel_loop3A_897 = arith.constant 31 : i32
          %parallel_loop3A_898 = vector.broadcast %parallel_loop3A_897 : i32 to vector<16xi32>
          %parallel_loop3A_899 = arith.shrsi %parallel_loop3A_896, %parallel_loop3A_898 : vector<16xi32>
          %parallel_loop3A_900 = arith.constant -2147483648 : i32
          %parallel_loop3A_901 = vector.broadcast %parallel_loop3A_900 : i32 to vector<16xi32>
          %parallel_loop3A_902 = arith.ori %parallel_loop3A_899, %parallel_loop3A_901 : vector<16xi32>
          %parallel_loop3A_903 = arith.xori %parallel_loop3A_896, %parallel_loop3A_902 : vector<16xi32>
          %parallel_loop3A_904 = tpu.bitcast %parallel_loop3A_903 : vector<16xi32> -> vector<16xi32>
          %parallel_loop3A_905 = vector.broadcast %parallel_loop3A_892 : i32 to vector<16xi32>
          %parallel_loop3A_906 = arith.addi %parallel_loop3A_905, %iota3A : vector<16xi32>
          %parallel_loop3A_907 = vector.broadcast %reduce_max3A_153 : i32 to vector<16xi32>
          %parallel_loop3A_908 = arith.cmpi slt, %parallel_loop3A_906, %parallel_loop3A_907 : vector<16xi32>
          %parallel_loop3A_909 = vector.broadcast %add3A_758 : i32 to vector<16xi32>
          %parallel_loop3A_910 = arith.cmpi uge, %parallel_loop3A_904, %parallel_loop3A_909 : vector<16xi32>
          %parallel_loop3A_911 = arith.andi %parallel_loop3A_908, %parallel_loop3A_910 : vector<16xi1>
          %parallel_loop3A_912 = vector.broadcast %add3A_763 : i32 to vector<16xi32>
          %parallel_loop3A_913 = arith.cmpi ult, %parallel_loop3A_904, %parallel_loop3A_912 : vector<16xi32>
          %parallel_loop3A_914 = arith.andi %parallel_loop3A_911, %parallel_loop3A_913 : vector<16xi1>
          %parallel_loop3A_915 = vector.broadcast %add3A_758 : i32 to vector<16xi32>
          %parallel_loop3A_916 = arith.subi %parallel_loop3A_904, %parallel_loop3A_915 : vector<16xi32>
          %parallel_loop3A_917 = vector.broadcast %parallel_loop3A_769 : i32 to vector<16xi32>
          %parallel_loop3A_918 = arith.shrui %parallel_loop3A_916, %parallel_loop3A_917 : vector<16xi32>
          %parallel_loop3A_919 = tpu.bitcast %parallel_loop3A_918 : vector<16xi32> -> vector<16xi32>
          %parallel_loop3A_920 = arith.constant 255 : i32
          %parallel_loop3A_921 = vector.broadcast %parallel_loop3A_920 : i32 to vector<16xi32>
          %parallel_loop3A_922 = arith.andi %parallel_loop3A_919, %parallel_loop3A_921 : vector<16xi32>
          %parallel_loop3A_923 = arith.addi %mul3A_3, %parallel_loop3A_922 : vector<16xi32>
          tpu.vector_store_idx %arg5[%parallel_loop3A_923], %broadcast_in_dim3A_4 masked %parallel_loop3A_914 {add = true} : memref<4224xi32, #tpu.memory_space<vmem>>[vector<16xi32>], vector<16xi32>, vector<16xi1>
        } {sc.loop_unroll_factor = 4 : i64, sc.parallel_access}
        %broadcast_in_dim3A_770 = arith.constant 0 : i32
        %broadcast_in_dim3A_771 = vector.broadcast %broadcast_in_dim3A_770 : i32 to vector<16xi32>
        %scan3A_772 = arith.constant 0 : i32
        %scan3A_773 = arith.constant 0 : i32
        %scan3A_774 = arith.constant 16 : i32
        %scan3A_775 = arith.addi %scan3A_773, %scan3A_774 : i32
        %scan3A_776 = arith.constant 1 : i32
        %scan3A_777:2 = scf.for %scan3A_890 = %scan3A_773 to %scan3A_775 step %scan3A_776 iter_args(%scan3A_891 = %scan3A_772, %scan3A_892 = %broadcast_in_dim3A_771) -> (i32, vector<16xi32>)  : i32 {
          %sub3A_893 = arith.constant 15 : i32
          %sub3A_894 = arith.subi %sub3A_893, %scan3A_890 : i32
          %mul3A_895 = arith.constant 16 : i32
          %mul3A_896 = arith.muli %sub3A_894, %mul3A_895 : i32
          %get3A_897 = arith.index_cast %mul3A_896 : i32 to index
          %get3A_898 = tpu.vector_load %arg5[%get3A_897] {strides = array<i32>} : memref<4224xi32, #tpu.memory_space<vmem>>, vector<16xi32>,
          %mul3A_899 = arith.constant 16 : i32
          %mul3A_900 = arith.muli %sub3A_894, %mul3A_899 : i32
          %add3A_901 = arith.constant 257 : i32
          %add3A_902 = arith.addi %add3A_901, %mul3A_900 : i32
          %get3A_903 = arith.index_cast %add3A_902 : i32 to index
          %get3A_904 = tpu.vector_load %arg5[%get3A_903] {strides = array<i32>} : memref<4224xi32, #tpu.memory_space<vmem>>, vector<16xi32>,
          %add3A_905 = arith.addi %get3A_898, %get3A_904 : vector<16xi32>
          %mul3A_906 = arith.constant 16 : i32
          %mul3A_907 = arith.muli %sub3A_894, %mul3A_906 : i32
          %add3A_908 = arith.constant 514 : i32
          %add3A_909 = arith.addi %add3A_908, %mul3A_907 : i32
          %get3A_910 = arith.index_cast %add3A_909 : i32 to index
          %get3A_911 = tpu.vector_load %arg5[%get3A_910] {strides = array<i32>} : memref<4224xi32, #tpu.memory_space<vmem>>, vector<16xi32>,
          %add3A_912 = arith.addi %add3A_905, %get3A_911 : vector<16xi32>
          %mul3A_913 = arith.constant 16 : i32
          %mul3A_914 = arith.muli %sub3A_894, %mul3A_913 : i32
          %add3A_915 = arith.constant 771 : i32
          %add3A_916 = arith.addi %add3A_915, %mul3A_914 : i32
          %get3A_917 = arith.index_cast %add3A_916 : i32 to index
          %get3A_918 = tpu.vector_load %arg5[%get3A_917] {strides = array<i32>} : memref<4224xi32, #tpu.memory_space<vmem>>, vector<16xi32>,
          %add3A_919 = arith.addi %add3A_912, %get3A_918 : vector<16xi32>
          %mul3A_920 = arith.constant 16 : i32
          %mul3A_921 = arith.muli %sub3A_894, %mul3A_920 : i32
          %add3A_922 = arith.constant 1028 : i32
          %add3A_923 = arith.addi %add3A_922, %mul3A_921 : i32
          %get3A_924 = arith.index_cast %add3A_923 : i32 to index
          %get3A_925 = tpu.vector_load %arg5[%get3A_924] {strides = array<i32>} : memref<4224xi32, #tpu.memory_space<vmem>>, vector<16xi32>,
          %add3A_926 = arith.addi %add3A_919, %get3A_925 : vector<16xi32>
          %mul3A_927 = arith.constant 16 : i32
          %mul3A_928 = arith.muli %sub3A_894, %mul3A_927 : i32
          %add3A_929 = arith.constant 1285 : i32
          %add3A_930 = arith.addi %add3A_929, %mul3A_928 : i32
          %get3A_931 = arith.index_cast %add3A_930 : i32 to index
          %get3A_932 = tpu.vector_load %arg5[%get3A_931] {strides = array<i32>} : memref<4224xi32, #tpu.memory_space<vmem>>, vector<16xi32>,
          %add3A_933 = arith.addi %add3A_926, %get3A_932 : vector<16xi32>
          %mul3A_934 = arith.constant 16 : i32
          %mul3A_935 = arith.muli %sub3A_894, %mul3A_934 : i32
          %add3A_936 = arith.constant 1542 : i32
          %add3A_937 = arith.addi %add3A_936, %mul3A_935 : i32
          %get3A_938 = arith.index_cast %add3A_937 : i32 to index
          %get3A_939 = tpu.vector_load %arg5[%get3A_938] {strides = array<i32>} : memref<4224xi32, #tpu.memory_space<vmem>>, vector<16xi32>,
          %add3A_940 = arith.addi %add3A_933, %get3A_939 : vector<16xi32>
          %mul3A_941 = arith.constant 16 : i32
          %mul3A_942 = arith.muli %sub3A_894, %mul3A_941 : i32
          %add3A_943 = arith.constant 1799 : i32
          %add3A_944 = arith.addi %add3A_943, %mul3A_942 : i32
          %get3A_945 = arith.index_cast %add3A_944 : i32 to index
          %get3A_946 = tpu.vector_load %arg5[%get3A_945] {strides = array<i32>} : memref<4224xi32, #tpu.memory_space<vmem>>, vector<16xi32>,
          %add3A_947 = arith.addi %add3A_940, %get3A_946 : vector<16xi32>
          %mul3A_948 = arith.constant 16 : i32
          %mul3A_949 = arith.muli %sub3A_894, %mul3A_948 : i32
          %add3A_950 = arith.constant 2056 : i32
          %add3A_951 = arith.addi %add3A_950, %mul3A_949 : i32
          %get3A_952 = arith.index_cast %add3A_951 : i32 to index
          %get3A_953 = tpu.vector_load %arg5[%get3A_952] {strides = array<i32>} : memref<4224xi32, #tpu.memory_space<vmem>>, vector<16xi32>,
          %add3A_954 = arith.addi %add3A_947, %get3A_953 : vector<16xi32>
          %mul3A_955 = arith.constant 16 : i32
          %mul3A_956 = arith.muli %sub3A_894, %mul3A_955 : i32
          %add3A_957 = arith.constant 2313 : i32
          %add3A_958 = arith.addi %add3A_957, %mul3A_956 : i32
          %get3A_959 = arith.index_cast %add3A_958 : i32 to index
          %get3A_960 = tpu.vector_load %arg5[%get3A_959] {strides = array<i32>} : memref<4224xi32, #tpu.memory_space<vmem>>, vector<16xi32>,
          %add3A_961 = arith.addi %add3A_954, %get3A_960 : vector<16xi32>
          %mul3A_962 = arith.constant 16 : i32
          %mul3A_963 = arith.muli %sub3A_894, %mul3A_962 : i32
          %add3A_964 = arith.constant 2570 : i32
          %add3A_965 = arith.addi %add3A_964, %mul3A_963 : i32
          %get3A_966 = arith.index_cast %add3A_965 : i32 to index
          %get3A_967 = tpu.vector_load %arg5[%get3A_966] {strides = array<i32>} : memref<4224xi32, #tpu.memory_space<vmem>>, vector<16xi32>,
          %add3A_968 = arith.addi %add3A_961, %get3A_967 : vector<16xi32>
          %mul3A_969 = arith.constant 16 : i32
          %mul3A_970 = arith.muli %sub3A_894, %mul3A_969 : i32
          %add3A_971 = arith.constant 2827 : i32
          %add3A_972 = arith.addi %add3A_971, %mul3A_970 : i32
          %get3A_973 = arith.index_cast %add3A_972 : i32 to index
          %get3A_974 = tpu.vector_load %arg5[%get3A_973] {strides = array<i32>} : memref<4224xi32, #tpu.memory_space<vmem>>, vector<16xi32>,
          %add3A_975 = arith.addi %add3A_968, %get3A_974 : vector<16xi32>
          %mul3A_976 = arith.constant 16 : i32
          %mul3A_977 = arith.muli %sub3A_894, %mul3A_976 : i32
          %add3A_978 = arith.constant 3084 : i32
          %add3A_979 = arith.addi %add3A_978, %mul3A_977 : i32
          %get3A_980 = arith.index_cast %add3A_979 : i32 to index
          %get3A_981 = tpu.vector_load %arg5[%get3A_980] {strides = array<i32>} : memref<4224xi32, #tpu.memory_space<vmem>>, vector<16xi32>,
          %add3A_982 = arith.addi %add3A_975, %get3A_981 : vector<16xi32>
          %mul3A_983 = arith.constant 16 : i32
          %mul3A_984 = arith.muli %sub3A_894, %mul3A_983 : i32
          %add3A_985 = arith.constant 3341 : i32
          %add3A_986 = arith.addi %add3A_985, %mul3A_984 : i32
          %get3A_987 = arith.index_cast %add3A_986 : i32 to index
          %get3A_988 = tpu.vector_load %arg5[%get3A_987] {strides = array<i32>} : memref<4224xi32, #tpu.memory_space<vmem>>, vector<16xi32>,
          %add3A_989 = arith.addi %add3A_982, %get3A_988 : vector<16xi32>
          %mul3A_990 = arith.constant 16 : i32
          %mul3A_991 = arith.muli %sub3A_894, %mul3A_990 : i32
          %add3A_992 = arith.constant 3598 : i32
          %add3A_993 = arith.addi %add3A_992, %mul3A_991 : i32
          %get3A_994 = arith.index_cast %add3A_993 : i32 to index
          %get3A_995 = tpu.vector_load %arg5[%get3A_994] {strides = array<i32>} : memref<4224xi32, #tpu.memory_space<vmem>>, vector<16xi32>,
          %add3A_996 = arith.addi %add3A_989, %get3A_995 : vector<16xi32>
          %mul3A_997 = arith.constant 16 : i32
          %mul3A_998 = arith.muli %sub3A_894, %mul3A_997 : i32
          %add3A_999 = arith.constant 3855 : i32
          %add3A_1000 = arith.addi %add3A_999, %mul3A_998 : i32
          %get3A_1001 = arith.index_cast %add3A_1000 : i32 to index
          %get3A_1002 = tpu.vector_load %arg5[%get3A_1001] {strides = array<i32>} : memref<4224xi32, #tpu.memory_space<vmem>>, vector<16xi32>,
          %add3A_1003 = arith.addi %add3A_996, %get3A_1002 : vector<16xi32>
          %rev3A = arith.constant 15 : i32
          %rev3A_1004 = vector.broadcast %rev3A : i32 to vector<16xi32>
          %rev3A_1005 = tpu.iota {dimensions = array<i32: 0>} : vector<16xi32>
          %rev3A_1006 = arith.subi %rev3A_1004, %rev3A_1005 : vector<16xi32>
          %rev3A_1007 = tpu.dynamic_gather %add3A_1003[%rev3A_1006] in [0] : vector<16xi32>, vector<16xi32> -> vector<16xi32>
          %broadcast_in_dim3A_1008 = arith.constant true
          %broadcast_in_dim3A_1009 = vector.broadcast %broadcast_in_dim3A_1008 : i1 to vector<16xi1>
          %masked_cumsum3A = tpu.scan <sum>, %rev3A_1007 masked %broadcast_in_dim3A_1009 : vector<16xi32>, vector<16xi1> -> vector<16xi32>
          %add3A_1010 = vector.broadcast %scan3A_891 : i32 to vector<16xi32>
          %add3A_1011 = arith.addi %masked_cumsum3A, %add3A_1010 : vector<16xi32>
          %rev3A_1012 = arith.constant 15 : i32
          %rev3A_1013 = vector.broadcast %rev3A_1012 : i32 to vector<16xi32>
          %rev3A_1014 = tpu.iota {dimensions = array<i32: 0>} : vector<16xi32>
          %rev3A_1015 = arith.subi %rev3A_1013, %rev3A_1014 : vector<16xi32>
          %rev3A_1016 = tpu.dynamic_gather %add3A_1011[%rev3A_1015] in [0] : vector<16xi32>, vector<16xi32> -> vector<16xi32>
          %mul3A_1017 = arith.constant 16 : i32
          %mul3A_1018 = arith.muli %sub3A_894, %mul3A_1017 : i32
          %swap3A = arith.index_cast %mul3A_1018 : i32 to index
          %swap3A_1019 = tpu.vector_load %arg6[%swap3A] {strides = array<i32>} : memref<256xi32, #tpu.memory_space<vmem>>, vector<16xi32>,
          tpu.vector_store %arg6[%swap3A], %rev3A_1016 {strides = array<i32>} : memref<256xi32, #tpu.memory_space<vmem>>, vector<16xi32>,
          %reduce_max3A_1020 = arith.constant true
          %reduce_max3A_1021 = vector.broadcast %reduce_max3A_1020 : i1 to vector<16xi1>
          %reduce_max3A_1022 = arith.constant -2147483648 : i32
          %reduce_max3A_1023 = vector.broadcast %reduce_max3A_1022 : i32 to vector<16xi32>
          %reduce_max3A_1024 = arith.xori %masked_cumsum3A, %reduce_max3A_1023 : vector<16xi32>
          %reduce_max3A_1025 = tpu.scan <max>, %reduce_max3A_1024 masked %reduce_max3A_1021 : vector<16xi32>, vector<16xi1> -> vector<16xi32>
          %reduce_max3A_1026 = arith.xori %reduce_max3A_1025, %reduce_max3A_1023 : vector<16xi32>
          %reduce_max3A_1027 = vector.extract %reduce_max3A_1026[15] : i32 from vector<16xi32>
          %add3A_1028 = arith.addi %scan3A_891, %reduce_max3A_1027 : i32
          %ge3A_1029 = vector.broadcast %sub3A_759 : i32 to vector<16xi32>
          %ge3A_1030 = arith.cmpi sge, %rev3A_1016, %ge3A_1029 : vector<16xi32>
          %all_reduce_population_count3A = tpu.all_reduce %ge3A_1030 {dim = 0 : i64, kind = #tpu.reduction_kind<sum>} : vector<16xi1> -> vector<16xi32>
          %add3A_1031 = arith.addi %scan3A_892, %all_reduce_population_count3A : vector<16xi32>
          scf.yield %add3A_1028, %add3A_1031 : i32, vector<16xi32>
        }
        %scan3A_778 = arith.constant 16 : i32
        %reduce_max3A_779 = arith.constant true
        %reduce_max3A_780 = vector.broadcast %reduce_max3A_779 : i1 to vector<16xi1>
        %reduce_max3A_781 = arith.constant -2147483648 : i32
        %reduce_max3A_782 = vector.broadcast %reduce_max3A_781 : i32 to vector<16xi32>
        %reduce_max3A_783 = arith.xori %scan3A_777#1, %reduce_max3A_782 : vector<16xi32>
        %reduce_max3A_784 = tpu.scan <max>, %reduce_max3A_783 masked %reduce_max3A_780 : vector<16xi32>, vector<16xi1> -> vector<16xi32>
        %reduce_max3A_785 = arith.xori %reduce_max3A_784, %reduce_max3A_782 : vector<16xi32>
        %reduce_max3A_786 = vector.extract %reduce_max3A_785[15] : i32 from vector<16xi32>
        %sub3A_787 = arith.constant 1 : i32
        %sub3A_788 = arith.subi %reduce_max3A_786, %sub3A_787 : i32
        %add3A_789 = arith.constant 1 : i32
        %add3A_790 = arith.addi %sub3A_788, %add3A_789 : i32
        %min3A_791 = arith.constant 255 : i32
        %min3A_792 = arith.minsi %add3A_790, %min3A_791 : i32
        %broadcast_in_dim3A_793 = vector.broadcast %min3A_792 : i32 to vector<16xi32>
        %gather3A_794 = tpu.vector_load_idx %arg6[%broadcast_in_dim3A_793] : memref<256xi32, #tpu.memory_space<vmem>>[vector<16xi32>], vector<16xi32>,
        %broadcast_in_dim3A_795 = vector.broadcast %sub3A_788 : i32 to vector<16xi32>
        %gather3A_796 = tpu.vector_load_idx %arg6[%broadcast_in_dim3A_795] : memref<256xi32, #tpu.memory_space<vmem>>[vector<16xi32>], vector<16xi32>,
        %ge3A_797 = arith.constant 255 : i32
        %ge3A_798 = arith.cmpi sge, %sub3A_788, %ge3A_797 : i32
        %reduce_max3A_799 = arith.constant true
        %reduce_max3A_800 = vector.broadcast %reduce_max3A_799 : i1 to vector<16xi1>
        %reduce_max3A_801 = arith.constant -2147483648 : i32
        %reduce_max3A_802 = vector.broadcast %reduce_max3A_801 : i32 to vector<16xi32>
        %reduce_max3A_803 = arith.xori %gather3A_794, %reduce_max3A_802 : vector<16xi32>
        %reduce_max3A_804 = tpu.scan <max>, %reduce_max3A_803 masked %reduce_max3A_800 : vector<16xi32>, vector<16xi1> -> vector<16xi32>
        %reduce_max3A_805 = arith.xori %reduce_max3A_804, %reduce_max3A_802 : vector<16xi32>
        %reduce_max3A_806 = vector.extract %reduce_max3A_805[15] : i32 from vector<16xi32>
        %jit3A_807 = arith.constant 0 : i32
        %select_n3A_808 = arith.select %ge3A_798, %jit3A_807, %reduce_max3A_806 : i32
        %reduce_max3A_809 = arith.constant true
        %reduce_max3A_810 = vector.broadcast %reduce_max3A_809 : i1 to vector<16xi1>
        %reduce_max3A_811 = arith.constant -2147483648 : i32
        %reduce_max3A_812 = vector.broadcast %reduce_max3A_811 : i32 to vector<16xi32>
        %reduce_max3A_813 = arith.xori %gather3A_796, %reduce_max3A_812 : vector<16xi32>
        %reduce_max3A_814 = tpu.scan <max>, %reduce_max3A_813 masked %reduce_max3A_810 : vector<16xi32>, vector<16xi1> -> vector<16xi32>
        %reduce_max3A_815 = arith.xori %reduce_max3A_814, %reduce_max3A_812 : vector<16xi32>
        %reduce_max3A_816 = vector.extract %reduce_max3A_815[15] : i32 from vector<16xi32>
        %shift_left3A_817 = arith.constant 8 : i32
        %shift_left3A_818 = arith.shli %sub3A_788, %shift_left3A_817 : i32
        %add3A_819 = arith.addi %add3A_758, %shift_left3A_818 : i32
        %sub3A_820 = arith.subi %sub3A_759, %select_n3A_808 : i32
        %shift_left3A_821 = arith.constant 1 : i32
        %shift_left3A_822 = arith.constant 8 : i32
        %shift_left3A_823 = arith.shli %shift_left3A_821, %shift_left3A_822 : i32
        %add3A_824 = arith.addi %add3A_819, %shift_left3A_823 : i32
        %parallel_loop3A_825 = arith.constant 0 : i32
        %parallel_loop3A_826 = arith.constant 264 : i32
        %parallel_loop3A_827 = arith.constant 1 : i32
        scf.for %parallel_loop3A_890 = %parallel_loop3A_825 to %parallel_loop3A_826 step %parallel_loop3A_827  : i32 {
          %parallel_loop3A_891 = arith.constant 0 : i32
          %parallel_loop3A_892 = vector.broadcast %parallel_loop3A_891 : i32 to vector<16xi32>
          %parallel_loop3A_893 = arith.constant 16 : i32
          %parallel_loop3A_894 = arith.muli %parallel_loop3A_890, %parallel_loop3A_893 : i32
          %parallel_loop3A_895 = arith.index_cast %parallel_loop3A_894 : i32 to index
          %parallel_loop3A_896 = tpu.vector_load %arg5[%parallel_loop3A_895] {strides = array<i32>} : memref<4224xi32, #tpu.memory_space<vmem>>, vector<16xi32>,
          tpu.vector_store %arg5[%parallel_loop3A_895], %parallel_loop3A_892 {strides = array<i32>} : memref<4224xi32, #tpu.memory_space<vmem>>, vector<16xi32>,
        } {sc.loop_unroll_factor = 8 : i64, sc.parallel_access}
        %parallel_loop3A_828 = arith.constant 0 : i32
        %parallel_loop3A_829 = arith.constant 1 : i32
        %parallel_loop3A_830 = arith.constant 0 : i32
        scf.for %parallel_loop3A_890 = %parallel_loop3A_828 to %select_n3A_694 step %parallel_loop3A_829  : i32 {
          %parallel_loop3A_891 = arith.constant 16 : i32
          %parallel_loop3A_892 = arith.muli %parallel_loop3A_890, %parallel_loop3A_891 : i32
          %parallel_loop3A_893 = arith.index_cast %parallel_loop3A_892 : i32 to index
          %parallel_loop3A_894 = tpu.vector_load %arg8[%parallel_loop3A_893] {strides = array<i32>} : memref<2048xi32, #tpu.memory_space<vmem>>, vector<16xi32>,
          %parallel_loop3A_895 = tpu.vector_load_idx %arg4[%parallel_loop3A_894] : memref<65536xf32, #tpu.memory_space<vmem>>[vector<16xi32>], vector<16xf32>,
          %parallel_loop3A_896 = tpu.bitcast %parallel_loop3A_895 : vector<16xf32> -> vector<16xi32>
          %parallel_loop3A_897 = arith.constant 31 : i32
          %parallel_loop3A_898 = vector.broadcast %parallel_loop3A_897 : i32 to vector<16xi32>
          %parallel_loop3A_899 = arith.shrsi %parallel_loop3A_896, %parallel_loop3A_898 : vector<16xi32>
          %parallel_loop3A_900 = arith.constant -2147483648 : i32
          %parallel_loop3A_901 = vector.broadcast %parallel_loop3A_900 : i32 to vector<16xi32>
          %parallel_loop3A_902 = arith.ori %parallel_loop3A_899, %parallel_loop3A_901 : vector<16xi32>
          %parallel_loop3A_903 = arith.xori %parallel_loop3A_896, %parallel_loop3A_902 : vector<16xi32>
          %parallel_loop3A_904 = tpu.bitcast %parallel_loop3A_903 : vector<16xi32> -> vector<16xi32>
          %parallel_loop3A_905 = vector.broadcast %parallel_loop3A_892 : i32 to vector<16xi32>
          %parallel_loop3A_906 = arith.addi %parallel_loop3A_905, %iota3A : vector<16xi32>
          %parallel_loop3A_907 = vector.broadcast %reduce_max3A_153 : i32 to vector<16xi32>
          %parallel_loop3A_908 = arith.cmpi slt, %parallel_loop3A_906, %parallel_loop3A_907 : vector<16xi32>
          %parallel_loop3A_909 = vector.broadcast %add3A_819 : i32 to vector<16xi32>
          %parallel_loop3A_910 = arith.cmpi uge, %parallel_loop3A_904, %parallel_loop3A_909 : vector<16xi32>
          %parallel_loop3A_911 = arith.andi %parallel_loop3A_908, %parallel_loop3A_910 : vector<16xi1>
          %parallel_loop3A_912 = vector.broadcast %add3A_824 : i32 to vector<16xi32>
          %parallel_loop3A_913 = arith.cmpi ult, %parallel_loop3A_904, %parallel_loop3A_912 : vector<16xi32>
          %parallel_loop3A_914 = arith.andi %parallel_loop3A_911, %parallel_loop3A_913 : vector<16xi1>
          %parallel_loop3A_915 = vector.broadcast %add3A_819 : i32 to vector<16xi32>
          %parallel_loop3A_916 = arith.subi %parallel_loop3A_904, %parallel_loop3A_915 : vector<16xi32>
          %parallel_loop3A_917 = vector.broadcast %parallel_loop3A_830 : i32 to vector<16xi32>
          %parallel_loop3A_918 = arith.shrui %parallel_loop3A_916, %parallel_loop3A_917 : vector<16xi32>
          %parallel_loop3A_919 = tpu.bitcast %parallel_loop3A_918 : vector<16xi32> -> vector<16xi32>
          %parallel_loop3A_920 = arith.constant 255 : i32
          %parallel_loop3A_921 = vector.broadcast %parallel_loop3A_920 : i32 to vector<16xi32>
          %parallel_loop3A_922 = arith.andi %parallel_loop3A_919, %parallel_loop3A_921 : vector<16xi32>
          %parallel_loop3A_923 = arith.addi %mul3A_3, %parallel_loop3A_922 : vector<16xi32>
          tpu.vector_store_idx %arg5[%parallel_loop3A_923], %broadcast_in_dim3A_4 masked %parallel_loop3A_914 {add = true} : memref<4224xi32, #tpu.memory_space<vmem>>[vector<16xi32>], vector<16xi32>, vector<16xi1>
        } {sc.loop_unroll_factor = 4 : i64, sc.parallel_access}
        %broadcast_in_dim3A_831 = arith.constant 0 : i32
        %broadcast_in_dim3A_832 = vector.broadcast %broadcast_in_dim3A_831 : i32 to vector<16xi32>
        %scan3A_833 = arith.constant 0 : i32
        %scan3A_834 = arith.constant 0 : i32
        %scan3A_835 = arith.constant 16 : i32
        %scan3A_836 = arith.addi %scan3A_834, %scan3A_835 : i32
        %scan3A_837 = arith.constant 1 : i32
        %scan3A_838:2 = scf.for %scan3A_890 = %scan3A_834 to %scan3A_836 step %scan3A_837 iter_args(%scan3A_891 = %scan3A_833, %scan3A_892 = %broadcast_in_dim3A_832) -> (i32, vector<16xi32>)  : i32 {
          %sub3A_893 = arith.constant 15 : i32
          %sub3A_894 = arith.subi %sub3A_893, %scan3A_890 : i32
          %mul3A_895 = arith.constant 16 : i32
          %mul3A_896 = arith.muli %sub3A_894, %mul3A_895 : i32
          %get3A_897 = arith.index_cast %mul3A_896 : i32 to index
          %get3A_898 = tpu.vector_load %arg5[%get3A_897] {strides = array<i32>} : memref<4224xi32, #tpu.memory_space<vmem>>, vector<16xi32>,
          %mul3A_899 = arith.constant 16 : i32
          %mul3A_900 = arith.muli %sub3A_894, %mul3A_899 : i32
          %add3A_901 = arith.constant 257 : i32
          %add3A_902 = arith.addi %add3A_901, %mul3A_900 : i32
          %get3A_903 = arith.index_cast %add3A_902 : i32 to index
          %get3A_904 = tpu.vector_load %arg5[%get3A_903] {strides = array<i32>} : memref<4224xi32, #tpu.memory_space<vmem>>, vector<16xi32>,
          %add3A_905 = arith.addi %get3A_898, %get3A_904 : vector<16xi32>
          %mul3A_906 = arith.constant 16 : i32
          %mul3A_907 = arith.muli %sub3A_894, %mul3A_906 : i32
          %add3A_908 = arith.constant 514 : i32
          %add3A_909 = arith.addi %add3A_908, %mul3A_907 : i32
          %get3A_910 = arith.index_cast %add3A_909 : i32 to index
          %get3A_911 = tpu.vector_load %arg5[%get3A_910] {strides = array<i32>} : memref<4224xi32, #tpu.memory_space<vmem>>, vector<16xi32>,
          %add3A_912 = arith.addi %add3A_905, %get3A_911 : vector<16xi32>
          %mul3A_913 = arith.constant 16 : i32
          %mul3A_914 = arith.muli %sub3A_894, %mul3A_913 : i32
          %add3A_915 = arith.constant 771 : i32
          %add3A_916 = arith.addi %add3A_915, %mul3A_914 : i32
          %get3A_917 = arith.index_cast %add3A_916 : i32 to index
          %get3A_918 = tpu.vector_load %arg5[%get3A_917] {strides = array<i32>} : memref<4224xi32, #tpu.memory_space<vmem>>, vector<16xi32>,
          %add3A_919 = arith.addi %add3A_912, %get3A_918 : vector<16xi32>
          %mul3A_920 = arith.constant 16 : i32
          %mul3A_921 = arith.muli %sub3A_894, %mul3A_920 : i32
          %add3A_922 = arith.constant 1028 : i32
          %add3A_923 = arith.addi %add3A_922, %mul3A_921 : i32
          %get3A_924 = arith.index_cast %add3A_923 : i32 to index
          %get3A_925 = tpu.vector_load %arg5[%get3A_924] {strides = array<i32>} : memref<4224xi32, #tpu.memory_space<vmem>>, vector<16xi32>,
          %add3A_926 = arith.addi %add3A_919, %get3A_925 : vector<16xi32>
          %mul3A_927 = arith.constant 16 : i32
          %mul3A_928 = arith.muli %sub3A_894, %mul3A_927 : i32
          %add3A_929 = arith.constant 1285 : i32
          %add3A_930 = arith.addi %add3A_929, %mul3A_928 : i32
          %get3A_931 = arith.index_cast %add3A_930 : i32 to index
          %get3A_932 = tpu.vector_load %arg5[%get3A_931] {strides = array<i32>} : memref<4224xi32, #tpu.memory_space<vmem>>, vector<16xi32>,
          %add3A_933 = arith.addi %add3A_926, %get3A_932 : vector<16xi32>
          %mul3A_934 = arith.constant 16 : i32
          %mul3A_935 = arith.muli %sub3A_894, %mul3A_934 : i32
          %add3A_936 = arith.constant 1542 : i32
          %add3A_937 = arith.addi %add3A_936, %mul3A_935 : i32
          %get3A_938 = arith.index_cast %add3A_937 : i32 to index
          %get3A_939 = tpu.vector_load %arg5[%get3A_938] {strides = array<i32>} : memref<4224xi32, #tpu.memory_space<vmem>>, vector<16xi32>,
          %add3A_940 = arith.addi %add3A_933, %get3A_939 : vector<16xi32>
          %mul3A_941 = arith.constant 16 : i32
          %mul3A_942 = arith.muli %sub3A_894, %mul3A_941 : i32
          %add3A_943 = arith.constant 1799 : i32
          %add3A_944 = arith.addi %add3A_943, %mul3A_942 : i32
          %get3A_945 = arith.index_cast %add3A_944 : i32 to index
          %get3A_946 = tpu.vector_load %arg5[%get3A_945] {strides = array<i32>} : memref<4224xi32, #tpu.memory_space<vmem>>, vector<16xi32>,
          %add3A_947 = arith.addi %add3A_940, %get3A_946 : vector<16xi32>
          %mul3A_948 = arith.constant 16 : i32
          %mul3A_949 = arith.muli %sub3A_894, %mul3A_948 : i32
          %add3A_950 = arith.constant 2056 : i32
          %add3A_951 = arith.addi %add3A_950, %mul3A_949 : i32
          %get3A_952 = arith.index_cast %add3A_951 : i32 to index
          %get3A_953 = tpu.vector_load %arg5[%get3A_952] {strides = array<i32>} : memref<4224xi32, #tpu.memory_space<vmem>>, vector<16xi32>,
          %add3A_954 = arith.addi %add3A_947, %get3A_953 : vector<16xi32>
          %mul3A_955 = arith.constant 16 : i32
          %mul3A_956 = arith.muli %sub3A_894, %mul3A_955 : i32
          %add3A_957 = arith.constant 2313 : i32
          %add3A_958 = arith.addi %add3A_957, %mul3A_956 : i32
          %get3A_959 = arith.index_cast %add3A_958 : i32 to index
          %get3A_960 = tpu.vector_load %arg5[%get3A_959] {strides = array<i32>} : memref<4224xi32, #tpu.memory_space<vmem>>, vector<16xi32>,
          %add3A_961 = arith.addi %add3A_954, %get3A_960 : vector<16xi32>
          %mul3A_962 = arith.constant 16 : i32
          %mul3A_963 = arith.muli %sub3A_894, %mul3A_962 : i32
          %add3A_964 = arith.constant 2570 : i32
          %add3A_965 = arith.addi %add3A_964, %mul3A_963 : i32
          %get3A_966 = arith.index_cast %add3A_965 : i32 to index
          %get3A_967 = tpu.vector_load %arg5[%get3A_966] {strides = array<i32>} : memref<4224xi32, #tpu.memory_space<vmem>>, vector<16xi32>,
          %add3A_968 = arith.addi %add3A_961, %get3A_967 : vector<16xi32>
          %mul3A_969 = arith.constant 16 : i32
          %mul3A_970 = arith.muli %sub3A_894, %mul3A_969 : i32
          %add3A_971 = arith.constant 2827 : i32
          %add3A_972 = arith.addi %add3A_971, %mul3A_970 : i32
          %get3A_973 = arith.index_cast %add3A_972 : i32 to index
          %get3A_974 = tpu.vector_load %arg5[%get3A_973] {strides = array<i32>} : memref<4224xi32, #tpu.memory_space<vmem>>, vector<16xi32>,
          %add3A_975 = arith.addi %add3A_968, %get3A_974 : vector<16xi32>
          %mul3A_976 = arith.constant 16 : i32
          %mul3A_977 = arith.muli %sub3A_894, %mul3A_976 : i32
          %add3A_978 = arith.constant 3084 : i32
          %add3A_979 = arith.addi %add3A_978, %mul3A_977 : i32
          %get3A_980 = arith.index_cast %add3A_979 : i32 to index
          %get3A_981 = tpu.vector_load %arg5[%get3A_980] {strides = array<i32>} : memref<4224xi32, #tpu.memory_space<vmem>>, vector<16xi32>,
          %add3A_982 = arith.addi %add3A_975, %get3A_981 : vector<16xi32>
          %mul3A_983 = arith.constant 16 : i32
          %mul3A_984 = arith.muli %sub3A_894, %mul3A_983 : i32
          %add3A_985 = arith.constant 3341 : i32
          %add3A_986 = arith.addi %add3A_985, %mul3A_984 : i32
          %get3A_987 = arith.index_cast %add3A_986 : i32 to index
          %get3A_988 = tpu.vector_load %arg5[%get3A_987] {strides = array<i32>} : memref<4224xi32, #tpu.memory_space<vmem>>, vector<16xi32>,
          %add3A_989 = arith.addi %add3A_982, %get3A_988 : vector<16xi32>
          %mul3A_990 = arith.constant 16 : i32
          %mul3A_991 = arith.muli %sub3A_894, %mul3A_990 : i32
          %add3A_992 = arith.constant 3598 : i32
          %add3A_993 = arith.addi %add3A_992, %mul3A_991 : i32
          %get3A_994 = arith.index_cast %add3A_993 : i32 to index
          %get3A_995 = tpu.vector_load %arg5[%get3A_994] {strides = array<i32>} : memref<4224xi32, #tpu.memory_space<vmem>>, vector<16xi32>,
          %add3A_996 = arith.addi %add3A_989, %get3A_995 : vector<16xi32>
          %mul3A_997 = arith.constant 16 : i32
          %mul3A_998 = arith.muli %sub3A_894, %mul3A_997 : i32
          %add3A_999 = arith.constant 3855 : i32
          %add3A_1000 = arith.addi %add3A_999, %mul3A_998 : i32
          %get3A_1001 = arith.index_cast %add3A_1000 : i32 to index
          %get3A_1002 = tpu.vector_load %arg5[%get3A_1001] {strides = array<i32>} : memref<4224xi32, #tpu.memory_space<vmem>>, vector<16xi32>,
          %add3A_1003 = arith.addi %add3A_996, %get3A_1002 : vector<16xi32>
          %rev3A = arith.constant 15 : i32
          %rev3A_1004 = vector.broadcast %rev3A : i32 to vector<16xi32>
          %rev3A_1005 = tpu.iota {dimensions = array<i32: 0>} : vector<16xi32>
          %rev3A_1006 = arith.subi %rev3A_1004, %rev3A_1005 : vector<16xi32>
          %rev3A_1007 = tpu.dynamic_gather %add3A_1003[%rev3A_1006] in [0] : vector<16xi32>, vector<16xi32> -> vector<16xi32>
          %broadcast_in_dim3A_1008 = arith.constant true
          %broadcast_in_dim3A_1009 = vector.broadcast %broadcast_in_dim3A_1008 : i1 to vector<16xi1>
          %masked_cumsum3A = tpu.scan <sum>, %rev3A_1007 masked %broadcast_in_dim3A_1009 : vector<16xi32>, vector<16xi1> -> vector<16xi32>
          %add3A_1010 = vector.broadcast %scan3A_891 : i32 to vector<16xi32>
          %add3A_1011 = arith.addi %masked_cumsum3A, %add3A_1010 : vector<16xi32>
          %rev3A_1012 = arith.constant 15 : i32
          %rev3A_1013 = vector.broadcast %rev3A_1012 : i32 to vector<16xi32>
          %rev3A_1014 = tpu.iota {dimensions = array<i32: 0>} : vector<16xi32>
          %rev3A_1015 = arith.subi %rev3A_1013, %rev3A_1014 : vector<16xi32>
          %rev3A_1016 = tpu.dynamic_gather %add3A_1011[%rev3A_1015] in [0] : vector<16xi32>, vector<16xi32> -> vector<16xi32>
          %mul3A_1017 = arith.constant 16 : i32
          %mul3A_1018 = arith.muli %sub3A_894, %mul3A_1017 : i32
          %swap3A = arith.index_cast %mul3A_1018 : i32 to index
          %swap3A_1019 = tpu.vector_load %arg6[%swap3A] {strides = array<i32>} : memref<256xi32, #tpu.memory_space<vmem>>, vector<16xi32>,
          tpu.vector_store %arg6[%swap3A], %rev3A_1016 {strides = array<i32>} : memref<256xi32, #tpu.memory_space<vmem>>, vector<16xi32>,
          %reduce_max3A_1020 = arith.constant true
          %reduce_max3A_1021 = vector.broadcast %reduce_max3A_1020 : i1 to vector<16xi1>
          %reduce_max3A_1022 = arith.constant -2147483648 : i32
          %reduce_max3A_1023 = vector.broadcast %reduce_max3A_1022 : i32 to vector<16xi32>
          %reduce_max3A_1024 = arith.xori %masked_cumsum3A, %reduce_max3A_1023 : vector<16xi32>
          %reduce_max3A_1025 = tpu.scan <max>, %reduce_max3A_1024 masked %reduce_max3A_1021 : vector<16xi32>, vector<16xi1> -> vector<16xi32>
          %reduce_max3A_1026 = arith.xori %reduce_max3A_1025, %reduce_max3A_1023 : vector<16xi32>
          %reduce_max3A_1027 = vector.extract %reduce_max3A_1026[15] : i32 from vector<16xi32>
          %add3A_1028 = arith.addi %scan3A_891, %reduce_max3A_1027 : i32
          %ge3A_1029 = vector.broadcast %sub3A_820 : i32 to vector<16xi32>
          %ge3A_1030 = arith.cmpi sge, %rev3A_1016, %ge3A_1029 : vector<16xi32>
          %all_reduce_population_count3A = tpu.all_reduce %ge3A_1030 {dim = 0 : i64, kind = #tpu.reduction_kind<sum>} : vector<16xi1> -> vector<16xi32>
          %add3A_1031 = arith.addi %scan3A_892, %all_reduce_population_count3A : vector<16xi32>
          scf.yield %add3A_1028, %add3A_1031 : i32, vector<16xi32>
        }
        %scan3A_839 = arith.constant 16 : i32
        %reduce_max3A_840 = arith.constant true
        %reduce_max3A_841 = vector.broadcast %reduce_max3A_840 : i1 to vector<16xi1>
        %reduce_max3A_842 = arith.constant -2147483648 : i32
        %reduce_max3A_843 = vector.broadcast %reduce_max3A_842 : i32 to vector<16xi32>
        %reduce_max3A_844 = arith.xori %scan3A_838#1, %reduce_max3A_843 : vector<16xi32>
        %reduce_max3A_845 = tpu.scan <max>, %reduce_max3A_844 masked %reduce_max3A_841 : vector<16xi32>, vector<16xi1> -> vector<16xi32>
        %reduce_max3A_846 = arith.xori %reduce_max3A_845, %reduce_max3A_843 : vector<16xi32>
        %reduce_max3A_847 = vector.extract %reduce_max3A_846[15] : i32 from vector<16xi32>
        %sub3A_848 = arith.constant 1 : i32
        %sub3A_849 = arith.subi %reduce_max3A_847, %sub3A_848 : i32
        %add3A_850 = arith.constant 1 : i32
        %add3A_851 = arith.addi %sub3A_849, %add3A_850 : i32
        %min3A_852 = arith.constant 255 : i32
        %min3A_853 = arith.minsi %add3A_851, %min3A_852 : i32
        %broadcast_in_dim3A_854 = vector.broadcast %min3A_853 : i32 to vector<16xi32>
        %gather3A_855 = tpu.vector_load_idx %arg6[%broadcast_in_dim3A_854] : memref<256xi32, #tpu.memory_space<vmem>>[vector<16xi32>], vector<16xi32>,
        %broadcast_in_dim3A_856 = vector.broadcast %sub3A_849 : i32 to vector<16xi32>
        %gather3A_857 = tpu.vector_load_idx %arg6[%broadcast_in_dim3A_856] : memref<256xi32, #tpu.memory_space<vmem>>[vector<16xi32>], vector<16xi32>,
        %ge3A_858 = arith.constant 255 : i32
        %ge3A_859 = arith.cmpi sge, %sub3A_849, %ge3A_858 : i32
        %reduce_max3A_860 = arith.constant true
        %reduce_max3A_861 = vector.broadcast %reduce_max3A_860 : i1 to vector<16xi1>
        %reduce_max3A_862 = arith.constant -2147483648 : i32
        %reduce_max3A_863 = vector.broadcast %reduce_max3A_862 : i32 to vector<16xi32>
        %reduce_max3A_864 = arith.xori %gather3A_855, %reduce_max3A_863 : vector<16xi32>
        %reduce_max3A_865 = tpu.scan <max>, %reduce_max3A_864 masked %reduce_max3A_861 : vector<16xi32>, vector<16xi1> -> vector<16xi32>
        %reduce_max3A_866 = arith.xori %reduce_max3A_865, %reduce_max3A_863 : vector<16xi32>
        %reduce_max3A_867 = vector.extract %reduce_max3A_866[15] : i32 from vector<16xi32>
        %jit3A_868 = arith.constant 0 : i32
        %select_n3A_869 = arith.select %ge3A_859, %jit3A_868, %reduce_max3A_867 : i32
        %reduce_max3A_870 = arith.constant true
        %reduce_max3A_871 = vector.broadcast %reduce_max3A_870 : i1 to vector<16xi1>
        %reduce_max3A_872 = arith.constant -2147483648 : i32
        %reduce_max3A_873 = vector.broadcast %reduce_max3A_872 : i32 to vector<16xi32>
        %reduce_max3A_874 = arith.xori %gather3A_857, %reduce_max3A_873 : vector<16xi32>
        %reduce_max3A_875 = tpu.scan <max>, %reduce_max3A_874 masked %reduce_max3A_871 : vector<16xi32>, vector<16xi1> -> vector<16xi32>
        %reduce_max3A_876 = arith.xori %reduce_max3A_875, %reduce_max3A_873 : vector<16xi32>
        %reduce_max3A_877 = vector.extract %reduce_max3A_876[15] : i32 from vector<16xi32>
        %shift_left3A_878 = arith.constant 0 : i32
        %shift_left3A_879 = arith.shli %sub3A_849, %shift_left3A_878 : i32
        %add3A_880 = arith.addi %add3A_819, %shift_left3A_879 : i32
        %sub3A_881 = arith.subi %sub3A_820, %select_n3A_869 : i32
        %shift_left3A_882 = arith.constant 1 : i32
        %shift_left3A_883 = arith.constant 0 : i32
        %shift_left3A_884 = arith.shli %shift_left3A_882, %shift_left3A_883 : i32
        %broadcast_in_dim3A_885 = arith.constant 0 : i32
        %broadcast_in_dim3A_886 = vector.broadcast %broadcast_in_dim3A_885 : i32 to vector<16xi32>
        %parallel_loop3A_887 = arith.constant 0 : i32
        %parallel_loop3A_888 = arith.constant 1 : i32
        %parallel_loop3A_889:2 = scf.for %parallel_loop3A_890 = %parallel_loop3A_887 to %select_n3A_694 step %parallel_loop3A_888 iter_args(%parallel_loop3A_891 = %broadcast_in_dim3A_886, %parallel_loop3A_892 = %broadcast_in_dim3A_886) -> (vector<16xi32>, vector<16xi32>)  : i32 {
          %parallel_loop3A_893 = arith.constant 16 : i32
          %parallel_loop3A_894 = arith.muli %parallel_loop3A_890, %parallel_loop3A_893 : i32
          %parallel_loop3A_895 = arith.index_cast %parallel_loop3A_894 : i32 to index
          %parallel_loop3A_896 = tpu.vector_load %arg8[%parallel_loop3A_895] {strides = array<i32>} : memref<2048xi32, #tpu.memory_space<vmem>>, vector<16xi32>,
          %parallel_loop3A_897 = tpu.vector_load_idx %arg4[%parallel_loop3A_896] : memref<65536xf32, #tpu.memory_space<vmem>>[vector<16xi32>], vector<16xf32>,
          %parallel_loop3A_898 = tpu.bitcast %parallel_loop3A_897 : vector<16xf32> -> vector<16xi32>
          %parallel_loop3A_899 = arith.constant 31 : i32
          %parallel_loop3A_900 = vector.broadcast %parallel_loop3A_899 : i32 to vector<16xi32>
          %parallel_loop3A_901 = arith.shrsi %parallel_loop3A_898, %parallel_loop3A_900 : vector<16xi32>
          %parallel_loop3A_902 = arith.constant -2147483648 : i32
          %parallel_loop3A_903 = vector.broadcast %parallel_loop3A_902 : i32 to vector<16xi32>
          %parallel_loop3A_904 = arith.ori %parallel_loop3A_901, %parallel_loop3A_903 : vector<16xi32>
          %parallel_loop3A_905 = arith.xori %parallel_loop3A_898, %parallel_loop3A_904 : vector<16xi32>
          %parallel_loop3A_906 = tpu.bitcast %parallel_loop3A_905 : vector<16xi32> -> vector<16xi32>
          %parallel_loop3A_907 = vector.broadcast %parallel_loop3A_894 : i32 to vector<16xi32>
          %parallel_loop3A_908 = arith.addi %parallel_loop3A_907, %iota3A : vector<16xi32>
          %parallel_loop3A_909 = vector.broadcast %reduce_max3A_153 : i32 to vector<16xi32>
          %parallel_loop3A_910 = arith.cmpi slt, %parallel_loop3A_908, %parallel_loop3A_909 : vector<16xi32>
          %parallel_loop3A_911 = vector.broadcast %add3A_880 : i32 to vector<16xi32>
          %parallel_loop3A_912 = arith.cmpi ugt, %parallel_loop3A_906, %parallel_loop3A_911 : vector<16xi32>
          %parallel_loop3A_913 = arith.andi %parallel_loop3A_910, %parallel_loop3A_912 : vector<16xi1>
          %parallel_loop3A_914 = vector.broadcast %add3A_880 : i32 to vector<16xi32>
          %parallel_loop3A_915 = arith.cmpi eq, %parallel_loop3A_906, %parallel_loop3A_914 : vector<16xi32>
          %parallel_loop3A_916 = arith.andi %parallel_loop3A_910, %parallel_loop3A_915 : vector<16xi1>
          %parallel_loop3A_917 = arith.extui %parallel_loop3A_916 : vector<16xi1> to vector<16xi32>
          %parallel_loop3A_918 = arith.constant true
          %parallel_loop3A_919 = vector.broadcast %parallel_loop3A_918 : i1 to vector<16xi1>
          %parallel_loop3A_920 = tpu.scan <sum>, %parallel_loop3A_917 masked %parallel_loop3A_919 : vector<16xi32>, vector<16xi1> -> vector<16xi32>
          %parallel_loop3A_921 = arith.addi %parallel_loop3A_891, %parallel_loop3A_920 : vector<16xi32>
          %parallel_loop3A_922 = vector.broadcast %sub3A_881 : i32 to vector<16xi32>
          %parallel_loop3A_923 = arith.cmpi sle, %parallel_loop3A_921, %parallel_loop3A_922 : vector<16xi32>
          %parallel_loop3A_924 = arith.andi %parallel_loop3A_916, %parallel_loop3A_923 : vector<16xi1>
          %parallel_loop3A_925 = arith.ori %parallel_loop3A_913, %parallel_loop3A_924 : vector<16xi1>
          %parallel_loop3A_926 = arith.extui %parallel_loop3A_925 : vector<16xi1> to vector<16xi32>
          %parallel_loop3A_927 = arith.constant true
          %parallel_loop3A_928 = vector.broadcast %parallel_loop3A_927 : i1 to vector<16xi1>
          %parallel_loop3A_929 = tpu.scan <sum>, %parallel_loop3A_926 masked %parallel_loop3A_928 : vector<16xi32>, vector<16xi1> -> vector<16xi32>
          %parallel_loop3A_930 = arith.addi %parallel_loop3A_892, %parallel_loop3A_929 : vector<16xi32>
          %parallel_loop3A_931 = arith.constant 1 : i32
          %parallel_loop3A_932 = vector.broadcast %parallel_loop3A_931 : i32 to vector<16xi32>
          %parallel_loop3A_933 = arith.subi %parallel_loop3A_930, %parallel_loop3A_932 : vector<16xi32>
          %parallel_loop3A_934 = tpu.bitcast %parallel_loop3A_906 : vector<16xi32> -> vector<16xi32>
          tpu.vector_store_idx %arg9[%parallel_loop3A_933], %parallel_loop3A_934 masked %parallel_loop3A_925 : memref<64xi32, #tpu.memory_space<vmem>>[vector<16xi32>], vector<16xi32>, vector<16xi1>
          tpu.vector_store_idx %arg10[%parallel_loop3A_933], %parallel_loop3A_896 masked %parallel_loop3A_925 : memref<64xi32, #tpu.memory_space<vmem>>[vector<16xi32>], vector<16xi32>, vector<16xi1>
          %parallel_loop3A_935 = tpu.all_reduce %parallel_loop3A_916 {dim = 0 : i64, kind = #tpu.reduction_kind<sum>} : vector<16xi1> -> vector<16xi32>
          %parallel_loop3A_936 = arith.addi %parallel_loop3A_891, %parallel_loop3A_935 : vector<16xi32>
          %parallel_loop3A_937 = tpu.all_reduce %parallel_loop3A_925 {dim = 0 : i64, kind = #tpu.reduction_kind<sum>} : vector<16xi1> -> vector<16xi32>
          %parallel_loop3A_938 = arith.addi %parallel_loop3A_892, %parallel_loop3A_937 : vector<16xi32>
          scf.yield %parallel_loop3A_936, %parallel_loop3A_938 : vector<16xi32>, vector<16xi32>
        } {sc.loop_unroll_factor = 4 : i64, sc.parallel_access}
      } else {
      }
      %gt3A = arith.constant 2048 : i32
      %gt3A_157 = arith.cmpi sgt, %reduce_max3A_153, %gt3A : i32
      %convert_element_type3A_158 = arith.extui %gt3A_157 : i1 to i32
      %cond3A_159 = arith.constant 0 : i32
      %cond3A_160 = arith.cmpi ne, %convert_element_type3A_158, %cond3A_159 : i32
      scf.if %cond3A_160 {
        %shift_left3A_667 = arith.constant 24 : i32
        %shift_left3A_668 = arith.shli %sub3A_130, %shift_left3A_667 : i32
        %sub3A_669 = arith.constant 64 : i32
        %sub3A_670 = arith.subi %sub3A_669, %select_n3A : i32
        %shift_left3A_671 = arith.constant 1 : i32
        %shift_left3A_672 = arith.constant 24 : i32
        %shift_left3A_673 = arith.shli %shift_left3A_671, %shift_left3A_672 : i32
        %add3A_674 = arith.addi %shift_left3A_668, %shift_left3A_673 : i32
        %parallel_loop3A_675 = arith.constant 0 : i32
        %parallel_loop3A_676 = arith.constant 264 : i32
        %parallel_loop3A_677 = arith.constant 1 : i32
        scf.for %parallel_loop3A_866 = %parallel_loop3A_675 to %parallel_loop3A_676 step %parallel_loop3A_677  : i32 {
          %parallel_loop3A_867 = arith.constant 0 : i32
          %parallel_loop3A_868 = vector.broadcast %parallel_loop3A_867 : i32 to vector<16xi32>
          %parallel_loop3A_869 = arith.constant 16 : i32
          %parallel_loop3A_870 = arith.muli %parallel_loop3A_866, %parallel_loop3A_869 : i32
          %parallel_loop3A_871 = arith.index_cast %parallel_loop3A_870 : i32 to index
          %parallel_loop3A_872 = tpu.vector_load %arg5[%parallel_loop3A_871] {strides = array<i32>} : memref<4224xi32, #tpu.memory_space<vmem>>, vector<16xi32>,
          tpu.vector_store %arg5[%parallel_loop3A_871], %parallel_loop3A_868 {strides = array<i32>} : memref<4224xi32, #tpu.memory_space<vmem>>, vector<16xi32>,
        } {sc.loop_unroll_factor = 8 : i64, sc.parallel_access}
        %parallel_loop3A_678 = arith.constant 0 : i32
        %parallel_loop3A_679 = arith.constant 4096 : i32
        %parallel_loop3A_680 = arith.constant 1 : i32
        %parallel_loop3A_681 = arith.constant 16 : i32
        scf.for %parallel_loop3A_866 = %parallel_loop3A_678 to %parallel_loop3A_679 step %parallel_loop3A_680  : i32 {
          %parallel_loop3A_867 = arith.constant 16 : i32
          %parallel_loop3A_868 = arith.muli %parallel_loop3A_866, %parallel_loop3A_867 : i32
          %parallel_loop3A_869 = arith.index_cast %parallel_loop3A_868 : i32 to index
          %parallel_loop3A_870 = tpu.vector_load %arg4[%parallel_loop3A_869] {strides = array<i32>} : memref<65536xf32, #tpu.memory_space<vmem>>, vector<16xf32>,
          %parallel_loop3A_871 = tpu.bitcast %parallel_loop3A_870 : vector<16xf32> -> vector<16xi32>
          %parallel_loop3A_872 = arith.constant 31 : i32
          %parallel_loop3A_873 = vector.broadcast %parallel_loop3A_872 : i32 to vector<16xi32>
          %parallel_loop3A_874 = arith.shrsi %parallel_loop3A_871, %parallel_loop3A_873 : vector<16xi32>
          %parallel_loop3A_875 = arith.constant -2147483648 : i32
          %parallel_loop3A_876 = vector.broadcast %parallel_loop3A_875 : i32 to vector<16xi32>
          %parallel_loop3A_877 = arith.ori %parallel_loop3A_874, %parallel_loop3A_876 : vector<16xi32>
          %parallel_loop3A_878 = arith.xori %parallel_loop3A_871, %parallel_loop3A_877 : vector<16xi32>
          %parallel_loop3A_879 = tpu.bitcast %parallel_loop3A_878 : vector<16xi32> -> vector<16xi32>
          %parallel_loop3A_880 = vector.broadcast %shift_left3A_668 : i32 to vector<16xi32>
          %parallel_loop3A_881 = arith.cmpi uge, %parallel_loop3A_879, %parallel_loop3A_880 : vector<16xi32>
          %parallel_loop3A_882 = vector.broadcast %add3A_674 : i32 to vector<16xi32>
          %parallel_loop3A_883 = arith.cmpi ult, %parallel_loop3A_879, %parallel_loop3A_882 : vector<16xi32>
          %parallel_loop3A_884 = arith.andi %parallel_loop3A_881, %parallel_loop3A_883 : vector<16xi1>
          %parallel_loop3A_885 = vector.broadcast %shift_left3A_668 : i32 to vector<16xi32>
          %parallel_loop3A_886 = arith.subi %parallel_loop3A_879, %parallel_loop3A_885 : vector<16xi32>
          %parallel_loop3A_887 = vector.broadcast %parallel_loop3A_681 : i32 to vector<16xi32>
          %parallel_loop3A_888 = arith.shrui %parallel_loop3A_886, %parallel_loop3A_887 : vector<16xi32>
          %parallel_loop3A_889 = tpu.bitcast %parallel_loop3A_888 : vector<16xi32> -> vector<16xi32>
          %parallel_loop3A_890 = arith.constant 255 : i32
          %parallel_loop3A_891 = vector.broadcast %parallel_loop3A_890 : i32 to vector<16xi32>
          %parallel_loop3A_892 = arith.andi %parallel_loop3A_889, %parallel_loop3A_891 : vector<16xi32>
          %parallel_loop3A_893 = arith.addi %mul3A_3, %parallel_loop3A_892 : vector<16xi32>
          tpu.vector_store_idx %arg5[%parallel_loop3A_893], %broadcast_in_dim3A_4 masked %parallel_loop3A_884 {add = true} : memref<4224xi32, #tpu.memory_space<vmem>>[vector<16xi32>], vector<16xi32>, vector<16xi1>
        } {sc.loop_unroll_factor = 8 : i64, sc.parallel_access}
        %broadcast_in_dim3A_682 = arith.constant 0 : i32
        %broadcast_in_dim3A_683 = vector.broadcast %broadcast_in_dim3A_682 : i32 to vector<16xi32>
        %scan3A_684 = arith.constant 0 : i32
        %scan3A_685 = arith.constant 0 : i32
        %scan3A_686 = arith.constant 16 : i32
        %scan3A_687 = arith.addi %scan3A_685, %scan3A_686 : i32
        %scan3A_688 = arith.constant 1 : i32
        %scan3A_689:2 = scf.for %scan3A_866 = %scan3A_685 to %scan3A_687 step %scan3A_688 iter_args(%scan3A_867 = %scan3A_684, %scan3A_868 = %broadcast_in_dim3A_683) -> (i32, vector<16xi32>)  : i32 {
          %sub3A_869 = arith.constant 15 : i32
          %sub3A_870 = arith.subi %sub3A_869, %scan3A_866 : i32
          %mul3A_871 = arith.constant 16 : i32
          %mul3A_872 = arith.muli %sub3A_870, %mul3A_871 : i32
          %get3A_873 = arith.index_cast %mul3A_872 : i32 to index
          %get3A_874 = tpu.vector_load %arg5[%get3A_873] {strides = array<i32>} : memref<4224xi32, #tpu.memory_space<vmem>>, vector<16xi32>,
          %mul3A_875 = arith.constant 16 : i32
          %mul3A_876 = arith.muli %sub3A_870, %mul3A_875 : i32
          %add3A_877 = arith.constant 257 : i32
          %add3A_878 = arith.addi %add3A_877, %mul3A_876 : i32
          %get3A_879 = arith.index_cast %add3A_878 : i32 to index
          %get3A_880 = tpu.vector_load %arg5[%get3A_879] {strides = array<i32>} : memref<4224xi32, #tpu.memory_space<vmem>>, vector<16xi32>,
          %add3A_881 = arith.addi %get3A_874, %get3A_880 : vector<16xi32>
          %mul3A_882 = arith.constant 16 : i32
          %mul3A_883 = arith.muli %sub3A_870, %mul3A_882 : i32
          %add3A_884 = arith.constant 514 : i32
          %add3A_885 = arith.addi %add3A_884, %mul3A_883 : i32
          %get3A_886 = arith.index_cast %add3A_885 : i32 to index
          %get3A_887 = tpu.vector_load %arg5[%get3A_886] {strides = array<i32>} : memref<4224xi32, #tpu.memory_space<vmem>>, vector<16xi32>,
          %add3A_888 = arith.addi %add3A_881, %get3A_887 : vector<16xi32>
          %mul3A_889 = arith.constant 16 : i32
          %mul3A_890 = arith.muli %sub3A_870, %mul3A_889 : i32
          %add3A_891 = arith.constant 771 : i32
          %add3A_892 = arith.addi %add3A_891, %mul3A_890 : i32
          %get3A_893 = arith.index_cast %add3A_892 : i32 to index
          %get3A_894 = tpu.vector_load %arg5[%get3A_893] {strides = array<i32>} : memref<4224xi32, #tpu.memory_space<vmem>>, vector<16xi32>,
          %add3A_895 = arith.addi %add3A_888, %get3A_894 : vector<16xi32>
          %mul3A_896 = arith.constant 16 : i32
          %mul3A_897 = arith.muli %sub3A_870, %mul3A_896 : i32
          %add3A_898 = arith.constant 1028 : i32
          %add3A_899 = arith.addi %add3A_898, %mul3A_897 : i32
          %get3A_900 = arith.index_cast %add3A_899 : i32 to index
          %get3A_901 = tpu.vector_load %arg5[%get3A_900] {strides = array<i32>} : memref<4224xi32, #tpu.memory_space<vmem>>, vector<16xi32>,
          %add3A_902 = arith.addi %add3A_895, %get3A_901 : vector<16xi32>
          %mul3A_903 = arith.constant 16 : i32
          %mul3A_904 = arith.muli %sub3A_870, %mul3A_903 : i32
          %add3A_905 = arith.constant 1285 : i32
          %add3A_906 = arith.addi %add3A_905, %mul3A_904 : i32
          %get3A_907 = arith.index_cast %add3A_906 : i32 to index
          %get3A_908 = tpu.vector_load %arg5[%get3A_907] {strides = array<i32>} : memref<4224xi32, #tpu.memory_space<vmem>>, vector<16xi32>,
          %add3A_909 = arith.addi %add3A_902, %get3A_908 : vector<16xi32>
          %mul3A_910 = arith.constant 16 : i32
          %mul3A_911 = arith.muli %sub3A_870, %mul3A_910 : i32
          %add3A_912 = arith.constant 1542 : i32
          %add3A_913 = arith.addi %add3A_912, %mul3A_911 : i32
          %get3A_914 = arith.index_cast %add3A_913 : i32 to index
          %get3A_915 = tpu.vector_load %arg5[%get3A_914] {strides = array<i32>} : memref<4224xi32, #tpu.memory_space<vmem>>, vector<16xi32>,
          %add3A_916 = arith.addi %add3A_909, %get3A_915 : vector<16xi32>
          %mul3A_917 = arith.constant 16 : i32
          %mul3A_918 = arith.muli %sub3A_870, %mul3A_917 : i32
          %add3A_919 = arith.constant 1799 : i32
          %add3A_920 = arith.addi %add3A_919, %mul3A_918 : i32
          %get3A_921 = arith.index_cast %add3A_920 : i32 to index
          %get3A_922 = tpu.vector_load %arg5[%get3A_921] {strides = array<i32>} : memref<4224xi32, #tpu.memory_space<vmem>>, vector<16xi32>,
          %add3A_923 = arith.addi %add3A_916, %get3A_922 : vector<16xi32>
          %mul3A_924 = arith.constant 16 : i32
          %mul3A_925 = arith.muli %sub3A_870, %mul3A_924 : i32
          %add3A_926 = arith.constant 2056 : i32
          %add3A_927 = arith.addi %add3A_926, %mul3A_925 : i32
          %get3A_928 = arith.index_cast %add3A_927 : i32 to index
          %get3A_929 = tpu.vector_load %arg5[%get3A_928] {strides = array<i32>} : memref<4224xi32, #tpu.memory_space<vmem>>, vector<16xi32>,
          %add3A_930 = arith.addi %add3A_923, %get3A_929 : vector<16xi32>
          %mul3A_931 = arith.constant 16 : i32
          %mul3A_932 = arith.muli %sub3A_870, %mul3A_931 : i32
          %add3A_933 = arith.constant 2313 : i32
          %add3A_934 = arith.addi %add3A_933, %mul3A_932 : i32
          %get3A_935 = arith.index_cast %add3A_934 : i32 to index
          %get3A_936 = tpu.vector_load %arg5[%get3A_935] {strides = array<i32>} : memref<4224xi32, #tpu.memory_space<vmem>>, vector<16xi32>,
          %add3A_937 = arith.addi %add3A_930, %get3A_936 : vector<16xi32>
          %mul3A_938 = arith.constant 16 : i32
          %mul3A_939 = arith.muli %sub3A_870, %mul3A_938 : i32
          %add3A_940 = arith.constant 2570 : i32
          %add3A_941 = arith.addi %add3A_940, %mul3A_939 : i32
          %get3A_942 = arith.index_cast %add3A_941 : i32 to index
          %get3A_943 = tpu.vector_load %arg5[%get3A_942] {strides = array<i32>} : memref<4224xi32, #tpu.memory_space<vmem>>, vector<16xi32>,
          %add3A_944 = arith.addi %add3A_937, %get3A_943 : vector<16xi32>
          %mul3A_945 = arith.constant 16 : i32
          %mul3A_946 = arith.muli %sub3A_870, %mul3A_945 : i32
          %add3A_947 = arith.constant 2827 : i32
          %add3A_948 = arith.addi %add3A_947, %mul3A_946 : i32
          %get3A_949 = arith.index_cast %add3A_948 : i32 to index
          %get3A_950 = tpu.vector_load %arg5[%get3A_949] {strides = array<i32>} : memref<4224xi32, #tpu.memory_space<vmem>>, vector<16xi32>,
          %add3A_951 = arith.addi %add3A_944, %get3A_950 : vector<16xi32>
          %mul3A_952 = arith.constant 16 : i32
          %mul3A_953 = arith.muli %sub3A_870, %mul3A_952 : i32
          %add3A_954 = arith.constant 3084 : i32
          %add3A_955 = arith.addi %add3A_954, %mul3A_953 : i32
          %get3A_956 = arith.index_cast %add3A_955 : i32 to index
          %get3A_957 = tpu.vector_load %arg5[%get3A_956] {strides = array<i32>} : memref<4224xi32, #tpu.memory_space<vmem>>, vector<16xi32>,
          %add3A_958 = arith.addi %add3A_951, %get3A_957 : vector<16xi32>
          %mul3A_959 = arith.constant 16 : i32
          %mul3A_960 = arith.muli %sub3A_870, %mul3A_959 : i32
          %add3A_961 = arith.constant 3341 : i32
          %add3A_962 = arith.addi %add3A_961, %mul3A_960 : i32
          %get3A_963 = arith.index_cast %add3A_962 : i32 to index
          %get3A_964 = tpu.vector_load %arg5[%get3A_963] {strides = array<i32>} : memref<4224xi32, #tpu.memory_space<vmem>>, vector<16xi32>,
          %add3A_965 = arith.addi %add3A_958, %get3A_964 : vector<16xi32>
          %mul3A_966 = arith.constant 16 : i32
          %mul3A_967 = arith.muli %sub3A_870, %mul3A_966 : i32
          %add3A_968 = arith.constant 3598 : i32
          %add3A_969 = arith.addi %add3A_968, %mul3A_967 : i32
          %get3A_970 = arith.index_cast %add3A_969 : i32 to index
          %get3A_971 = tpu.vector_load %arg5[%get3A_970] {strides = array<i32>} : memref<4224xi32, #tpu.memory_space<vmem>>, vector<16xi32>,
          %add3A_972 = arith.addi %add3A_965, %get3A_971 : vector<16xi32>
          %mul3A_973 = arith.constant 16 : i32
          %mul3A_974 = arith.muli %sub3A_870, %mul3A_973 : i32
          %add3A_975 = arith.constant 3855 : i32
          %add3A_976 = arith.addi %add3A_975, %mul3A_974 : i32
          %get3A_977 = arith.index_cast %add3A_976 : i32 to index
          %get3A_978 = tpu.vector_load %arg5[%get3A_977] {strides = array<i32>} : memref<4224xi32, #tpu.memory_space<vmem>>, vector<16xi32>,
          %add3A_979 = arith.addi %add3A_972, %get3A_978 : vector<16xi32>
          %rev3A = arith.constant 15 : i32
          %rev3A_980 = vector.broadcast %rev3A : i32 to vector<16xi32>
          %rev3A_981 = tpu.iota {dimensions = array<i32: 0>} : vector<16xi32>
          %rev3A_982 = arith.subi %rev3A_980, %rev3A_981 : vector<16xi32>
          %rev3A_983 = tpu.dynamic_gather %add3A_979[%rev3A_982] in [0] : vector<16xi32>, vector<16xi32> -> vector<16xi32>
          %broadcast_in_dim3A_984 = arith.constant true
          %broadcast_in_dim3A_985 = vector.broadcast %broadcast_in_dim3A_984 : i1 to vector<16xi1>
          %masked_cumsum3A = tpu.scan <sum>, %rev3A_983 masked %broadcast_in_dim3A_985 : vector<16xi32>, vector<16xi1> -> vector<16xi32>
          %add3A_986 = vector.broadcast %scan3A_867 : i32 to vector<16xi32>
          %add3A_987 = arith.addi %masked_cumsum3A, %add3A_986 : vector<16xi32>
          %rev3A_988 = arith.constant 15 : i32
          %rev3A_989 = vector.broadcast %rev3A_988 : i32 to vector<16xi32>
          %rev3A_990 = tpu.iota {dimensions = array<i32: 0>} : vector<16xi32>
          %rev3A_991 = arith.subi %rev3A_989, %rev3A_990 : vector<16xi32>
          %rev3A_992 = tpu.dynamic_gather %add3A_987[%rev3A_991] in [0] : vector<16xi32>, vector<16xi32> -> vector<16xi32>
          %mul3A_993 = arith.constant 16 : i32
          %mul3A_994 = arith.muli %sub3A_870, %mul3A_993 : i32
          %swap3A = arith.index_cast %mul3A_994 : i32 to index
          %swap3A_995 = tpu.vector_load %arg6[%swap3A] {strides = array<i32>} : memref<256xi32, #tpu.memory_space<vmem>>, vector<16xi32>,
          tpu.vector_store %arg6[%swap3A], %rev3A_992 {strides = array<i32>} : memref<256xi32, #tpu.memory_space<vmem>>, vector<16xi32>,
          %reduce_max3A_996 = arith.constant true
          %reduce_max3A_997 = vector.broadcast %reduce_max3A_996 : i1 to vector<16xi1>
          %reduce_max3A_998 = arith.constant -2147483648 : i32
          %reduce_max3A_999 = vector.broadcast %reduce_max3A_998 : i32 to vector<16xi32>
          %reduce_max3A_1000 = arith.xori %masked_cumsum3A, %reduce_max3A_999 : vector<16xi32>
          %reduce_max3A_1001 = tpu.scan <max>, %reduce_max3A_1000 masked %reduce_max3A_997 : vector<16xi32>, vector<16xi1> -> vector<16xi32>
          %reduce_max3A_1002 = arith.xori %reduce_max3A_1001, %reduce_max3A_999 : vector<16xi32>
          %reduce_max3A_1003 = vector.extract %reduce_max3A_1002[15] : i32 from vector<16xi32>
          %add3A_1004 = arith.addi %scan3A_867, %reduce_max3A_1003 : i32
          %ge3A_1005 = vector.broadcast %sub3A_670 : i32 to vector<16xi32>
          %ge3A_1006 = arith.cmpi sge, %rev3A_992, %ge3A_1005 : vector<16xi32>
          %all_reduce_population_count3A = tpu.all_reduce %ge3A_1006 {dim = 0 : i64, kind = #tpu.reduction_kind<sum>} : vector<16xi1> -> vector<16xi32>
          %add3A_1007 = arith.addi %scan3A_868, %all_reduce_population_count3A : vector<16xi32>
          scf.yield %add3A_1004, %add3A_1007 : i32, vector<16xi32>
        }
        %scan3A_690 = arith.constant 16 : i32
        %reduce_max3A_691 = arith.constant true
        %reduce_max3A_692 = vector.broadcast %reduce_max3A_691 : i1 to vector<16xi1>
        %reduce_max3A_693 = arith.constant -2147483648 : i32
        %reduce_max3A_694 = vector.broadcast %reduce_max3A_693 : i32 to vector<16xi32>
        %reduce_max3A_695 = arith.xori %scan3A_689#1, %reduce_max3A_694 : vector<16xi32>
        %reduce_max3A_696 = tpu.scan <max>, %reduce_max3A_695 masked %reduce_max3A_692 : vector<16xi32>, vector<16xi1> -> vector<16xi32>
        %reduce_max3A_697 = arith.xori %reduce_max3A_696, %reduce_max3A_694 : vector<16xi32>
        %reduce_max3A_698 = vector.extract %reduce_max3A_697[15] : i32 from vector<16xi32>
        %sub3A_699 = arith.constant 1 : i32
        %sub3A_700 = arith.subi %reduce_max3A_698, %sub3A_699 : i32
        %add3A_701 = arith.constant 1 : i32
        %add3A_702 = arith.addi %sub3A_700, %add3A_701 : i32
        %min3A_703 = arith.constant 255 : i32
        %min3A_704 = arith.minsi %add3A_702, %min3A_703 : i32
        %broadcast_in_dim3A_705 = vector.broadcast %min3A_704 : i32 to vector<16xi32>
        %gather3A_706 = tpu.vector_load_idx %arg6[%broadcast_in_dim3A_705] : memref<256xi32, #tpu.memory_space<vmem>>[vector<16xi32>], vector<16xi32>,
        %broadcast_in_dim3A_707 = vector.broadcast %sub3A_700 : i32 to vector<16xi32>
        %gather3A_708 = tpu.vector_load_idx %arg6[%broadcast_in_dim3A_707] : memref<256xi32, #tpu.memory_space<vmem>>[vector<16xi32>], vector<16xi32>,
        %ge3A_709 = arith.constant 255 : i32
        %ge3A_710 = arith.cmpi sge, %sub3A_700, %ge3A_709 : i32
        %reduce_max3A_711 = arith.constant true
        %reduce_max3A_712 = vector.broadcast %reduce_max3A_711 : i1 to vector<16xi1>
        %reduce_max3A_713 = arith.constant -2147483648 : i32
        %reduce_max3A_714 = vector.broadcast %reduce_max3A_713 : i32 to vector<16xi32>
        %reduce_max3A_715 = arith.xori %gather3A_706, %reduce_max3A_714 : vector<16xi32>
        %reduce_max3A_716 = tpu.scan <max>, %reduce_max3A_715 masked %reduce_max3A_712 : vector<16xi32>, vector<16xi1> -> vector<16xi32>
        %reduce_max3A_717 = arith.xori %reduce_max3A_716, %reduce_max3A_714 : vector<16xi32>
        %reduce_max3A_718 = vector.extract %reduce_max3A_717[15] : i32 from vector<16xi32>
        %jit3A_719 = arith.constant 0 : i32
        %select_n3A_720 = arith.select %ge3A_710, %jit3A_719, %reduce_max3A_718 : i32
        %reduce_max3A_721 = arith.constant true
        %reduce_max3A_722 = vector.broadcast %reduce_max3A_721 : i1 to vector<16xi1>
        %reduce_max3A_723 = arith.constant -2147483648 : i32
        %reduce_max3A_724 = vector.broadcast %reduce_max3A_723 : i32 to vector<16xi32>
        %reduce_max3A_725 = arith.xori %gather3A_708, %reduce_max3A_724 : vector<16xi32>
        %reduce_max3A_726 = tpu.scan <max>, %reduce_max3A_725 masked %reduce_max3A_722 : vector<16xi32>, vector<16xi1> -> vector<16xi32>
        %reduce_max3A_727 = arith.xori %reduce_max3A_726, %reduce_max3A_724 : vector<16xi32>
        %reduce_max3A_728 = vector.extract %reduce_max3A_727[15] : i32 from vector<16xi32>
        %shift_left3A_729 = arith.constant 16 : i32
        %shift_left3A_730 = arith.shli %sub3A_700, %shift_left3A_729 : i32
        %add3A_731 = arith.addi %shift_left3A_668, %shift_left3A_730 : i32
        %sub3A_732 = arith.subi %sub3A_670, %select_n3A_720 : i32
        %shift_left3A_733 = arith.constant 1 : i32
        %shift_left3A_734 = arith.constant 16 : i32
        %shift_left3A_735 = arith.shli %shift_left3A_733, %shift_left3A_734 : i32
        %add3A_736 = arith.addi %add3A_731, %shift_left3A_735 : i32
        %parallel_loop3A_737 = arith.constant 0 : i32
        %parallel_loop3A_738 = arith.constant 264 : i32
        %parallel_loop3A_739 = arith.constant 1 : i32
        scf.for %parallel_loop3A_866 = %parallel_loop3A_737 to %parallel_loop3A_738 step %parallel_loop3A_739  : i32 {
          %parallel_loop3A_867 = arith.constant 0 : i32
          %parallel_loop3A_868 = vector.broadcast %parallel_loop3A_867 : i32 to vector<16xi32>
          %parallel_loop3A_869 = arith.constant 16 : i32
          %parallel_loop3A_870 = arith.muli %parallel_loop3A_866, %parallel_loop3A_869 : i32
          %parallel_loop3A_871 = arith.index_cast %parallel_loop3A_870 : i32 to index
          %parallel_loop3A_872 = tpu.vector_load %arg5[%parallel_loop3A_871] {strides = array<i32>} : memref<4224xi32, #tpu.memory_space<vmem>>, vector<16xi32>,
          tpu.vector_store %arg5[%parallel_loop3A_871], %parallel_loop3A_868 {strides = array<i32>} : memref<4224xi32, #tpu.memory_space<vmem>>, vector<16xi32>,
        } {sc.loop_unroll_factor = 8 : i64, sc.parallel_access}
        %parallel_loop3A_740 = arith.constant 0 : i32
        %parallel_loop3A_741 = arith.constant 4096 : i32
        %parallel_loop3A_742 = arith.constant 1 : i32
        %parallel_loop3A_743 = arith.constant 8 : i32
        scf.for %parallel_loop3A_866 = %parallel_loop3A_740 to %parallel_loop3A_741 step %parallel_loop3A_742  : i32 {
          %parallel_loop3A_867 = arith.constant 16 : i32
          %parallel_loop3A_868 = arith.muli %parallel_loop3A_866, %parallel_loop3A_867 : i32
          %parallel_loop3A_869 = arith.index_cast %parallel_loop3A_868 : i32 to index
          %parallel_loop3A_870 = tpu.vector_load %arg4[%parallel_loop3A_869] {strides = array<i32>} : memref<65536xf32, #tpu.memory_space<vmem>>, vector<16xf32>,
          %parallel_loop3A_871 = tpu.bitcast %parallel_loop3A_870 : vector<16xf32> -> vector<16xi32>
          %parallel_loop3A_872 = arith.constant 31 : i32
          %parallel_loop3A_873 = vector.broadcast %parallel_loop3A_872 : i32 to vector<16xi32>
          %parallel_loop3A_874 = arith.shrsi %parallel_loop3A_871, %parallel_loop3A_873 : vector<16xi32>
          %parallel_loop3A_875 = arith.constant -2147483648 : i32
          %parallel_loop3A_876 = vector.broadcast %parallel_loop3A_875 : i32 to vector<16xi32>
          %parallel_loop3A_877 = arith.ori %parallel_loop3A_874, %parallel_loop3A_876 : vector<16xi32>
          %parallel_loop3A_878 = arith.xori %parallel_loop3A_871, %parallel_loop3A_877 : vector<16xi32>
          %parallel_loop3A_879 = tpu.bitcast %parallel_loop3A_878 : vector<16xi32> -> vector<16xi32>
          %parallel_loop3A_880 = vector.broadcast %add3A_731 : i32 to vector<16xi32>
          %parallel_loop3A_881 = arith.cmpi uge, %parallel_loop3A_879, %parallel_loop3A_880 : vector<16xi32>
          %parallel_loop3A_882 = vector.broadcast %add3A_736 : i32 to vector<16xi32>
          %parallel_loop3A_883 = arith.cmpi ult, %parallel_loop3A_879, %parallel_loop3A_882 : vector<16xi32>
          %parallel_loop3A_884 = arith.andi %parallel_loop3A_881, %parallel_loop3A_883 : vector<16xi1>
          %parallel_loop3A_885 = vector.broadcast %add3A_731 : i32 to vector<16xi32>
          %parallel_loop3A_886 = arith.subi %parallel_loop3A_879, %parallel_loop3A_885 : vector<16xi32>
          %parallel_loop3A_887 = vector.broadcast %parallel_loop3A_743 : i32 to vector<16xi32>
          %parallel_loop3A_888 = arith.shrui %parallel_loop3A_886, %parallel_loop3A_887 : vector<16xi32>
          %parallel_loop3A_889 = tpu.bitcast %parallel_loop3A_888 : vector<16xi32> -> vector<16xi32>
          %parallel_loop3A_890 = arith.constant 255 : i32
          %parallel_loop3A_891 = vector.broadcast %parallel_loop3A_890 : i32 to vector<16xi32>
          %parallel_loop3A_892 = arith.andi %parallel_loop3A_889, %parallel_loop3A_891 : vector<16xi32>
          %parallel_loop3A_893 = arith.addi %mul3A_3, %parallel_loop3A_892 : vector<16xi32>
          tpu.vector_store_idx %arg5[%parallel_loop3A_893], %broadcast_in_dim3A_4 masked %parallel_loop3A_884 {add = true} : memref<4224xi32, #tpu.memory_space<vmem>>[vector<16xi32>], vector<16xi32>, vector<16xi1>
        } {sc.loop_unroll_factor = 8 : i64, sc.parallel_access}
        %broadcast_in_dim3A_744 = arith.constant 0 : i32
        %broadcast_in_dim3A_745 = vector.broadcast %broadcast_in_dim3A_744 : i32 to vector<16xi32>
        %scan3A_746 = arith.constant 0 : i32
        %scan3A_747 = arith.constant 0 : i32
        %scan3A_748 = arith.constant 16 : i32
        %scan3A_749 = arith.addi %scan3A_747, %scan3A_748 : i32
        %scan3A_750 = arith.constant 1 : i32
        %scan3A_751:2 = scf.for %scan3A_866 = %scan3A_747 to %scan3A_749 step %scan3A_750 iter_args(%scan3A_867 = %scan3A_746, %scan3A_868 = %broadcast_in_dim3A_745) -> (i32, vector<16xi32>)  : i32 {
          %sub3A_869 = arith.constant 15 : i32
          %sub3A_870 = arith.subi %sub3A_869, %scan3A_866 : i32
          %mul3A_871 = arith.constant 16 : i32
          %mul3A_872 = arith.muli %sub3A_870, %mul3A_871 : i32
          %get3A_873 = arith.index_cast %mul3A_872 : i32 to index
          %get3A_874 = tpu.vector_load %arg5[%get3A_873] {strides = array<i32>} : memref<4224xi32, #tpu.memory_space<vmem>>, vector<16xi32>,
          %mul3A_875 = arith.constant 16 : i32
          %mul3A_876 = arith.muli %sub3A_870, %mul3A_875 : i32
          %add3A_877 = arith.constant 257 : i32
          %add3A_878 = arith.addi %add3A_877, %mul3A_876 : i32
          %get3A_879 = arith.index_cast %add3A_878 : i32 to index
          %get3A_880 = tpu.vector_load %arg5[%get3A_879] {strides = array<i32>} : memref<4224xi32, #tpu.memory_space<vmem>>, vector<16xi32>,
          %add3A_881 = arith.addi %get3A_874, %get3A_880 : vector<16xi32>
          %mul3A_882 = arith.constant 16 : i32
          %mul3A_883 = arith.muli %sub3A_870, %mul3A_882 : i32
          %add3A_884 = arith.constant 514 : i32
          %add3A_885 = arith.addi %add3A_884, %mul3A_883 : i32
          %get3A_886 = arith.index_cast %add3A_885 : i32 to index
          %get3A_887 = tpu.vector_load %arg5[%get3A_886] {strides = array<i32>} : memref<4224xi32, #tpu.memory_space<vmem>>, vector<16xi32>,
          %add3A_888 = arith.addi %add3A_881, %get3A_887 : vector<16xi32>
          %mul3A_889 = arith.constant 16 : i32
          %mul3A_890 = arith.muli %sub3A_870, %mul3A_889 : i32
          %add3A_891 = arith.constant 771 : i32
          %add3A_892 = arith.addi %add3A_891, %mul3A_890 : i32
          %get3A_893 = arith.index_cast %add3A_892 : i32 to index
          %get3A_894 = tpu.vector_load %arg5[%get3A_893] {strides = array<i32>} : memref<4224xi32, #tpu.memory_space<vmem>>, vector<16xi32>,
          %add3A_895 = arith.addi %add3A_888, %get3A_894 : vector<16xi32>
          %mul3A_896 = arith.constant 16 : i32
          %mul3A_897 = arith.muli %sub3A_870, %mul3A_896 : i32
          %add3A_898 = arith.constant 1028 : i32
          %add3A_899 = arith.addi %add3A_898, %mul3A_897 : i32
          %get3A_900 = arith.index_cast %add3A_899 : i32 to index
          %get3A_901 = tpu.vector_load %arg5[%get3A_900] {strides = array<i32>} : memref<4224xi32, #tpu.memory_space<vmem>>, vector<16xi32>,
          %add3A_902 = arith.addi %add3A_895, %get3A_901 : vector<16xi32>
          %mul3A_903 = arith.constant 16 : i32
          %mul3A_904 = arith.muli %sub3A_870, %mul3A_903 : i32
          %add3A_905 = arith.constant 1285 : i32
          %add3A_906 = arith.addi %add3A_905, %mul3A_904 : i32
          %get3A_907 = arith.index_cast %add3A_906 : i32 to index
          %get3A_908 = tpu.vector_load %arg5[%get3A_907] {strides = array<i32>} : memref<4224xi32, #tpu.memory_space<vmem>>, vector<16xi32>,
          %add3A_909 = arith.addi %add3A_902, %get3A_908 : vector<16xi32>
          %mul3A_910 = arith.constant 16 : i32
          %mul3A_911 = arith.muli %sub3A_870, %mul3A_910 : i32
          %add3A_912 = arith.constant 1542 : i32
          %add3A_913 = arith.addi %add3A_912, %mul3A_911 : i32
          %get3A_914 = arith.index_cast %add3A_913 : i32 to index
          %get3A_915 = tpu.vector_load %arg5[%get3A_914] {strides = array<i32>} : memref<4224xi32, #tpu.memory_space<vmem>>, vector<16xi32>,
          %add3A_916 = arith.addi %add3A_909, %get3A_915 : vector<16xi32>
          %mul3A_917 = arith.constant 16 : i32
          %mul3A_918 = arith.muli %sub3A_870, %mul3A_917 : i32
          %add3A_919 = arith.constant 1799 : i32
          %add3A_920 = arith.addi %add3A_919, %mul3A_918 : i32
          %get3A_921 = arith.index_cast %add3A_920 : i32 to index
          %get3A_922 = tpu.vector_load %arg5[%get3A_921] {strides = array<i32>} : memref<4224xi32, #tpu.memory_space<vmem>>, vector<16xi32>,
          %add3A_923 = arith.addi %add3A_916, %get3A_922 : vector<16xi32>
          %mul3A_924 = arith.constant 16 : i32
          %mul3A_925 = arith.muli %sub3A_870, %mul3A_924 : i32
          %add3A_926 = arith.constant 2056 : i32
          %add3A_927 = arith.addi %add3A_926, %mul3A_925 : i32
          %get3A_928 = arith.index_cast %add3A_927 : i32 to index
          %get3A_929 = tpu.vector_load %arg5[%get3A_928] {strides = array<i32>} : memref<4224xi32, #tpu.memory_space<vmem>>, vector<16xi32>,
          %add3A_930 = arith.addi %add3A_923, %get3A_929 : vector<16xi32>
          %mul3A_931 = arith.constant 16 : i32
          %mul3A_932 = arith.muli %sub3A_870, %mul3A_931 : i32
          %add3A_933 = arith.constant 2313 : i32
          %add3A_934 = arith.addi %add3A_933, %mul3A_932 : i32
          %get3A_935 = arith.index_cast %add3A_934 : i32 to index
          %get3A_936 = tpu.vector_load %arg5[%get3A_935] {strides = array<i32>} : memref<4224xi32, #tpu.memory_space<vmem>>, vector<16xi32>,
          %add3A_937 = arith.addi %add3A_930, %get3A_936 : vector<16xi32>
          %mul3A_938 = arith.constant 16 : i32
          %mul3A_939 = arith.muli %sub3A_870, %mul3A_938 : i32
          %add3A_940 = arith.constant 2570 : i32
          %add3A_941 = arith.addi %add3A_940, %mul3A_939 : i32
          %get3A_942 = arith.index_cast %add3A_941 : i32 to index
          %get3A_943 = tpu.vector_load %arg5[%get3A_942] {strides = array<i32>} : memref<4224xi32, #tpu.memory_space<vmem>>, vector<16xi32>,
          %add3A_944 = arith.addi %add3A_937, %get3A_943 : vector<16xi32>
          %mul3A_945 = arith.constant 16 : i32
          %mul3A_946 = arith.muli %sub3A_870, %mul3A_945 : i32
          %add3A_947 = arith.constant 2827 : i32
          %add3A_948 = arith.addi %add3A_947, %mul3A_946 : i32
          %get3A_949 = arith.index_cast %add3A_948 : i32 to index
          %get3A_950 = tpu.vector_load %arg5[%get3A_949] {strides = array<i32>} : memref<4224xi32, #tpu.memory_space<vmem>>, vector<16xi32>,
          %add3A_951 = arith.addi %add3A_944, %get3A_950 : vector<16xi32>
          %mul3A_952 = arith.constant 16 : i32
          %mul3A_953 = arith.muli %sub3A_870, %mul3A_952 : i32
          %add3A_954 = arith.constant 3084 : i32
          %add3A_955 = arith.addi %add3A_954, %mul3A_953 : i32
          %get3A_956 = arith.index_cast %add3A_955 : i32 to index
          %get3A_957 = tpu.vector_load %arg5[%get3A_956] {strides = array<i32>} : memref<4224xi32, #tpu.memory_space<vmem>>, vector<16xi32>,
          %add3A_958 = arith.addi %add3A_951, %get3A_957 : vector<16xi32>
          %mul3A_959 = arith.constant 16 : i32
          %mul3A_960 = arith.muli %sub3A_870, %mul3A_959 : i32
          %add3A_961 = arith.constant 3341 : i32
          %add3A_962 = arith.addi %add3A_961, %mul3A_960 : i32
          %get3A_963 = arith.index_cast %add3A_962 : i32 to index
          %get3A_964 = tpu.vector_load %arg5[%get3A_963] {strides = array<i32>} : memref<4224xi32, #tpu.memory_space<vmem>>, vector<16xi32>,
          %add3A_965 = arith.addi %add3A_958, %get3A_964 : vector<16xi32>
          %mul3A_966 = arith.constant 16 : i32
          %mul3A_967 = arith.muli %sub3A_870, %mul3A_966 : i32
          %add3A_968 = arith.constant 3598 : i32
          %add3A_969 = arith.addi %add3A_968, %mul3A_967 : i32
          %get3A_970 = arith.index_cast %add3A_969 : i32 to index
          %get3A_971 = tpu.vector_load %arg5[%get3A_970] {strides = array<i32>} : memref<4224xi32, #tpu.memory_space<vmem>>, vector<16xi32>,
          %add3A_972 = arith.addi %add3A_965, %get3A_971 : vector<16xi32>
          %mul3A_973 = arith.constant 16 : i32
          %mul3A_974 = arith.muli %sub3A_870, %mul3A_973 : i32
          %add3A_975 = arith.constant 3855 : i32
          %add3A_976 = arith.addi %add3A_975, %mul3A_974 : i32
          %get3A_977 = arith.index_cast %add3A_976 : i32 to index
          %get3A_978 = tpu.vector_load %arg5[%get3A_977] {strides = array<i32>} : memref<4224xi32, #tpu.memory_space<vmem>>, vector<16xi32>,
          %add3A_979 = arith.addi %add3A_972, %get3A_978 : vector<16xi32>
          %rev3A = arith.constant 15 : i32
          %rev3A_980 = vector.broadcast %rev3A : i32 to vector<16xi32>
          %rev3A_981 = tpu.iota {dimensions = array<i32: 0>} : vector<16xi32>
          %rev3A_982 = arith.subi %rev3A_980, %rev3A_981 : vector<16xi32>
          %rev3A_983 = tpu.dynamic_gather %add3A_979[%rev3A_982] in [0] : vector<16xi32>, vector<16xi32> -> vector<16xi32>
          %broadcast_in_dim3A_984 = arith.constant true
          %broadcast_in_dim3A_985 = vector.broadcast %broadcast_in_dim3A_984 : i1 to vector<16xi1>
          %masked_cumsum3A = tpu.scan <sum>, %rev3A_983 masked %broadcast_in_dim3A_985 : vector<16xi32>, vector<16xi1> -> vector<16xi32>
          %add3A_986 = vector.broadcast %scan3A_867 : i32 to vector<16xi32>
          %add3A_987 = arith.addi %masked_cumsum3A, %add3A_986 : vector<16xi32>
          %rev3A_988 = arith.constant 15 : i32
          %rev3A_989 = vector.broadcast %rev3A_988 : i32 to vector<16xi32>
          %rev3A_990 = tpu.iota {dimensions = array<i32: 0>} : vector<16xi32>
          %rev3A_991 = arith.subi %rev3A_989, %rev3A_990 : vector<16xi32>
          %rev3A_992 = tpu.dynamic_gather %add3A_987[%rev3A_991] in [0] : vector<16xi32>, vector<16xi32> -> vector<16xi32>
          %mul3A_993 = arith.constant 16 : i32
          %mul3A_994 = arith.muli %sub3A_870, %mul3A_993 : i32
          %swap3A = arith.index_cast %mul3A_994 : i32 to index
          %swap3A_995 = tpu.vector_load %arg6[%swap3A] {strides = array<i32>} : memref<256xi32, #tpu.memory_space<vmem>>, vector<16xi32>,
          tpu.vector_store %arg6[%swap3A], %rev3A_992 {strides = array<i32>} : memref<256xi32, #tpu.memory_space<vmem>>, vector<16xi32>,
          %reduce_max3A_996 = arith.constant true
          %reduce_max3A_997 = vector.broadcast %reduce_max3A_996 : i1 to vector<16xi1>
          %reduce_max3A_998 = arith.constant -2147483648 : i32
          %reduce_max3A_999 = vector.broadcast %reduce_max3A_998 : i32 to vector<16xi32>
          %reduce_max3A_1000 = arith.xori %masked_cumsum3A, %reduce_max3A_999 : vector<16xi32>
          %reduce_max3A_1001 = tpu.scan <max>, %reduce_max3A_1000 masked %reduce_max3A_997 : vector<16xi32>, vector<16xi1> -> vector<16xi32>
          %reduce_max3A_1002 = arith.xori %reduce_max3A_1001, %reduce_max3A_999 : vector<16xi32>
          %reduce_max3A_1003 = vector.extract %reduce_max3A_1002[15] : i32 from vector<16xi32>
          %add3A_1004 = arith.addi %scan3A_867, %reduce_max3A_1003 : i32
          %ge3A_1005 = vector.broadcast %sub3A_732 : i32 to vector<16xi32>
          %ge3A_1006 = arith.cmpi sge, %rev3A_992, %ge3A_1005 : vector<16xi32>
          %all_reduce_population_count3A = tpu.all_reduce %ge3A_1006 {dim = 0 : i64, kind = #tpu.reduction_kind<sum>} : vector<16xi1> -> vector<16xi32>
          %add3A_1007 = arith.addi %scan3A_868, %all_reduce_population_count3A : vector<16xi32>
          scf.yield %add3A_1004, %add3A_1007 : i32, vector<16xi32>
        }
        %scan3A_752 = arith.constant 16 : i32
        %reduce_max3A_753 = arith.constant true
        %reduce_max3A_754 = vector.broadcast %reduce_max3A_753 : i1 to vector<16xi1>
        %reduce_max3A_755 = arith.constant -2147483648 : i32
        %reduce_max3A_756 = vector.broadcast %reduce_max3A_755 : i32 to vector<16xi32>
        %reduce_max3A_757 = arith.xori %scan3A_751#1, %reduce_max3A_756 : vector<16xi32>
        %reduce_max3A_758 = tpu.scan <max>, %reduce_max3A_757 masked %reduce_max3A_754 : vector<16xi32>, vector<16xi1> -> vector<16xi32>
        %reduce_max3A_759 = arith.xori %reduce_max3A_758, %reduce_max3A_756 : vector<16xi32>
        %reduce_max3A_760 = vector.extract %reduce_max3A_759[15] : i32 from vector<16xi32>
        %sub3A_761 = arith.constant 1 : i32
        %sub3A_762 = arith.subi %reduce_max3A_760, %sub3A_761 : i32
        %add3A_763 = arith.constant 1 : i32
        %add3A_764 = arith.addi %sub3A_762, %add3A_763 : i32
        %min3A_765 = arith.constant 255 : i32
        %min3A_766 = arith.minsi %add3A_764, %min3A_765 : i32
        %broadcast_in_dim3A_767 = vector.broadcast %min3A_766 : i32 to vector<16xi32>
        %gather3A_768 = tpu.vector_load_idx %arg6[%broadcast_in_dim3A_767] : memref<256xi32, #tpu.memory_space<vmem>>[vector<16xi32>], vector<16xi32>,
        %broadcast_in_dim3A_769 = vector.broadcast %sub3A_762 : i32 to vector<16xi32>
        %gather3A_770 = tpu.vector_load_idx %arg6[%broadcast_in_dim3A_769] : memref<256xi32, #tpu.memory_space<vmem>>[vector<16xi32>], vector<16xi32>,
        %ge3A_771 = arith.constant 255 : i32
        %ge3A_772 = arith.cmpi sge, %sub3A_762, %ge3A_771 : i32
        %reduce_max3A_773 = arith.constant true
        %reduce_max3A_774 = vector.broadcast %reduce_max3A_773 : i1 to vector<16xi1>
        %reduce_max3A_775 = arith.constant -2147483648 : i32
        %reduce_max3A_776 = vector.broadcast %reduce_max3A_775 : i32 to vector<16xi32>
        %reduce_max3A_777 = arith.xori %gather3A_768, %reduce_max3A_776 : vector<16xi32>
        %reduce_max3A_778 = tpu.scan <max>, %reduce_max3A_777 masked %reduce_max3A_774 : vector<16xi32>, vector<16xi1> -> vector<16xi32>
        %reduce_max3A_779 = arith.xori %reduce_max3A_778, %reduce_max3A_776 : vector<16xi32>
        %reduce_max3A_780 = vector.extract %reduce_max3A_779[15] : i32 from vector<16xi32>
        %jit3A_781 = arith.constant 0 : i32
        %select_n3A_782 = arith.select %ge3A_772, %jit3A_781, %reduce_max3A_780 : i32
        %reduce_max3A_783 = arith.constant true
        %reduce_max3A_784 = vector.broadcast %reduce_max3A_783 : i1 to vector<16xi1>
        %reduce_max3A_785 = arith.constant -2147483648 : i32
        %reduce_max3A_786 = vector.broadcast %reduce_max3A_785 : i32 to vector<16xi32>
        %reduce_max3A_787 = arith.xori %gather3A_770, %reduce_max3A_786 : vector<16xi32>
        %reduce_max3A_788 = tpu.scan <max>, %reduce_max3A_787 masked %reduce_max3A_784 : vector<16xi32>, vector<16xi1> -> vector<16xi32>
        %reduce_max3A_789 = arith.xori %reduce_max3A_788, %reduce_max3A_786 : vector<16xi32>
        %reduce_max3A_790 = vector.extract %reduce_max3A_789[15] : i32 from vector<16xi32>
        %shift_left3A_791 = arith.constant 8 : i32
        %shift_left3A_792 = arith.shli %sub3A_762, %shift_left3A_791 : i32
        %add3A_793 = arith.addi %add3A_731, %shift_left3A_792 : i32
        %sub3A_794 = arith.subi %sub3A_732, %select_n3A_782 : i32
        %shift_left3A_795 = arith.constant 1 : i32
        %shift_left3A_796 = arith.constant 8 : i32
        %shift_left3A_797 = arith.shli %shift_left3A_795, %shift_left3A_796 : i32
        %add3A_798 = arith.addi %add3A_793, %shift_left3A_797 : i32
        %parallel_loop3A_799 = arith.constant 0 : i32
        %parallel_loop3A_800 = arith.constant 264 : i32
        %parallel_loop3A_801 = arith.constant 1 : i32
        scf.for %parallel_loop3A_866 = %parallel_loop3A_799 to %parallel_loop3A_800 step %parallel_loop3A_801  : i32 {
          %parallel_loop3A_867 = arith.constant 0 : i32
          %parallel_loop3A_868 = vector.broadcast %parallel_loop3A_867 : i32 to vector<16xi32>
          %parallel_loop3A_869 = arith.constant 16 : i32
          %parallel_loop3A_870 = arith.muli %parallel_loop3A_866, %parallel_loop3A_869 : i32
          %parallel_loop3A_871 = arith.index_cast %parallel_loop3A_870 : i32 to index
          %parallel_loop3A_872 = tpu.vector_load %arg5[%parallel_loop3A_871] {strides = array<i32>} : memref<4224xi32, #tpu.memory_space<vmem>>, vector<16xi32>,
          tpu.vector_store %arg5[%parallel_loop3A_871], %parallel_loop3A_868 {strides = array<i32>} : memref<4224xi32, #tpu.memory_space<vmem>>, vector<16xi32>,
        } {sc.loop_unroll_factor = 8 : i64, sc.parallel_access}
        %parallel_loop3A_802 = arith.constant 0 : i32
        %parallel_loop3A_803 = arith.constant 4096 : i32
        %parallel_loop3A_804 = arith.constant 1 : i32
        %parallel_loop3A_805 = arith.constant 0 : i32
        scf.for %parallel_loop3A_866 = %parallel_loop3A_802 to %parallel_loop3A_803 step %parallel_loop3A_804  : i32 {
          %parallel_loop3A_867 = arith.constant 16 : i32
          %parallel_loop3A_868 = arith.muli %parallel_loop3A_866, %parallel_loop3A_867 : i32
          %parallel_loop3A_869 = arith.index_cast %parallel_loop3A_868 : i32 to index
          %parallel_loop3A_870 = tpu.vector_load %arg4[%parallel_loop3A_869] {strides = array<i32>} : memref<65536xf32, #tpu.memory_space<vmem>>, vector<16xf32>,
          %parallel_loop3A_871 = tpu.bitcast %parallel_loop3A_870 : vector<16xf32> -> vector<16xi32>
          %parallel_loop3A_872 = arith.constant 31 : i32
          %parallel_loop3A_873 = vector.broadcast %parallel_loop3A_872 : i32 to vector<16xi32>
          %parallel_loop3A_874 = arith.shrsi %parallel_loop3A_871, %parallel_loop3A_873 : vector<16xi32>
          %parallel_loop3A_875 = arith.constant -2147483648 : i32
          %parallel_loop3A_876 = vector.broadcast %parallel_loop3A_875 : i32 to vector<16xi32>
          %parallel_loop3A_877 = arith.ori %parallel_loop3A_874, %parallel_loop3A_876 : vector<16xi32>
          %parallel_loop3A_878 = arith.xori %parallel_loop3A_871, %parallel_loop3A_877 : vector<16xi32>
          %parallel_loop3A_879 = tpu.bitcast %parallel_loop3A_878 : vector<16xi32> -> vector<16xi32>
          %parallel_loop3A_880 = vector.broadcast %add3A_793 : i32 to vector<16xi32>
          %parallel_loop3A_881 = arith.cmpi uge, %parallel_loop3A_879, %parallel_loop3A_880 : vector<16xi32>
          %parallel_loop3A_882 = vector.broadcast %add3A_798 : i32 to vector<16xi32>
          %parallel_loop3A_883 = arith.cmpi ult, %parallel_loop3A_879, %parallel_loop3A_882 : vector<16xi32>
          %parallel_loop3A_884 = arith.andi %parallel_loop3A_881, %parallel_loop3A_883 : vector<16xi1>
          %parallel_loop3A_885 = vector.broadcast %add3A_793 : i32 to vector<16xi32>
          %parallel_loop3A_886 = arith.subi %parallel_loop3A_879, %parallel_loop3A_885 : vector<16xi32>
          %parallel_loop3A_887 = vector.broadcast %parallel_loop3A_805 : i32 to vector<16xi32>
          %parallel_loop3A_888 = arith.shrui %parallel_loop3A_886, %parallel_loop3A_887 : vector<16xi32>
          %parallel_loop3A_889 = tpu.bitcast %parallel_loop3A_888 : vector<16xi32> -> vector<16xi32>
          %parallel_loop3A_890 = arith.constant 255 : i32
          %parallel_loop3A_891 = vector.broadcast %parallel_loop3A_890 : i32 to vector<16xi32>
          %parallel_loop3A_892 = arith.andi %parallel_loop3A_889, %parallel_loop3A_891 : vector<16xi32>
          %parallel_loop3A_893 = arith.addi %mul3A_3, %parallel_loop3A_892 : vector<16xi32>
          tpu.vector_store_idx %arg5[%parallel_loop3A_893], %broadcast_in_dim3A_4 masked %parallel_loop3A_884 {add = true} : memref<4224xi32, #tpu.memory_space<vmem>>[vector<16xi32>], vector<16xi32>, vector<16xi1>
        } {sc.loop_unroll_factor = 8 : i64, sc.parallel_access}
        %broadcast_in_dim3A_806 = arith.constant 0 : i32
        %broadcast_in_dim3A_807 = vector.broadcast %broadcast_in_dim3A_806 : i32 to vector<16xi32>
        %scan3A_808 = arith.constant 0 : i32
        %scan3A_809 = arith.constant 0 : i32
        %scan3A_810 = arith.constant 16 : i32
        %scan3A_811 = arith.addi %scan3A_809, %scan3A_810 : i32
        %scan3A_812 = arith.constant 1 : i32
        %scan3A_813:2 = scf.for %scan3A_866 = %scan3A_809 to %scan3A_811 step %scan3A_812 iter_args(%scan3A_867 = %scan3A_808, %scan3A_868 = %broadcast_in_dim3A_807) -> (i32, vector<16xi32>)  : i32 {
          %sub3A_869 = arith.constant 15 : i32
          %sub3A_870 = arith.subi %sub3A_869, %scan3A_866 : i32
          %mul3A_871 = arith.constant 16 : i32
          %mul3A_872 = arith.muli %sub3A_870, %mul3A_871 : i32
          %get3A_873 = arith.index_cast %mul3A_872 : i32 to index
          %get3A_874 = tpu.vector_load %arg5[%get3A_873] {strides = array<i32>} : memref<4224xi32, #tpu.memory_space<vmem>>, vector<16xi32>,
          %mul3A_875 = arith.constant 16 : i32
          %mul3A_876 = arith.muli %sub3A_870, %mul3A_875 : i32
          %add3A_877 = arith.constant 257 : i32
          %add3A_878 = arith.addi %add3A_877, %mul3A_876 : i32
          %get3A_879 = arith.index_cast %add3A_878 : i32 to index
          %get3A_880 = tpu.vector_load %arg5[%get3A_879] {strides = array<i32>} : memref<4224xi32, #tpu.memory_space<vmem>>, vector<16xi32>,
          %add3A_881 = arith.addi %get3A_874, %get3A_880 : vector<16xi32>
          %mul3A_882 = arith.constant 16 : i32
          %mul3A_883 = arith.muli %sub3A_870, %mul3A_882 : i32
          %add3A_884 = arith.constant 514 : i32
          %add3A_885 = arith.addi %add3A_884, %mul3A_883 : i32
          %get3A_886 = arith.index_cast %add3A_885 : i32 to index
          %get3A_887 = tpu.vector_load %arg5[%get3A_886] {strides = array<i32>} : memref<4224xi32, #tpu.memory_space<vmem>>, vector<16xi32>,
          %add3A_888 = arith.addi %add3A_881, %get3A_887 : vector<16xi32>
          %mul3A_889 = arith.constant 16 : i32
          %mul3A_890 = arith.muli %sub3A_870, %mul3A_889 : i32
          %add3A_891 = arith.constant 771 : i32
          %add3A_892 = arith.addi %add3A_891, %mul3A_890 : i32
          %get3A_893 = arith.index_cast %add3A_892 : i32 to index
          %get3A_894 = tpu.vector_load %arg5[%get3A_893] {strides = array<i32>} : memref<4224xi32, #tpu.memory_space<vmem>>, vector<16xi32>,
          %add3A_895 = arith.addi %add3A_888, %get3A_894 : vector<16xi32>
          %mul3A_896 = arith.constant 16 : i32
          %mul3A_897 = arith.muli %sub3A_870, %mul3A_896 : i32
          %add3A_898 = arith.constant 1028 : i32
          %add3A_899 = arith.addi %add3A_898, %mul3A_897 : i32
          %get3A_900 = arith.index_cast %add3A_899 : i32 to index
          %get3A_901 = tpu.vector_load %arg5[%get3A_900] {strides = array<i32>} : memref<4224xi32, #tpu.memory_space<vmem>>, vector<16xi32>,
          %add3A_902 = arith.addi %add3A_895, %get3A_901 : vector<16xi32>
          %mul3A_903 = arith.constant 16 : i32
          %mul3A_904 = arith.muli %sub3A_870, %mul3A_903 : i32
          %add3A_905 = arith.constant 1285 : i32
          %add3A_906 = arith.addi %add3A_905, %mul3A_904 : i32
          %get3A_907 = arith.index_cast %add3A_906 : i32 to index
          %get3A_908 = tpu.vector_load %arg5[%get3A_907] {strides = array<i32>} : memref<4224xi32, #tpu.memory_space<vmem>>, vector<16xi32>,
          %add3A_909 = arith.addi %add3A_902, %get3A_908 : vector<16xi32>
          %mul3A_910 = arith.constant 16 : i32
          %mul3A_911 = arith.muli %sub3A_870, %mul3A_910 : i32
          %add3A_912 = arith.constant 1542 : i32
          %add3A_913 = arith.addi %add3A_912, %mul3A_911 : i32
          %get3A_914 = arith.index_cast %add3A_913 : i32 to index
          %get3A_915 = tpu.vector_load %arg5[%get3A_914] {strides = array<i32>} : memref<4224xi32, #tpu.memory_space<vmem>>, vector<16xi32>,
          %add3A_916 = arith.addi %add3A_909, %get3A_915 : vector<16xi32>
          %mul3A_917 = arith.constant 16 : i32
          %mul3A_918 = arith.muli %sub3A_870, %mul3A_917 : i32
          %add3A_919 = arith.constant 1799 : i32
          %add3A_920 = arith.addi %add3A_919, %mul3A_918 : i32
          %get3A_921 = arith.index_cast %add3A_920 : i32 to index
          %get3A_922 = tpu.vector_load %arg5[%get3A_921] {strides = array<i32>} : memref<4224xi32, #tpu.memory_space<vmem>>, vector<16xi32>,
          %add3A_923 = arith.addi %add3A_916, %get3A_922 : vector<16xi32>
          %mul3A_924 = arith.constant 16 : i32
          %mul3A_925 = arith.muli %sub3A_870, %mul3A_924 : i32
          %add3A_926 = arith.constant 2056 : i32
          %add3A_927 = arith.addi %add3A_926, %mul3A_925 : i32
          %get3A_928 = arith.index_cast %add3A_927 : i32 to index
          %get3A_929 = tpu.vector_load %arg5[%get3A_928] {strides = array<i32>} : memref<4224xi32, #tpu.memory_space<vmem>>, vector<16xi32>,
          %add3A_930 = arith.addi %add3A_923, %get3A_929 : vector<16xi32>
          %mul3A_931 = arith.constant 16 : i32
          %mul3A_932 = arith.muli %sub3A_870, %mul3A_931 : i32
          %add3A_933 = arith.constant 2313 : i32
          %add3A_934 = arith.addi %add3A_933, %mul3A_932 : i32
          %get3A_935 = arith.index_cast %add3A_934 : i32 to index
          %get3A_936 = tpu.vector_load %arg5[%get3A_935] {strides = array<i32>} : memref<4224xi32, #tpu.memory_space<vmem>>, vector<16xi32>,
          %add3A_937 = arith.addi %add3A_930, %get3A_936 : vector<16xi32>
          %mul3A_938 = arith.constant 16 : i32
          %mul3A_939 = arith.muli %sub3A_870, %mul3A_938 : i32
          %add3A_940 = arith.constant 2570 : i32
          %add3A_941 = arith.addi %add3A_940, %mul3A_939 : i32
          %get3A_942 = arith.index_cast %add3A_941 : i32 to index
          %get3A_943 = tpu.vector_load %arg5[%get3A_942] {strides = array<i32>} : memref<4224xi32, #tpu.memory_space<vmem>>, vector<16xi32>,
          %add3A_944 = arith.addi %add3A_937, %get3A_943 : vector<16xi32>
          %mul3A_945 = arith.constant 16 : i32
          %mul3A_946 = arith.muli %sub3A_870, %mul3A_945 : i32
          %add3A_947 = arith.constant 2827 : i32
          %add3A_948 = arith.addi %add3A_947, %mul3A_946 : i32
          %get3A_949 = arith.index_cast %add3A_948 : i32 to index
          %get3A_950 = tpu.vector_load %arg5[%get3A_949] {strides = array<i32>} : memref<4224xi32, #tpu.memory_space<vmem>>, vector<16xi32>,
          %add3A_951 = arith.addi %add3A_944, %get3A_950 : vector<16xi32>
          %mul3A_952 = arith.constant 16 : i32
          %mul3A_953 = arith.muli %sub3A_870, %mul3A_952 : i32
          %add3A_954 = arith.constant 3084 : i32
          %add3A_955 = arith.addi %add3A_954, %mul3A_953 : i32
          %get3A_956 = arith.index_cast %add3A_955 : i32 to index
          %get3A_957 = tpu.vector_load %arg5[%get3A_956] {strides = array<i32>} : memref<4224xi32, #tpu.memory_space<vmem>>, vector<16xi32>,
          %add3A_958 = arith.addi %add3A_951, %get3A_957 : vector<16xi32>
          %mul3A_959 = arith.constant 16 : i32
          %mul3A_960 = arith.muli %sub3A_870, %mul3A_959 : i32
          %add3A_961 = arith.constant 3341 : i32
          %add3A_962 = arith.addi %add3A_961, %mul3A_960 : i32
          %get3A_963 = arith.index_cast %add3A_962 : i32 to index
          %get3A_964 = tpu.vector_load %arg5[%get3A_963] {strides = array<i32>} : memref<4224xi32, #tpu.memory_space<vmem>>, vector<16xi32>,
          %add3A_965 = arith.addi %add3A_958, %get3A_964 : vector<16xi32>
          %mul3A_966 = arith.constant 16 : i32
          %mul3A_967 = arith.muli %sub3A_870, %mul3A_966 : i32
          %add3A_968 = arith.constant 3598 : i32
          %add3A_969 = arith.addi %add3A_968, %mul3A_967 : i32
          %get3A_970 = arith.index_cast %add3A_969 : i32 to index
          %get3A_971 = tpu.vector_load %arg5[%get3A_970] {strides = array<i32>} : memref<4224xi32, #tpu.memory_space<vmem>>, vector<16xi32>,
          %add3A_972 = arith.addi %add3A_965, %get3A_971 : vector<16xi32>
          %mul3A_973 = arith.constant 16 : i32
          %mul3A_974 = arith.muli %sub3A_870, %mul3A_973 : i32
          %add3A_975 = arith.constant 3855 : i32
          %add3A_976 = arith.addi %add3A_975, %mul3A_974 : i32
          %get3A_977 = arith.index_cast %add3A_976 : i32 to index
          %get3A_978 = tpu.vector_load %arg5[%get3A_977] {strides = array<i32>} : memref<4224xi32, #tpu.memory_space<vmem>>, vector<16xi32>,
          %add3A_979 = arith.addi %add3A_972, %get3A_978 : vector<16xi32>
          %rev3A = arith.constant 15 : i32
          %rev3A_980 = vector.broadcast %rev3A : i32 to vector<16xi32>
          %rev3A_981 = tpu.iota {dimensions = array<i32: 0>} : vector<16xi32>
          %rev3A_982 = arith.subi %rev3A_980, %rev3A_981 : vector<16xi32>
          %rev3A_983 = tpu.dynamic_gather %add3A_979[%rev3A_982] in [0] : vector<16xi32>, vector<16xi32> -> vector<16xi32>
          %broadcast_in_dim3A_984 = arith.constant true
          %broadcast_in_dim3A_985 = vector.broadcast %broadcast_in_dim3A_984 : i1 to vector<16xi1>
          %masked_cumsum3A = tpu.scan <sum>, %rev3A_983 masked %broadcast_in_dim3A_985 : vector<16xi32>, vector<16xi1> -> vector<16xi32>
          %add3A_986 = vector.broadcast %scan3A_867 : i32 to vector<16xi32>
          %add3A_987 = arith.addi %masked_cumsum3A, %add3A_986 : vector<16xi32>
          %rev3A_988 = arith.constant 15 : i32
          %rev3A_989 = vector.broadcast %rev3A_988 : i32 to vector<16xi32>
          %rev3A_990 = tpu.iota {dimensions = array<i32: 0>} : vector<16xi32>
          %rev3A_991 = arith.subi %rev3A_989, %rev3A_990 : vector<16xi32>
          %rev3A_992 = tpu.dynamic_gather %add3A_987[%rev3A_991] in [0] : vector<16xi32>, vector<16xi32> -> vector<16xi32>
          %mul3A_993 = arith.constant 16 : i32
          %mul3A_994 = arith.muli %sub3A_870, %mul3A_993 : i32
          %swap3A = arith.index_cast %mul3A_994 : i32 to index
          %swap3A_995 = tpu.vector_load %arg6[%swap3A] {strides = array<i32>} : memref<256xi32, #tpu.memory_space<vmem>>, vector<16xi32>,
          tpu.vector_store %arg6[%swap3A], %rev3A_992 {strides = array<i32>} : memref<256xi32, #tpu.memory_space<vmem>>, vector<16xi32>,
          %reduce_max3A_996 = arith.constant true
          %reduce_max3A_997 = vector.broadcast %reduce_max3A_996 : i1 to vector<16xi1>
          %reduce_max3A_998 = arith.constant -2147483648 : i32
          %reduce_max3A_999 = vector.broadcast %reduce_max3A_998 : i32 to vector<16xi32>
          %reduce_max3A_1000 = arith.xori %masked_cumsum3A, %reduce_max3A_999 : vector<16xi32>
          %reduce_max3A_1001 = tpu.scan <max>, %reduce_max3A_1000 masked %reduce_max3A_997 : vector<16xi32>, vector<16xi1> -> vector<16xi32>
          %reduce_max3A_1002 = arith.xori %reduce_max3A_1001, %reduce_max3A_999 : vector<16xi32>
          %reduce_max3A_1003 = vector.extract %reduce_max3A_1002[15] : i32 from vector<16xi32>
          %add3A_1004 = arith.addi %scan3A_867, %reduce_max3A_1003 : i32
          %ge3A_1005 = vector.broadcast %sub3A_794 : i32 to vector<16xi32>
          %ge3A_1006 = arith.cmpi sge, %rev3A_992, %ge3A_1005 : vector<16xi32>
          %all_reduce_population_count3A = tpu.all_reduce %ge3A_1006 {dim = 0 : i64, kind = #tpu.reduction_kind<sum>} : vector<16xi1> -> vector<16xi32>
          %add3A_1007 = arith.addi %scan3A_868, %all_reduce_population_count3A : vector<16xi32>
          scf.yield %add3A_1004, %add3A_1007 : i32, vector<16xi32>
        }
        %scan3A_814 = arith.constant 16 : i32
        %reduce_max3A_815 = arith.constant true
        %reduce_max3A_816 = vector.broadcast %reduce_max3A_815 : i1 to vector<16xi1>
        %reduce_max3A_817 = arith.constant -2147483648 : i32
        %reduce_max3A_818 = vector.broadcast %reduce_max3A_817 : i32 to vector<16xi32>
        %reduce_max3A_819 = arith.xori %scan3A_813#1, %reduce_max3A_818 : vector<16xi32>
        %reduce_max3A_820 = tpu.scan <max>, %reduce_max3A_819 masked %reduce_max3A_816 : vector<16xi32>, vector<16xi1> -> vector<16xi32>
        %reduce_max3A_821 = arith.xori %reduce_max3A_820, %reduce_max3A_818 : vector<16xi32>
        %reduce_max3A_822 = vector.extract %reduce_max3A_821[15] : i32 from vector<16xi32>
        %sub3A_823 = arith.constant 1 : i32
        %sub3A_824 = arith.subi %reduce_max3A_822, %sub3A_823 : i32
        %add3A_825 = arith.constant 1 : i32
        %add3A_826 = arith.addi %sub3A_824, %add3A_825 : i32
        %min3A_827 = arith.constant 255 : i32
        %min3A_828 = arith.minsi %add3A_826, %min3A_827 : i32
        %broadcast_in_dim3A_829 = vector.broadcast %min3A_828 : i32 to vector<16xi32>
        %gather3A_830 = tpu.vector_load_idx %arg6[%broadcast_in_dim3A_829] : memref<256xi32, #tpu.memory_space<vmem>>[vector<16xi32>], vector<16xi32>,
        %broadcast_in_dim3A_831 = vector.broadcast %sub3A_824 : i32 to vector<16xi32>
        %gather3A_832 = tpu.vector_load_idx %arg6[%broadcast_in_dim3A_831] : memref<256xi32, #tpu.memory_space<vmem>>[vector<16xi32>], vector<16xi32>,
        %ge3A_833 = arith.constant 255 : i32
        %ge3A_834 = arith.cmpi sge, %sub3A_824, %ge3A_833 : i32
        %reduce_max3A_835 = arith.constant true
        %reduce_max3A_836 = vector.broadcast %reduce_max3A_835 : i1 to vector<16xi1>
        %reduce_max3A_837 = arith.constant -2147483648 : i32
        %reduce_max3A_838 = vector.broadcast %reduce_max3A_837 : i32 to vector<16xi32>
        %reduce_max3A_839 = arith.xori %gather3A_830, %reduce_max3A_838 : vector<16xi32>
        %reduce_max3A_840 = tpu.scan <max>, %reduce_max3A_839 masked %reduce_max3A_836 : vector<16xi32>, vector<16xi1> -> vector<16xi32>
        %reduce_max3A_841 = arith.xori %reduce_max3A_840, %reduce_max3A_838 : vector<16xi32>
        %reduce_max3A_842 = vector.extract %reduce_max3A_841[15] : i32 from vector<16xi32>
        %jit3A_843 = arith.constant 0 : i32
        %select_n3A_844 = arith.select %ge3A_834, %jit3A_843, %reduce_max3A_842 : i32
        %reduce_max3A_845 = arith.constant true
        %reduce_max3A_846 = vector.broadcast %reduce_max3A_845 : i1 to vector<16xi1>
        %reduce_max3A_847 = arith.constant -2147483648 : i32
        %reduce_max3A_848 = vector.broadcast %reduce_max3A_847 : i32 to vector<16xi32>
        %reduce_max3A_849 = arith.xori %gather3A_832, %reduce_max3A_848 : vector<16xi32>
        %reduce_max3A_850 = tpu.scan <max>, %reduce_max3A_849 masked %reduce_max3A_846 : vector<16xi32>, vector<16xi1> -> vector<16xi32>
        %reduce_max3A_851 = arith.xori %reduce_max3A_850, %reduce_max3A_848 : vector<16xi32>
        %reduce_max3A_852 = vector.extract %reduce_max3A_851[15] : i32 from vector<16xi32>
        %shift_left3A_853 = arith.constant 0 : i32
        %shift_left3A_854 = arith.shli %sub3A_824, %shift_left3A_853 : i32
        %add3A_855 = arith.addi %add3A_793, %shift_left3A_854 : i32
        %sub3A_856 = arith.subi %sub3A_794, %select_n3A_844 : i32
        %shift_left3A_857 = arith.constant 1 : i32
        %shift_left3A_858 = arith.constant 0 : i32
        %shift_left3A_859 = arith.shli %shift_left3A_857, %shift_left3A_858 : i32
        %broadcast_in_dim3A_860 = arith.constant 0 : i32
        %broadcast_in_dim3A_861 = vector.broadcast %broadcast_in_dim3A_860 : i32 to vector<16xi32>
        %parallel_loop3A_862 = arith.constant 0 : i32
        %parallel_loop3A_863 = arith.constant 4096 : i32
        %parallel_loop3A_864 = arith.constant 1 : i32
        %parallel_loop3A_865:2 = scf.for %parallel_loop3A_866 = %parallel_loop3A_862 to %parallel_loop3A_863 step %parallel_loop3A_864 iter_args(%parallel_loop3A_867 = %broadcast_in_dim3A_861, %parallel_loop3A_868 = %broadcast_in_dim3A_861) -> (vector<16xi32>, vector<16xi32>)  : i32 {
          %parallel_loop3A_869 = arith.constant 16 : i32
          %parallel_loop3A_870 = arith.muli %parallel_loop3A_866, %parallel_loop3A_869 : i32
          %parallel_loop3A_871 = arith.index_cast %parallel_loop3A_870 : i32 to index
          %parallel_loop3A_872 = tpu.vector_load %arg4[%parallel_loop3A_871] {strides = array<i32>} : memref<65536xf32, #tpu.memory_space<vmem>>, vector<16xf32>,
          %parallel_loop3A_873 = tpu.bitcast %parallel_loop3A_872 : vector<16xf32> -> vector<16xi32>
          %parallel_loop3A_874 = arith.constant 31 : i32
          %parallel_loop3A_875 = vector.broadcast %parallel_loop3A_874 : i32 to vector<16xi32>
          %parallel_loop3A_876 = arith.shrsi %parallel_loop3A_873, %parallel_loop3A_875 : vector<16xi32>
          %parallel_loop3A_877 = arith.constant -2147483648 : i32
          %parallel_loop3A_878 = vector.broadcast %parallel_loop3A_877 : i32 to vector<16xi32>
          %parallel_loop3A_879 = arith.ori %parallel_loop3A_876, %parallel_loop3A_878 : vector<16xi32>
          %parallel_loop3A_880 = arith.xori %parallel_loop3A_873, %parallel_loop3A_879 : vector<16xi32>
          %parallel_loop3A_881 = tpu.bitcast %parallel_loop3A_880 : vector<16xi32> -> vector<16xi32>
          %parallel_loop3A_882 = vector.broadcast %parallel_loop3A_870 : i32 to vector<16xi32>
          %parallel_loop3A_883 = arith.addi %parallel_loop3A_882, %iota3A : vector<16xi32>
          %parallel_loop3A_884 = vector.broadcast %parallel_loop3A_870 : i32 to vector<16xi32>
          %parallel_loop3A_885 = arith.addi %parallel_loop3A_884, %iota3A : vector<16xi32>
          %parallel_loop3A_886 = arith.constant 65536 : i32
          %parallel_loop3A_887 = vector.broadcast %parallel_loop3A_886 : i32 to vector<16xi32>
          %parallel_loop3A_888 = arith.cmpi slt, %parallel_loop3A_885, %parallel_loop3A_887 : vector<16xi32>
          %parallel_loop3A_889 = vector.broadcast %add3A_855 : i32 to vector<16xi32>
          %parallel_loop3A_890 = arith.cmpi ugt, %parallel_loop3A_881, %parallel_loop3A_889 : vector<16xi32>
          %parallel_loop3A_891 = arith.andi %parallel_loop3A_888, %parallel_loop3A_890 : vector<16xi1>
          %parallel_loop3A_892 = vector.broadcast %add3A_855 : i32 to vector<16xi32>
          %parallel_loop3A_893 = arith.cmpi eq, %parallel_loop3A_881, %parallel_loop3A_892 : vector<16xi32>
          %parallel_loop3A_894 = arith.andi %parallel_loop3A_888, %parallel_loop3A_893 : vector<16xi1>
          %parallel_loop3A_895 = arith.extui %parallel_loop3A_894 : vector<16xi1> to vector<16xi32>
          %parallel_loop3A_896 = arith.constant true
          %parallel_loop3A_897 = vector.broadcast %parallel_loop3A_896 : i1 to vector<16xi1>
          %parallel_loop3A_898 = tpu.scan <sum>, %parallel_loop3A_895 masked %parallel_loop3A_897 : vector<16xi32>, vector<16xi1> -> vector<16xi32>
          %parallel_loop3A_899 = arith.addi %parallel_loop3A_867, %parallel_loop3A_898 : vector<16xi32>
          %parallel_loop3A_900 = vector.broadcast %sub3A_856 : i32 to vector<16xi32>
          %parallel_loop3A_901 = arith.cmpi sle, %parallel_loop3A_899, %parallel_loop3A_900 : vector<16xi32>
          %parallel_loop3A_902 = arith.andi %parallel_loop3A_894, %parallel_loop3A_901 : vector<16xi1>
          %parallel_loop3A_903 = arith.ori %parallel_loop3A_891, %parallel_loop3A_902 : vector<16xi1>
          %parallel_loop3A_904 = arith.extui %parallel_loop3A_903 : vector<16xi1> to vector<16xi32>
          %parallel_loop3A_905 = arith.constant true
          %parallel_loop3A_906 = vector.broadcast %parallel_loop3A_905 : i1 to vector<16xi1>
          %parallel_loop3A_907 = tpu.scan <sum>, %parallel_loop3A_904 masked %parallel_loop3A_906 : vector<16xi32>, vector<16xi1> -> vector<16xi32>
          %parallel_loop3A_908 = arith.addi %parallel_loop3A_868, %parallel_loop3A_907 : vector<16xi32>
          %parallel_loop3A_909 = arith.constant 1 : i32
          %parallel_loop3A_910 = vector.broadcast %parallel_loop3A_909 : i32 to vector<16xi32>
          %parallel_loop3A_911 = arith.subi %parallel_loop3A_908, %parallel_loop3A_910 : vector<16xi32>
          %parallel_loop3A_912 = tpu.bitcast %parallel_loop3A_881 : vector<16xi32> -> vector<16xi32>
          tpu.vector_store_idx %arg9[%parallel_loop3A_911], %parallel_loop3A_912 masked %parallel_loop3A_903 : memref<64xi32, #tpu.memory_space<vmem>>[vector<16xi32>], vector<16xi32>, vector<16xi1>
          tpu.vector_store_idx %arg10[%parallel_loop3A_911], %parallel_loop3A_883 masked %parallel_loop3A_903 : memref<64xi32, #tpu.memory_space<vmem>>[vector<16xi32>], vector<16xi32>, vector<16xi1>
          %parallel_loop3A_913 = tpu.all_reduce %parallel_loop3A_894 {dim = 0 : i64, kind = #tpu.reduction_kind<sum>} : vector<16xi1> -> vector<16xi32>
          %parallel_loop3A_914 = arith.addi %parallel_loop3A_867, %parallel_loop3A_913 : vector<16xi32>
          %parallel_loop3A_915 = tpu.all_reduce %parallel_loop3A_903 {dim = 0 : i64, kind = #tpu.reduction_kind<sum>} : vector<16xi1> -> vector<16xi32>
          %parallel_loop3A_916 = arith.addi %parallel_loop3A_868, %parallel_loop3A_915 : vector<16xi32>
          scf.yield %parallel_loop3A_914, %parallel_loop3A_916 : vector<16xi32>, vector<16xi32>
        } {sc.loop_unroll_factor = 4 : i64, sc.parallel_access}
      } else {
      }
      %get3A = arith.constant 0 : index
      %get3A_161 = tpu.vector_load %arg9[%get3A] {strides = array<i32>} : memref<64xi32, #tpu.memory_space<vmem>>, vector<16xi32>,
      %bitcast_convert_type3A = tpu.bitcast %get3A_161 : vector<16xi32> -> vector<16xi32>
      %bitcast_convert_type3A_162 = tpu.bitcast %bitcast_convert_type3A : vector<16xi32> -> vector<16xi32>
      %lt3A = arith.constant 0 : i32
      %lt3A_163 = vector.broadcast %lt3A : i32 to vector<16xi32>
      %lt3A_164 = arith.cmpi slt, %bitcast_convert_type3A_162, %lt3A_163 : vector<16xi32>
      %xor3A = arith.constant -2147483648 : i32
      %xor3A_165 = vector.broadcast %xor3A : i32 to vector<16xi32>
      %xor3A_166 = arith.xori %bitcast_convert_type3A_162, %xor3A_165 : vector<16xi32>
      %not3A = arith.constant dense<-1> : vector<16xi32>
      %not3A_167 = arith.xori %bitcast_convert_type3A_162, %not3A : vector<16xi32>
      %select_n3A_168 = arith.select %lt3A_164, %xor3A_166, %not3A_167 : vector<16xi1>, vector<16xi32>
      %bitcast_convert_type3A_169 = tpu.bitcast %select_n3A_168 : vector<16xi32> -> vector<16xf32>
      %max3A = arith.constant 0.000000e+00 : f32
      %max3A_170 = vector.broadcast %max3A : f32 to vector<16xf32>
      %max3A_171 = arith.maximumf %bitcast_convert_type3A_169, %max3A_170 : vector<16xf32>
      %get3A_172 = arith.constant 0 : index
      %get3A_173 = tpu.vector_load %arg10[%get3A_172] {strides = array<i32>} : memref<64xi32, #tpu.memory_space<vmem>>, vector<16xi32>,
      %ge3A_174 = arith.constant 0 : i32
      %ge3A_175 = vector.broadcast %ge3A_174 : i32 to vector<16xi32>
      %ge3A_176 = arith.cmpi sge, %get3A_173, %ge3A_175 : vector<16xi32>
      %lt3A_177 = arith.constant 16384 : i32
      %lt3A_178 = vector.broadcast %lt3A_177 : i32 to vector<16xi32>
      %lt3A_179 = arith.cmpi slt, %get3A_173, %lt3A_178 : vector<16xi32>
      %and3A = arith.andi %ge3A_176, %lt3A_179 : vector<16xi1>
      %sub3A_180 = arith.constant 0 : i32
      %sub3A_181 = vector.broadcast %sub3A_180 : i32 to vector<16xi32>
      %sub3A_182 = arith.subi %get3A_173, %sub3A_181 : vector<16xi32>
      %and3A_183 = arith.constant 16383 : i32
      %and3A_184 = vector.broadcast %and3A_183 : i32 to vector<16xi32>
      %and3A_185 = arith.andi %sub3A_182, %and3A_184 : vector<16xi32>
      tpu.vector_store_idx %arg11[%and3A_185], %max3A_171 masked %and3A : memref<16384xf32, #tpu.memory_space<vmem>>[vector<16xi32>], vector<16xf32>, vector<16xi1>
      %get3A_186 = arith.constant 16 : index
      %get3A_187 = tpu.vector_load %arg9[%get3A_186] {strides = array<i32>} : memref<64xi32, #tpu.memory_space<vmem>>, vector<16xi32>,
      %bitcast_convert_type3A_188 = tpu.bitcast %get3A_187 : vector<16xi32> -> vector<16xi32>
      %bitcast_convert_type3A_189 = tpu.bitcast %bitcast_convert_type3A_188 : vector<16xi32> -> vector<16xi32>
      %lt3A_190 = arith.constant 0 : i32
      %lt3A_191 = vector.broadcast %lt3A_190 : i32 to vector<16xi32>
      %lt3A_192 = arith.cmpi slt, %bitcast_convert_type3A_189, %lt3A_191 : vector<16xi32>
      %xor3A_193 = arith.constant -2147483648 : i32
      %xor3A_194 = vector.broadcast %xor3A_193 : i32 to vector<16xi32>
      %xor3A_195 = arith.xori %bitcast_convert_type3A_189, %xor3A_194 : vector<16xi32>
      %not3A_196 = arith.constant dense<-1> : vector<16xi32>
      %not3A_197 = arith.xori %bitcast_convert_type3A_189, %not3A_196 : vector<16xi32>
      %select_n3A_198 = arith.select %lt3A_192, %xor3A_195, %not3A_197 : vector<16xi1>, vector<16xi32>
      %bitcast_convert_type3A_199 = tpu.bitcast %select_n3A_198 : vector<16xi32> -> vector<16xf32>
      %max3A_200 = arith.constant 0.000000e+00 : f32
      %max3A_201 = vector.broadcast %max3A_200 : f32 to vector<16xf32>
      %max3A_202 = arith.maximumf %bitcast_convert_type3A_199, %max3A_201 : vector<16xf32>
      %get3A_203 = arith.constant 16 : index
      %get3A_204 = tpu.vector_load %arg10[%get3A_203] {strides = array<i32>} : memref<64xi32, #tpu.memory_space<vmem>>, vector<16xi32>,
      %ge3A_205 = arith.constant 0 : i32
      %ge3A_206 = vector.broadcast %ge3A_205 : i32 to vector<16xi32>
      %ge3A_207 = arith.cmpi sge, %get3A_204, %ge3A_206 : vector<16xi32>
      %lt3A_208 = arith.constant 16384 : i32
      %lt3A_209 = vector.broadcast %lt3A_208 : i32 to vector<16xi32>
      %lt3A_210 = arith.cmpi slt, %get3A_204, %lt3A_209 : vector<16xi32>
      %and3A_211 = arith.andi %ge3A_207, %lt3A_210 : vector<16xi1>
      %sub3A_212 = arith.constant 0 : i32
      %sub3A_213 = vector.broadcast %sub3A_212 : i32 to vector<16xi32>
      %sub3A_214 = arith.subi %get3A_204, %sub3A_213 : vector<16xi32>
      %and3A_215 = arith.constant 16383 : i32
      %and3A_216 = vector.broadcast %and3A_215 : i32 to vector<16xi32>
      %and3A_217 = arith.andi %sub3A_214, %and3A_216 : vector<16xi32>
      tpu.vector_store_idx %arg11[%and3A_217], %max3A_202 masked %and3A_211 : memref<16384xf32, #tpu.memory_space<vmem>>[vector<16xi32>], vector<16xf32>, vector<16xi1>
      %get3A_218 = arith.constant 32 : index
      %get3A_219 = tpu.vector_load %arg9[%get3A_218] {strides = array<i32>} : memref<64xi32, #tpu.memory_space<vmem>>, vector<16xi32>,
      %bitcast_convert_type3A_220 = tpu.bitcast %get3A_219 : vector<16xi32> -> vector<16xi32>
      %bitcast_convert_type3A_221 = tpu.bitcast %bitcast_convert_type3A_220 : vector<16xi32> -> vector<16xi32>
      %lt3A_222 = arith.constant 0 : i32
      %lt3A_223 = vector.broadcast %lt3A_222 : i32 to vector<16xi32>
      %lt3A_224 = arith.cmpi slt, %bitcast_convert_type3A_221, %lt3A_223 : vector<16xi32>
      %xor3A_225 = arith.constant -2147483648 : i32
      %xor3A_226 = vector.broadcast %xor3A_225 : i32 to vector<16xi32>
      %xor3A_227 = arith.xori %bitcast_convert_type3A_221, %xor3A_226 : vector<16xi32>
      %not3A_228 = arith.constant dense<-1> : vector<16xi32>
      %not3A_229 = arith.xori %bitcast_convert_type3A_221, %not3A_228 : vector<16xi32>
      %select_n3A_230 = arith.select %lt3A_224, %xor3A_227, %not3A_229 : vector<16xi1>, vector<16xi32>
      %bitcast_convert_type3A_231 = tpu.bitcast %select_n3A_230 : vector<16xi32> -> vector<16xf32>
      %max3A_232 = arith.constant 0.000000e+00 : f32
      %max3A_233 = vector.broadcast %max3A_232 : f32 to vector<16xf32>
      %max3A_234 = arith.maximumf %bitcast_convert_type3A_231, %max3A_233 : vector<16xf32>
      %get3A_235 = arith.constant 32 : index
      %get3A_236 = tpu.vector_load %arg10[%get3A_235] {strides = array<i32>} : memref<64xi32, #tpu.memory_space<vmem>>, vector<16xi32>,
      %ge3A_237 = arith.constant 0 : i32
      %ge3A_238 = vector.broadcast %ge3A_237 : i32 to vector<16xi32>
      %ge3A_239 = arith.cmpi sge, %get3A_236, %ge3A_238 : vector<16xi32>
      %lt3A_240 = arith.constant 16384 : i32
      %lt3A_241 = vector.broadcast %lt3A_240 : i32 to vector<16xi32>
      %lt3A_242 = arith.cmpi slt, %get3A_236, %lt3A_241 : vector<16xi32>
      %and3A_243 = arith.andi %ge3A_239, %lt3A_242 : vector<16xi1>
      %sub3A_244 = arith.constant 0 : i32
      %sub3A_245 = vector.broadcast %sub3A_244 : i32 to vector<16xi32>
      %sub3A_246 = arith.subi %get3A_236, %sub3A_245 : vector<16xi32>
      %and3A_247 = arith.constant 16383 : i32
      %and3A_248 = vector.broadcast %and3A_247 : i32 to vector<16xi32>
      %and3A_249 = arith.andi %sub3A_246, %and3A_248 : vector<16xi32>
      tpu.vector_store_idx %arg11[%and3A_249], %max3A_234 masked %and3A_243 : memref<16384xf32, #tpu.memory_space<vmem>>[vector<16xi32>], vector<16xf32>, vector<16xi1>
      %get3A_250 = arith.constant 48 : index
      %get3A_251 = tpu.vector_load %arg9[%get3A_250] {strides = array<i32>} : memref<64xi32, #tpu.memory_space<vmem>>, vector<16xi32>,
      %bitcast_convert_type3A_252 = tpu.bitcast %get3A_251 : vector<16xi32> -> vector<16xi32>
      %bitcast_convert_type3A_253 = tpu.bitcast %bitcast_convert_type3A_252 : vector<16xi32> -> vector<16xi32>
      %lt3A_254 = arith.constant 0 : i32
      %lt3A_255 = vector.broadcast %lt3A_254 : i32 to vector<16xi32>
      %lt3A_256 = arith.cmpi slt, %bitcast_convert_type3A_253, %lt3A_255 : vector<16xi32>
      %xor3A_257 = arith.constant -2147483648 : i32
      %xor3A_258 = vector.broadcast %xor3A_257 : i32 to vector<16xi32>
      %xor3A_259 = arith.xori %bitcast_convert_type3A_253, %xor3A_258 : vector<16xi32>
      %not3A_260 = arith.constant dense<-1> : vector<16xi32>
      %not3A_261 = arith.xori %bitcast_convert_type3A_253, %not3A_260 : vector<16xi32>
      %select_n3A_262 = arith.select %lt3A_256, %xor3A_259, %not3A_261 : vector<16xi1>, vector<16xi32>
      %bitcast_convert_type3A_263 = tpu.bitcast %select_n3A_262 : vector<16xi32> -> vector<16xf32>
      %max3A_264 = arith.constant 0.000000e+00 : f32
      %max3A_265 = vector.broadcast %max3A_264 : f32 to vector<16xf32>
      %max3A_266 = arith.maximumf %bitcast_convert_type3A_263, %max3A_265 : vector<16xf32>
      %get3A_267 = arith.constant 48 : index
      %get3A_268 = tpu.vector_load %arg10[%get3A_267] {strides = array<i32>} : memref<64xi32, #tpu.memory_space<vmem>>, vector<16xi32>,
      %ge3A_269 = arith.constant 0 : i32
      %ge3A_270 = vector.broadcast %ge3A_269 : i32 to vector<16xi32>
      %ge3A_271 = arith.cmpi sge, %get3A_268, %ge3A_270 : vector<16xi32>
      %lt3A_272 = arith.constant 16384 : i32
      %lt3A_273 = vector.broadcast %lt3A_272 : i32 to vector<16xi32>
      %lt3A_274 = arith.cmpi slt, %get3A_268, %lt3A_273 : vector<16xi32>
      %and3A_275 = arith.andi %ge3A_271, %lt3A_274 : vector<16xi1>
      %sub3A_276 = arith.constant 0 : i32
      %sub3A_277 = vector.broadcast %sub3A_276 : i32 to vector<16xi32>
      %sub3A_278 = arith.subi %get3A_268, %sub3A_277 : vector<16xi32>
      %and3A_279 = arith.constant 16383 : i32
      %and3A_280 = vector.broadcast %and3A_279 : i32 to vector<16xi32>
      %and3A_281 = arith.andi %sub3A_278, %and3A_280 : vector<16xi32>
      tpu.vector_store_idx %arg11[%and3A_281], %max3A_266 masked %and3A_275 : memref<16384xf32, #tpu.memory_space<vmem>>[vector<16xi32>], vector<16xf32>, vector<16xi1>
      "tpu.region"() ({
        %run_scoped3A = tpu.sem_alloc : memref<!tpu.dma_semaphore, #tpu.memory_space<semaphore_mem>>
        %dma_start3A_667 = arith.constant 0 : i32
        %dma_start3A_668 = tpu.memref_slice %arg3[%add3A_19, %dma_start3A_667] : memref<128x65536xf32, #tpu.memory_space<hbm>> -> memref<1x16384xf32, #tpu.memory_space<hbm>>
        %dma_start3A_669 = tpu.memref_squeeze %dma_start3A_668 : memref<1x16384xf32, #tpu.memory_space<hbm>> -> memref<16384xf32, #tpu.memory_space<hbm>>
        %dma_start3A_670 = arith.constant 0 : i32
        %dma_start3A_671 = tpu.memref_slice %arg3[%add3A_19, %dma_start3A_670] : memref<128x65536xf32, #tpu.memory_space<hbm>> -> memref<1x16384xf32, #tpu.memory_space<hbm>>
        %dma_start3A_672 = tpu.memref_squeeze %dma_start3A_671 : memref<1x16384xf32, #tpu.memory_space<hbm>> -> memref<16384xf32, #tpu.memory_space<hbm>>
        tpu.enqueue_dma source(%arg11 : memref<16384xf32, #tpu.memory_space<vmem>>) target(%dma_start3A_672 : memref<16384xf32, #tpu.memory_space<hbm>>) target_semaphore(%run_scoped3A : memref<!tpu.dma_semaphore, #tpu.memory_space<semaphore_mem>>)
        %dma_wait3A_673 = arith.constant 0 : i32
        %dma_wait3A_674 = tpu.memref_slice %arg3[%add3A_19, %dma_wait3A_673] : memref<128x65536xf32, #tpu.memory_space<hbm>> -> memref<1x16384xf32, #tpu.memory_space<hbm>>
        %dma_wait3A_675 = tpu.memref_squeeze %dma_wait3A_674 : memref<1x16384xf32, #tpu.memory_space<hbm>> -> memref<16384xf32, #tpu.memory_space<hbm>>
        %dma_wait3A_676 = arith.constant 0 : i32
        %dma_wait3A_677 = tpu.memref_slice %arg3[%add3A_19, %dma_wait3A_676] : memref<128x65536xf32, #tpu.memory_space<hbm>> -> memref<1x16384xf32, #tpu.memory_space<hbm>>
        %dma_wait3A_678 = tpu.memref_squeeze %dma_wait3A_677 : memref<1x16384xf32, #tpu.memory_space<hbm>> -> memref<16384xf32, #tpu.memory_space<hbm>>
        tpu.wait_dma2 semaphore(%run_scoped3A : memref<!tpu.dma_semaphore, #tpu.memory_space<semaphore_mem>>) src(%arg11 : memref<16384xf32, #tpu.memory_space<vmem>>) dst(%dma_wait3A_678 : memref<16384xf32, #tpu.memory_space<hbm>>)
        tpu.yield
      }) : () -> ()
      tpu.vector_store_idx %arg11[%and3A_185], %broadcast_in_dim3A_6 masked %and3A : memref<16384xf32, #tpu.memory_space<vmem>>[vector<16xi32>], vector<16xf32>, vector<16xi1>
      tpu.vector_store_idx %arg11[%and3A_217], %broadcast_in_dim3A_6 masked %and3A_211 : memref<16384xf32, #tpu.memory_space<vmem>>[vector<16xi32>], vector<16xf32>, vector<16xi1>
      tpu.vector_store_idx %arg11[%and3A_249], %broadcast_in_dim3A_6 masked %and3A_243 : memref<16384xf32, #tpu.memory_space<vmem>>[vector<16xi32>], vector<16xf32>, vector<16xi1>
      tpu.vector_store_idx %arg11[%and3A_281], %broadcast_in_dim3A_6 masked %and3A_275 : memref<16384xf32, #tpu.memory_space<vmem>>[vector<16xi32>], vector<16xf32>, vector<16xi1>
      %get3A_282 = arith.constant 0 : index
      %get3A_283 = tpu.vector_load %arg9[%get3A_282] {strides = array<i32>} : memref<64xi32, #tpu.memory_space<vmem>>, vector<16xi32>,
      %bitcast_convert_type3A_284 = tpu.bitcast %get3A_283 : vector<16xi32> -> vector<16xi32>
      %bitcast_convert_type3A_285 = tpu.bitcast %bitcast_convert_type3A_284 : vector<16xi32> -> vector<16xi32>
      %lt3A_286 = arith.constant 0 : i32
      %lt3A_287 = vector.broadcast %lt3A_286 : i32 to vector<16xi32>
      %lt3A_288 = arith.cmpi slt, %bitcast_convert_type3A_285, %lt3A_287 : vector<16xi32>
      %xor3A_289 = arith.constant -2147483648 : i32
      %xor3A_290 = vector.broadcast %xor3A_289 : i32 to vector<16xi32>
      %xor3A_291 = arith.xori %bitcast_convert_type3A_285, %xor3A_290 : vector<16xi32>
      %not3A_292 = arith.constant dense<-1> : vector<16xi32>
      %not3A_293 = arith.xori %bitcast_convert_type3A_285, %not3A_292 : vector<16xi32>
      %select_n3A_294 = arith.select %lt3A_288, %xor3A_291, %not3A_293 : vector<16xi1>, vector<16xi32>
      %bitcast_convert_type3A_295 = tpu.bitcast %select_n3A_294 : vector<16xi32> -> vector<16xf32>
      %max3A_296 = arith.constant 0.000000e+00 : f32
      %max3A_297 = vector.broadcast %max3A_296 : f32 to vector<16xf32>
      %max3A_298 = arith.maximumf %bitcast_convert_type3A_295, %max3A_297 : vector<16xf32>
      %get3A_299 = arith.constant 0 : index
      %get3A_300 = tpu.vector_load %arg10[%get3A_299] {strides = array<i32>} : memref<64xi32, #tpu.memory_space<vmem>>, vector<16xi32>,
      %ge3A_301 = arith.constant 16384 : i32
      %ge3A_302 = vector.broadcast %ge3A_301 : i32 to vector<16xi32>
      %ge3A_303 = arith.cmpi sge, %get3A_300, %ge3A_302 : vector<16xi32>
      %lt3A_304 = arith.constant 32768 : i32
      %lt3A_305 = vector.broadcast %lt3A_304 : i32 to vector<16xi32>
      %lt3A_306 = arith.cmpi slt, %get3A_300, %lt3A_305 : vector<16xi32>
      %and3A_307 = arith.andi %ge3A_303, %lt3A_306 : vector<16xi1>
      %sub3A_308 = arith.constant 16384 : i32
      %sub3A_309 = vector.broadcast %sub3A_308 : i32 to vector<16xi32>
      %sub3A_310 = arith.subi %get3A_300, %sub3A_309 : vector<16xi32>
      %and3A_311 = arith.constant 16383 : i32
      %and3A_312 = vector.broadcast %and3A_311 : i32 to vector<16xi32>
      %and3A_313 = arith.andi %sub3A_310, %and3A_312 : vector<16xi32>
      tpu.vector_store_idx %arg11[%and3A_313], %max3A_298 masked %and3A_307 : memref<16384xf32, #tpu.memory_space<vmem>>[vector<16xi32>], vector<16xf32>, vector<16xi1>
      %get3A_314 = arith.constant 16 : index
      %get3A_315 = tpu.vector_load %arg9[%get3A_314] {strides = array<i32>} : memref<64xi32, #tpu.memory_space<vmem>>, vector<16xi32>,
      %bitcast_convert_type3A_316 = tpu.bitcast %get3A_315 : vector<16xi32> -> vector<16xi32>
      %bitcast_convert_type3A_317 = tpu.bitcast %bitcast_convert_type3A_316 : vector<16xi32> -> vector<16xi32>
      %lt3A_318 = arith.constant 0 : i32
      %lt3A_319 = vector.broadcast %lt3A_318 : i32 to vector<16xi32>
      %lt3A_320 = arith.cmpi slt, %bitcast_convert_type3A_317, %lt3A_319 : vector<16xi32>
      %xor3A_321 = arith.constant -2147483648 : i32
      %xor3A_322 = vector.broadcast %xor3A_321 : i32 to vector<16xi32>
      %xor3A_323 = arith.xori %bitcast_convert_type3A_317, %xor3A_322 : vector<16xi32>
      %not3A_324 = arith.constant dense<-1> : vector<16xi32>
      %not3A_325 = arith.xori %bitcast_convert_type3A_317, %not3A_324 : vector<16xi32>
      %select_n3A_326 = arith.select %lt3A_320, %xor3A_323, %not3A_325 : vector<16xi1>, vector<16xi32>
      %bitcast_convert_type3A_327 = tpu.bitcast %select_n3A_326 : vector<16xi32> -> vector<16xf32>
      %max3A_328 = arith.constant 0.000000e+00 : f32
      %max3A_329 = vector.broadcast %max3A_328 : f32 to vector<16xf32>
      %max3A_330 = arith.maximumf %bitcast_convert_type3A_327, %max3A_329 : vector<16xf32>
      %get3A_331 = arith.constant 16 : index
      %get3A_332 = tpu.vector_load %arg10[%get3A_331] {strides = array<i32>} : memref<64xi32, #tpu.memory_space<vmem>>, vector<16xi32>,
      %ge3A_333 = arith.constant 16384 : i32
      %ge3A_334 = vector.broadcast %ge3A_333 : i32 to vector<16xi32>
      %ge3A_335 = arith.cmpi sge, %get3A_332, %ge3A_334 : vector<16xi32>
      %lt3A_336 = arith.constant 32768 : i32
      %lt3A_337 = vector.broadcast %lt3A_336 : i32 to vector<16xi32>
      %lt3A_338 = arith.cmpi slt, %get3A_332, %lt3A_337 : vector<16xi32>
      %and3A_339 = arith.andi %ge3A_335, %lt3A_338 : vector<16xi1>
      %sub3A_340 = arith.constant 16384 : i32
      %sub3A_341 = vector.broadcast %sub3A_340 : i32 to vector<16xi32>
      %sub3A_342 = arith.subi %get3A_332, %sub3A_341 : vector<16xi32>
      %and3A_343 = arith.constant 16383 : i32
      %and3A_344 = vector.broadcast %and3A_343 : i32 to vector<16xi32>
      %and3A_345 = arith.andi %sub3A_342, %and3A_344 : vector<16xi32>
      tpu.vector_store_idx %arg11[%and3A_345], %max3A_330 masked %and3A_339 : memref<16384xf32, #tpu.memory_space<vmem>>[vector<16xi32>], vector<16xf32>, vector<16xi1>
      %get3A_346 = arith.constant 32 : index
      %get3A_347 = tpu.vector_load %arg9[%get3A_346] {strides = array<i32>} : memref<64xi32, #tpu.memory_space<vmem>>, vector<16xi32>,
      %bitcast_convert_type3A_348 = tpu.bitcast %get3A_347 : vector<16xi32> -> vector<16xi32>
      %bitcast_convert_type3A_349 = tpu.bitcast %bitcast_convert_type3A_348 : vector<16xi32> -> vector<16xi32>
      %lt3A_350 = arith.constant 0 : i32
      %lt3A_351 = vector.broadcast %lt3A_350 : i32 to vector<16xi32>
      %lt3A_352 = arith.cmpi slt, %bitcast_convert_type3A_349, %lt3A_351 : vector<16xi32>
      %xor3A_353 = arith.constant -2147483648 : i32
      %xor3A_354 = vector.broadcast %xor3A_353 : i32 to vector<16xi32>
      %xor3A_355 = arith.xori %bitcast_convert_type3A_349, %xor3A_354 : vector<16xi32>
      %not3A_356 = arith.constant dense<-1> : vector<16xi32>
      %not3A_357 = arith.xori %bitcast_convert_type3A_349, %not3A_356 : vector<16xi32>
      %select_n3A_358 = arith.select %lt3A_352, %xor3A_355, %not3A_357 : vector<16xi1>, vector<16xi32>
      %bitcast_convert_type3A_359 = tpu.bitcast %select_n3A_358 : vector<16xi32> -> vector<16xf32>
      %max3A_360 = arith.constant 0.000000e+00 : f32
      %max3A_361 = vector.broadcast %max3A_360 : f32 to vector<16xf32>
      %max3A_362 = arith.maximumf %bitcast_convert_type3A_359, %max3A_361 : vector<16xf32>
      %get3A_363 = arith.constant 32 : index
      %get3A_364 = tpu.vector_load %arg10[%get3A_363] {strides = array<i32>} : memref<64xi32, #tpu.memory_space<vmem>>, vector<16xi32>,
      %ge3A_365 = arith.constant 16384 : i32
      %ge3A_366 = vector.broadcast %ge3A_365 : i32 to vector<16xi32>
      %ge3A_367 = arith.cmpi sge, %get3A_364, %ge3A_366 : vector<16xi32>
      %lt3A_368 = arith.constant 32768 : i32
      %lt3A_369 = vector.broadcast %lt3A_368 : i32 to vector<16xi32>
      %lt3A_370 = arith.cmpi slt, %get3A_364, %lt3A_369 : vector<16xi32>
      %and3A_371 = arith.andi %ge3A_367, %lt3A_370 : vector<16xi1>
      %sub3A_372 = arith.constant 16384 : i32
      %sub3A_373 = vector.broadcast %sub3A_372 : i32 to vector<16xi32>
      %sub3A_374 = arith.subi %get3A_364, %sub3A_373 : vector<16xi32>
      %and3A_375 = arith.constant 16383 : i32
      %and3A_376 = vector.broadcast %and3A_375 : i32 to vector<16xi32>
      %and3A_377 = arith.andi %sub3A_374, %and3A_376 : vector<16xi32>
      tpu.vector_store_idx %arg11[%and3A_377], %max3A_362 masked %and3A_371 : memref<16384xf32, #tpu.memory_space<vmem>>[vector<16xi32>], vector<16xf32>, vector<16xi1>
      %get3A_378 = arith.constant 48 : index
      %get3A_379 = tpu.vector_load %arg9[%get3A_378] {strides = array<i32>} : memref<64xi32, #tpu.memory_space<vmem>>, vector<16xi32>,
      %bitcast_convert_type3A_380 = tpu.bitcast %get3A_379 : vector<16xi32> -> vector<16xi32>
      %bitcast_convert_type3A_381 = tpu.bitcast %bitcast_convert_type3A_380 : vector<16xi32> -> vector<16xi32>
      %lt3A_382 = arith.constant 0 : i32
      %lt3A_383 = vector.broadcast %lt3A_382 : i32 to vector<16xi32>
      %lt3A_384 = arith.cmpi slt, %bitcast_convert_type3A_381, %lt3A_383 : vector<16xi32>
      %xor3A_385 = arith.constant -2147483648 : i32
      %xor3A_386 = vector.broadcast %xor3A_385 : i32 to vector<16xi32>
      %xor3A_387 = arith.xori %bitcast_convert_type3A_381, %xor3A_386 : vector<16xi32>
      %not3A_388 = arith.constant dense<-1> : vector<16xi32>
      %not3A_389 = arith.xori %bitcast_convert_type3A_381, %not3A_388 : vector<16xi32>
      %select_n3A_390 = arith.select %lt3A_384, %xor3A_387, %not3A_389 : vector<16xi1>, vector<16xi32>
      %bitcast_convert_type3A_391 = tpu.bitcast %select_n3A_390 : vector<16xi32> -> vector<16xf32>
      %max3A_392 = arith.constant 0.000000e+00 : f32
      %max3A_393 = vector.broadcast %max3A_392 : f32 to vector<16xf32>
      %max3A_394 = arith.maximumf %bitcast_convert_type3A_391, %max3A_393 : vector<16xf32>
      %get3A_395 = arith.constant 48 : index
      %get3A_396 = tpu.vector_load %arg10[%get3A_395] {strides = array<i32>} : memref<64xi32, #tpu.memory_space<vmem>>, vector<16xi32>,
      %ge3A_397 = arith.constant 16384 : i32
      %ge3A_398 = vector.broadcast %ge3A_397 : i32 to vector<16xi32>
      %ge3A_399 = arith.cmpi sge, %get3A_396, %ge3A_398 : vector<16xi32>
      %lt3A_400 = arith.constant 32768 : i32
      %lt3A_401 = vector.broadcast %lt3A_400 : i32 to vector<16xi32>
      %lt3A_402 = arith.cmpi slt, %get3A_396, %lt3A_401 : vector<16xi32>
      %and3A_403 = arith.andi %ge3A_399, %lt3A_402 : vector<16xi1>
      %sub3A_404 = arith.constant 16384 : i32
      %sub3A_405 = vector.broadcast %sub3A_404 : i32 to vector<16xi32>
      %sub3A_406 = arith.subi %get3A_396, %sub3A_405 : vector<16xi32>
      %and3A_407 = arith.constant 16383 : i32
      %and3A_408 = vector.broadcast %and3A_407 : i32 to vector<16xi32>
      %and3A_409 = arith.andi %sub3A_406, %and3A_408 : vector<16xi32>
      tpu.vector_store_idx %arg11[%and3A_409], %max3A_394 masked %and3A_403 : memref<16384xf32, #tpu.memory_space<vmem>>[vector<16xi32>], vector<16xf32>, vector<16xi1>
      "tpu.region"() ({
        %run_scoped3A = tpu.sem_alloc : memref<!tpu.dma_semaphore, #tpu.memory_space<semaphore_mem>>
        %dma_start3A_667 = arith.constant 16384 : i32
        %dma_start3A_668 = tpu.memref_slice %arg3[%add3A_19, %dma_start3A_667] : memref<128x65536xf32, #tpu.memory_space<hbm>> -> memref<1x16384xf32, #tpu.memory_space<hbm>>
        %dma_start3A_669 = tpu.memref_squeeze %dma_start3A_668 : memref<1x16384xf32, #tpu.memory_space<hbm>> -> memref<16384xf32, #tpu.memory_space<hbm>>
        %dma_start3A_670 = arith.constant 16384 : i32
        %dma_start3A_671 = tpu.memref_slice %arg3[%add3A_19, %dma_start3A_670] : memref<128x65536xf32, #tpu.memory_space<hbm>> -> memref<1x16384xf32, #tpu.memory_space<hbm>>
        %dma_start3A_672 = tpu.memref_squeeze %dma_start3A_671 : memref<1x16384xf32, #tpu.memory_space<hbm>> -> memref<16384xf32, #tpu.memory_space<hbm>>
        tpu.enqueue_dma source(%arg11 : memref<16384xf32, #tpu.memory_space<vmem>>) target(%dma_start3A_672 : memref<16384xf32, #tpu.memory_space<hbm>>) target_semaphore(%run_scoped3A : memref<!tpu.dma_semaphore, #tpu.memory_space<semaphore_mem>>)
        %dma_wait3A_673 = arith.constant 16384 : i32
        %dma_wait3A_674 = tpu.memref_slice %arg3[%add3A_19, %dma_wait3A_673] : memref<128x65536xf32, #tpu.memory_space<hbm>> -> memref<1x16384xf32, #tpu.memory_space<hbm>>
        %dma_wait3A_675 = tpu.memref_squeeze %dma_wait3A_674 : memref<1x16384xf32, #tpu.memory_space<hbm>> -> memref<16384xf32, #tpu.memory_space<hbm>>
        %dma_wait3A_676 = arith.constant 16384 : i32
        %dma_wait3A_677 = tpu.memref_slice %arg3[%add3A_19, %dma_wait3A_676] : memref<128x65536xf32, #tpu.memory_space<hbm>> -> memref<1x16384xf32, #tpu.memory_space<hbm>>
        %dma_wait3A_678 = tpu.memref_squeeze %dma_wait3A_677 : memref<1x16384xf32, #tpu.memory_space<hbm>> -> memref<16384xf32, #tpu.memory_space<hbm>>
        tpu.wait_dma2 semaphore(%run_scoped3A : memref<!tpu.dma_semaphore, #tpu.memory_space<semaphore_mem>>) src(%arg11 : memref<16384xf32, #tpu.memory_space<vmem>>) dst(%dma_wait3A_678 : memref<16384xf32, #tpu.memory_space<hbm>>)
        tpu.yield
      }) : () -> ()
      tpu.vector_store_idx %arg11[%and3A_313], %broadcast_in_dim3A_6 masked %and3A_307 : memref<16384xf32, #tpu.memory_space<vmem>>[vector<16xi32>], vector<16xf32>, vector<16xi1>
      tpu.vector_store_idx %arg11[%and3A_345], %broadcast_in_dim3A_6 masked %and3A_339 : memref<16384xf32, #tpu.memory_space<vmem>>[vector<16xi32>], vector<16xf32>, vector<16xi1>
      tpu.vector_store_idx %arg11[%and3A_377], %broadcast_in_dim3A_6 masked %and3A_371 : memref<16384xf32, #tpu.memory_space<vmem>>[vector<16xi32>], vector<16xf32>, vector<16xi1>
      tpu.vector_store_idx %arg11[%and3A_409], %broadcast_in_dim3A_6 masked %and3A_403 : memref<16384xf32, #tpu.memory_space<vmem>>[vector<16xi32>], vector<16xf32>, vector<16xi1>
      %get3A_410 = arith.constant 0 : index
      %get3A_411 = tpu.vector_load %arg9[%get3A_410] {strides = array<i32>} : memref<64xi32, #tpu.memory_space<vmem>>, vector<16xi32>,
      %bitcast_convert_type3A_412 = tpu.bitcast %get3A_411 : vector<16xi32> -> vector<16xi32>
      %bitcast_convert_type3A_413 = tpu.bitcast %bitcast_convert_type3A_412 : vector<16xi32> -> vector<16xi32>
      %lt3A_414 = arith.constant 0 : i32
      %lt3A_415 = vector.broadcast %lt3A_414 : i32 to vector<16xi32>
      %lt3A_416 = arith.cmpi slt, %bitcast_convert_type3A_413, %lt3A_415 : vector<16xi32>
      %xor3A_417 = arith.constant -2147483648 : i32
      %xor3A_418 = vector.broadcast %xor3A_417 : i32 to vector<16xi32>
      %xor3A_419 = arith.xori %bitcast_convert_type3A_413, %xor3A_418 : vector<16xi32>
      %not3A_420 = arith.constant dense<-1> : vector<16xi32>
      %not3A_421 = arith.xori %bitcast_convert_type3A_413, %not3A_420 : vector<16xi32>
      %select_n3A_422 = arith.select %lt3A_416, %xor3A_419, %not3A_421 : vector<16xi1>, vector<16xi32>
      %bitcast_convert_type3A_423 = tpu.bitcast %select_n3A_422 : vector<16xi32> -> vector<16xf32>
      %max3A_424 = arith.constant 0.000000e+00 : f32
      %max3A_425 = vector.broadcast %max3A_424 : f32 to vector<16xf32>
      %max3A_426 = arith.maximumf %bitcast_convert_type3A_423, %max3A_425 : vector<16xf32>
      %get3A_427 = arith.constant 0 : index
      %get3A_428 = tpu.vector_load %arg10[%get3A_427] {strides = array<i32>} : memref<64xi32, #tpu.memory_space<vmem>>, vector<16xi32>,
      %ge3A_429 = arith.constant 32768 : i32
      %ge3A_430 = vector.broadcast %ge3A_429 : i32 to vector<16xi32>
      %ge3A_431 = arith.cmpi sge, %get3A_428, %ge3A_430 : vector<16xi32>
      %lt3A_432 = arith.constant 49152 : i32
      %lt3A_433 = vector.broadcast %lt3A_432 : i32 to vector<16xi32>
      %lt3A_434 = arith.cmpi slt, %get3A_428, %lt3A_433 : vector<16xi32>
      %and3A_435 = arith.andi %ge3A_431, %lt3A_434 : vector<16xi1>
      %sub3A_436 = arith.constant 32768 : i32
      %sub3A_437 = vector.broadcast %sub3A_436 : i32 to vector<16xi32>
      %sub3A_438 = arith.subi %get3A_428, %sub3A_437 : vector<16xi32>
      %and3A_439 = arith.constant 16383 : i32
      %and3A_440 = vector.broadcast %and3A_439 : i32 to vector<16xi32>
      %and3A_441 = arith.andi %sub3A_438, %and3A_440 : vector<16xi32>
      tpu.vector_store_idx %arg11[%and3A_441], %max3A_426 masked %and3A_435 : memref<16384xf32, #tpu.memory_space<vmem>>[vector<16xi32>], vector<16xf32>, vector<16xi1>
      %get3A_442 = arith.constant 16 : index
      %get3A_443 = tpu.vector_load %arg9[%get3A_442] {strides = array<i32>} : memref<64xi32, #tpu.memory_space<vmem>>, vector<16xi32>,
      %bitcast_convert_type3A_444 = tpu.bitcast %get3A_443 : vector<16xi32> -> vector<16xi32>
      %bitcast_convert_type3A_445 = tpu.bitcast %bitcast_convert_type3A_444 : vector<16xi32> -> vector<16xi32>
      %lt3A_446 = arith.constant 0 : i32
      %lt3A_447 = vector.broadcast %lt3A_446 : i32 to vector<16xi32>
      %lt3A_448 = arith.cmpi slt, %bitcast_convert_type3A_445, %lt3A_447 : vector<16xi32>
      %xor3A_449 = arith.constant -2147483648 : i32
      %xor3A_450 = vector.broadcast %xor3A_449 : i32 to vector<16xi32>
      %xor3A_451 = arith.xori %bitcast_convert_type3A_445, %xor3A_450 : vector<16xi32>
      %not3A_452 = arith.constant dense<-1> : vector<16xi32>
      %not3A_453 = arith.xori %bitcast_convert_type3A_445, %not3A_452 : vector<16xi32>
      %select_n3A_454 = arith.select %lt3A_448, %xor3A_451, %not3A_453 : vector<16xi1>, vector<16xi32>
      %bitcast_convert_type3A_455 = tpu.bitcast %select_n3A_454 : vector<16xi32> -> vector<16xf32>
      %max3A_456 = arith.constant 0.000000e+00 : f32
      %max3A_457 = vector.broadcast %max3A_456 : f32 to vector<16xf32>
      %max3A_458 = arith.maximumf %bitcast_convert_type3A_455, %max3A_457 : vector<16xf32>
      %get3A_459 = arith.constant 16 : index
      %get3A_460 = tpu.vector_load %arg10[%get3A_459] {strides = array<i32>} : memref<64xi32, #tpu.memory_space<vmem>>, vector<16xi32>,
      %ge3A_461 = arith.constant 32768 : i32
      %ge3A_462 = vector.broadcast %ge3A_461 : i32 to vector<16xi32>
      %ge3A_463 = arith.cmpi sge, %get3A_460, %ge3A_462 : vector<16xi32>
      %lt3A_464 = arith.constant 49152 : i32
      %lt3A_465 = vector.broadcast %lt3A_464 : i32 to vector<16xi32>
      %lt3A_466 = arith.cmpi slt, %get3A_460, %lt3A_465 : vector<16xi32>
      %and3A_467 = arith.andi %ge3A_463, %lt3A_466 : vector<16xi1>
      %sub3A_468 = arith.constant 32768 : i32
      %sub3A_469 = vector.broadcast %sub3A_468 : i32 to vector<16xi32>
      %sub3A_470 = arith.subi %get3A_460, %sub3A_469 : vector<16xi32>
      %and3A_471 = arith.constant 16383 : i32
      %and3A_472 = vector.broadcast %and3A_471 : i32 to vector<16xi32>
      %and3A_473 = arith.andi %sub3A_470, %and3A_472 : vector<16xi32>
      tpu.vector_store_idx %arg11[%and3A_473], %max3A_458 masked %and3A_467 : memref<16384xf32, #tpu.memory_space<vmem>>[vector<16xi32>], vector<16xf32>, vector<16xi1>
      %get3A_474 = arith.constant 32 : index
      %get3A_475 = tpu.vector_load %arg9[%get3A_474] {strides = array<i32>} : memref<64xi32, #tpu.memory_space<vmem>>, vector<16xi32>,
      %bitcast_convert_type3A_476 = tpu.bitcast %get3A_475 : vector<16xi32> -> vector<16xi32>
      %bitcast_convert_type3A_477 = tpu.bitcast %bitcast_convert_type3A_476 : vector<16xi32> -> vector<16xi32>
      %lt3A_478 = arith.constant 0 : i32
      %lt3A_479 = vector.broadcast %lt3A_478 : i32 to vector<16xi32>
      %lt3A_480 = arith.cmpi slt, %bitcast_convert_type3A_477, %lt3A_479 : vector<16xi32>
      %xor3A_481 = arith.constant -2147483648 : i32
      %xor3A_482 = vector.broadcast %xor3A_481 : i32 to vector<16xi32>
      %xor3A_483 = arith.xori %bitcast_convert_type3A_477, %xor3A_482 : vector<16xi32>
      %not3A_484 = arith.constant dense<-1> : vector<16xi32>
      %not3A_485 = arith.xori %bitcast_convert_type3A_477, %not3A_484 : vector<16xi32>
      %select_n3A_486 = arith.select %lt3A_480, %xor3A_483, %not3A_485 : vector<16xi1>, vector<16xi32>
      %bitcast_convert_type3A_487 = tpu.bitcast %select_n3A_486 : vector<16xi32> -> vector<16xf32>
      %max3A_488 = arith.constant 0.000000e+00 : f32
      %max3A_489 = vector.broadcast %max3A_488 : f32 to vector<16xf32>
      %max3A_490 = arith.maximumf %bitcast_convert_type3A_487, %max3A_489 : vector<16xf32>
      %get3A_491 = arith.constant 32 : index
      %get3A_492 = tpu.vector_load %arg10[%get3A_491] {strides = array<i32>} : memref<64xi32, #tpu.memory_space<vmem>>, vector<16xi32>,
      %ge3A_493 = arith.constant 32768 : i32
      %ge3A_494 = vector.broadcast %ge3A_493 : i32 to vector<16xi32>
      %ge3A_495 = arith.cmpi sge, %get3A_492, %ge3A_494 : vector<16xi32>
      %lt3A_496 = arith.constant 49152 : i32
      %lt3A_497 = vector.broadcast %lt3A_496 : i32 to vector<16xi32>
      %lt3A_498 = arith.cmpi slt, %get3A_492, %lt3A_497 : vector<16xi32>
      %and3A_499 = arith.andi %ge3A_495, %lt3A_498 : vector<16xi1>
      %sub3A_500 = arith.constant 32768 : i32
      %sub3A_501 = vector.broadcast %sub3A_500 : i32 to vector<16xi32>
      %sub3A_502 = arith.subi %get3A_492, %sub3A_501 : vector<16xi32>
      %and3A_503 = arith.constant 16383 : i32
      %and3A_504 = vector.broadcast %and3A_503 : i32 to vector<16xi32>
      %and3A_505 = arith.andi %sub3A_502, %and3A_504 : vector<16xi32>
      tpu.vector_store_idx %arg11[%and3A_505], %max3A_490 masked %and3A_499 : memref<16384xf32, #tpu.memory_space<vmem>>[vector<16xi32>], vector<16xf32>, vector<16xi1>
      %get3A_506 = arith.constant 48 : index
      %get3A_507 = tpu.vector_load %arg9[%get3A_506] {strides = array<i32>} : memref<64xi32, #tpu.memory_space<vmem>>, vector<16xi32>,
      %bitcast_convert_type3A_508 = tpu.bitcast %get3A_507 : vector<16xi32> -> vector<16xi32>
      %bitcast_convert_type3A_509 = tpu.bitcast %bitcast_convert_type3A_508 : vector<16xi32> -> vector<16xi32>
      %lt3A_510 = arith.constant 0 : i32
      %lt3A_511 = vector.broadcast %lt3A_510 : i32 to vector<16xi32>
      %lt3A_512 = arith.cmpi slt, %bitcast_convert_type3A_509, %lt3A_511 : vector<16xi32>
      %xor3A_513 = arith.constant -2147483648 : i32
      %xor3A_514 = vector.broadcast %xor3A_513 : i32 to vector<16xi32>
      %xor3A_515 = arith.xori %bitcast_convert_type3A_509, %xor3A_514 : vector<16xi32>
      %not3A_516 = arith.constant dense<-1> : vector<16xi32>
      %not3A_517 = arith.xori %bitcast_convert_type3A_509, %not3A_516 : vector<16xi32>
      %select_n3A_518 = arith.select %lt3A_512, %xor3A_515, %not3A_517 : vector<16xi1>, vector<16xi32>
      %bitcast_convert_type3A_519 = tpu.bitcast %select_n3A_518 : vector<16xi32> -> vector<16xf32>
      %max3A_520 = arith.constant 0.000000e+00 : f32
      %max3A_521 = vector.broadcast %max3A_520 : f32 to vector<16xf32>
      %max3A_522 = arith.maximumf %bitcast_convert_type3A_519, %max3A_521 : vector<16xf32>
      %get3A_523 = arith.constant 48 : index
      %get3A_524 = tpu.vector_load %arg10[%get3A_523] {strides = array<i32>} : memref<64xi32, #tpu.memory_space<vmem>>, vector<16xi32>,
      %ge3A_525 = arith.constant 32768 : i32
      %ge3A_526 = vector.broadcast %ge3A_525 : i32 to vector<16xi32>
      %ge3A_527 = arith.cmpi sge, %get3A_524, %ge3A_526 : vector<16xi32>
      %lt3A_528 = arith.constant 49152 : i32
      %lt3A_529 = vector.broadcast %lt3A_528 : i32 to vector<16xi32>
      %lt3A_530 = arith.cmpi slt, %get3A_524, %lt3A_529 : vector<16xi32>
      %and3A_531 = arith.andi %ge3A_527, %lt3A_530 : vector<16xi1>
      %sub3A_532 = arith.constant 32768 : i32
      %sub3A_533 = vector.broadcast %sub3A_532 : i32 to vector<16xi32>
      %sub3A_534 = arith.subi %get3A_524, %sub3A_533 : vector<16xi32>
      %and3A_535 = arith.constant 16383 : i32
      %and3A_536 = vector.broadcast %and3A_535 : i32 to vector<16xi32>
      %and3A_537 = arith.andi %sub3A_534, %and3A_536 : vector<16xi32>
      tpu.vector_store_idx %arg11[%and3A_537], %max3A_522 masked %and3A_531 : memref<16384xf32, #tpu.memory_space<vmem>>[vector<16xi32>], vector<16xf32>, vector<16xi1>
      "tpu.region"() ({
        %run_scoped3A = tpu.sem_alloc : memref<!tpu.dma_semaphore, #tpu.memory_space<semaphore_mem>>
        %dma_start3A_667 = arith.constant 32768 : i32
        %dma_start3A_668 = tpu.memref_slice %arg3[%add3A_19, %dma_start3A_667] : memref<128x65536xf32, #tpu.memory_space<hbm>> -> memref<1x16384xf32, #tpu.memory_space<hbm>>
        %dma_start3A_669 = tpu.memref_squeeze %dma_start3A_668 : memref<1x16384xf32, #tpu.memory_space<hbm>> -> memref<16384xf32, #tpu.memory_space<hbm>>
        %dma_start3A_670 = arith.constant 32768 : i32
        %dma_start3A_671 = tpu.memref_slice %arg3[%add3A_19, %dma_start3A_670] : memref<128x65536xf32, #tpu.memory_space<hbm>> -> memref<1x16384xf32, #tpu.memory_space<hbm>>
        %dma_start3A_672 = tpu.memref_squeeze %dma_start3A_671 : memref<1x16384xf32, #tpu.memory_space<hbm>> -> memref<16384xf32, #tpu.memory_space<hbm>>
        tpu.enqueue_dma source(%arg11 : memref<16384xf32, #tpu.memory_space<vmem>>) target(%dma_start3A_672 : memref<16384xf32, #tpu.memory_space<hbm>>) target_semaphore(%run_scoped3A : memref<!tpu.dma_semaphore, #tpu.memory_space<semaphore_mem>>)
        %dma_wait3A_673 = arith.constant 32768 : i32
        %dma_wait3A_674 = tpu.memref_slice %arg3[%add3A_19, %dma_wait3A_673] : memref<128x65536xf32, #tpu.memory_space<hbm>> -> memref<1x16384xf32, #tpu.memory_space<hbm>>
        %dma_wait3A_675 = tpu.memref_squeeze %dma_wait3A_674 : memref<1x16384xf32, #tpu.memory_space<hbm>> -> memref<16384xf32, #tpu.memory_space<hbm>>
        %dma_wait3A_676 = arith.constant 32768 : i32
        %dma_wait3A_677 = tpu.memref_slice %arg3[%add3A_19, %dma_wait3A_676] : memref<128x65536xf32, #tpu.memory_space<hbm>> -> memref<1x16384xf32, #tpu.memory_space<hbm>>
        %dma_wait3A_678 = tpu.memref_squeeze %dma_wait3A_677 : memref<1x16384xf32, #tpu.memory_space<hbm>> -> memref<16384xf32, #tpu.memory_space<hbm>>
        tpu.wait_dma2 semaphore(%run_scoped3A : memref<!tpu.dma_semaphore, #tpu.memory_space<semaphore_mem>>) src(%arg11 : memref<16384xf32, #tpu.memory_space<vmem>>) dst(%dma_wait3A_678 : memref<16384xf32, #tpu.memory_space<hbm>>)
        tpu.yield
      }) : () -> ()
      tpu.vector_store_idx %arg11[%and3A_441], %broadcast_in_dim3A_6 masked %and3A_435 : memref<16384xf32, #tpu.memory_space<vmem>>[vector<16xi32>], vector<16xf32>, vector<16xi1>
      tpu.vector_store_idx %arg11[%and3A_473], %broadcast_in_dim3A_6 masked %and3A_467 : memref<16384xf32, #tpu.memory_space<vmem>>[vector<16xi32>], vector<16xf32>, vector<16xi1>
      tpu.vector_store_idx %arg11[%and3A_505], %broadcast_in_dim3A_6 masked %and3A_499 : memref<16384xf32, #tpu.memory_space<vmem>>[vector<16xi32>], vector<16xf32>, vector<16xi1>
      tpu.vector_store_idx %arg11[%and3A_537], %broadcast_in_dim3A_6 masked %and3A_531 : memref<16384xf32, #tpu.memory_space<vmem>>[vector<16xi32>], vector<16xf32>, vector<16xi1>
      %get3A_538 = arith.constant 0 : index
      %get3A_539 = tpu.vector_load %arg9[%get3A_538] {strides = array<i32>} : memref<64xi32, #tpu.memory_space<vmem>>, vector<16xi32>,
      %bitcast_convert_type3A_540 = tpu.bitcast %get3A_539 : vector<16xi32> -> vector<16xi32>
      %bitcast_convert_type3A_541 = tpu.bitcast %bitcast_convert_type3A_540 : vector<16xi32> -> vector<16xi32>
      %lt3A_542 = arith.constant 0 : i32
      %lt3A_543 = vector.broadcast %lt3A_542 : i32 to vector<16xi32>
      %lt3A_544 = arith.cmpi slt, %bitcast_convert_type3A_541, %lt3A_543 : vector<16xi32>
      %xor3A_545 = arith.constant -2147483648 : i32
      %xor3A_546 = vector.broadcast %xor3A_545 : i32 to vector<16xi32>
      %xor3A_547 = arith.xori %bitcast_convert_type3A_541, %xor3A_546 : vector<16xi32>
      %not3A_548 = arith.constant dense<-1> : vector<16xi32>
      %not3A_549 = arith.xori %bitcast_convert_type3A_541, %not3A_548 : vector<16xi32>
      %select_n3A_550 = arith.select %lt3A_544, %xor3A_547, %not3A_549 : vector<16xi1>, vector<16xi32>
      %bitcast_convert_type3A_551 = tpu.bitcast %select_n3A_550 : vector<16xi32> -> vector<16xf32>
      %max3A_552 = arith.constant 0.000000e+00 : f32
      %max3A_553 = vector.broadcast %max3A_552 : f32 to vector<16xf32>
      %max3A_554 = arith.maximumf %bitcast_convert_type3A_551, %max3A_553 : vector<16xf32>
      %get3A_555 = arith.constant 0 : index
      %get3A_556 = tpu.vector_load %arg10[%get3A_555] {strides = array<i32>} : memref<64xi32, #tpu.memory_space<vmem>>, vector<16xi32>,
      %ge3A_557 = arith.constant 49152 : i32
      %ge3A_558 = vector.broadcast %ge3A_557 : i32 to vector<16xi32>
      %ge3A_559 = arith.cmpi sge, %get3A_556, %ge3A_558 : vector<16xi32>
      %lt3A_560 = arith.constant 65536 : i32
      %lt3A_561 = vector.broadcast %lt3A_560 : i32 to vector<16xi32>
      %lt3A_562 = arith.cmpi slt, %get3A_556, %lt3A_561 : vector<16xi32>
      %and3A_563 = arith.andi %ge3A_559, %lt3A_562 : vector<16xi1>
      %sub3A_564 = arith.constant 49152 : i32
      %sub3A_565 = vector.broadcast %sub3A_564 : i32 to vector<16xi32>
      %sub3A_566 = arith.subi %get3A_556, %sub3A_565 : vector<16xi32>
      %and3A_567 = arith.constant 16383 : i32
      %and3A_568 = vector.broadcast %and3A_567 : i32 to vector<16xi32>
      %and3A_569 = arith.andi %sub3A_566, %and3A_568 : vector<16xi32>
      tpu.vector_store_idx %arg11[%and3A_569], %max3A_554 masked %and3A_563 : memref<16384xf32, #tpu.memory_space<vmem>>[vector<16xi32>], vector<16xf32>, vector<16xi1>
      %get3A_570 = arith.constant 16 : index
      %get3A_571 = tpu.vector_load %arg9[%get3A_570] {strides = array<i32>} : memref<64xi32, #tpu.memory_space<vmem>>, vector<16xi32>,
      %bitcast_convert_type3A_572 = tpu.bitcast %get3A_571 : vector<16xi32> -> vector<16xi32>
      %bitcast_convert_type3A_573 = tpu.bitcast %bitcast_convert_type3A_572 : vector<16xi32> -> vector<16xi32>
      %lt3A_574 = arith.constant 0 : i32
      %lt3A_575 = vector.broadcast %lt3A_574 : i32 to vector<16xi32>
      %lt3A_576 = arith.cmpi slt, %bitcast_convert_type3A_573, %lt3A_575 : vector<16xi32>
      %xor3A_577 = arith.constant -2147483648 : i32
      %xor3A_578 = vector.broadcast %xor3A_577 : i32 to vector<16xi32>
      %xor3A_579 = arith.xori %bitcast_convert_type3A_573, %xor3A_578 : vector<16xi32>
      %not3A_580 = arith.constant dense<-1> : vector<16xi32>
      %not3A_581 = arith.xori %bitcast_convert_type3A_573, %not3A_580 : vector<16xi32>
      %select_n3A_582 = arith.select %lt3A_576, %xor3A_579, %not3A_581 : vector<16xi1>, vector<16xi32>
      %bitcast_convert_type3A_583 = tpu.bitcast %select_n3A_582 : vector<16xi32> -> vector<16xf32>
      %max3A_584 = arith.constant 0.000000e+00 : f32
      %max3A_585 = vector.broadcast %max3A_584 : f32 to vector<16xf32>
      %max3A_586 = arith.maximumf %bitcast_convert_type3A_583, %max3A_585 : vector<16xf32>
      %get3A_587 = arith.constant 16 : index
      %get3A_588 = tpu.vector_load %arg10[%get3A_587] {strides = array<i32>} : memref<64xi32, #tpu.memory_space<vmem>>, vector<16xi32>,
      %ge3A_589 = arith.constant 49152 : i32
      %ge3A_590 = vector.broadcast %ge3A_589 : i32 to vector<16xi32>
      %ge3A_591 = arith.cmpi sge, %get3A_588, %ge3A_590 : vector<16xi32>
      %lt3A_592 = arith.constant 65536 : i32
      %lt3A_593 = vector.broadcast %lt3A_592 : i32 to vector<16xi32>
      %lt3A_594 = arith.cmpi slt, %get3A_588, %lt3A_593 : vector<16xi32>
      %and3A_595 = arith.andi %ge3A_591, %lt3A_594 : vector<16xi1>
      %sub3A_596 = arith.constant 49152 : i32
      %sub3A_597 = vector.broadcast %sub3A_596 : i32 to vector<16xi32>
      %sub3A_598 = arith.subi %get3A_588, %sub3A_597 : vector<16xi32>
      %and3A_599 = arith.constant 16383 : i32
      %and3A_600 = vector.broadcast %and3A_599 : i32 to vector<16xi32>
      %and3A_601 = arith.andi %sub3A_598, %and3A_600 : vector<16xi32>
      tpu.vector_store_idx %arg11[%and3A_601], %max3A_586 masked %and3A_595 : memref<16384xf32, #tpu.memory_space<vmem>>[vector<16xi32>], vector<16xf32>, vector<16xi1>
      %get3A_602 = arith.constant 32 : index
      %get3A_603 = tpu.vector_load %arg9[%get3A_602] {strides = array<i32>} : memref<64xi32, #tpu.memory_space<vmem>>, vector<16xi32>,
      %bitcast_convert_type3A_604 = tpu.bitcast %get3A_603 : vector<16xi32> -> vector<16xi32>
      %bitcast_convert_type3A_605 = tpu.bitcast %bitcast_convert_type3A_604 : vector<16xi32> -> vector<16xi32>
      %lt3A_606 = arith.constant 0 : i32
      %lt3A_607 = vector.broadcast %lt3A_606 : i32 to vector<16xi32>
      %lt3A_608 = arith.cmpi slt, %bitcast_convert_type3A_605, %lt3A_607 : vector<16xi32>
      %xor3A_609 = arith.constant -2147483648 : i32
      %xor3A_610 = vector.broadcast %xor3A_609 : i32 to vector<16xi32>
      %xor3A_611 = arith.xori %bitcast_convert_type3A_605, %xor3A_610 : vector<16xi32>
      %not3A_612 = arith.constant dense<-1> : vector<16xi32>
      %not3A_613 = arith.xori %bitcast_convert_type3A_605, %not3A_612 : vector<16xi32>
      %select_n3A_614 = arith.select %lt3A_608, %xor3A_611, %not3A_613 : vector<16xi1>, vector<16xi32>
      %bitcast_convert_type3A_615 = tpu.bitcast %select_n3A_614 : vector<16xi32> -> vector<16xf32>
      %max3A_616 = arith.constant 0.000000e+00 : f32
      %max3A_617 = vector.broadcast %max3A_616 : f32 to vector<16xf32>
      %max3A_618 = arith.maximumf %bitcast_convert_type3A_615, %max3A_617 : vector<16xf32>
      %get3A_619 = arith.constant 32 : index
      %get3A_620 = tpu.vector_load %arg10[%get3A_619] {strides = array<i32>} : memref<64xi32, #tpu.memory_space<vmem>>, vector<16xi32>,
      %ge3A_621 = arith.constant 49152 : i32
      %ge3A_622 = vector.broadcast %ge3A_621 : i32 to vector<16xi32>
      %ge3A_623 = arith.cmpi sge, %get3A_620, %ge3A_622 : vector<16xi32>
      %lt3A_624 = arith.constant 65536 : i32
      %lt3A_625 = vector.broadcast %lt3A_624 : i32 to vector<16xi32>
      %lt3A_626 = arith.cmpi slt, %get3A_620, %lt3A_625 : vector<16xi32>
      %and3A_627 = arith.andi %ge3A_623, %lt3A_626 : vector<16xi1>
      %sub3A_628 = arith.constant 49152 : i32
      %sub3A_629 = vector.broadcast %sub3A_628 : i32 to vector<16xi32>
      %sub3A_630 = arith.subi %get3A_620, %sub3A_629 : vector<16xi32>
      %and3A_631 = arith.constant 16383 : i32
      %and3A_632 = vector.broadcast %and3A_631 : i32 to vector<16xi32>
      %and3A_633 = arith.andi %sub3A_630, %and3A_632 : vector<16xi32>
      tpu.vector_store_idx %arg11[%and3A_633], %max3A_618 masked %and3A_627 : memref<16384xf32, #tpu.memory_space<vmem>>[vector<16xi32>], vector<16xf32>, vector<16xi1>
      %get3A_634 = arith.constant 48 : index
      %get3A_635 = tpu.vector_load %arg9[%get3A_634] {strides = array<i32>} : memref<64xi32, #tpu.memory_space<vmem>>, vector<16xi32>,
      %bitcast_convert_type3A_636 = tpu.bitcast %get3A_635 : vector<16xi32> -> vector<16xi32>
      %bitcast_convert_type3A_637 = tpu.bitcast %bitcast_convert_type3A_636 : vector<16xi32> -> vector<16xi32>
      %lt3A_638 = arith.constant 0 : i32
      %lt3A_639 = vector.broadcast %lt3A_638 : i32 to vector<16xi32>
      %lt3A_640 = arith.cmpi slt, %bitcast_convert_type3A_637, %lt3A_639 : vector<16xi32>
      %xor3A_641 = arith.constant -2147483648 : i32
      %xor3A_642 = vector.broadcast %xor3A_641 : i32 to vector<16xi32>
      %xor3A_643 = arith.xori %bitcast_convert_type3A_637, %xor3A_642 : vector<16xi32>
      %not3A_644 = arith.constant dense<-1> : vector<16xi32>
      %not3A_645 = arith.xori %bitcast_convert_type3A_637, %not3A_644 : vector<16xi32>
      %select_n3A_646 = arith.select %lt3A_640, %xor3A_643, %not3A_645 : vector<16xi1>, vector<16xi32>
      %bitcast_convert_type3A_647 = tpu.bitcast %select_n3A_646 : vector<16xi32> -> vector<16xf32>
      %max3A_648 = arith.constant 0.000000e+00 : f32
      %max3A_649 = vector.broadcast %max3A_648 : f32 to vector<16xf32>
      %max3A_650 = arith.maximumf %bitcast_convert_type3A_647, %max3A_649 : vector<16xf32>
      %get3A_651 = arith.constant 48 : index
      %get3A_652 = tpu.vector_load %arg10[%get3A_651] {strides = array<i32>} : memref<64xi32, #tpu.memory_space<vmem>>, vector<16xi32>,
      %ge3A_653 = arith.constant 49152 : i32
      %ge3A_654 = vector.broadcast %ge3A_653 : i32 to vector<16xi32>
      %ge3A_655 = arith.cmpi sge, %get3A_652, %ge3A_654 : vector<16xi32>
      %lt3A_656 = arith.constant 65536 : i32
      %lt3A_657 = vector.broadcast %lt3A_656 : i32 to vector<16xi32>
      %lt3A_658 = arith.cmpi slt, %get3A_652, %lt3A_657 : vector<16xi32>
      %and3A_659 = arith.andi %ge3A_655, %lt3A_658 : vector<16xi1>
      %sub3A_660 = arith.constant 49152 : i32
      %sub3A_661 = vector.broadcast %sub3A_660 : i32 to vector<16xi32>
      %sub3A_662 = arith.subi %get3A_652, %sub3A_661 : vector<16xi32>
      %and3A_663 = arith.constant 16383 : i32
      %and3A_664 = vector.broadcast %and3A_663 : i32 to vector<16xi32>
      %and3A_665 = arith.andi %sub3A_662, %and3A_664 : vector<16xi32>
      tpu.vector_store_idx %arg11[%and3A_665], %max3A_650 masked %and3A_659 : memref<16384xf32, #tpu.memory_space<vmem>>[vector<16xi32>], vector<16xf32>, vector<16xi1>
      "tpu.region"() ({
        %run_scoped3A = tpu.sem_alloc : memref<!tpu.dma_semaphore, #tpu.memory_space<semaphore_mem>>
        %dma_start3A_667 = arith.constant 49152 : i32
        %dma_start3A_668 = tpu.memref_slice %arg3[%add3A_19, %dma_start3A_667] : memref<128x65536xf32, #tpu.memory_space<hbm>> -> memref<1x16384xf32, #tpu.memory_space<hbm>>
        %dma_start3A_669 = tpu.memref_squeeze %dma_start3A_668 : memref<1x16384xf32, #tpu.memory_space<hbm>> -> memref<16384xf32, #tpu.memory_space<hbm>>
        %dma_start3A_670 = arith.constant 49152 : i32
        %dma_start3A_671 = tpu.memref_slice %arg3[%add3A_19, %dma_start3A_670] : memref<128x65536xf32, #tpu.memory_space<hbm>> -> memref<1x16384xf32, #tpu.memory_space<hbm>>
        %dma_start3A_672 = tpu.memref_squeeze %dma_start3A_671 : memref<1x16384xf32, #tpu.memory_space<hbm>> -> memref<16384xf32, #tpu.memory_space<hbm>>
        tpu.enqueue_dma source(%arg11 : memref<16384xf32, #tpu.memory_space<vmem>>) target(%dma_start3A_672 : memref<16384xf32, #tpu.memory_space<hbm>>) target_semaphore(%run_scoped3A : memref<!tpu.dma_semaphore, #tpu.memory_space<semaphore_mem>>)
        %dma_wait3A_673 = arith.constant 49152 : i32
        %dma_wait3A_674 = tpu.memref_slice %arg3[%add3A_19, %dma_wait3A_673] : memref<128x65536xf32, #tpu.memory_space<hbm>> -> memref<1x16384xf32, #tpu.memory_space<hbm>>
        %dma_wait3A_675 = tpu.memref_squeeze %dma_wait3A_674 : memref<1x16384xf32, #tpu.memory_space<hbm>> -> memref<16384xf32, #tpu.memory_space<hbm>>
        %dma_wait3A_676 = arith.constant 49152 : i32
        %dma_wait3A_677 = tpu.memref_slice %arg3[%add3A_19, %dma_wait3A_676] : memref<128x65536xf32, #tpu.memory_space<hbm>> -> memref<1x16384xf32, #tpu.memory_space<hbm>>
        %dma_wait3A_678 = tpu.memref_squeeze %dma_wait3A_677 : memref<1x16384xf32, #tpu.memory_space<hbm>> -> memref<16384xf32, #tpu.memory_space<hbm>>
        tpu.wait_dma2 semaphore(%run_scoped3A : memref<!tpu.dma_semaphore, #tpu.memory_space<semaphore_mem>>) src(%arg11 : memref<16384xf32, #tpu.memory_space<vmem>>) dst(%dma_wait3A_678 : memref<16384xf32, #tpu.memory_space<hbm>>)
        tpu.yield
      }) : () -> ()
      tpu.vector_store_idx %arg11[%and3A_569], %broadcast_in_dim3A_6 masked %and3A_563 : memref<16384xf32, #tpu.memory_space<vmem>>[vector<16xi32>], vector<16xf32>, vector<16xi1>
      tpu.vector_store_idx %arg11[%and3A_601], %broadcast_in_dim3A_6 masked %and3A_595 : memref<16384xf32, #tpu.memory_space<vmem>>[vector<16xi32>], vector<16xf32>, vector<16xi1>
      tpu.vector_store_idx %arg11[%and3A_633], %broadcast_in_dim3A_6 masked %and3A_627 : memref<16384xf32, #tpu.memory_space<vmem>>[vector<16xi32>], vector<16xf32>, vector<16xi1>
      tpu.vector_store_idx %arg11[%and3A_665], %broadcast_in_dim3A_6 masked %and3A_659 : memref<16384xf32, #tpu.memory_space<vmem>>[vector<16xi32>], vector<16xf32>, vector<16xi1>
      %scan3A_666 = arith.constant 0 : i32
      scf.yield %scan3A_666 : i32
    }
    %scan3A_14 = arith.constant 4 : i32
    return
  }
}

module attributes {stable_mosaic.version = 14 : i64} {
  func.func @_dec_body(%arg0: i32, %arg1: memref<128x4096xf32, #tpu.memory_space<vmem>>, %arg2: memref<768x4096xf32, #tpu.memory_space<vmem>>, %arg3: memref<768xf32, #tpu.memory_space<vmem>>, %arg4: memref<128x768xf32, #tpu.memory_space<vmem>>) attributes {dimension_semantics = [#tpu.dimension_semantics<arbitrary>], iteration_bounds = array<i64: 16>, scalar_prefetch = 0 : i64, scratch_operands = 0 : i64, tpu.core_type = #tpu.core_type<tc>, window_params = [{transform_indices = @transform_0, window_bounds = array<i64: 128, 4096>}, {transform_indices = @transform_1, window_bounds = array<i64: 768, 4096>}, {pipeline_mode = #tpu.pipeline_mode<synchronous>, transform_indices = @transform_2, window_bounds = array<i64: 768>}, {pipeline_mode = #tpu.pipeline_mode<synchronous>, transform_indices = @transform_3, window_bounds = array<i64: 128, 768>}]} {
    %get3A = arith.constant 0 : index
    %get3A_0 = arith.constant 0 : index
    %get3A_1 = vector.load %arg1[%get3A, %get3A_0] : memref<128x4096xf32, #tpu.memory_space<vmem>>, vector<128x4096xf32>
    %get3A_2 = arith.constant 0 : index
    %get3A_3 = arith.constant 0 : index
    %get3A_4 = vector.load %arg2[%get3A_2, %get3A_3] : memref<768x4096xf32, #tpu.memory_space<vmem>>, vector<768x4096xf32>
    %dot_general3A = arith.constant dense<0.000000e+00> : vector<128x768xf32>
    %dot_general3A_5 = tpu.matmul %get3A_1, %get3A_4, %dot_general3A {dimension_numbers = #tpu.dot_dimension_numbers<[1], [1], [0], [0], [0, 0, 1, 0], [], []>, transpose_lhs_hint = false} : vector<128x4096xf32>, vector<768x4096xf32>, vector<128x768xf32> -> vector<128x768xf32>
    %eq3A = arith.constant 0 : i32
    %eq3A_6 = arith.cmpi eq, %arg0, %eq3A : i32
    %convert_element_type3A = arith.extui %eq3A_6 : i1 to i32
    %cond3A = arith.constant 0 : i32
    %cond3A_7 = arith.cmpi ne, %convert_element_type3A, %cond3A : i32
    scf.if %cond3A_7 {
      %get3A_12 = arith.constant 0 : index
      %get3A_13 = vector.load %arg3[%get3A_12] : memref<768xf32, #tpu.memory_space<vmem>>, vector<768xf32>
      %broadcast_in_dim3A = vector.shape_cast %get3A_13 : vector<768xf32> to vector<1x768xf32>
      %add3A = vector.broadcast %broadcast_in_dim3A : vector<1x768xf32> to vector<128x768xf32>
      %add3A_14 = arith.addf %dot_general3A_5, %add3A : vector<128x768xf32>
      %swap3A = arith.constant 0 : index
      %swap3A_15 = arith.constant 0 : index
      %swap3A_16 = vector.load %arg4[%swap3A, %swap3A_15] : memref<128x768xf32, #tpu.memory_space<vmem>>, vector<128x768xf32>
      tpu.vector_store %arg4[%swap3A, %swap3A_15], %add3A_14 {strides = array<i32>} : memref<128x768xf32, #tpu.memory_space<vmem>>, vector<128x768xf32>,
    } else {
    }
    %ne3A = arith.constant 0 : i32
    %ne3A_8 = arith.cmpi ne, %arg0, %ne3A : i32
    %convert_element_type3A_9 = arith.extui %ne3A_8 : i1 to i32
    %cond3A_10 = arith.constant 0 : i32
    %cond3A_11 = arith.cmpi ne, %convert_element_type3A_9, %cond3A_10 : i32
    scf.if %cond3A_11 {
      %get3A_12 = arith.constant 0 : index
      %get3A_13 = arith.constant 0 : index
      %get3A_14 = vector.load %arg4[%get3A_12, %get3A_13] : memref<128x768xf32, #tpu.memory_space<vmem>>, vector<128x768xf32>
      %add3A = arith.addf %get3A_14, %dot_general3A_5 : vector<128x768xf32>
      %swap3A = arith.constant 0 : index
      %swap3A_15 = arith.constant 0 : index
      %swap3A_16 = vector.load %arg4[%swap3A, %swap3A_15] : memref<128x768xf32, #tpu.memory_space<vmem>>, vector<128x768xf32>
      tpu.vector_store %arg4[%swap3A, %swap3A_15], %add3A {strides = array<i32>} : memref<128x768xf32, #tpu.memory_space<vmem>>, vector<128x768xf32>,
    } else {
    }
    return
  }
  func.func @transform_0(%arg0: i32) -> (i32, i32) {
    %c0_i32 = arith.constant 0 : i32
    %c0_i32_0 = arith.constant 0 : i32
    return %c0_i32, %arg0 : i32, i32
  }
  func.func @transform_1(%arg0: i32) -> (i32, i32) {
    %c0_i32 = arith.constant 0 : i32
    %c0_i32_0 = arith.constant 0 : i32
    return %c0_i32, %arg0 : i32, i32
  }
  func.func @transform_2(%arg0: i32) -> i32 {
    %c0_i32 = arith.constant 0 : i32
    %c0_i32_0 = arith.constant 0 : i32
    return %c0_i32 : i32
  }
  func.func @transform_3(%arg0: i32) -> (i32, i32) {
    %c0_i32 = arith.constant 0 : i32
    %c0_i32_0 = arith.constant 0 : i32
    %c0_i32_1 = arith.constant 0 : i32
    return %c0_i32, %c0_i32_0 : i32, i32
  }
}

module attributes {stable_mosaic.version = 14 : i64} {
  func.func @_enc_body(%arg0: i32, %arg1: memref<128x768xf32, #tpu.memory_space<vmem>>, %arg2: memref<768xf32, #tpu.memory_space<vmem>>, %arg3: memref<4096x768xf32, #tpu.memory_space<vmem>>, %arg4: memref<1x4096xf32, #tpu.memory_space<vmem>>, %arg5: memref<128x4096xf32, #tpu.memory_space<vmem>>) attributes {dimension_semantics = [#tpu.dimension_semantics<arbitrary>], iteration_bounds = array<i64: 16>, scalar_prefetch = 0 : i64, scratch_operands = 0 : i64, tpu.core_type = #tpu.core_type<tc>, window_params = [{pipeline_mode = #tpu.pipeline_mode<synchronous>, transform_indices = @transform_0, window_bounds = array<i64: 128, 768>}, {pipeline_mode = #tpu.pipeline_mode<synchronous>, transform_indices = @transform_1, window_bounds = array<i64: 768>}, {transform_indices = @transform_2, window_bounds = array<i64: 4096, 768>}, {transform_indices = @transform_3, window_bounds = array<i64: 1, 4096>}, {transform_indices = @transform_4, window_bounds = array<i64: 128, 4096>}]} {
    %get3A = arith.constant 0 : index
    %get3A_0 = arith.constant 0 : index
    %get3A_1 = vector.load %arg1[%get3A, %get3A_0] : memref<128x768xf32, #tpu.memory_space<vmem>>, vector<128x768xf32>
    %get3A_2 = arith.constant 0 : index
    %get3A_3 = vector.load %arg2[%get3A_2] : memref<768xf32, #tpu.memory_space<vmem>>, vector<768xf32>
    %broadcast_in_dim3A = vector.shape_cast %get3A_3 : vector<768xf32> to vector<1x768xf32>
    %sub3A = vector.broadcast %broadcast_in_dim3A : vector<1x768xf32> to vector<128x768xf32>
    %sub3A_4 = arith.subf %get3A_1, %sub3A : vector<128x768xf32>
    %get3A_5 = arith.constant 0 : index
    %get3A_6 = arith.constant 0 : index
    %get3A_7 = vector.load %arg3[%get3A_5, %get3A_6] : memref<4096x768xf32, #tpu.memory_space<vmem>>, vector<4096x768xf32>
    %dot_general3A = arith.constant dense<0.000000e+00> : vector<128x4096xf32>
    %dot_general3A_8 = tpu.matmul %sub3A_4, %get3A_7, %dot_general3A {dimension_numbers = #tpu.dot_dimension_numbers<[1], [1], [0], [0], [0, 0, 1, 0], [], []>, transpose_lhs_hint = false} : vector<128x768xf32>, vector<4096x768xf32>, vector<128x4096xf32> -> vector<128x4096xf32>
    %get3A_9 = arith.constant 0 : index
    %get3A_10 = arith.constant 0 : index
    %get3A_11 = vector.load %arg4[%get3A_9, %get3A_10] : memref<1x4096xf32, #tpu.memory_space<vmem>>, vector<1x4096xf32>
    %squeeze3A = vector.shape_cast %get3A_11 : vector<1x4096xf32> to vector<4096xf32>
    %broadcast_in_dim3A_12 = vector.shape_cast %squeeze3A : vector<4096xf32> to vector<1x4096xf32>
    %add3A = vector.broadcast %broadcast_in_dim3A_12 : vector<1x4096xf32> to vector<128x4096xf32>
    %add3A_13 = arith.addf %dot_general3A_8, %add3A : vector<128x4096xf32>
    %swap3A = arith.constant 0 : index
    %swap3A_14 = arith.constant 0 : index
    %swap3A_15 = vector.load %arg5[%swap3A, %swap3A_14] : memref<128x4096xf32, #tpu.memory_space<vmem>>, vector<128x4096xf32>
    tpu.vector_store %arg5[%swap3A, %swap3A_14], %add3A_13 {strides = array<i32>} : memref<128x4096xf32, #tpu.memory_space<vmem>>, vector<128x4096xf32>,
    return
  }
  func.func @transform_0(%arg0: i32) -> (i32, i32) {
    %c0_i32 = arith.constant 0 : i32
    %c0_i32_0 = arith.constant 0 : i32
    %c0_i32_1 = arith.constant 0 : i32
    return %c0_i32, %c0_i32_0 : i32, i32
  }
  func.func @transform_1(%arg0: i32) -> i32 {
    %c0_i32 = arith.constant 0 : i32
    %c0_i32_0 = arith.constant 0 : i32
    return %c0_i32 : i32
  }
  func.func @transform_2(%arg0: i32) -> (i32, i32) {
    %c0_i32 = arith.constant 0 : i32
    %c0_i32_0 = arith.constant 0 : i32
    return %arg0, %c0_i32 : i32, i32
  }
  func.func @transform_3(%arg0: i32) -> (i32, i32) {
    %c0_i32 = arith.constant 0 : i32
    %c0_i32_0 = arith.constant 0 : i32
    return %c0_i32, %arg0 : i32, i32
  }
  func.func @transform_4(%arg0: i32) -> (i32, i32) {
    %c0_i32 = arith.constant 0 : i32
    %c0_i32_0 = arith.constant 0 : i32
    return %c0_i32, %arg0 : i32, i32
  }
}

</mosaic_0001>

<sc_bundles>
// kernel: kernel.5.cloned.1.call-start
scs
__scs_entry_jumppad:
0x0: {  	(pc) =	sbr.rel $0x88, $3  }
0x1: {  	(tag) =	ssettag $0x0;
	lr =	simm.s32 $0x1  }
0x2: {  	[smem:$0x3F9C] =	sst lr;
	_ =	strace $0xD0000000  }
0x3: {  	_ = 	snop  }
0x4: {  	_ = 	snop  }
0x5: {  	_ = 	snop  }
0x6: {  	_ = 	snop  }
0x7: {  	_ = 	snop  }
__scs_overlays_trampoline_lowered:
0x8: {  	[smem:$0x3FAB] =	sst s0  }
0x9: {  	[smem:$0x3FAC] =	sst s1  }
0xa: {  	[smem:$0x3FAD] =	sst s2  }
0xb: {  	[smem:$0x3FAE] =	sst s3  }
0xc: {  	[smem:$0x3FAF] =	sst s4  }
0xd: {  	[smem:$0x3FB0] =	sst s5  }
0xe: {  	[smem:$0x3FB1] =	sst s6  }
0xf: {  	[smem:$0x3FB2] =	sst s7  }
0x10: {  	[smem:$0x3FB3] =	sst s8  }
0x11: {  	[smem:$0x3FB4] =	sst s9;
	s0 =	simm.s32 @!p0 $0x0  }
0x12: {  	s1 =	sld [smem:$0x3F9A];
	s0 =	simm.s32 @p0 $0x1  }
0x13: {  	[smem:$0x3FB5] =	sst s0;
	s0 =	simm.s32 @!p1 $0x0  }
0x14: {  	s2 =	sld [smem:$0x3F99];
	s0 =	simm.s32 @p1 $0x1  }
0x15: {  	[smem:$0x3FB6] =	sst s0;
	s0 =	simm.s32 @!p2 $0x0  }
0x16: {  	s3 =	sld [smem:$0x3FDB];
	s0 =	simm.s32 @p2 $0x1  }
0x17: {  	s4 =	simm.s32 $0x1BF5;
	[smem:$0x3FB8] =	sst s0  }
0x18: {  	s0 =	sld [smem:$0x3F9B];
	_ =	swait.ge [sflag:s4], $0x0  }
0x19: {  	s7 =	sld [smem:$0x3F9C]  }
0x1a: {  	s8 =	sadd.s32 $0xFFFFE003, lr  }
0x1b: {  	s9 =	sadd.s32 $0xFFFFFEF7, lr;
	s5 =	simm.s32 $0xFFFFFFFF;
	p2 =	slt.u32 s8, $0xFFFFF086  }
0x1c: {  	p1 =	slt.u32 s9, $0xF7A;
	s5 =	simm.s32 @!p2 $0x0  }
0x1d: {  	s5 =	simm.s32 @p1 $0x1;
	p0 =	seq.s32 s7, s2  }
0x1e: {  	s7 =	smul.u32 @!p0 $0xF7A, s2;
	p2 =	seq.s32 @!p0 s5, $0x0  }
0x1f: {  	s9 =	smul.u32 $0xF7A, s1;
	s8 =	simm.s32 @!p0 $0x1BF5;
	p2 =	por !p2, p0  }
0x20: {  	[sflag:s8] =	ssyncset.s32 @!p0 $0xFFFFF086;
	s6 =	sadd.s32 @!p0 s3, s7;
	s7 =	simm.s32 @!p0 $0x108  }
0x21: {  	s3 =	sadd.s32 s3, s9;
	s6 =	sadd.s32 @!p0 $0x88, s6;
	s7 =	simm.s32 @p2 $0x1082  }
0x22: {  	[simem:s7], [sflag:s8] =	dma.local @!p0 [hbm:s6], $0xF7A  }
0x23: {  	s9 =	sor.u32 $0xD0000000, s2;
	s6 =	simm.s32 $0x108;
	_ =	swait.ge @!p0 [sflag:s8], $0x0  }
0x24: {  	s3 =	sadd.s32 $0x88, s3;
	s6 =	simm.s32 @!p1 $0x1082;
	[sflag:s4] =	ssyncset.s32 $0xFFFFF086  }
0x25: {  	[simem:s6], [sflag:s4] =	dma.local [hbm:s3], $0xF7A  }
0x26: {  	[smem:$0x3F9C] =	sst s1;
	(tag) =	ssettag s2;
	_ =	strace s9  }
0x27: {  	s1 =	sld [smem:$0x3FAC]  }
0x28: {  	s2 =	sld [smem:$0x3FAD]  }
0x29: {  	s4 =	sld [smem:$0x3FAF]  }
0x2a: {  	p0 =	seq.s32 s5, $0x0;
	s5 =	sld [smem:$0x3FB0]  }
0x2b: {  	s6 =	sld [smem:$0x3FB1]  }
0x2c: {  	s7 =	sld [smem:$0x3FB2]  }
0x2d: {  	s3 =	simm.s32 $0x108;
	s8 =	sld [smem:$0x3FB3]  }
0x2e: {  	s3 =	simm.s32 @!p0 $0x1082;
	s9 =	sld [smem:$0x3FB4]  }
0x2f: {  	lr =	sadd.s32 s0, s3;
	s0 =	sld [smem:$0x3FAB]  }
0x30: {  	s3 =	sld [smem:$0x3FAE]  }
0x31: {  	[smem:$0x3FB7] =	sst s10  }
0x32: {  	s10 =	sld [smem:$0x3FB5];
	_ =	sdelay $0x3  }
0x33: {  	p0 =	seq.s32 s10, $0x1;
	s10 =	sld [smem:$0x3FB7];
	_ =	sdelay $0x3  }
0x34: {  	[smem:$0x3FB7] =	sst s10  }
0x35: {  	s10 =	sld [smem:$0x3FB6];
	_ =	sdelay $0x3  }
0x36: {  	p1 =	seq.s32 s10, $0x1;
	s10 =	sld [smem:$0x3FB7];
	_ =	sdelay $0x3  }
0x37: {  	[smem:$0x3FB7] =	sst s10  }
0x38: {  	s10 =	sld [smem:$0x3FB8]  }
0x39: {  	_ = 	snop;
	(pc) =	sbr.ind lr, $3  }
0x3a: {  	_ = 	snop  }
0x3b: {  	_ = 	snop  }
0x3c: {  	p2 =	seq.s32 s10, $0x1;
	s10 =	sld [smem:$0x3FB7]  }
0x3d: {  	_ =	shalt  }
0x3e: {  	_ =	shalt  }
0x3f: {  	_ =	shalt  }
0x40: {  	_ =	shalt  }
0x41: {  	_ =	shalt  }
0x42: {  	_ =	shalt  }
0x43: {  	_ =	shalt  }
0x44: {  	_ =	shalt  }
0x45: {  	_ =	shalt  }
0x46: {  	_ =	shalt  }
0x47: {  	_ =	shalt  }
0x48: {  	_ =	shalt  }
0x49: {  	_ =	shalt  }
0x4a: {  	_ =	shalt  }
0x4b: {  	_ =	shalt  }
0x4c: {  	_ =	shalt  }
0x4d: {  	_ =	shalt  }
0x4e: {  	_ =	shalt  }
0x4f: {  	_ =	shalt  }
0x50: {  	_ =	shalt  }
0x51: {  	_ =	shalt  }
0x52: {  	_ =	shalt  }
0x53: {  	_ =	shalt  }
0x54: {  	_ =	shalt  }
0x55: {  	_ =	shalt  }
0x56: {  	_ =	shalt  }
0x57: {  	_ =	shalt  }
0x58: {  	_ =	shalt  }
0x59: {  	_ =	shalt  }
0x5a: {  	_ =	shalt  }
0x5b: {  	_ =	shalt  }
0x5c: {  	_ =	shalt  }
0x5d: {  	_ =	shalt  }
0x5e: {  	_ =	shalt  }
0x5f: {  	_ =	shalt  }
0x60: {  	_ =	shalt  }
0x61: {  	_ =	shalt  }
0x62: {  	_ =	shalt  }
0x63: {  	_ =	shalt  }
0x64: {  	_ =	shalt  }
0x65: {  	_ =	shalt  }
0x66: {  	_ =	shalt  }
0x67: {  	_ =	shalt  }
0x68: {  	_ =	shalt  }
0x69: {  	_ =	shalt  }
0x6a: {  	_ =	shalt  }
0x6b: {  	_ =	shalt  }
0x6c: {  	_ =	shalt  }
0x6d: {  	_ =	shalt  }
0x6e: {  	_ =	shalt  }
0x6f: {  	_ =	shalt  }
0x70: {  	_ =	shalt  }
0x71: {  	_ =	shalt  }
0x72: {  	_ =	shalt  }
0x73: {  	_ =	shalt  }
0x74: {  	_ =	shalt  }
0x75: {  	_ =	shalt  }
0x76: {  	_ =	shalt  }
0x77: {  	_ =	shalt  }
0x78: {  	_ =	shalt  }
0x79: {  	_ =	shalt  }
0x7a: {  	_ =	shalt  }
0x7b: {  	_ =	shalt  }
0x7c: {  	_ =	shalt  }
0x7d: {  	_ =	shalt  }
0x7e: {  	_ =	shalt  }
0x7f: {  	_ =	shalt  }
0x80: {  	_ =	shalt  }
0x81: {  	_ =	shalt  }
0x82: {  	_ =	shalt  }
0x83: {  	_ =	shalt  }
0x84: {  	_ =	shalt  }
0x85: {  	_ =	shalt  }
0x86: {  	_ =	shalt  }
0x87: {  	_ =	shalt  }
.Lfunc_end0:
.L_simem_size_0:
called_computation_lowered:
.L_overlay_start_0:
0x88: {  	s2 =	sld [smem:$0x3FD9]  }
0x89: {  	s3 =	sld [smem:$0x3FFE];
	_ =	sdelay $0x1  }
0x8a: {  	s1 =	srdreg.scid  }
0x8b: {  	s0 =	sand.u32 $0x1, s1  }
0x8c: {  	s14 =	sshll.u32 s0, $0xA;
	s2 =	sadd.s32 s3, s2  }
0x8d: {  	s2 =	sadd.s32 s2, s14  }
0x8e: {  	[smem:$0x3FC3] =	sst s2  }
0x8f: {  	_ = 	snop  }
0x90: {  	s2 =	sld [smem:$0x3FD0];
	_ =	sdelay $0x2  }
0x91: {  	s15 =	simm.s32 $0xA;
	s4 =	simm.s32 $0x10  }
0x92: {  	[smem:s4], [sflag:s15] =	dma.local [hbm:s2], $0x1  }
0x93: {  	_ =	swait.eq [sflag:s15], $0x1  }
0x94: {  	[sflag:s15] =	ssyncset.done $0x0  }
0x95: {  	[sflag:s15] =	ssyncadd.s32 $0xFFFFFFFF  }
0x96: {  	s16 =	sld [smem:$0x11];
	(tm) =	ssettm $0x1  }
0x97: {  	s17 =	sld [smem:$0x3FFB];
	_ =	sdelay $0x3  }
0x98: {  	_ =	strace s17  }
0x99: {  	s3 =	sld [smem:$0x3FFC];
	_ =	sdelay $0x3  }
0x9a: {  	_ =	strace s3  }
0x9b: {  	s3 =	sld [smem:$0x3FFD];
	_ =	sdelay $0x3  }
0x9c: {  	_ =	strace s3  }
0x9d: {  	_ =	strace $0x8FFFFFFF  }
0x9e: {  	s18 =	sld [smem:$0x3FDB];
	_ =	sdelay $0x1  }
0x9f: {  	s19 =	simm.s32 $_scs_section_size  }
0xa0: {  	s5 =	simm.s32 $_size__tile_overlayer_lowered;
	s6 =	simm.s32 $_tile_overlayer_lowered  }
0xa1: {  	s22 =	simm.s32 $0x1BFF;
	s21 =	sshll.u32 s6, $0x1;
	s3 =	sadd.s32 s19, s18  }
0xa2: {  	s7 =	simm.s32 $0x0;
	s20 =	sshll.u32 s5, $0x1;
	s5 =	sadd.s32 s21, s3  }
0xa3: {  	[timem:s7], [sflag:s22] =	dma.local [hbm:s5], s20  }
0xa4: {  	_ =	swait.ge [sflag:s22], s20  }
0xa5: {  	s4 =	ssub.s32 $0x0, s20;
	[sflag:s22] =	ssyncset.done $0x0  }
0xa6: {  	[sflag:s22] =	ssyncadd.s32 s4;
	_ =	sdelay $0x1  }
0xa7: {  	s23 =	simm.s32 $0x1B8B  }
0xa8: {  	_ =	swait.ge [sflag:s23], $0x1  }
0xa9: {  	[sflag:s23] =	ssyncset.done $0x0  }
0xaa: {  	s25 =	simm.s32 $0x1B8E;
	s24 =	sld [smem:$0x3FFE];
	[sflag:s23] =	ssyncadd.s32 $0xFFFFFFFF  }
0xab: {  	s26 =	simm.s32 $execute0_lowered;
	[smem:$0x3FD2] =	sst s25  }
0xac: {  	s5 =	sshll.u32 s26, $0x1;
	_ =	strace $0x80000046;
	[dreg:$0x1] =	wrdreg $0xFFFFFFFF  }
0xad: {  	s28 =	simm.s32 $_size_execute0_lowered;
	s3 =	sadd.s32 s3, s5;
	[dreg:$0x0] =	wrdreg $0x0  }
0xae: {  	s5 =	sshll.u32 s28, $0x1;
	[dreg:$0x2] =	wrdreg s3  }
0xaf: {  	[dreg:$0x3] =	wrdreg s5  }
0xb0: {  	[dreg:$0x4] =	wrdreg $0xC0  }
0xb1: {  	_ =	task [dreg:s7], $0x5FFFF  }
0xb2: {  	[dreg:$0x1] =	wrdreg $0xFFFFFFFF  }
0xb3: {  	[dreg:$0x0] =	wrdreg $0x60  }
0xb4: {  	[dreg:$0x2] =	wrdreg s24  }
0xb5: {  	[dreg:$0x3] =	wrdreg s16  }
0xb6: {  	[dreg:$0x4] =	wrdreg $0x9  }
0xb7: {  	_ =	task.clear_ibuf [dreg:s7], $0x5FFFF;
	_ =	strace $0x90000046  }
0xb8: {  	s29 =	simm.s32 $0x9;
	_ =	strace $0x80000048  }
0xb9: {  	_ =	swait.ge [sflag:s29], $0x1  }
0xba: {  	[sflag:s29] =	ssyncadd.s32 $0xFFFFFFFF  }
0xbb: {  	_ =	strace $0x90000048  }
0xbc: {  	_ =	sfence  }
0xbd: {  	s30 =	sld [smem:$0x0];
	_ =	sdelay $0x2  }
0xbe: {  	s31 =	sshll.u32 s1, $0xD;
	s1 =	sshrl.u32 s1, $0x2  }
0xbf: {  	s3 =	sand.u32 $0x4000, s31;
	s1 =	sadd.s32 s1, s30  }
0xc0: {  	s0 =	sor.u32 s3, s0;
	s1 =	sshll.u32 s1, $0x11  }
0xc1: {  	s0 =	sor.u32 s1, s0  }
0xc2: {  	s0 =	sadd.s32 $0x8F2B, s0  }
0xc3: {  	[sflag:s0] =	ssyncadd.remote.s32 $0x1  }
0xc4: {  	_ =	sfence.sel $0xFFFF  }
0xc5: {  	[dreg:$0x0] =	wrdreg $0xFFFFFFFF;
	(pc) =	sbr.abs _section_cstart, $3  }
0xc6: {  	[dreg:$0x1] =	wrdreg $0xFFFFFFFF  }
0xc7: {  	_ =	task.clear_ibuf [dreg:s7], $0x2FFFF;
	_ =	strace $0x9FFFFFFF  }
0xc8: {  	(tm) =	ssettm $0x7FFFFFFF  }
0xc9: {  	_ =	shalt  }
tec
execute0_lowered:
.L_overlay_start_1:
0x0: {  	(tag) =	ssettag $0x1  }
0x1: {  	s0 =	rddreg [dreg:$0x0];
	s2 =	simm.s32 $0x0  }
0x2: {  	s3 =	srdreg.scid;
	s1 =	stileid.u32;
	s8 =	simm.s32 $0x400  }
0x3: {  	s12 =	simm.s32 $0x1;
	s13 =	simm.s32 $0x10000;
	s14 =	simm.s32 $0x11080  }
0x4: {  	s15 =	simm.s32 $0x11180;
	s16 =	simm.s32 $0x11980;
	s17 =	simm.s32 $0x11A00  }
0x5: {  	s18 =	simm.s32 $0x11A80;
	s19 =	simm.s32 $0x2;
	s3 =	sand.u32 $0x1, s3  }
.Ltmp0:
0x6: {  	[smem:$0x7FF] =	sst s2;
	s5 =	ssub.s32 $0x2, s3;
	(pc) =	sbr.rel .LBB2_1-.Ltmp0, $4  }
0x7: {  	v0 =	vlaneseq.u32;
	s7 =	sshll.u32 s1, $0x10;
	s3 =	sshll.u32 s3, $0x6;
	s6 =	sshrl.u32 s5, $0x1  }
0x8: {  	s4 =	sadd.s32 $0xA00, s0;
	v5 =	vmul.u32 $0xFFFFFFFF, v0;
	s1 =	sor.u32 s7, s3;
	s31 =	ssub.s32 s5, s6  }
0x9: {  	v1 =	vimm.f32 $0.0e+00;
	v2 =	vimm.s32 $0x0;
	v4 =	vimm.s32 $0x1;
	_ =	strace $0x80000047;
	[dreg:$0x3] =	wrdreg s1;
	s0 =	smax.u32 s31, $0x1  }
0xa: {  	v6 =	vimm.s32 $0x80000000;
	v3 =	vmul.u32 $0x101, v0;
	s7 =	simm.s32 $0x80;
	v5 =	vadd.s32 $0xF, v5;
	s1 =	simm.s32 $0x0;
	[dreg:$0x4] =	wrdreg s0  }
.LBB2_82:
0xb: {  	s1 =	rddreg [dreg:$0x5]  }
0xc: {  	s0 =	rddreg [dreg:$0x4];
	s1 =	sadd.s32 $0x1, s1  }
0xd: {  	p0 =	sne.s32 s1, s0  }
.Ltmp1:
0xe: {  	_ = 	snop;
	(pc) =	sbr.rel @!p0 .LBB2_83-.Ltmp1, $1  }
0xf: {  	_ =	sdelay $0x3  }
.LBB2_1:
0x10: {  	[dreg:$0x5] =	wrdreg s1;
	s0 =	simm.s32 $0x11AC0  }
0x11: {  	[tilespmem:s0+$0xFFFFFFC0] =	vst v1  }
0x12: {  	[tilespmem:s0+$0x30] =	vst v1  }
0x13: {  	[tilespmem:s0+$0x20] =	vst v1  }
0x14: {  	[tilespmem:s0+$0x10] =	vst v1  }
0x15: {  	[tilespmem:s0+$0x0] =	vst v1  }
0x16: {  	[tilespmem:s0+$0xFFFFFFF0] =	vst v1  }
0x17: {  	s3 =	simm.s32 $0x0;
	[tilespmem:s0+$0xFFFFFFE0] =	vst v1  }
.LBB2_2:
0x18: {  	s3 =	sadd.s32 $0x8, s3;
	[tilespmem:s0+$0xFFFFFFD0] =	vst v1;
	s0 =	sadd.s32 $0x80, s0  }
0x19: {  	[tilespmem:s0+$0xFFFFFFC0] =	vst v1;
	p0 =	slt.u32 s3, $0x3F8  }
0x1a: {  	[tilespmem:s0+$0x30] =	vst v1  }
.Ltmp2:
0x1b: {  	[tilespmem:s0+$0x20] =	vst v1;
	(pc) =	sbr.rel @p0 .LBB2_2-.Ltmp2, $4  }
0x1c: {  	[tilespmem:s0+$0x10] =	vst v1  }
0x1d: {  	[tilespmem:s0+$0x0] =	vst v1  }
0x1e: {  	[tilespmem:s0+$0xFFFFFFF0] =	vst v1  }
0x1f: {  	[tilespmem:s0+$0xFFFFFFE0] =	vst v1  }
.Ltmp3:
0x20: {  	(pc) =	sbr.rel .LBB2_4-.Ltmp3, $2  }
0x21: {  	_ =	sdelay $0x2  }
0x22: {  	[tilespmem:s0+$0xFFFFFFD0] =	vst v1;
	s21 =	simm.s32 $0x0  }
.LBB2_81:
0x23: {  	v7 =	vld [tilespmem:$0x11A00];
	_ =	sdelay $0x1  }
0x24: {  	v8 =	vld [tilespmem:$0x11980];
	_ =	sdelay $0x2  }
0x25: {  	vm0 =	vlt.u32 v7, $0x4000  }
0x26: {  	v7 =	vand.u32 $0x3FFF, v7  }
0x27: {  	vm1 =	vgt.s32 v8, $0xFFFFFFFF  }
0x28: {  	v9 =	vsel vm1, $0xFFFFFFFF, v6  }
0x29: {  	v8 =	vxor.u32 v8, v9  }
0x2a: {  	v8 =	vmax.f32 v8, $0.0e+00  }
0x2b: {  	[tilespmem:v7+s18+$0x0] =	vst.idx.msk vm0, v8  }
0x2c: {  	v8 =	vld [tilespmem:$0x11A10];
	_ =	sdelay $0x1  }
0x2d: {  	v28 =	vld [tilespmem:$0x11990];
	_ =	sdelay $0x2  }
0x2e: {  	vm13 =	vlt.u32 v8, $0x4000  }
0x2f: {  	v8 =	vand.u32 $0x3FFF, v8  }
0x30: {  	vm2 =	vgt.s32 v28, $0xFFFFFFFF  }
0x31: {  	v10 =	vsel vm2, $0xFFFFFFFF, v6  }
0x32: {  	v9 =	vxor.u32 v28, v10  }
0x33: {  	v9 =	vmax.f32 v9, $0.0e+00  }
0x34: {  	[tilespmem:v8+s18+$0x0] =	vst.idx.msk vm13, v9  }
0x35: {  	v9 =	vld [tilespmem:$0x11A20];
	_ =	sdelay $0x1  }
0x36: {  	v29 =	vld [tilespmem:$0x119A0];
	_ =	sdelay $0x2  }
0x37: {  	vm14 =	vlt.u32 v9, $0x4000  }
0x38: {  	v9 =	vand.u32 $0x3FFF, v9  }
0x39: {  	vm3 =	vgt.s32 v29, $0xFFFFFFFF  }
0x3a: {  	v11 =	vsel vm3, $0xFFFFFFFF, v6  }
0x3b: {  	v10 =	vxor.u32 v29, v11  }
0x3c: {  	v10 =	vmax.f32 v10, $0.0e+00  }
0x3d: {  	[tilespmem:v9+s18+$0x0] =	vst.idx.msk vm14, v10  }
0x3e: {  	v10 =	vld [tilespmem:$0x11A30];
	_ =	sdelay $0x1  }
0x3f: {  	v30 =	vld [tilespmem:$0x119B0];
	_ =	sdelay $0x2  }
0x40: {  	vm15 =	vlt.u32 v10, $0x4000  }
0x41: {  	v10 =	vand.u32 $0x3FFF, v10  }
0x42: {  	vm4 =	vgt.s32 v30, $0xFFFFFFFF  }
0x43: {  	v12 =	vsel vm4, $0xFFFFFFFF, v6  }
0x44: {  	v11 =	vxor.u32 v30, v12  }
0x45: {  	s1 =	rddreg [dreg:$0x1];
	v11 =	vmax.f32 v11, $0.0e+00  }
0x46: {  	s0 =	sadd.s32 s1, s25;
	[tilespmem:v10+s18+$0x0] =	vst.idx.msk vm15, v11  }
0x47: {  	[hbm4b:s0+s7] =	stream.strided.scatter [tilespmem:s18], [sflag:$0x2], $0x4000, s8, s7, $0x38;
	[tilespmem:$0x15A80] =	vst v63  }
0x48: {  	_ =	swait.ge [sflag:s19], $0x4000  }
0x49: {  	[sflag:s19] =	ssyncset.done $0x0  }
0x4a: {  	[sflag:s19] =	ssyncadd.s32 $0xFFFFC000  }
0x4b: {  	[tilespmem:v7+s18+$0x0] =	vst.idx.msk vm0, v1  }
0x4c: {  	[tilespmem:v8+s18+$0x0] =	vst.idx.msk vm13, v1  }
0x4d: {  	[tilespmem:v9+s18+$0x0] =	vst.idx.msk vm14, v1  }
0x4e: {  	[tilespmem:v10+s18+$0x0] =	vst.idx.msk vm15, v1  }
0x4f: {  	v7 =	vld [tilespmem:$0x11A00];
	_ =	sdelay $0x2  }
0x50: {  	v8 =	vld [tilespmem:$0x11980];
	_ =	sdelay $0x1  }
0x51: {  	v31 =	vand.u32 $0xFFFFC000, v7  }
0x52: {  	vm8 =	veq.s32 v31, $0x4000  }
0x53: {  	v7 =	vand.u32 $0x3FFF, v7  }
0x54: {  	vm9 =	vgt.s32 v8, $0xFFFFFFFF  }
0x55: {  	v32 =	vsel vm9, $0xFFFFFFFF, v6  }
0x56: {  	v8 =	vxor.u32 v8, v32  }
0x57: {  	v8 =	vmax.f32 v8, $0.0e+00  }
0x58: {  	[tilespmem:v7+s18+$0x0] =	vst.idx.msk vm8, v8  }
0x59: {  	v8 =	vld [tilespmem:$0x11A10];
	_ =	sdelay $0x2  }
0x5a: {  	v33 =	vld [tilespmem:$0x11990];
	_ =	sdelay $0x1  }
0x5b: {  	v34 =	vand.u32 $0xFFFFC000, v8  }
0x5c: {  	vm10 =	veq.s32 v34, $0x4000  }
0x5d: {  	v8 =	vand.u32 $0x3FFF, v8  }
0x5e: {  	vm11 =	vgt.s32 v33, $0xFFFFFFFF  }
0x5f: {  	v35 =	vsel vm11, $0xFFFFFFFF, v6  }
0x60: {  	v9 =	vxor.u32 v33, v35  }
0x61: {  	v9 =	vmax.f32 v9, $0.0e+00  }
0x62: {  	[tilespmem:v8+s18+$0x0] =	vst.idx.msk vm10, v9  }
0x63: {  	v9 =	vld [tilespmem:$0x11A20];
	_ =	sdelay $0x2  }
0x64: {  	v36 =	vld [tilespmem:$0x119A0];
	_ =	sdelay $0x1  }
0x65: {  	v37 =	vand.u32 $0xFFFFC000, v9  }
0x66: {  	vm12 =	veq.s32 v37, $0x4000  }
0x67: {  	v9 =	vand.u32 $0x3FFF, v9  }
0x68: {  	vm13 =	vgt.s32 v36, $0xFFFFFFFF  }
0x69: {  	v38 =	vsel vm13, $0xFFFFFFFF, v6  }
0x6a: {  	v10 =	vxor.u32 v36, v38  }
0x6b: {  	v10 =	vmax.f32 v10, $0.0e+00  }
0x6c: {  	[tilespmem:v9+s18+$0x0] =	vst.idx.msk vm12, v10  }
0x6d: {  	v10 =	vld [tilespmem:$0x11A30];
	_ =	sdelay $0x2  }
0x6e: {  	v39 =	vld [tilespmem:$0x119B0];
	_ =	sdelay $0x1  }
0x6f: {  	v40 =	vand.u32 $0xFFFFC000, v10  }
0x70: {  	vm14 =	veq.s32 v40, $0x4000  }
0x71: {  	v10 =	vand.u32 $0x3FFF, v10  }
0x72: {  	vm15 =	vgt.s32 v39, $0xFFFFFFFF  }
0x73: {  	v41 =	vsel vm15, $0xFFFFFFFF, v6  }
0x74: {  	v11 =	vxor.u32 v39, v41  }
0x75: {  	v11 =	vmax.f32 v11, $0.0e+00  }
0x76: {  	s29 =	sadd.s32 s1, s24;
	[tilespmem:v10+s18+$0x0] =	vst.idx.msk vm14, v11  }
0x77: {  	[hbm4b:s29+s7] =	stream.strided.scatter [tilespmem:s18], [sflag:$0x2], $0x4000, s8, s7, $0x38;
	[tilespmem:$0x15A80] =	vst v63  }
0x78: {  	_ =	swait.ge [sflag:s19], $0x4000  }
0x79: {  	[sflag:s19] =	ssyncset.done $0x0  }
0x7a: {  	[sflag:s19] =	ssyncadd.s32 $0xFFFFC000  }
0x7b: {  	[tilespmem:v7+s18+$0x0] =	vst.idx.msk vm8, v1  }
0x7c: {  	[tilespmem:v8+s18+$0x0] =	vst.idx.msk vm10, v1  }
0x7d: {  	[tilespmem:v9+s18+$0x0] =	vst.idx.msk vm12, v1  }
0x7e: {  	[tilespmem:v10+s18+$0x0] =	vst.idx.msk vm14, v1  }
0x7f: {  	v7 =	vld [tilespmem:$0x11A00];
	_ =	sdelay $0x2  }
0x80: {  	v8 =	vld [tilespmem:$0x11980];
	_ =	sdelay $0x1  }
0x81: {  	v42 =	vand.u32 $0xFFFFC000, v7  }
0x82: {  	vm8 =	veq.s32 v42, $0x8000  }
0x83: {  	v7 =	vand.u32 $0x3FFF, v7  }
0x84: {  	vm9 =	vgt.s32 v8, $0xFFFFFFFF  }
0x85: {  	v43 =	vsel vm9, $0xFFFFFFFF, v6  }
0x86: {  	v8 =	vxor.u32 v8, v43  }
0x87: {  	v8 =	vmax.f32 v8, $0.0e+00  }
0x88: {  	[tilespmem:v7+s18+$0x0] =	vst.idx.msk vm8, v8  }
0x89: {  	v8 =	vld [tilespmem:$0x11A10];
	_ =	sdelay $0x2  }
0x8a: {  	v44 =	vld [tilespmem:$0x11990];
	_ =	sdelay $0x1  }
0x8b: {  	v45 =	vand.u32 $0xFFFFC000, v8  }
0x8c: {  	vm10 =	veq.s32 v45, $0x8000  }
0x8d: {  	v8 =	vand.u32 $0x3FFF, v8  }
0x8e: {  	vm11 =	vgt.s32 v44, $0xFFFFFFFF  }
0x8f: {  	v46 =	vsel vm11, $0xFFFFFFFF, v6  }
0x90: {  	v9 =	vxor.u32 v44, v46  }
0x91: {  	v9 =	vmax.f32 v9, $0.0e+00  }
0x92: {  	[tilespmem:v8+s18+$0x0] =	vst.idx.msk vm10, v9  }
0x93: {  	v9 =	vld [tilespmem:$0x11A20];
	_ =	sdelay $0x2  }
0x94: {  	v47 =	vld [tilespmem:$0x119A0];
	_ =	sdelay $0x1  }
0x95: {  	v48 =	vand.u32 $0xFFFFC000, v9  }
0x96: {  	vm12 =	veq.s32 v48, $0x8000  }
0x97: {  	v9 =	vand.u32 $0x3FFF, v9  }
0x98: {  	vm13 =	vgt.s32 v47, $0xFFFFFFFF  }
0x99: {  	v49 =	vsel vm13, $0xFFFFFFFF, v6  }
0x9a: {  	v10 =	vxor.u32 v47, v49  }
0x9b: {  	v10 =	vmax.f32 v10, $0.0e+00  }
0x9c: {  	[tilespmem:v9+s18+$0x0] =	vst.idx.msk vm12, v10  }
0x9d: {  	v10 =	vld [tilespmem:$0x11A30];
	_ =	sdelay $0x2  }
0x9e: {  	v50 =	vld [tilespmem:$0x119B0];
	_ =	sdelay $0x1  }
0x9f: {  	v51 =	vand.u32 $0xFFFFC000, v10  }
0xa0: {  	vm14 =	veq.s32 v51, $0x8000  }
0xa1: {  	v10 =	vand.u32 $0x3FFF, v10  }
0xa2: {  	vm15 =	vgt.s32 v50, $0xFFFFFFFF  }
0xa3: {  	v52 =	vsel vm15, $0xFFFFFFFF, v6  }
0xa4: {  	v11 =	vxor.u32 v50, v52  }
0xa5: {  	v11 =	vmax.f32 v11, $0.0e+00  }
0xa6: {  	s30 =	sadd.s32 s1, s23;
	[tilespmem:v10+s18+$0x0] =	vst.idx.msk vm14, v11  }
0xa7: {  	[hbm4b:s30+s7] =	stream.strided.scatter [tilespmem:s18], [sflag:$0x2], $0x4000, s8, s7, $0x38;
	[tilespmem:$0x15A80] =	vst v63  }
0xa8: {  	_ =	swait.ge [sflag:s19], $0x4000  }
0xa9: {  	[sflag:s19] =	ssyncset.done $0x0  }
0xaa: {  	[sflag:s19] =	ssyncadd.s32 $0xFFFFC000  }
0xab: {  	[tilespmem:v7+s18+$0x0] =	vst.idx.msk vm8, v1  }
0xac: {  	[tilespmem:v8+s18+$0x0] =	vst.idx.msk vm10, v1  }
0xad: {  	[tilespmem:v9+s18+$0x0] =	vst.idx.msk vm12, v1  }
0xae: {  	[tilespmem:v10+s18+$0x0] =	vst.idx.msk vm14, v1  }
0xaf: {  	v7 =	vld [tilespmem:$0x11A00];
	_ =	sdelay $0x2  }
0xb0: {  	v8 =	vld [tilespmem:$0x11980];
	_ =	sdelay $0x1  }
0xb1: {  	v53 =	vand.u32 $0xFFFFC000, v7  }
0xb2: {  	vm8 =	veq.s32 v53, $0xC000  }
0xb3: {  	v7 =	vand.u32 $0x3FFF, v7  }
0xb4: {  	vm9 =	vgt.s32 v8, $0xFFFFFFFF  }
0xb5: {  	v54 =	vsel vm9, $0xFFFFFFFF, v6  }
0xb6: {  	v8 =	vxor.u32 v8, v54  }
0xb7: {  	v8 =	vmax.f32 v8, $0.0e+00  }
0xb8: {  	[tilespmem:v7+s18+$0x0] =	vst.idx.msk vm8, v8  }
0xb9: {  	v8 =	vld [tilespmem:$0x11A10];
	_ =	sdelay $0x2  }
0xba: {  	v55 =	vld [tilespmem:$0x11990];
	_ =	sdelay $0x1  }
0xbb: {  	v56 =	vand.u32 $0xFFFFC000, v8  }
0xbc: {  	vm10 =	veq.s32 v56, $0xC000  }
0xbd: {  	v8 =	vand.u32 $0x3FFF, v8  }
0xbe: {  	vm11 =	vgt.s32 v55, $0xFFFFFFFF  }
0xbf: {  	v57 =	vsel vm11, $0xFFFFFFFF, v6  }
0xc0: {  	v9 =	vxor.u32 v55, v57  }
0xc1: {  	v9 =	vmax.f32 v9, $0.0e+00  }
0xc2: {  	[tilespmem:v8+s18+$0x0] =	vst.idx.msk vm10, v9  }
0xc3: {  	v9 =	vld [tilespmem:$0x11A20];
	_ =	sdelay $0x2  }
0xc4: {  	v58 =	vld [tilespmem:$0x119A0];
	_ =	sdelay $0x1  }
0xc5: {  	v59 =	vand.u32 $0xFFFFC000, v9  }
0xc6: {  	vm12 =	veq.s32 v59, $0xC000  }
0xc7: {  	v9 =	vand.u32 $0x3FFF, v9  }
0xc8: {  	vm13 =	vgt.s32 v58, $0xFFFFFFFF  }
0xc9: {  	v60 =	vsel vm13, $0xFFFFFFFF, v6  }
0xca: {  	v10 =	vxor.u32 v58, v60  }
0xcb: {  	v10 =	vmax.f32 v10, $0.0e+00  }
0xcc: {  	[tilespmem:v9+s18+$0x0] =	vst.idx.msk vm12, v10  }
0xcd: {  	v10 =	vld [tilespmem:$0x11A30];
	_ =	sdelay $0x2  }
0xce: {  	v61 =	vld [tilespmem:$0x119B0];
	_ =	sdelay $0x1  }
0xcf: {  	v62 =	vand.u32 $0xFFFFC000, v10  }
0xd0: {  	vm14 =	veq.s32 v62, $0xC000  }
0xd1: {  	v10 =	vand.u32 $0x3FFF, v10  }
0xd2: {  	vm15 =	vgt.s32 v61, $0xFFFFFFFF  }
0xd3: {  	v63 =	vsel vm15, $0xFFFFFFFF, v6  }
0xd4: {  	v11 =	vxor.u32 v61, v63  }
0xd5: {  	v11 =	vmax.f32 v11, $0.0e+00  }
0xd6: {  	s31 =	sadd.s32 s1, s22;
	[tilespmem:v10+s18+$0x0] =	vst.idx.msk vm14, v11  }
0xd7: {  	[hbm4b:s31+s7] =	stream.strided.scatter [tilespmem:s18], [sflag:$0x2], $0x4000, s8, s7, $0x38;
	[tilespmem:$0x15A80] =	vst v63  }
0xd8: {  	s21 =	sadd.s32 $0x1, s21;
	_ =	swait.ge [sflag:s19], $0x4000  }
0xd9: {  	p0 =	sne.s32 s21, $0x4;
	[sflag:s19] =	ssyncset.done $0x0  }
.Ltmp4:
0xda: {  	[sflag:s19] =	ssyncadd.s32 $0xFFFFC000;
	(pc) =	sbr.rel @!p0 .LBB2_82-.Ltmp4, $4  }
0xdb: {  	[tilespmem:v7+s18+$0x0] =	vst.idx.msk vm8, v1  }
0xdc: {  	[tilespmem:v8+s18+$0x0] =	vst.idx.msk vm10, v1  }
0xdd: {  	[tilespmem:v9+s18+$0x0] =	vst.idx.msk vm12, v1  }
0xde: {  	[tilespmem:v10+s18+$0x0] =	vst.idx.msk vm14, v1  }
.LBB2_4:
0xdf: {  	s0 =	sshll.u32 s21, $0x4;
	s1 =	rddreg [dreg:$0x3]  }
0xe0: {  	s25 =	sadd.s32 s1, s0  }
0xe1: {  	s0 =	sadd.s32 s4, s25;
	s24 =	sor.u32 $0x4000, s25  }
0xe2: {  	[tilespmem:s2], [sflag:$0x1] =	stream.strided.gather [hbm4b:s0+s7], $0x4000, s8, s7, $0x38;
	[tilespmem:$0x15A80] =	vst v63  }
0xe3: {  	s26 =	simm.s32 $0x4000;
	s23 =	sadd.s32 s4, s24  }
0xe4: {  	[tilespmem:s26], [sflag:$0x1] =	stream.strided.gather [hbm4b:s23+s7], $0x4000, s8, s7, $0x38;
	[tilespmem:$0x15A80] =	vst v63  }
0xe5: {  	s23 =	sor.u32 $0x8000, s25  }
0xe6: {  	s29 =	simm.s32 $0x8000;
	s22 =	sor.u32 $0xC000, s25;
	s28 =	sadd.s32 s4, s23  }
0xe7: {  	[tilespmem:s29], [sflag:$0x1] =	stream.strided.gather [hbm4b:s28+s7], $0x4000, s8, s7, $0x38;
	[tilespmem:$0x15A80] =	vst v63  }
0xe8: {  	s31 =	simm.s32 $0xC000;
	s30 =	sadd.s32 s4, s22;
	s0 =	simm.s32 $0x10040  }
0xe9: {  	[tilespmem:s31], [sflag:$0x1] =	stream.strided.gather [hbm4b:s30+s7], $0x4000, s8, s7, $0x38;
	[tilespmem:$0x15A80] =	vst v63  }
0xea: {  	[tilespmem:s0+$0xFFFFFFC0] =	vst v2  }
0xeb: {  	[tilespmem:s0+$0x30] =	vst v2  }
0xec: {  	[tilespmem:s0+$0x20] =	vst v2  }
0xed: {  	[tilespmem:s0+$0x10] =	vst v2  }
0xee: {  	[tilespmem:s0+$0x0] =	vst v2  }
0xef: {  	[tilespmem:s0+$0xFFFFFFF0] =	vst v2  }
0xf0: {  	s3 =	simm.s32 $0x0;
	[tilespmem:s0+$0xFFFFFFE0] =	vst v2  }
.LBB2_5:
0xf1: {  	s3 =	sadd.s32 $0x8, s3;
	[tilespmem:s0+$0xFFFFFFD0] =	vst v2;
	s0 =	sadd.s32 $0x80, s0  }
0xf2: {  	[tilespmem:s0+$0xFFFFFFC0] =	vst v2;
	p0 =	slt.u32 s3, $0x100  }
0xf3: {  	[tilespmem:s0+$0x30] =	vst v2  }
.Ltmp5:
0xf4: {  	[tilespmem:s0+$0x20] =	vst v2;
	(pc) =	sbr.rel @p0 .LBB2_5-.Ltmp5, $4  }
0xf5: {  	[tilespmem:s0+$0x10] =	vst v2  }
0xf6: {  	[tilespmem:s0+$0x0] =	vst v2  }
0xf7: {  	[tilespmem:s0+$0xFFFFFFF0] =	vst v2  }
0xf8: {  	[tilespmem:s0+$0xFFFFFFE0] =	vst v2  }
0xf9: {  	[tilespmem:s0+$0xFFFFFFD0] =	vst v2  }
0xfa: {  	_ =	swait.ge [sflag:s12], $0x4000  }
0xfb: {  	[sflag:s12] =	ssyncset.done $0x0  }
0xfc: {  	s31 =	simm.s32 $0x40;
	[sflag:s12] =	ssyncadd.s32 $0xFFFFC000  }
0xfd: {  	v7 =	vld [tilespmem:s31+$0x30]  }
0xfe: {  	v8 =	vld [tilespmem:s31+$0xFFFFFFD0]  }
0xff: {  	v9 =	vld [tilespmem:s31+$0xFFFFFFE0]  }
0x100: {  	v10 =	vld [tilespmem:s31+$0xFFFFFFF0]  }
0x101: {  	v11 =	vld [tilespmem:s31+$0x0];
	_ =	sdelay $0x1  }
0x102: {  	v12 =	vld [tilespmem:s31+$0x10]  }
0x103: {  	v15 =	vld [tilespmem:s31+$0x20]  }
0x104: {  	v16 =	vld [tilespmem:s31+$0xFFFFFFC0];
	v13 =	vshra.s32 v7, $0x1F;
	v14 =	vshra.s32 v8, $0x1F;
	v17 =	vshra.s32 v9, $0x1F  }
0x105: {  	v62 =	vshra.s32 v10, $0x1F;
	v18 =	vshra.s32 v11, $0x1F;
	v13 =	vor.u32 $0x80000000, v13  }
0x106: {  	v14 =	vor.u32 $0x80000000, v14;
	v7 =	vxor.u32 v7, v13;
	v13 =	vor.u32 $0x80000000, v17  }
0x107: {  	v17 =	vor.u32 $0x80000000, v62;
	v14 =	vxor.u32 v8, v14;
	v7 =	vshrl.u32 v7, $0x18  }
0x108: {  	v8 =	vshra.s32 v12, $0x1F;
	v63 =	vxor.u32 v9, v13;
	v19 =	vadd.s32 v3, v7  }
0x109: {  	v9 =	vor.u32 $0x80000000, v8;
	v8 =	vshra.s32 v15, $0x1F;
	v13 =	vshra.s32 v16, $0x1F  }
0x10a: {  	v17 =	vxor.u32 v10, v17;
	v7 =	vor.u32 $0x80000000, v18;
	v10 =	vor.u32 $0x80000000, v8  }
0x10b: {  	v13 =	vor.u32 $0x80000000, v13;
	v8 =	vxor.u32 v11, v7;
	v7 =	vxor.u32 v12, v9  }
0x10c: {  	v11 =	vxor.u32 v16, v13;
	v9 =	vshrl.u32 v14, $0x18;
	v10 =	vxor.u32 v15, v10  }
0x10d: {  	s0 =	simm.s32 $0x0;
	s3 =	simm.s32 $0xC0;
	v12 =	vshrl.u32 v63, $0x18;
	v13 =	vshrl.u32 v11, $0x18;
	v11 =	vshrl.u32 v17, $0x18;
	[tilespmem:v19+s13+$0x0] =	vst.idx.add.s32.msk $0xffff, v4  }
.LBB2_7:
0x10e: {  	v14 =	vld [tilespmem:s3+$0x30];
	s0 =	sadd.s32 $0x8, s0;
	v8 =	vshrl.u32 v8, $0x18;
	v7 =	vshrl.u32 v7, $0x18;
	v10 =	vshrl.u32 v10, $0x18  }
0x10f: {  	v13 =	vadd.s32 v3, v13;
	v9 =	vadd.s32 v3, v9;
	v12 =	vadd.s32 v3, v12;
	v15 =	vld [tilespmem:s3+$0xFFFFFFD0];
	p0 =	slt.u32 s0, $0x3F8  }
0x110: {  	v11 =	vadd.s32 v3, v11;
	v8 =	vadd.s32 v3, v8;
	v17 =	vadd.s32 v3, v7;
	v16 =	vld [tilespmem:s3+$0xFFFFFFE0]  }
0x111: {  	v18 =	vadd.s32 v3, v10;
	v7 =	vld [tilespmem:s3+$0xFFFFFFF0]  }
0x112: {  	v10 =	vld [tilespmem:s3+$0x0]  }
0x113: {  	v19 =	vld [tilespmem:s3+$0x10];
	v20 =	vshra.s32 v14, $0x1F  }
0x114: {  	v21 =	vshra.s32 v15, $0x1F;
	v22 =	vld [tilespmem:s3+$0x20];
	v20 =	vor.u32 $0x80000000, v20  }
0x115: {  	v23 =	vld [tilespmem:s3+$0xFFFFFFC0];
	v21 =	vor.u32 $0x80000000, v21;
	v24 =	vshra.s32 v16, $0x1F;
	v14 =	vxor.u32 v14, v20  }
0x116: {  	v20 =	vor.u32 $0x80000000, v24;
	v24 =	vshra.s32 v7, $0x1F;
	v14 =	vshrl.u32 v14, $0x18;
	[tilespmem:v13+s13+$0x0] =	vst.idx.add.s32.msk $0xffff, v4  }
0x117: {  	v13 =	vor.u32 $0x80000000, v24;
	v24 =	vshra.s32 v10, $0x1F;
	v14 =	vadd.s32 v3, v14;
	[tilespmem:v9+s13+$0x0] =	vst.idx.add.s32.msk $0xffff, v4  }
0x118: {  	v9 =	vxor.u32 v15, v21;
	v15 =	vor.u32 $0x80000000, v24;
	v21 =	vshra.s32 v19, $0x1F;
	[tilespmem:v12+s13+$0x0] =	vst.idx.add.s32.msk $0xffff, v4  }
.Ltmp6:
0x119: {  	v12 =	vxor.u32 v16, v20;
	v16 =	vor.u32 $0x80000000, v21;
	v20 =	vshra.s32 v22, $0x1F;
	[tilespmem:v11+s13+$0x0] =	vst.idx.add.s32.msk $0xffff, v4;
	(pc) =	sbr.rel @p0 .LBB2_7-.Ltmp6, $4  }
0x11a: {  	v21 =	vxor.u32 v7, v13;
	v11 =	vshra.s32 v23, $0x1F;
	v13 =	vor.u32 $0x80000000, v20;
	[tilespmem:v8+s13+$0x0] =	vst.idx.add.s32.msk $0xffff, v4  }
0x11b: {  	v8 =	vxor.u32 v10, v15;
	v7 =	vxor.u32 v19, v16;
	v11 =	vor.u32 $0x80000000, v11;
	[tilespmem:v17+s13+$0x0] =	vst.idx.add.s32.msk $0xffff, v4  }
0x11c: {  	v9 =	vshrl.u32 v9, $0x18;
	v10 =	vxor.u32 v22, v13;
	v11 =	vxor.u32 v23, v11;
	[tilespmem:v14+s13+$0x0] =	vst.idx.add.s32.msk $0xffff, v4  }
0x11d: {  	s3 =	sadd.s32 $0x80, s3;
	v12 =	vshrl.u32 v12, $0x18;
	v13 =	vshrl.u32 v11, $0x18;
	v11 =	vshrl.u32 v21, $0x18;
	[tilespmem:v18+s13+$0x0] =	vst.idx.add.s32.msk $0xffff, v4  }
0x11e: {  	v13 =	vadd.s32 v3, v13  }
0x11f: {  	v9 =	vadd.s32 v3, v9  }
0x120: {  	v12 =	vadd.s32 v3, v12  }
0x121: {  	v8 =	vshrl.u32 v8, $0x18;
	v11 =	vadd.s32 v3, v11  }
0x122: {  	v7 =	vshrl.u32 v7, $0x18;
	v8 =	vadd.s32 v3, v8  }
0x123: {  	v10 =	vshrl.u32 v10, $0x18;
	v7 =	vadd.s32 v3, v7;
	[tilespmem:v13+s13+$0x0] =	vst.idx.add.s32.msk $0xffff, v4  }
0x124: {  	v10 =	vadd.s32 v3, v10;
	[tilespmem:v9+s13+$0x0] =	vst.idx.add.s32.msk $0xffff, v4  }
0x125: {  	[tilespmem:v12+s13+$0x0] =	vst.idx.add.s32.msk $0xffff, v4  }
0x126: {  	[tilespmem:v11+s13+$0x0] =	vst.idx.add.s32.msk $0xffff, v4  }
0x127: {  	[tilespmem:v8+s13+$0x0] =	vst.idx.add.s32.msk $0xffff, v4  }
0x128: {  	[tilespmem:v7+s13+$0x0] =	vst.idx.add.s32.msk $0xffff, v4  }
0x129: {  	[tilespmem:v10+s13+$0x0] =	vst.idx.add.s32.msk $0xffff, v4  }
0x12a: {  	_ =	swait.ge [sflag:s12], $0x4000  }
0x12b: {  	[sflag:s12] =	ssyncset.done $0x0  }
0x12c: {  	s0 =	simm.s32 $0x4070;
	[sflag:s12] =	ssyncadd.s32 $0xFFFFC000  }
0x12d: {  	v7 =	vld [tilespmem:s0+$0x0]  }
0x12e: {  	v8 =	vld [tilespmem:s0+$0xFFFFFFA0]  }
0x12f: {  	v9 =	vld [tilespmem:s0+$0xFFFFFFB0]  }
0x130: {  	v10 =	vld [tilespmem:s0+$0xFFFFFFC0]  }
0x131: {  	v11 =	vld [tilespmem:s0+$0xFFFFFFD0];
	_ =	sdelay $0x1  }
0x132: {  	v12 =	vld [tilespmem:s0+$0xFFFFFFE0]  }
0x133: {  	v15 =	vld [tilespmem:s0+$0xFFFFFFF0]  }
0x134: {  	v16 =	vld [tilespmem:s0+$0xFFFFFF90];
	v13 =	vshra.s32 v7, $0x1F;
	v14 =	vshra.s32 v8, $0x1F;
	v17 =	vshra.s32 v9, $0x1F  }
0x135: {  	v62 =	vshra.s32 v10, $0x1F;
	v18 =	vshra.s32 v11, $0x1F;
	v13 =	vor.u32 $0x80000000, v13  }
0x136: {  	v14 =	vor.u32 $0x80000000, v14;
	v7 =	vxor.u32 v7, v13;
	v13 =	vor.u32 $0x80000000, v17  }
0x137: {  	v17 =	vor.u32 $0x80000000, v62;
	v14 =	vxor.u32 v8, v14;
	v7 =	vshrl.u32 v7, $0x18  }
0x138: {  	v8 =	vshra.s32 v12, $0x1F;
	v63 =	vxor.u32 v9, v13;
	v19 =	vadd.s32 v3, v7  }
0x139: {  	v9 =	vor.u32 $0x80000000, v8;
	v8 =	vshra.s32 v15, $0x1F;
	v13 =	vshra.s32 v16, $0x1F  }
0x13a: {  	v17 =	vxor.u32 v10, v17;
	v7 =	vor.u32 $0x80000000, v18;
	v10 =	vor.u32 $0x80000000, v8  }
0x13b: {  	v13 =	vor.u32 $0x80000000, v13;
	v8 =	vxor.u32 v11, v7;
	v7 =	vxor.u32 v12, v9  }
0x13c: {  	v11 =	vxor.u32 v16, v13;
	v9 =	vshrl.u32 v14, $0x18;
	v10 =	vxor.u32 v15, v10  }
0x13d: {  	s3 =	simm.s32 $0x40F0;
	s0 =	simm.s32 $0x0;
	v12 =	vshrl.u32 v63, $0x18;
	v13 =	vshrl.u32 v11, $0x18;
	v11 =	vshrl.u32 v17, $0x18;
	[tilespmem:v19+s13+$0x0] =	vst.idx.add.s32.msk $0xffff, v4  }
.LBB2_9:
0x13e: {  	v14 =	vld [tilespmem:s3+$0x0];
	s0 =	sadd.s32 $0x8, s0;
	v8 =	vshrl.u32 v8, $0x18;
	v7 =	vshrl.u32 v7, $0x18;
	v10 =	vshrl.u32 v10, $0x18  }
0x13f: {  	v13 =	vadd.s32 v3, v13;
	v9 =	vadd.s32 v3, v9;
	v12 =	vadd.s32 v3, v12;
	v15 =	vld [tilespmem:s3+$0xFFFFFFA0];
	p0 =	slt.u32 s0, $0x3F8  }
0x140: {  	v11 =	vadd.s32 v3, v11;
	v8 =	vadd.s32 v3, v8;
	v17 =	vadd.s32 v3, v7;
	v16 =	vld [tilespmem:s3+$0xFFFFFFB0]  }
0x141: {  	v18 =	vadd.s32 v3, v10;
	v7 =	vld [tilespmem:s3+$0xFFFFFFC0]  }
0x142: {  	v10 =	vld [tilespmem:s3+$0xFFFFFFD0]  }
0x143: {  	v19 =	vld [tilespmem:s3+$0xFFFFFFE0];
	v20 =	vshra.s32 v14, $0x1F  }
0x144: {  	v21 =	vshra.s32 v15, $0x1F;
	v22 =	vld [tilespmem:s3+$0xFFFFFFF0];
	v20 =	vor.u32 $0x80000000, v20  }
0x145: {  	v23 =	vld [tilespmem:s3+$0xFFFFFF90];
	v21 =	vor.u32 $0x80000000, v21;
	v24 =	vshra.s32 v16, $0x1F;
	v14 =	vxor.u32 v14, v20  }
0x146: {  	v20 =	vor.u32 $0x80000000, v24;
	v24 =	vshra.s32 v7, $0x1F;
	v14 =	vshrl.u32 v14, $0x18;
	[tilespmem:v13+s13+$0x0] =	vst.idx.add.s32.msk $0xffff, v4  }
0x147: {  	v13 =	vor.u32 $0x80000000, v24;
	v24 =	vshra.s32 v10, $0x1F;
	v14 =	vadd.s32 v3, v14;
	[tilespmem:v9+s13+$0x0] =	vst.idx.add.s32.msk $0xffff, v4  }
0x148: {  	v9 =	vxor.u32 v15, v21;
	v15 =	vor.u32 $0x80000000, v24;
	v21 =	vshra.s32 v19, $0x1F;
	[tilespmem:v12+s13+$0x0] =	vst.idx.add.s32.msk $0xffff, v4  }
.Ltmp7:
0x149: {  	v12 =	vxor.u32 v16, v20;
	v16 =	vor.u32 $0x80000000, v21;
	v20 =	vshra.s32 v22, $0x1F;
	[tilespmem:v11+s13+$0x0] =	vst.idx.add.s32.msk $0xffff, v4;
	(pc) =	sbr.rel @p0 .LBB2_9-.Ltmp7, $4  }
0x14a: {  	v21 =	vxor.u32 v7, v13;
	v11 =	vshra.s32 v23, $0x1F;
	v13 =	vor.u32 $0x80000000, v20;
	[tilespmem:v8+s13+$0x0] =	vst.idx.add.s32.msk $0xffff, v4  }
0x14b: {  	v8 =	vxor.u32 v10, v15;
	v7 =	vxor.u32 v19, v16;
	v11 =	vor.u32 $0x80000000, v11;
	[tilespmem:v17+s13+$0x0] =	vst.idx.add.s32.msk $0xffff, v4  }
0x14c: {  	v9 =	vshrl.u32 v9, $0x18;
	v10 =	vxor.u32 v22, v13;
	v11 =	vxor.u32 v23, v11;
	[tilespmem:v14+s13+$0x0] =	vst.idx.add.s32.msk $0xffff, v4  }
0x14d: {  	s3 =	sadd.s32 $0x80, s3;
	v12 =	vshrl.u32 v12, $0x18;
	v13 =	vshrl.u32 v11, $0x18;
	v11 =	vshrl.u32 v21, $0x18;
	[tilespmem:v18+s13+$0x0] =	vst.idx.add.s32.msk $0xffff, v4  }
0x14e: {  	v13 =	vadd.s32 v3, v13  }
0x14f: {  	v9 =	vadd.s32 v3, v9  }
0x150: {  	v12 =	vadd.s32 v3, v12  }
0x151: {  	v8 =	vshrl.u32 v8, $0x18;
	v11 =	vadd.s32 v3, v11  }
0x152: {  	v7 =	vshrl.u32 v7, $0x18;
	v8 =	vadd.s32 v3, v8  }
0x153: {  	v10 =	vshrl.u32 v10, $0x18;
	v7 =	vadd.s32 v3, v7;
	[tilespmem:v13+s13+$0x0] =	vst.idx.add.s32.msk $0xffff, v4  }
0x154: {  	v10 =	vadd.s32 v3, v10;
	[tilespmem:v9+s13+$0x0] =	vst.idx.add.s32.msk $0xffff, v4  }
0x155: {  	[tilespmem:v12+s13+$0x0] =	vst.idx.add.s32.msk $0xffff, v4  }
0x156: {  	[tilespmem:v11+s13+$0x0] =	vst.idx.add.s32.msk $0xffff, v4  }
0x157: {  	[tilespmem:v8+s13+$0x0] =	vst.idx.add.s32.msk $0xffff, v4  }
0x158: {  	[tilespmem:v7+s13+$0x0] =	vst.idx.add.s32.msk $0xffff, v4  }
0x159: {  	[tilespmem:v10+s13+$0x0] =	vst.idx.add.s32.msk $0xffff, v4  }
0x15a: {  	_ =	swait.ge [sflag:s12], $0x4000  }
0x15b: {  	[sflag:s12] =	ssyncset.done $0x0  }
0x15c: {  	s0 =	simm.s32 $0x8070;
	[sflag:s12] =	ssyncadd.s32 $0xFFFFC000  }
0x15d: {  	v7 =	vld [tilespmem:s0+$0x0]  }
0x15e: {  	v8 =	vld [tilespmem:s0+$0xFFFFFFA0]  }
0x15f: {  	v9 =	vld [tilespmem:s0+$0xFFFFFFB0]  }
0x160: {  	v10 =	vld [tilespmem:s0+$0xFFFFFFC0]  }
0x161: {  	v11 =	vld [tilespmem:s0+$0xFFFFFFD0];
	_ =	sdelay $0x1  }
0x162: {  	v12 =	vld [tilespmem:s0+$0xFFFFFFE0]  }
0x163: {  	v15 =	vld [tilespmem:s0+$0xFFFFFFF0]  }
0x164: {  	v16 =	vld [tilespmem:s0+$0xFFFFFF90];
	v13 =	vshra.s32 v7, $0x1F;
	v14 =	vshra.s32 v8, $0x1F;
	v17 =	vshra.s32 v9, $0x1F  }
0x165: {  	v62 =	vshra.s32 v10, $0x1F;
	v18 =	vshra.s32 v11, $0x1F;
	v13 =	vor.u32 $0x80000000, v13  }
0x166: {  	v14 =	vor.u32 $0x80000000, v14;
	v7 =	vxor.u32 v7, v13;
	v13 =	vor.u32 $0x80000000, v17  }
0x167: {  	v17 =	vor.u32 $0x80000000, v62;
	v14 =	vxor.u32 v8, v14;
	v7 =	vshrl.u32 v7, $0x18  }
0x168: {  	v8 =	vshra.s32 v12, $0x1F;
	v63 =	vxor.u32 v9, v13;
	v19 =	vadd.s32 v3, v7  }
0x169: {  	v9 =	vor.u32 $0x80000000, v8;
	v8 =	vshra.s32 v15, $0x1F;
	v13 =	vshra.s32 v16, $0x1F  }
0x16a: {  	v17 =	vxor.u32 v10, v17;
	v7 =	vor.u32 $0x80000000, v18;
	v10 =	vor.u32 $0x80000000, v8  }
0x16b: {  	v13 =	vor.u32 $0x80000000, v13;
	v8 =	vxor.u32 v11, v7;
	v7 =	vxor.u32 v12, v9  }
0x16c: {  	v11 =	vxor.u32 v16, v13;
	v9 =	vshrl.u32 v14, $0x18;
	v10 =	vxor.u32 v15, v10  }
0x16d: {  	s3 =	simm.s32 $0x80F0;
	s0 =	simm.s32 $0x0;
	v12 =	vshrl.u32 v63, $0x18;
	v13 =	vshrl.u32 v11, $0x18;
	v11 =	vshrl.u32 v17, $0x18;
	[tilespmem:v19+s13+$0x0] =	vst.idx.add.s32.msk $0xffff, v4  }
.LBB2_11:
0x16e: {  	v14 =	vld [tilespmem:s3+$0x0];
	s0 =	sadd.s32 $0x8, s0;
	v8 =	vshrl.u32 v8, $0x18;
	v7 =	vshrl.u32 v7, $0x18;
	v10 =	vshrl.u32 v10, $0x18  }
0x16f: {  	v13 =	vadd.s32 v3, v13;
	v9 =	vadd.s32 v3, v9;
	v12 =	vadd.s32 v3, v12;
	v15 =	vld [tilespmem:s3+$0xFFFFFFA0];
	p0 =	slt.u32 s0, $0x3F8  }
0x170: {  	v11 =	vadd.s32 v3, v11;
	v8 =	vadd.s32 v3, v8;
	v17 =	vadd.s32 v3, v7;
	v16 =	vld [tilespmem:s3+$0xFFFFFFB0]  }
0x171: {  	v18 =	vadd.s32 v3, v10;
	v7 =	vld [tilespmem:s3+$0xFFFFFFC0]  }
0x172: {  	v10 =	vld [tilespmem:s3+$0xFFFFFFD0]  }
0x173: {  	v19 =	vld [tilespmem:s3+$0xFFFFFFE0];
	v20 =	vshra.s32 v14, $0x1F  }
0x174: {  	v21 =	vshra.s32 v15, $0x1F;
	v22 =	vld [tilespmem:s3+$0xFFFFFFF0];
	v20 =	vor.u32 $0x80000000, v20  }
0x175: {  	v23 =	vld [tilespmem:s3+$0xFFFFFF90];
	v21 =	vor.u32 $0x80000000, v21;
	v24 =	vshra.s32 v16, $0x1F;
	v14 =	vxor.u32 v14, v20  }
0x176: {  	v20 =	vor.u32 $0x80000000, v24;
	v24 =	vshra.s32 v7, $0x1F;
	v14 =	vshrl.u32 v14, $0x18;
	[tilespmem:v13+s13+$0x0] =	vst.idx.add.s32.msk $0xffff, v4  }
0x177: {  	v13 =	vor.u32 $0x80000000, v24;
	v24 =	vshra.s32 v10, $0x1F;
	v14 =	vadd.s32 v3, v14;
	[tilespmem:v9+s13+$0x0] =	vst.idx.add.s32.msk $0xffff, v4  }
0x178: {  	v9 =	vxor.u32 v15, v21;
	v15 =	vor.u32 $0x80000000, v24;
	v21 =	vshra.s32 v19, $0x1F;
	[tilespmem:v12+s13+$0x0] =	vst.idx.add.s32.msk $0xffff, v4  }
.Ltmp8:
0x179: {  	v12 =	vxor.u32 v16, v20;
	v16 =	vor.u32 $0x80000000, v21;
	v20 =	vshra.s32 v22, $0x1F;
	[tilespmem:v11+s13+$0x0] =	vst.idx.add.s32.msk $0xffff, v4;
	(pc) =	sbr.rel @p0 .LBB2_11-.Ltmp8, $4  }
0x17a: {  	v21 =	vxor.u32 v7, v13;
	v11 =	vshra.s32 v23, $0x1F;
	v13 =	vor.u32 $0x80000000, v20;
	[tilespmem:v8+s13+$0x0] =	vst.idx.add.s32.msk $0xffff, v4  }
0x17b: {  	v8 =	vxor.u32 v10, v15;
	v7 =	vxor.u32 v19, v16;
	v11 =	vor.u32 $0x80000000, v11;
	[tilespmem:v17+s13+$0x0] =	vst.idx.add.s32.msk $0xffff, v4  }
0x17c: {  	v9 =	vshrl.u32 v9, $0x18;
	v10 =	vxor.u32 v22, v13;
	v11 =	vxor.u32 v23, v11;
	[tilespmem:v14+s13+$0x0] =	vst.idx.add.s32.msk $0xffff, v4  }
0x17d: {  	s3 =	sadd.s32 $0x80, s3;
	v12 =	vshrl.u32 v12, $0x18;
	v13 =	vshrl.u32 v11, $0x18;
	v11 =	vshrl.u32 v21, $0x18;
	[tilespmem:v18+s13+$0x0] =	vst.idx.add.s32.msk $0xffff, v4  }
0x17e: {  	v13 =	vadd.s32 v3, v13  }
0x17f: {  	v9 =	vadd.s32 v3, v9  }
0x180: {  	v12 =	vadd.s32 v3, v12  }
0x181: {  	v8 =	vshrl.u32 v8, $0x18;
	v11 =	vadd.s32 v3, v11  }
0x182: {  	v7 =	vshrl.u32 v7, $0x18;
	v8 =	vadd.s32 v3, v8  }
0x183: {  	v10 =	vshrl.u32 v10, $0x18;
	v7 =	vadd.s32 v3, v7;
	[tilespmem:v13+s13+$0x0] =	vst.idx.add.s32.msk $0xffff, v4  }
0x184: {  	v10 =	vadd.s32 v3, v10;
	[tilespmem:v9+s13+$0x0] =	vst.idx.add.s32.msk $0xffff, v4  }
0x185: {  	[tilespmem:v12+s13+$0x0] =	vst.idx.add.s32.msk $0xffff, v4  }
0x186: {  	[tilespmem:v11+s13+$0x0] =	vst.idx.add.s32.msk $0xffff, v4  }
0x187: {  	[tilespmem:v8+s13+$0x0] =	vst.idx.add.s32.msk $0xffff, v4  }
0x188: {  	[tilespmem:v7+s13+$0x0] =	vst.idx.add.s32.msk $0xffff, v4  }
0x189: {  	[tilespmem:v10+s13+$0x0] =	vst.idx.add.s32.msk $0xffff, v4  }
0x18a: {  	_ =	swait.ge [sflag:s12], $0x4000  }
0x18b: {  	[sflag:s12] =	ssyncset.done $0x0  }
0x18c: {  	s0 =	simm.s32 $0xC070;
	[sflag:s12] =	ssyncadd.s32 $0xFFFFC000  }
0x18d: {  	v7 =	vld [tilespmem:s0+$0x0]  }
0x18e: {  	v8 =	vld [tilespmem:s0+$0xFFFFFFA0]  }
0x18f: {  	v9 =	vld [tilespmem:s0+$0xFFFFFFB0]  }
0x190: {  	v10 =	vld [tilespmem:s0+$0xFFFFFFC0]  }
0x191: {  	v11 =	vld [tilespmem:s0+$0xFFFFFFD0]  }
0x192: {  	v12 =	vld [tilespmem:s0+$0xFFFFFFE0]  }
0x193: {  	v16 =	vld [tilespmem:s0+$0xFFFFFF90];
	_ =	sdelay $0x2  }
0x194: {  	v13 =	vshra.s32 v7, $0x1F;
	v14 =	vshra.s32 v8, $0x1F;
	v17 =	vshra.s32 v9, $0x1F  }
0x195: {  	v15 =	vld [tilespmem:s0+$0xFFFFFFF0];
	v62 =	vshra.s32 v10, $0x1F;
	v18 =	vshra.s32 v11, $0x1F;
	v13 =	vor.u32 $0x80000000, v13  }
0x196: {  	v63 =	vshra.s32 v12, $0x1F;
	v19 =	vshra.s32 v16, $0x1F;
	v7 =	vxor.u32 v7, v13  }
0x197: {  	v14 =	vor.u32 $0x80000000, v14;
	v13 =	vor.u32 $0x80000000, v17;
	v7 =	vshrl.u32 v7, $0x18  }
0x198: {  	v17 =	vor.u32 $0x80000000, v62;
	v14 =	vxor.u32 v8, v14;
	v7 =	vadd.s32 v3, v7  }
0x199: {  	v8 =	vor.u32 $0x80000000, v18;
	v18 =	vor.u32 $0x80000000, v63;
	v13 =	vxor.u32 v9, v13  }
0x19a: {  	v9 =	vshra.s32 v15, $0x1F;
	v17 =	vxor.u32 v10, v17;
	v10 =	vor.u32 $0x80000000, v19  }
0x19b: {  	v20 =	vor.u32 $0x80000000, v9;
	v9 =	vxor.u32 v11, v8;
	v8 =	vxor.u32 v12, v18  }
0x19c: {  	v12 =	vxor.u32 v16, v10;
	v10 =	vshrl.u32 v14, $0x18;
	v13 =	vshrl.u32 v13, $0x18  }
0x19d: {  	s3 =	simm.s32 $0x0;
	s6 =	simm.s32 $0xC0F0;
	v11 =	vxor.u32 v15, v20;
	v14 =	vshrl.u32 v12, $0x18;
	v12 =	vshrl.u32 v17, $0x18;
	[tilespmem:v7+s13+$0x0] =	vst.idx.add.s32.msk $0xffff, v4  }
.LBB2_13:
0x19e: {  	v15 =	vld [tilespmem:s6+$0x0];
	s3 =	sadd.s32 $0x8, s3;
	v7 =	vshrl.u32 v9, $0x18;
	v8 =	vshrl.u32 v8, $0x18;
	v9 =	vshrl.u32 v11, $0x18  }
0x19f: {  	v14 =	vadd.s32 v3, v14;
	v10 =	vadd.s32 v3, v10;
	v13 =	vadd.s32 v3, v13;
	v11 =	vld [tilespmem:s6+$0xFFFFFFA0];
	p0 =	slt.u32 s3, $0x3F8  }
0x1a0: {  	v12 =	vadd.s32 v3, v12;
	v17 =	vadd.s32 v3, v7;
	v18 =	vadd.s32 v3, v8;
	v16 =	vld [tilespmem:s6+$0xFFFFFFB0]  }
0x1a1: {  	v19 =	vadd.s32 v3, v9;
	v8 =	vld [tilespmem:s6+$0xFFFFFFC0]  }
0x1a2: {  	v9 =	vld [tilespmem:s6+$0xFFFFFFD0]  }
0x1a3: {  	v20 =	vld [tilespmem:s6+$0xFFFFFFE0];
	v7 =	vshra.s32 v15, $0x1F  }
0x1a4: {  	v21 =	vshra.s32 v11, $0x1F;
	v22 =	vld [tilespmem:s6+$0xFFFFFFF0];
	v23 =	vor.u32 $0x80000000, v7;
	v7 =	vimm.s32 $0x0  }
0x1a5: {  	v24 =	vld [tilespmem:s6+$0xFFFFFF90];
	v21 =	vor.u32 $0x80000000, v21;
	v25 =	vshra.s32 v16, $0x1F;
	v15 =	vxor.u32 v15, v23  }
0x1a6: {  	v23 =	vor.u32 $0x80000000, v25;
	v25 =	vshra.s32 v8, $0x1F;
	v15 =	vshrl.u32 v15, $0x18;
	[tilespmem:v14+s13+$0x0] =	vst.idx.add.s32.msk $0xffff, v4  }
0x1a7: {  	v14 =	vor.u32 $0x80000000, v25;
	v25 =	vshra.s32 v9, $0x1F;
	v15 =	vadd.s32 v3, v15;
	[tilespmem:v10+s13+$0x0] =	vst.idx.add.s32.msk $0xffff, v4  }
0x1a8: {  	v10 =	vxor.u32 v11, v21;
	v11 =	vor.u32 $0x80000000, v25;
	v21 =	vshra.s32 v20, $0x1F;
	[tilespmem:v13+s13+$0x0] =	vst.idx.add.s32.msk $0xffff, v4  }
.Ltmp9:
0x1a9: {  	v13 =	vxor.u32 v16, v23;
	v16 =	vor.u32 $0x80000000, v21;
	v21 =	vshra.s32 v22, $0x1F;
	[tilespmem:v12+s13+$0x0] =	vst.idx.add.s32.msk $0xffff, v4;
	(pc) =	sbr.rel @p0 .LBB2_13-.Ltmp9, $4  }
0x1aa: {  	v23 =	vxor.u32 v8, v14;
	v12 =	vshra.s32 v24, $0x1F;
	v14 =	vor.u32 $0x80000000, v21;
	[tilespmem:v17+s13+$0x0] =	vst.idx.add.s32.msk $0xffff, v4  }
0x1ab: {  	v9 =	vxor.u32 v9, v11;
	v8 =	vxor.u32 v20, v16;
	v12 =	vor.u32 $0x80000000, v12;
	[tilespmem:v18+s13+$0x0] =	vst.idx.add.s32.msk $0xffff, v4  }
0x1ac: {  	s0 =	simm.s32 $0x0;
	v10 =	vshrl.u32 v10, $0x18;
	v11 =	vxor.u32 v22, v14;
	v12 =	vxor.u32 v24, v12;
	[tilespmem:v15+s13+$0x0] =	vst.idx.add.s32.msk $0xffff, v4  }
0x1ad: {  	s6 =	sadd.s32 $0x80, s6;
	v13 =	vshrl.u32 v13, $0x18;
	v14 =	vshrl.u32 v12, $0x18;
	v12 =	vshrl.u32 v23, $0x18;
	[tilespmem:v19+s13+$0x0] =	vst.idx.add.s32.msk $0xffff, v4  }
0x1ae: {  	v14 =	vadd.s32 v3, v14  }
0x1af: {  	v10 =	vadd.s32 v3, v10  }
0x1b0: {  	v13 =	vadd.s32 v3, v13  }
0x1b1: {  	v9 =	vshrl.u32 v9, $0x18;
	v12 =	vadd.s32 v3, v12  }
0x1b2: {  	v8 =	vshrl.u32 v8, $0x18;
	v9 =	vadd.s32 v3, v9  }
0x1b3: {  	v11 =	vshrl.u32 v11, $0x18;
	v8 =	vadd.s32 v3, v8;
	[tilespmem:v14+s13+$0x0] =	vst.idx.add.s32.msk $0xffff, v4  }
0x1b4: {  	v11 =	vadd.s32 v3, v11;
	[tilespmem:v10+s13+$0x0] =	vst.idx.add.s32.msk $0xffff, v4  }
0x1b5: {  	[tilespmem:v13+s13+$0x0] =	vst.idx.add.s32.msk $0xffff, v4  }
0x1b6: {  	[tilespmem:v12+s13+$0x0] =	vst.idx.add.s32.msk $0xffff, v4  }
0x1b7: {  	[tilespmem:v9+s13+$0x0] =	vst.idx.add.s32.msk $0xffff, v4  }
0x1b8: {  	[tilespmem:v8+s13+$0x0] =	vst.idx.add.s32.msk $0xffff, v4  }
0x1b9: {  	s9 =	simm.s32 $0x0;
	[tilespmem:v11+s13+$0x0] =	vst.idx.add.s32.msk $0xffff, v4  }
0x1ba: {  	v8 =	vld [tilespmem:s9+$0x100F0]  }
0x1bb: {  	v9 =	vld [tilespmem:s9+$0x101F1]  }
0x1bc: {  	v10 =	vld [tilespmem:s9+$0x102F2]  }
0x1bd: {  	v11 =	vld [tilespmem:s9+$0x103F3]  }
0x1be: {  	v12 =	vld [tilespmem:s9+$0x104F4]  }
0x1bf: {  	v13 =	vld [tilespmem:s9+$0x105F5]  }
0x1c0: {  	v14 =	vld [tilespmem:s9+$0x106F6]  }
0x1c1: {  	v15 =	vld [tilespmem:s9+$0x107F7]  }
0x1c2: {  	v16 =	vld [tilespmem:s9+$0x108F8];
	v8 =	vadd.s32 v8, v9  }
0x1c3: {  	v17 =	vld [tilespmem:s9+$0x109F9];
	v8 =	vadd.s32 v10, v8  }
0x1c4: {  	v18 =	vld [tilespmem:s9+$0x10AFA];
	v8 =	vadd.s32 v11, v8  }
0x1c5: {  	v19 =	vld [tilespmem:s9+$0x10BFB];
	v8 =	vadd.s32 v12, v8  }
0x1c6: {  	v20 =	vld [tilespmem:s9+$0x10CFC];
	v8 =	vadd.s32 v13, v8  }
0x1c7: {  	v21 =	vld [tilespmem:s9+$0x10DFD];
	v8 =	vadd.s32 v14, v8  }
0x1c8: {  	s6 =	simm.s32 $0xFFFFFFF0;
	v22 =	vld [tilespmem:s9+$0x10EFE];
	v8 =	vadd.s32 v15, v8  }
0x1c9: {  	v57 =	vld [tilespmem:s6+$0x106F6];
	v8 =	vadd.s32 v16, v8  }
0x1ca: {  	v9 =	vld [tilespmem:s9+$0x10FFF];
	v8 =	vadd.s32 v17, v8  }
0x1cb: {  	v10 =	vld [tilespmem:s6+$0x100F0];
	v8 =	vadd.s32 v18, v8  }
0x1cc: {  	v11 =	vld [tilespmem:s6+$0x101F1];
	v8 =	vadd.s32 v19, v8  }
0x1cd: {  	v12 =	vld [tilespmem:s6+$0x102F2];
	v8 =	vadd.s32 v20, v8  }
0x1ce: {  	v13 =	vld [tilespmem:s6+$0x103F3];
	v8 =	vadd.s32 v21, v8  }
0x1cf: {  	v14 =	vld [tilespmem:s6+$0x104F4];
	v8 =	vadd.s32 v22, v8  }
0x1d0: {  	v15 =	vld [tilespmem:s6+$0x105F5];
	v8 =	vadd.s32 v9, v8  }
0x1d1: {  	v58 =	vld [tilespmem:s6+$0x107F7];
	v10 =	vadd.s32 v10, v11;
	v8 =	vperm.xlane v8, v5  }
0x1d2: {  	v59 =	vld [tilespmem:s6+$0x10EFE];
	v10 =	vadd.s32 v12, v10  }
0x1d3: {  	v11 =	vld [tilespmem:s6+$0x108F8];
	v10 =	vadd.s32 v13, v10;
	(xrf0) =	vadd.scan.msk.s32 $0xffff, v8  }
0x1d4: {  	v12 =	vld [tilespmem:s6+$0x109F9];
	v10 =	vadd.s32 v14, v10  }
0x1d5: {  	v13 =	vld [tilespmem:s6+$0x10AFA];
	v10 =	vadd.s32 v15, v10  }
0x1d6: {  	v14 =	vld [tilespmem:s6+$0x10BFB];
	v9 =	vadd.s32 v57, v10  }
0x1d7: {  	v15 =	vld [tilespmem:s6+$0x10CFC];
	v9 =	vadd.s32 v58, v9  }
0x1d8: {  	v10 =	vld [tilespmem:s6+$0x10DFD];
	v9 =	vadd.s32 v11, v9  }
0x1d9: {  	s3 =	simm.s32 $0xFFFFFFE0;
	v11 =	vld [tilespmem:s6+$0x10FFF];
	v8 =	vadd.s32 v12, v9;
	v60, _, _ =	vpop (xrf0)  }
0x1da: {  	v9 =	vld [tilespmem:s3+$0x100F0];
	v8 =	vadd.s32 v13, v8;
	v61 =	vxor.u32 $0x80000000, v60  }
0x1db: {  	v12 =	vld [tilespmem:s3+$0x101F1];
	v8 =	vadd.s32 v14, v8;
	(xrf0) =	vmax.scan.msk.u32 $0xffff, v61  }
0x1dc: {  	v13 =	vld [tilespmem:s3+$0x102F2];
	v8 =	vadd.s32 v15, v8  }
0x1dd: {  	v14 =	vld [tilespmem:s3+$0x103F3];
	v8 =	vadd.s32 v10, v8  }
0x1de: {  	v10 =	vld [tilespmem:s3+$0x104F4];
	v8 =	vadd.s32 v59, v8  }
0x1df: {  	v15 =	vld [tilespmem:s3+$0x105F5];
	v8 =	vadd.s32 v11, v8  }
0x1e0: {  	v9 =	vadd.s32 v9, v12;
	v11 =	vld [tilespmem:s3+$0x106F6];
	v8 =	vperm.xlane v8, v5  }
0x1e1: {  	v12 =	vld [tilespmem:s3+$0x107F7];
	v9 =	vadd.s32 v13, v9;
	v17, _, _ =	vpop (xrf0)  }
0x1e2: {  	(xrf0) =	vadd.scan.msk.s32 $0xffff, v8;
	v8 =	vadd.s32 v14, v9;
	(v2sf) =	vpush v17, $0xF  }
0x1e3: {  	v8 =	vadd.s32 v10, v8  }
0x1e4: {  	v13 =	vld [tilespmem:s3+$0x108F8];
	v9 =	vadd.s32 s0, v60;
	v8 =	vadd.s32 v15, v8  }
0x1e5: {  	v14 =	vld [tilespmem:s3+$0x109F9];
	v10 =	vperm.xlane v9, v5;
	v8 =	vadd.s32 v11, v8  }
0x1e6: {  	v62 =	vld [tilespmem:s3+$0x10AFA];
	v8 =	vadd.s32 v12, v8  }
0x1e7: {  	v15 =	vld [tilespmem:s3+$0x10BFB];
	[tilespmem:s9+$0x11170] =	vst v10  }
0x1e8: {  	v9 =	vld [tilespmem:s3+$0x10CFC]  }
0x1e9: {  	vm0 =	vgt.s32 v10, $0x3F;
	v11 =	vld [tilespmem:s3+$0x10DFD];
	v10 =	vadd.s32 v13, v8;
	v8, _, _ =	vpop (xrf0)  }
0x1ea: {  	v63 =	vmpcnt.ones.xlane vm0;
	v12 =	vld [tilespmem:s3+$0x10EFE];
	v10 =	vadd.s32 v14, v10;
	v14 =	vxor.u32 $0x80000000, v8  }
0x1eb: {  	s20 =	simm.s32 $0xFFFFFFD0;
	v13 =	vld [tilespmem:s3+$0x10FFF];
	v16 =	vadd.s32 v62, v10;
	(xrf0) =	vmax.scan.msk.u32 $0xffff, v14  }
0x1ec: {  	s9 =	simm.s32 $0xFFFFFF00;
	v7 =	vadd.s32 v7, v63;
	v10 =	vld [tilespmem:s20+$0x100F0];
	v14 =	vadd.s32 v15, v16  }
.LBB2_15:
0x1ed: {  	p0 =	sne.s32 s9, $0xFFFFFC40;
	v15 =	vld [tilespmem:s20+$0x101F1];
	v9 =	vadd.s32 v9, v14  }
0x1ee: {  	v14 =	vld [tilespmem:s20+$0x102F2];
	v9 =	vadd.s32 v11, v9  }
0x1ef: {  	v11 =	vld [tilespmem:s20+$0x103F3];
	v9 =	vadd.s32 v12, v9  }
0x1f0: {  	v12 =	vld [tilespmem:s20+$0x104F4];
	v9 =	vadd.s32 v13, v9  }
0x1f1: {  	v13 =	vld [tilespmem:s20+$0x105F5];
	v9 =	vperm.xlane v9, v5;
	v16, _, _ =	vpop (xrf0);
	s5 =	spop (v2sf)  }
0x1f2: {  	v10 =	vadd.s32 v10, v15;
	v15 =	vld [tilespmem:s20+$0x106F6];
	(v2sf) =	vpush v16, $0xF;
	s0 =	sadd.s32 s5, s0  }
0x1f3: {  	v10 =	vadd.s32 v14, v10;
	v14 =	vld [tilespmem:s20+$0x107F7];
	(xrf0) =	vadd.scan.msk.s32 $0xffff, v9;
	s0 =	sadd.s32 $0x80000000, s0  }
0x1f4: {  	v9 =	vadd.s32 v11, v10;
	v10 =	vld [tilespmem:s20+$0x108F8];
	v8 =	vadd.s32 s0, v8  }
0x1f5: {  	v9 =	vadd.s32 v12, v9;
	v12 =	vld [tilespmem:s20+$0x109F9];
	v8 =	vperm.xlane v8, v5  }
0x1f6: {  	v9 =	vadd.s32 v13, v9;
	v13 =	vld [tilespmem:s20+$0x10AFA]  }
0x1f7: {  	v9 =	vadd.s32 v15, v9;
	v15 =	vld [tilespmem:s20+$0x10BFB];
	[tilespmem:s6+$0x11170] =	vst v8;
	vm0 =	vgt.s32 v8, $0x3F;
	s6 =	smov.u32 s3;
	s3 =	smov.u32 s20  }
.Ltmp10:
0x1f8: {  	v16 =	vadd.s32 v14, v9;
	v9 =	vld [tilespmem:s3+$0x10CFC];
	v14 =	vmpcnt.ones.xlane vm0;
	(pc) =	sbr.rel @p0 .LBB2_15-.Ltmp10, $4  }
0x1f9: {  	v10 =	vadd.s32 v10, v16;
	v11 =	vld [tilespmem:s3+$0x10DFD];
	v8, _, _ =	vpop (xrf0)  }
0x1fa: {  	v10 =	vadd.s32 v12, v10;
	v12 =	vld [tilespmem:s3+$0x10EFE];
	v16 =	vxor.u32 $0x80000000, v8;
	v7 =	vadd.s32 v7, v14  }
0x1fb: {  	s20 =	sshra.s32 s9, $0x2;
	v14 =	vadd.s32 v13, v10;
	v13 =	vld [tilespmem:s3+$0x10FFF];
	(xrf0) =	vmax.scan.msk.u32 $0xffff, v16  }
0x1fc: {  	s9 =	sadd.s32 $0xFFFFFFC0, s9;
	v10 =	vld [tilespmem:s20+$0x100F0];
	v14 =	vadd.s32 v15, v14  }
0x1fd: {  	v9 =	vadd.s32 v9, v14  }
0x1fe: {  	v9 =	vadd.s32 v11, v9  }
0x1ff: {  	v9 =	vadd.s32 v12, v9  }
0x200: {  	v9 =	vadd.s32 v13, v9  }
0x201: {  	v9 =	vperm.xlane v9, v5;
	_ =	sdelay $0x1  }
0x202: {  	(xrf0) =	vadd.scan.msk.s32 $0xffff, v9;
	_ =	sdelay $0x3  }
0x203: {  	v9 =	vld [tilespmem:s20+$0x101F1]  }
0x204: {  	v11 =	vld [tilespmem:s20+$0x102F2];
	v54, _, _ =	vpop (xrf0)  }
0x205: {  	v53 =	vld [tilespmem:s20+$0x103F3];
	v15, _, _ =	vpop (xrf0)  }
0x206: {  	v55 =	vld [tilespmem:s20+$0x104F4];
	v17 =	vxor.u32 $0x80000000, v15  }
0x207: {  	v16 =	vld [tilespmem:s20+$0x105F5];
	s5 =	spop (v2sf);
	(xrf0) =	vmax.scan.msk.u32 $0xffff, v17  }
0x208: {  	v56 =	vld [tilespmem:s20+$0x106F6];
	s0 =	sadd.s32 s5, s0;
	v9 =	vadd.s32 v10, v9  }
0x209: {  	s0 =	sadd.s32 $0x80000000, s0;
	v10 =	vld [tilespmem:s20+$0x107F7];
	v9 =	vadd.s32 v11, v9  }
0x20a: {  	v8 =	vadd.s32 s0, v8;
	v11 =	vld [tilespmem:s20+$0x108F8];
	v9 =	vadd.s32 v53, v9  }
0x20b: {  	v57 =	vld [tilespmem:s20+$0x109F9];
	v8 =	vperm.xlane v8, v5;
	v9 =	vadd.s32 v55, v9  }
0x20c: {  	v58 =	vld [tilespmem:s20+$0x10AFA];
	(v2sf) =	vpush v54, $0xF;
	v9 =	vadd.s32 v16, v9  }
0x20d: {  	v59 =	vld [tilespmem:s20+$0x10BFB];
	[tilespmem:s6+$0x11170] =	vst v8;
	v9 =	vadd.s32 v56, v9;
	v60, _, _ =	vpop (xrf0)  }
0x20e: {  	v9 =	vadd.s32 v10, v9;
	v10 =	vld [tilespmem:s20+$0x10CFC];
	(v2sf) =	vpush v60, $0xF  }
0x20f: {  	v9 =	vadd.s32 v11, v9;
	v11 =	vld [tilespmem:s20+$0x10DFD]  }
0x210: {  	v61 =	vld [tilespmem:s20+$0x10EFE];
	v9 =	vadd.s32 v57, v9  }
0x211: {  	v62 =	vld [tilespmem:s20+$0x10FFF];
	v9 =	vadd.s32 v58, v9  }
0x212: {  	v9 =	vadd.s32 v59, v9  }
0x213: {  	v9 =	vadd.s32 v10, v9  }
0x214: {  	v9 =	vadd.s32 v11, v9  }
0x215: {  	v9 =	vadd.s32 v61, v9  }
0x216: {  	v9 =	vadd.s32 v62, v9  }
0x217: {  	v9 =	vperm.xlane v9, v5;
	_ =	sdelay $0x1  }
0x218: {  	(xrf0) =	vadd.scan.msk.s32 $0xffff, v9;
	_ =	sdelay $0x1  }
0x219: {  	s9 =	spop (v2sf)  }
0x21a: {  	s0 =	sadd.s32 s9, s0  }
0x21b: {  	s0 =	sadd.s32 $0x80000000, s0;
	s10 =	spop (v2sf)  }
0x21c: {  	s5 =	sadd.s32 s10, s0  }
0x21d: {  	v9 =	vadd.s32 s0, v15;
	v10, _, _ =	vpop (xrf0);
	s11 =	sadd.s32 $0x80000000, s5  }
0x21e: {  	v9 =	vperm.xlane v9, v5;
	v11 =	vadd.s32 s11, v10  }
0x21f: {  	vm0 =	vgt.s32 v8, $0x3F;
	v8 =	vperm.xlane v11, v5  }
0x220: {  	vm14 =	vgt.s32 v9, $0x3F;
	v11 =	vmpcnt.ones.xlane vm0  }
0x221: {  	v63 =	vmpcnt.ones.xlane vm14;
	vm15 =	vgt.s32 v8, $0x3F  }
0x222: {  	v7 =	vadd.s32 v7, v11;
	v11 =	vmpcnt.ones.xlane vm15  }
0x223: {  	v7 =	vadd.s32 v7, v63  }
0x224: {  	v10 =	vxor.u32 $0x80000000, v10;
	v7 =	vadd.s32 v7, v11  }
0x225: {  	(xrf0) =	vmax.scan.msk.u32 $0xffff, v10;
	v7 =	vxor.u32 $0x80000000, v7  }
0x226: {  	(xrf0) =	vmax.scan.msk.u32 $0xffff, v7;
	_ =	sdelay $0x4  }
0x227: {  	v7, _, _ =	vpop (xrf0)  }
0x228: {  	(v2sf) =	vpush v7, $0xF;
	v7, _, _ =	vpop (xrf0)  }
0x229: {  	(v2sf) =	vpush v7, $0xF;
	_ =	sdelay $0xd  }
0x22a: {  	s26 =	spop (v2sf)  }
0x22b: {  	s0 =	spop (v2sf)  }
0x22c: {  	s5 =	sxor.u32 $0x80000000, s0  }
0x22d: {  	p0 =	slt.s32 s5, $0xFF  }
0x22e: {  	s5 =	simm.s32 @!p0 $0xFF  }
0x22f: {  	s28 =	sadd.s32 $0x7FFFFFFF, s0;
	v7 =	vmov s5  }
0x230: {  	v10 =	vmov s28;
	_ =	sdelay $0x1  }
0x231: {  	[tilespmem:s3+$0x11170] =	vst v9  }
0x232: {  	[tilespmem:s20+$0x11170] =	vst v8  }
0x233: {  	v7 =	vld.idx.msk [tilespmem:v7+s14+$0x0], $0xffff  }
0x234: {  	v8 =	vld.idx.msk [tilespmem:v10+s14+$0x0], $0xffff;
	_ =	sdelay $0x3  }
0x235: {  	v7 =	vxor.u32 $0x80000000, v7  }
0x236: {  	(xrf0) =	vmax.scan.msk.u32 $0xffff, v7;
	v7 =	vxor.u32 $0x80000000, v8  }
0x237: {  	(xrf0) =	vmax.scan.msk.u32 $0xffff, v7;
	_ =	sdelay $0x4  }
0x238: {  	v7, _, _ =	vpop (xrf0)  }
0x239: {  	(v2sf) =	vpush v7, $0xF;
	v7, _, _ =	vpop (xrf0)  }
0x23a: {  	(v2sf) =	vpush v7, $0xF;
	_ =	sdelay $0xd  }
0x23b: {  	s30 =	spop (v2sf)  }
0x23c: {  	s3 =	spop (v2sf)  }
0x23d: {  	s29 =	sxor.u32 $0x80000000, s3  }
0x23e: {  	p1 =	sgt.s32 s29, $0x800  }
.Ltmp11:
0x23f: {  	_ = 	snop;
	(pc) =	sbr.rel @p1 .LBB2_17-.Ltmp11, $3  }
0x240: {  	_ =	sdelay $0x1  }
0x241: {  	s31 =	sshll.u32 s28, $0x18;
	p0 =	sgt.s32 s28, $0xFE;
	s0 =	sxor.u32 $0x80000000, s30  }
0x242: {  	v8 =	vmov s31;
	s0 =	simm.s32 @p0 $0x0  }
0x243: {  	s5 =	simm.s32 $0x40  }
0x244: {  	v7 =	vld [tilespmem:s5+$0xFFFFFFC0]  }
0x245: {  	v9 =	vld [tilespmem:s5+$0x10]  }
0x246: {  	v10 =	vld [tilespmem:s5+$0x0]  }
0x247: {  	v11 =	vld [tilespmem:s5+$0x20]  }
0x248: {  	v12 =	vld [tilespmem:s5+$0xFFFFFFE0]  }
0x249: {  	v14 =	vld [tilespmem:s5+$0xFFFFFFD0]  }
0x24a: {  	v13 =	vshra.s32 v7, $0x1F  }
0x24b: {  	v13 =	vor.u32 $0x80000000, v13  }
0x24c: {  	v16 =	vimm.s32 $0x0;
	v7 =	vxor.u32 v7, v13  }
0x24d: {  	v15 =	vshra.s32 v10, $0x1F;
	v17 =	vshra.s32 v12, $0x1F;
	vm7 =	vge.u32 v7, v8;
	v7 =	vld [tilespmem:s5+$0xFFFFFFF0]  }
0x24e: {  	v19 =	vshra.s32 v11, $0x1F;
	v20 =	vshra.s32 v14, $0x1F;
	v13 =	vshra.s32 v9, $0x1F  }
0x24f: {  	v20 =	vor.u32 $0x80000000, v20;
	v13 =	vor.u32 $0x80000000, v13;
	v18 =	vmpcnt.ones.xlane vm7  }
0x250: {  	v9 =	vxor.u32 v9, v13;
	v13 =	vor.u32 $0x80000000, v19;
	v21 =	vsel vm7, $0x1, v2  }
0x251: {  	v11 =	vxor.u32 v11, v13;
	v13 =	vor.u32 $0x80000000, v17;
	vm2 =	vge.u32 v9, v8;
	(xrf0) =	vadd.scan.msk.s32 $0xffff, v21  }
0x252: {  	v19 =	vld [tilespmem:s5+$0x30];
	vm0 =	vge.u32 v11, v8;
	v11 =	vor.u32 $0x80000000, v15;
	v9 =	vshra.s32 v7, $0x1F  }
0x253: {  	v12 =	vxor.u32 v12, v13;
	v18 =	vadd.s32 v16, v18;
	v9 =	vor.u32 $0x80000000, v9  }
0x254: {  	v15 =	vsel vm0, $0x1, v2;
	v10 =	vxor.u32 v10, v11;
	v7 =	vxor.u32 v7, v9  }
0x255: {  	vm1 =	vge.u32 v12, v8;
	v11 =	vxor.u32 v14, v20;
	vm4 =	vge.u32 v10, v8;
	(xrf0) =	vadd.scan.msk.s32 $0xffff, v15  }
0x256: {  	v12 =	vsel vm1, $0x1, v2;
	v20 =	vmpcnt.ones.xlane vm1;
	vm5 =	vge.u32 v11, v8  }
0x257: {  	v11 =	vsel vm2, $0x1, v2;
	v10 =	vshra.s32 v19, $0x1F;
	(xrf0) =	vadd.scan.msk.s32 $0xffff, v12;
	vm3 =	vge.u32 v7, v8;
	v7, _, _ =	vpop (xrf0)  }
0x258: {  	v9 =	vsel vm4, $0x1, v2;
	v10 =	vor.u32 $0x80000000, v10;
	v7 =	vadd.s32 v7, v16  }
0x259: {  	v15 =	vmpcnt.ones.xlane vm2;
	v10 =	vxor.u32 v19, v10;
	(xrf0) =	vadd.scan.msk.s32 $0xffff, v9;
	v12 =	vadd.s32 $0xFFFFFFFF, v7  }
0x25a: {  	v19 =	vmpcnt.ones.xlane vm5;
	vm6 =	vge.u32 v10, v8;
	(xrf0) =	vadd.scan.msk.s32 $0xffff, v11;
	v7 =	vsel vm5, $0x1, v2  }
0x25b: {  	s10 =	simm.s32 $0x40;
	s9 =	simm.s32 $0x30;
	v14 =	vsel vm3, $0x1, v2;
	v17 =	vmpcnt.ones.xlane vm3;
	v10 =	vsel vm6, $0x1, v2;
	v13, _, _ =	vpop (xrf0);
	(xrf0) =	vadd.scan.msk.s32 $0xffff, v7  }
0x25c: {  	s6 =	simm.s32 $0x20;
	s11 =	simm.s32 $0x0;
	s30 =	simm.s32 $0x60;
	v9 =	vor.u32 s9, v0;
	v19 =	vadd.s32 v18, v19;
	v11 =	vor.u32 s10, v0;
	(xrf0) =	vadd.scan.msk.s32 $0xffff, v10  }
0x25d: {  	s20 =	simm.s32 $0x70;
	s26 =	simm.s32 $0x0;
	v16 =	vor.u32 s11, v0;
	v63, _, _ =	vpop (xrf0);
	v7 =	vor.u32 s6, v0;
	v10 =	vor.u32 s30, v0  }
0x25e: {  	s28 =	simm.s32 $0xC0;
	s9 =	simm.s32 $0x50;
	s6 =	simm.s32 $0x70;
	[tilespmem:v12+s15+$0x0] =	vst.idx.msk vm7, v16;
	v12 =	vadd.s32 v63, v19;
	v16 =	vadd.s32 v19, v20;
	v19 =	vmpcnt.ones.xlane vm4  }
.LBB2_39:
0x25f: {  	v20 =	vld [tilespmem:s28+$0xFFFFFFC0];
	s26 =	sadd.s32 $0x8, s26;
	v27 =	vadd.s32 v16, v17;
	v21 =	vor.u32 s9, v0;
	v22 =	vmpcnt.ones.xlane vm6;
	s20 =	sadd.s32 $0x80, s20;
	v23, _, _ =	vpop (xrf0)  }
0x260: {  	v24 =	vld [tilespmem:s28+$0x10];
	p0 =	slt.u32 s26, $0xFF8;
	v23 =	vadd.s32 v23, v27;
	v26 =	vadd.s32 v27, v19;
	v19 =	vmpcnt.ones.xlane vm0;
	(xrf0) =	vadd.scan.msk.s32 $0xffff, v14;
	v14, _, _ =	vpop (xrf0)  }
0x261: {  	v25 =	vld [tilespmem:s28+$0x0];
	v23 =	vadd.s32 $0xFFFFFFFF, v23;
	v14 =	vadd.s32 v14, v26;
	v15 =	vadd.s32 v26, v15;
	v17, _, _ =	vpop (xrf0)  }
0x262: {  	v26 =	vld [tilespmem:s28+$0x20];
	v17 =	vadd.s32 v17, v18;
	v13 =	vadd.s32 v13, v15;
	v15 =	vadd.s32 v15, v19;
	v18, _, _ =	vpop (xrf0)  }
0x263: {  	v19 =	vld [tilespmem:s28+$0xFFFFFFE0];
	v17 =	vadd.s32 $0xFFFFFFFF, v17;
	v13 =	vadd.s32 $0xFFFFFFFF, v13;
	v18 =	vadd.s32 v18, v15  }
0x264: {  	v14 =	vadd.s32 $0xFFFFFFFF, v14;
	v27 =	vshra.s32 v20, $0x1F;
	v28 =	vld [tilespmem:s28+$0xFFFFFFD0];
	v18 =	vadd.s32 $0xFFFFFFFF, v18  }
0x265: {  	s5 =	sadd.s32 $0xFFFFFFA0, s6;
	v22 =	vadd.s32 v15, v22;
	v27 =	vor.u32 $0x80000000, v27;
	v29 =	vshra.s32 v24, $0x1F  }
0x266: {  	v15 =	vxor.u32 v20, v27;
	v20 =	vshra.s32 v25, $0x1F;
	v27 =	vor.u32 s5, v0;
	[tilespmem:v23+s15+$0x0] =	vst.idx.msk vm4, v11;
	v11, _, _ =	vpop (xrf0)  }
0x267: {  	vm7 =	vge.u32 v15, v8;
	v15 =	vor.u32 $0x80000000, v29;
	v11 =	vadd.s32 v11, v16  }
0x268: {  	v12 =	vadd.s32 $0xFFFFFFFF, v12;
	v16 =	vmpcnt.ones.xlane vm7;
	v23 =	vld [tilespmem:s28+$0xFFFFFFF0];
	[tilespmem:v17+s15+$0x0] =	vst.idx.msk vm5, v27;
	v11 =	vadd.s32 $0xFFFFFFFF, v11  }
0x269: {  	v17 =	vshra.s32 v19, $0x1F;
	v27 =	vshra.s32 v26, $0x1F;
	[tilespmem:v14+s15+$0x0] =	vst.idx.msk vm2, v21;
	v14 =	vor.u32 s6, v0;
	s6 =	smov.u32 s20  }
0x26a: {  	v15 =	vxor.u32 v24, v15;
	v21 =	vshra.s32 v28, $0x1F;
	v24 =	vor.u32 $0x80000000, v27;
	v27 =	vld [tilespmem:s28+$0x30];
	[tilespmem:v18+s15+$0x0] =	vst.idx.msk vm6, v14  }
0x26b: {  	v14 =	vsel vm7, $0x1, v2;
	v18 =	vor.u32 $0x80000000, v21;
	v21 =	vxor.u32 v26, v24;
	[tilespmem:v13+s15+$0x0] =	vst.idx.msk vm0, v10  }
0x26c: {  	vm2 =	vge.u32 v15, v8;
	v10 =	vor.u32 $0x80000000, v17;
	vm0 =	vge.u32 v21, v8;
	(xrf0) =	vadd.scan.msk.s32 $0xffff, v14  }
0x26d: {  	v14 =	vor.u32 $0x80000000, v20;
	v15 =	vsel vm0, $0x1, v2;
	v13 =	vshra.s32 v23, $0x1F;
	[tilespmem:v11+s15+$0x0] =	vst.idx.msk vm3, v9  }
0x26e: {  	v9 =	vxor.u32 v19, v10;
	v11 =	vxor.u32 v25, v14;
	v10 =	vor.u32 $0x80000000, v13;
	(xrf0) =	vadd.scan.msk.s32 $0xffff, v15  }
0x26f: {  	vm4 =	vge.u32 v11, v8;
	v11 =	vshra.s32 v27, $0x1F;
	[tilespmem:v12+s15+$0x0] =	vst.idx.msk vm1, v7;
	vm1 =	vge.u32 v9, v8  }
0x270: {  	v7 =	vxor.u32 v28, v18;
	v13 =	vxor.u32 v23, v10;
	v10 =	vsel vm4, $0x1, v2  }
0x271: {  	v12 =	vsel vm1, $0x1, v2;
	v19 =	vmpcnt.ones.xlane vm1;
	v11 =	vor.u32 $0x80000000, v11  }
0x272: {  	vm5 =	vge.u32 v7, v8;
	vm3 =	vge.u32 v13, v8;
	v7 =	vsel vm2, $0x1, v2;
	v9, _, _ =	vpop (xrf0);
	(xrf0) =	vadd.scan.msk.s32 $0xffff, v12  }
0x273: {  	v14 =	vsel vm3, $0x1, v2;
	v11 =	vxor.u32 v27, v11;
	v9 =	vadd.s32 v9, v22  }
0x274: {  	v20 =	vmpcnt.ones.xlane vm5;
	v17 =	vmpcnt.ones.xlane vm3;
	v12 =	vadd.s32 $0xFFFFFFFF, v9;
	(xrf0) =	vadd.scan.msk.s32 $0xffff, v10;
	v13, _, _ =	vpop (xrf0)  }
.Ltmp12:
0x275: {  	s5 =	sadd.s32 $0xFFFFFFD0, s20;
	v15 =	vmpcnt.ones.xlane vm2;
	vm6 =	vge.u32 v11, v8;
	v9 =	vsel vm5, $0x1, v2;
	(xrf0) =	vadd.scan.msk.s32 $0xffff, v7;
	(pc) =	sbr.rel @p0 .LBB2_39-.Ltmp12, $4  }
0x276: {  	s9 =	sadd.s32 $0xFFFFFFB0, s20;
	s10 =	sadd.s32 $0xFFFFFFC0, s20;
	v11 =	vor.u32 s5, v0;
	v10 =	vsel vm6, $0x1, v2;
	(xrf0) =	vadd.scan.msk.s32 $0xffff, v9  }
0x277: {  	v18 =	vadd.s32 v22, v16;
	s5 =	sadd.s32 $0xFFFFFF90, s20;
	v7 =	vor.u32 s9, v0;
	s9 =	sadd.s32 $0xFFFFFFF0, s20;
	v9 =	vor.u32 s10, v0;
	(xrf0) =	vadd.scan.msk.s32 $0xffff, v10  }
0x278: {  	v16 =	vor.u32 s5, v0;
	v20 =	vadd.s32 v18, v20;
	v10 =	vor.u32 s9, v0;
	v21, _, _ =	vpop (xrf0)  }
0x279: {  	s28 =	sadd.s32 $0x80, s28;
	s9 =	sadd.s32 $0xFFFFFFE0, s20;
	[tilespmem:v12+s15+$0x0] =	vst.idx.msk vm7, v16;
	v12 =	vadd.s32 v21, v20;
	v16 =	vadd.s32 v20, v19;
	v19 =	vmpcnt.ones.xlane vm4  }
0x27a: {  	v20, _, _ =	vpop (xrf0);
	(xrf0) =	vadd.scan.msk.s32 $0xffff, v14  }
0x27b: {  	v53 =	vadd.s32 v16, v17;
	v55 =	vmpcnt.ones.xlane vm0  }
0x27c: {  	v12 =	vadd.s32 $0xFFFFFFFF, v12;
	v54, _, _ =	vpop (xrf0);
	v20 =	vadd.s32 v20, v53;
	v14 =	vadd.s32 v53, v19  }
0x27d: {  	v21, _, _ =	vpop (xrf0);
	v20 =	vadd.s32 $0xFFFFFFFF, v20;
	v15 =	vadd.s32 v14, v15;
	v14 =	vadd.s32 v54, v14  }
0x27e: {  	v18 =	vadd.s32 v21, v18;
	v14 =	vadd.s32 $0xFFFFFFFF, v14  }
0x27f: {  	v56 =	vadd.s32 v15, v55;
	v57, _, _ =	vpop (xrf0);
	v13 =	vadd.s32 v13, v15;
	v18 =	vadd.s32 $0xFFFFFFFF, v18  }
0x280: {  	v17 =	vadd.s32 v57, v56;
	v13 =	vadd.s32 $0xFFFFFFFF, v13;
	v59, _, _ =	vpop (xrf0)  }
0x281: {  	v58 =	vadd.s32 $0xFFFFFFFF, v17;
	[tilespmem:v12+s15+$0x0] =	vst.idx.msk vm1, v7;
	v60 =	vadd.s32 v59, v16  }
0x282: {  	s5 =	sadd.s32 $0xFFFFFFA0, s6;
	v62 =	vor.u32 s9, v0;
	[tilespmem:v20+s15+$0x0] =	vst.idx.msk vm4, v11;
	v11 =	vadd.s32 $0xFFFFFFFF, v60  }
0x283: {  	v61 =	vor.u32 s5, v0;
	[tilespmem:v14+s15+$0x0] =	vst.idx.msk vm2, v62  }
0x284: {  	[tilespmem:v18+s15+$0x0] =	vst.idx.msk vm5, v61  }
0x285: {  	v63 =	vor.u32 s6, v0;
	[tilespmem:v13+s15+$0x0] =	vst.idx.msk vm0, v10  }
0x286: {  	[tilespmem:v58+s15+$0x0] =	vst.idx.msk vm6, v63  }
0x287: {  	s6 =	simm.s32 $0x10040;
	[tilespmem:v11+s15+$0x0] =	vst.idx.msk vm3, v9  }
0x288: {  	[tilespmem:s6+$0xFFFFFFC0] =	vst v2  }
0x289: {  	[tilespmem:s6+$0x30] =	vst v2  }
0x28a: {  	[tilespmem:s6+$0x20] =	vst v2  }
0x28b: {  	[tilespmem:s6+$0x10] =	vst v2  }
0x28c: {  	[tilespmem:s6+$0x0] =	vst v2  }
0x28d: {  	[tilespmem:s6+$0xFFFFFFF0] =	vst v2  }
0x28e: {  	s5 =	simm.s32 $0x0;
	[tilespmem:s6+$0xFFFFFFE0] =	vst v2  }
.LBB2_41:
0x28f: {  	s5 =	sadd.s32 $0x8, s5;
	[tilespmem:s6+$0xFFFFFFD0] =	vst v2;
	s6 =	sadd.s32 $0x80, s6  }
0x290: {  	[tilespmem:s6+$0xFFFFFFC0] =	vst v2;
	p0 =	slt.u32 s5, $0x100  }
0x291: {  	[tilespmem:s6+$0x30] =	vst v2  }
.Ltmp13:
0x292: {  	[tilespmem:s6+$0x20] =	vst v2;
	(pc) =	sbr.rel @p0 .LBB2_41-.Ltmp13, $4  }
0x293: {  	[tilespmem:s6+$0x10] =	vst v2  }
0x294: {  	[tilespmem:s6+$0x0] =	vst v2  }
0x295: {  	[tilespmem:s6+$0xFFFFFFF0] =	vst v2  }
0x296: {  	[tilespmem:s6+$0xFFFFFFE0] =	vst v2  }
0x297: {  	s3 =	sadd.s32 $0x8000000F, s3  }
0x298: {  	s5 =	sand.u32 $0xF, s3  }
0x299: {  	s9 =	sshra.s32 s3, $0x1F;
	p0 =	slt.s32 s3, $0x1;
	p1 =	sne.s32 s5, $0x0  }
0x29a: {  	s26 =	sshrl.u32 s9, $0x1C;
	p0 =	por !p0, !p1  }
0x29b: {  	s5 =	simm.s32 $0x1;
	s3 =	sadd.s32 s26, s3;
	p0 =	por !p0, !p0  }
0x29c: {  	s3 =	sshra.s32 s3, $0x4;
	s5 =	simm.s32 @!p0 $0x0  }
0x29d: {  	s26 =	ssub.s32 s3, s5  }
0x29e: {  	s3 =	sshrl.u32 s26, $0x1E  }
0x29f: {  	s3 =	sadd.s32 s3, s26  }
0x2a0: {  	s28 =	sand.u32 $0xFFFFFFFC, s3  }
0x2a1: {  	p1 =	slt.s32 s28, $0x1  }
.Ltmp14:
0x2a2: {  	_ = 	snop;
	(pc) =	sbr.rel @p1 .LBB2_45-.Ltmp14, $3  }
0x2a3: {  	_ =	sdelay $0x1  }
0x2a4: {  	s30 =	sadd.s32 $0x1000000, s31  }
0x2a5: {  	[tilespmem:s6+$0xFFFFFFD0] =	vst v2;
	v7 =	vmov s29;
	v9 =	vmov s30  }
0x2a6: {  	s5 =	simm.s32 $0x111A0  }
0x2a7: {  	v10 =	vld [tilespmem:s5+$0x10];
	_ =	sdelay $0x3  }
0x2a8: {  	v11 =	vld [tilespmem:s5+$0xFFFFFFF0]  }
0x2a9: {  	v12 =	vld [tilespmem:s5+$0xFFFFFFE0]  }
0x2aa: {  	v15 =	vld [tilespmem:s5+$0x0];
	_ =	sdelay $0x1  }
0x2ab: {  	v14 =	vld.idx.msk [tilespmem:v10+s2+$0x0], $0xffff  }
0x2ac: {  	p2 =	sgt.s32 s28, $0x4  }
.Ltmp15:
0x2ad: {  	_ = 	snop;
	(pc) =	sbr.rel @!p2 .LBB2_44-.Ltmp15, $4  }
0x2ae: {  	_ = 	snop  }
0x2af: {  	v11 =	vld.idx.msk [tilespmem:v11+s2+$0x0], $0xffff  }
0x2b0: {  	s3 =	simm.s32 $0x0;
	s6 =	simm.s32 $0x10;
	v13 =	vld.idx.msk [tilespmem:v12+s2+$0x0], $0xffff;
	v16 =	vshra.s32 v14, $0x1F  }
0x2b1: {  	s11 =	simm.s32 $0x30;
	p0 =	por $0x0, $0x0;
	s5 =	simm.s32 $0x111E0;
	v12 =	vld.idx.msk [tilespmem:v15+s2+$0x0], $0xffff;
	v10 =	vor.u32 s3, v0;
	v18 =	vor.u32 $0x80000000, v16  }
0x2b2: {  	v14 =	vxor.u32 v14, v18;
	v16 =	vor.u32 s11, v0  }
0x2b3: {  	vm0 =	vlt.s32 v16, v7;
	vm1 =	vge.u32 v14, v8  }
0x2b4: {  	v17 =	vld [tilespmem:s5+$0x10];
	v15 =	vshra.s32 v11, $0x1F;
	vm0 =	vmand vm0, vm1  }
0x2b5: {  	v20 =	vld [tilespmem:s5+$0xFFFFFFF0];
	vm1 =	vlt.u32 v14, v9;
	v14 =	vshrl.u32 v14, $0x10;
	v18 =	vshra.s32 v13, $0x1F  }
0x2b6: {  	vm0 =	vmand vm1, vm0;
	v14 =	vand.u32 $0xFF, v14;
	v15 =	vor.u32 $0x80000000, v15  }
0x2b7: {  	v16 =	vshra.s32 v12, $0x1F;
	v18 =	vor.u32 $0x80000000, v18;
	v11 =	vxor.u32 v11, v15;
	v15 =	vld [tilespmem:s5+$0xFFFFFFE0]  }
0x2b8: {  	s3 =	simm.s32 $0x20;
	v19 =	vadd.s32 v3, v14;
	v13 =	vxor.u32 v13, v18;
	v14 =	vor.u32 $0x80000000, v16  }
0x2b9: {  	v21 =	vld [tilespmem:s5+$0x0];
	v16 =	vor.u32 s6, v0;
	v18 =	vor.u32 s3, v0;
	vm2 =	vge.u32 v11, v8  }
0x2ba: {  	v23 =	vshrl.u32 v11, $0x10;
	vm15 =	vlt.u32 v11, v9;
	v12 =	vxor.u32 v12, v14  }
0x2bb: {  	vm1 =	vge.u32 v13, v8;
	v22 =	vshrl.u32 v13, $0x10;
	vm4 =	vlt.s32 v16, v7  }
0x2bc: {  	vm5 =	vlt.s32 v18, v7;
	vm3 =	vge.u32 v12, v8;
	v24 =	vshrl.u32 v12, $0x10;
	v14 =	vld.idx.msk [tilespmem:v17+s2+$0x0], $0xffff  }
0x2bd: {  	p2 =	sgt.s32 s28, $0x8;
	vm4 =	vmand vm4, vm2;
	vm2 =	vlt.s32 v10, v7;
	v10 =	vand.u32 $0xFF, v23;
	v11 =	vld.idx.msk [tilespmem:v20+s2+$0x0], $0xffff  }
.Ltmp16:
0x2be: {  	v17 =	vand.u32 $0xFF, v22;
	vm3 =	vmand vm5, vm3;
	vm1 =	vmand vm2, vm1;
	[tilespmem:v19+s13+$0x0] =	vst.idx.add.s32.msk vm0, v4;
	(pc) =	sbr.rel @!p2 .LBB2_57-.Ltmp16, $4  }
0x2bf: {  	vm2 =	vlt.u32 v13, v9;
	vm0 =	vlt.u32 v12, v9;
	v19 =	vand.u32 $0xFF, v24;
	v13 =	vld.idx.msk [tilespmem:v15+s2+$0x0], $0xffff  }
0x2c0: {  	vm2 =	vmand vm2, vm1;
	vm1 =	vmand vm15, vm4;
	v16 =	vadd.s32 v3, v17  }
0x2c1: {  	s9 =	simm.s32 $0x8;
	s11 =	simm.s32 $0x70;
	s3 =	simm.s32 $0x40;
	v12 =	vld.idx.msk [tilespmem:v21+s2+$0x0], $0xffff;
	vm0 =	vmand vm0, vm3;
	v17 =	vadd.s32 v3, v19;
	v18 =	vshra.s32 v14, $0x1F  }
0x2c2: {  	s10 =	simm.s32 $0x11220;
	p0 =	por $0x1, $0x1;
	s6 =	simm.s32 $0x50;
	v15 =	vadd.s32 v3, v10;
	v10 =	vor.u32 s3, v0;
	v18 =	vor.u32 $0x80000000, v18  }
.LBB2_56:
0x2c3: {  	v19 =	vld [tilespmem:s10+$0x10];
	s9 =	sadd.s32 $0x4, s9;
	v20 =	vshra.s32 v11, $0x1F;
	s5 =	sadd.s32 $0x20, s3;
	v14 =	vxor.u32 v14, v18;
	v18 =	vor.u32 s11, v0  }
0x2c4: {  	v22 =	vshra.s32 v13, $0x1F;
	v21 =	vld [tilespmem:s10+$0xFFFFFFF0];
	p2 =	slt.s32 s9, s28;
	vm3 =	vlt.s32 v18, v7;
	vm4 =	vge.u32 v14, v8  }
0x2c5: {  	v18 =	vld [tilespmem:s10+$0x0];
	vm3 =	vmand vm3, vm4;
	vm4 =	vlt.u32 v14, v9;
	v14 =	vshrl.u32 v14, $0x10  }
0x2c6: {  	v24 =	vshra.s32 v12, $0x1F;
	v23 =	vld [tilespmem:s10+$0xFFFFFFE0];
	vm3 =	vmand vm4, vm3;
	v14 =	vand.u32 $0xFF, v14  }
0x2c7: {  	v22 =	vor.u32 $0x80000000, v22;
	v20 =	vor.u32 $0x80000000, v20;
	v25 =	vadd.s32 v3, v14;
	[tilespmem:v16+s13+$0x0] =	vst.idx.add.s32.msk vm2, v4  }
0x2c8: {  	v20 =	vxor.u32 v11, v20;
	v11 =	vor.u32 $0x80000000, v24;
	v16 =	vxor.u32 v13, v22;
	[tilespmem:v15+s13+$0x0] =	vst.idx.add.s32.msk vm1, v4  }
0x2c9: {  	v13 =	vor.u32 s6, v0;
	v15 =	vxor.u32 v12, v11;
	v11 =	vor.u32 s5, v0;
	[tilespmem:v17+s13+$0x0] =	vst.idx.add.s32.msk vm0, v4  }
0x2ca: {  	vm1 =	vge.u32 v20, v8;
	vm0 =	vge.u32 v16, v8;
	vm2 =	vge.u32 v15, v8  }
0x2cb: {  	v12 =	vshrl.u32 v16, $0x10;
	v17 =	vshrl.u32 v20, $0x10;
	v14 =	vld.idx.msk [tilespmem:v19+s2+$0x0], $0xffff;
	v19 =	vshrl.u32 v15, $0x10  }
0x2cc: {  	vm4 =	vlt.s32 v13, v7;
	v22 =	vand.u32 $0xFF, v12;
	vm5 =	vlt.s32 v11, v7;
	[tilespmem:v25+s13+$0x0] =	vst.idx.add.s32.msk vm3, v4  }
0x2cd: {  	vm1 =	vmand vm4, vm1;
	vm4 =	vmand vm5, vm2;
	vm3 =	vlt.s32 v10, v7;
	v11 =	vld.idx.msk [tilespmem:v21+s2+$0x0], $0xffff  }
.Ltmp17:
0x2ce: {  	vm2 =	vlt.u32 v16, v9;
	vm0 =	vmand vm3, vm0;
	vm3 =	vlt.u32 v20, v9;
	v13 =	vld.idx.msk [tilespmem:v23+s2+$0x0], $0xffff;
	(pc) =	sbr.rel @p2 .LBB2_56-.Ltmp17, $4  }
0x2cf: {  	vm5 =	vlt.u32 v15, v9;
	v10 =	vand.u32 $0xFF, v17;
	v17 =	vand.u32 $0xFF, v19;
	v12 =	vld.idx.msk [tilespmem:v18+s2+$0x0], $0xffff  }
0x2d0: {  	vm2 =	vmand vm2, vm0;
	vm1 =	vmand vm3, vm1;
	vm0 =	vmand vm5, vm4  }
0x2d1: {  	s3 =	sadd.s32 $0x40, s3;
	v16 =	vadd.s32 v3, v22;
	v15 =	vadd.s32 v3, v10;
	v18 =	vshra.s32 v14, $0x1F  }
0x2d2: {  	s11 =	sadd.s32 $0x30, s3;
	s10 =	sadd.s32 $0x40, s10;
	s6 =	sadd.s32 $0x10, s3;
	v10 =	vor.u32 s3, v0;
	v17 =	vadd.s32 v3, v17;
	v18 =	vor.u32 $0x80000000, v18  }
.LBB2_57:
0x2d3: {  	v14 =	vxor.u32 v14, v18;
	v54 =	vor.u32 s11, v0  }
0x2d4: {  	v19 =	vshra.s32 v11, $0x1F;
	v58 =	vor.u32 s6, v0;
	vm11 =	vlt.s32 v10, v7  }
0x2d5: {  	vm3 =	vlt.s32 v54, v7;
	vm4 =	vge.u32 v14, v8;
	v55 =	vshra.s32 v13, $0x1F  }
0x2d6: {  	s3 =	sadd.s32 $0x20, s3;
	vm8 =	vlt.u32 v14, v9;
	v14 =	vshrl.u32 v14, $0x10;
	v19 =	vor.u32 $0x80000000, v19  }
0x2d7: {  	v60 =	vor.u32 s3, v0;
	vm5 =	vlt.s32 v58, v7;
	vm3 =	vmand vm3, vm4  }
0x2d8: {  	v14 =	vand.u32 $0xFF, v14;
	v18 =	vor.u32 $0x80000000, v55;
	v11 =	vxor.u32 v11, v19  }
0x2d9: {  	vm7 =	vlt.s32 v60, v7;
	v20 =	vshra.s32 v12, $0x1F;
	vm3 =	vmand vm8, vm3  }
0x2da: {  	v14 =	vadd.s32 v3, v14;
	v56 =	vxor.u32 v13, v18;
	vm9 =	vge.u32 v11, v8  }
0x2db: {  	v61 =	vshrl.u32 v11, $0x10;
	vm13 =	vlt.u32 v11, v9;
	v57 =	vor.u32 $0x80000000, v20  }
0x2dc: {  	vm4 =	vmand vm5, vm9;
	vm10 =	vge.u32 v56, v8;
	v10 =	vshrl.u32 v56, $0x10  }
0x2dd: {  	vm12 =	vlt.u32 v56, v9;
	v11 =	vand.u32 $0xFF, v61;
	v59 =	vxor.u32 v12, v57  }
0x2de: {  	vm5 =	vmand vm11, vm10;
	v10 =	vand.u32 $0xFF, v10;
	vm4 =	vmand vm13, vm4  }
0x2df: {  	v11 =	vadd.s32 v3, v11;
	vm6 =	vge.u32 v59, v8;
	vm5 =	vmand vm12, vm5  }
0x2e0: {  	v62 =	vshrl.u32 v59, $0x10;
	vm14 =	vlt.u32 v59, v9;
	vm6 =	vmand vm7, vm6  }
0x2e1: {  	[tilespmem:v16+s13+$0x0] =	vst.idx.add.s32.msk @p0 vm2, v4;
	v10 =	vadd.s32 v3, v10;
	v63 =	vand.u32 $0xFF, v62;
	vm15 =	vmand vm14, vm6  }
0x2e2: {  	[tilespmem:v15+s13+$0x0] =	vst.idx.add.s32.msk @p0 vm1, v4;
	v12 =	vadd.s32 v3, v63  }
0x2e3: {  	[tilespmem:v17+s13+$0x0] =	vst.idx.add.s32.msk @p0 vm0, v4  }
0x2e4: {  	[tilespmem:v14+s13+$0x0] =	vst.idx.add.s32.msk vm3, v4  }
0x2e5: {  	[tilespmem:v11+s13+$0x0] =	vst.idx.add.s32.msk vm4, v4  }
0x2e6: {  	[tilespmem:v10+s13+$0x0] =	vst.idx.add.s32.msk vm5, v4  }
0x2e7: {  	[tilespmem:v12+s13+$0x0] =	vst.idx.add.s32.msk vm15, v4  }
.LBB2_45:
0x2e8: {  	s3 =	ssub.s32 s26, s28  }
0x2e9: {  	p0 =	slt.s32 s3, $0x1  }
.Ltmp18:
0x2ea: {  	_ = 	snop;
	(pc) =	sbr.rel @p0 .LBB2_48-.Ltmp18, $3  }
0x2eb: {  	_ =	sdelay $0x1  }
0x2ec: {  	s20 =	sshll.u32 s28, $0x6  }
0x2ed: {  	s29 =	sshll.u32 s28, $0x4;
	s30 =	sshra.s32 s20, $0x2  }
0x2ee: {  	s3 =	sadd.s32 $0x11180, s30;
	s5 =	sshll.u32 s28, $0x4;
	s6 =	smov.u32 s28  }
.LBB2_47:
0x2ef: {  	v10 =	vld [tilespmem:s3+$0x0];
	_ =	sdelay $0x7  }
0x2f0: {  	v10 =	vld.idx.msk [tilespmem:v10+s2+$0x0], $0xffff;
	_ =	sdelay $0x4  }
0x2f1: {  	v11 =	vshra.s32 v10, $0x1F  }
0x2f2: {  	v11 =	vor.u32 $0x80000000, v11  }
0x2f3: {  	v10 =	vxor.u32 v10, v11;
	v11 =	vor.u32 s5, v0  }
0x2f4: {  	vm0 =	vlt.s32 v11, v7;
	vm1 =	vge.u32 v10, v8  }
0x2f5: {  	vm15 =	vlt.u32 v10, v9;
	v10 =	vshrl.u32 v10, $0x10;
	vm0 =	vmand vm0, vm1  }
0x2f6: {  	s6 =	sadd.s32 $0x1, s6;
	v10 =	vand.u32 $0xFF, v10;
	vm0 =	vmand vm15, vm0  }
0x2f7: {  	p2 =	slt.s32 s6, s26;
	v10 =	vadd.s32 v3, v10  }
.Ltmp19:
0x2f8: {  	_ = 	snop;
	(pc) =	sbr.rel @p2 .LBB2_47-.Ltmp19, $2  }
0x2f9: {  	_ =	sdelay $0x2  }
0x2fa: {  	s3 =	sadd.s32 $0x10, s3;
	s5 =	sadd.s32 $0x10, s5;
	[tilespmem:v10+s13+$0x0] =	vst.idx.add.s32.msk vm0, v4  }
.LBB2_48:
0x2fb: {  	s9 =	simm.s32 $0x0  }
0x2fc: {  	v10 =	vld [tilespmem:s9+$0x100F0]  }
0x2fd: {  	v11 =	vld [tilespmem:s9+$0x101F1]  }
0x2fe: {  	v12 =	vld [tilespmem:s9+$0x102F2]  }
0x2ff: {  	v13 =	vld [tilespmem:s9+$0x103F3]  }
0x300: {  	v14 =	vld [tilespmem:s9+$0x104F4]  }
0x301: {  	v15 =	vld [tilespmem:s9+$0x105F5]  }
0x302: {  	v16 =	vld [tilespmem:s9+$0x106F6]  }
0x303: {  	v17 =	vld [tilespmem:s9+$0x107F7]  }
0x304: {  	v18 =	vld [tilespmem:s9+$0x108F8]  }
0x305: {  	v19 =	vld [tilespmem:s9+$0x109F9]  }
0x306: {  	v20 =	vld [tilespmem:s9+$0x10AFA]  }
0x307: {  	v21 =	vld [tilespmem:s9+$0x10BFB]  }
0x308: {  	v22 =	vld [tilespmem:s9+$0x10CFC];
	v10 =	vadd.s32 v10, v11  }
0x309: {  	v23 =	vld [tilespmem:s9+$0x10DFD];
	v10 =	vadd.s32 v12, v10  }
0x30a: {  	v24 =	vld [tilespmem:s9+$0x10EFE];
	v10 =	vadd.s32 v13, v10  }
0x30b: {  	s20 =	simm.s32 $0xFFFFFFF0;
	v11 =	vld [tilespmem:s9+$0x10FFF];
	v10 =	vadd.s32 v14, v10  }
0x30c: {  	v12 =	vld [tilespmem:s20+$0x100F0];
	v10 =	vadd.s32 v15, v10  }
0x30d: {  	v13 =	vld [tilespmem:s20+$0x101F1];
	v10 =	vadd.s32 v16, v10  }
0x30e: {  	v14 =	vld [tilespmem:s20+$0x102F2];
	v10 =	vadd.s32 v17, v10  }
0x30f: {  	v15 =	vld [tilespmem:s20+$0x103F3];
	v10 =	vadd.s32 v18, v10  }
0x310: {  	v16 =	vld [tilespmem:s20+$0x104F4];
	v10 =	vadd.s32 v19, v10  }
0x311: {  	v17 =	vld [tilespmem:s20+$0x105F5];
	v10 =	vadd.s32 v20, v10  }
0x312: {  	v18 =	vld [tilespmem:s20+$0x106F6];
	v12 =	vadd.s32 v12, v13;
	v10 =	vadd.s32 v21, v10  }
0x313: {  	v19 =	vld [tilespmem:s20+$0x107F7];
	v12 =	vadd.s32 v14, v12;
	v10 =	vadd.s32 v22, v10  }
0x314: {  	v13 =	vld [tilespmem:s20+$0x108F8];
	v12 =	vadd.s32 v15, v12;
	v10 =	vadd.s32 v23, v10  }
0x315: {  	v14 =	vld [tilespmem:s20+$0x109F9];
	v12 =	vadd.s32 v16, v12;
	v10 =	vadd.s32 v24, v10  }
0x316: {  	v15 =	vld [tilespmem:s20+$0x10AFA];
	v12 =	vadd.s32 v17, v12;
	v10 =	vadd.s32 v11, v10  }
0x317: {  	v16 =	vld [tilespmem:s20+$0x10BFB];
	v11 =	vadd.s32 v18, v12;
	v10 =	vperm.xlane v10, v5  }
0x318: {  	v17 =	vld [tilespmem:s20+$0x10CFC];
	v11 =	vadd.s32 v19, v11  }
0x319: {  	v12 =	vld [tilespmem:s20+$0x10DFD];
	v11 =	vadd.s32 v13, v11;
	(xrf0) =	vadd.scan.msk.s32 $0xffff, v10  }
0x31a: {  	v18 =	vld [tilespmem:s20+$0x10EFE];
	v10 =	vadd.s32 v14, v11  }
0x31b: {  	v10 =	vadd.s32 v15, v10  }
0x31c: {  	v10 =	vadd.s32 v16, v10  }
0x31d: {  	v10 =	vadd.s32 v17, v10  }
0x31e: {  	v10 =	vadd.s32 v12, v10  }
0x31f: {  	s3 =	simm.s32 $0xFFFFFFE0;
	v13 =	vld [tilespmem:s20+$0x10FFF];
	v10 =	vadd.s32 v18, v10;
	v18, _, _ =	vpop (xrf0)  }
0x320: {  	v11 =	vld [tilespmem:s3+$0x100F0];
	v19 =	vxor.u32 $0x80000000, v18  }
0x321: {  	v14 =	vld [tilespmem:s3+$0x101F1];
	(xrf0) =	vmax.scan.msk.u32 $0xffff, v19  }
0x322: {  	v15 =	vld [tilespmem:s3+$0x102F2]  }
0x323: {  	v16 =	vld [tilespmem:s3+$0x103F3]  }
0x324: {  	v12 =	vld [tilespmem:s3+$0x104F4]  }
0x325: {  	v17 =	vld [tilespmem:s3+$0x105F5];
	v10 =	vadd.s32 v13, v10  }
0x326: {  	v11 =	vadd.s32 v11, v14;
	v13 =	vld [tilespmem:s3+$0x106F6];
	v10 =	vperm.xlane v10, v5  }
0x327: {  	v14 =	vld [tilespmem:s3+$0x107F7];
	v11 =	vadd.s32 v15, v11;
	v19, _, _ =	vpop (xrf0)  }
0x328: {  	(xrf0) =	vadd.scan.msk.s32 $0xffff, v10;
	v10 =	vadd.s32 v16, v11;
	(v2sf) =	vpush v19, $0xF  }
0x329: {  	s6 =	simm.s32 $0x0;
	v10 =	vadd.s32 v12, v10  }
0x32a: {  	v15 =	vld [tilespmem:s3+$0x108F8];
	v11 =	vadd.s32 s6, v18;
	v10 =	vadd.s32 v17, v10  }
0x32b: {  	v16 =	vld [tilespmem:s3+$0x109F9];
	v12 =	vperm.xlane v11, v5;
	v10 =	vadd.s32 v13, v10  }
0x32c: {  	v18 =	vld [tilespmem:s3+$0x10AFA];
	v10 =	vadd.s32 v14, v10  }
0x32d: {  	s0 =	ssub.s32 $0x40, s0;
	v17 =	vld [tilespmem:s3+$0x10BFB];
	[tilespmem:s9+$0x11170] =	vst v12  }
0x32e: {  	v8 =	vmov s0;
	v11 =	vld [tilespmem:s3+$0x10CFC]  }
0x32f: {  	vm0 =	vge.s32 v12, v8;
	v13 =	vld [tilespmem:s3+$0x10DFD];
	v12 =	vadd.s32 v15, v10;
	v10, _, _ =	vpop (xrf0)  }
0x330: {  	v63 =	vmpcnt.ones.xlane vm0;
	v14 =	vld [tilespmem:s3+$0x10EFE];
	v12 =	vadd.s32 v16, v12;
	v16 =	vxor.u32 $0x80000000, v10  }
0x331: {  	v9 =	vimm.s32 $0x0;
	s9 =	simm.s32 $0xFFFFFFD0;
	v15 =	vld [tilespmem:s3+$0x10FFF];
	v18 =	vadd.s32 v18, v12;
	(xrf0) =	vmax.scan.msk.u32 $0xffff, v16  }
0x332: {  	s10 =	simm.s32 $0xFFFFFF00;
	v9 =	vadd.s32 v9, v63;
	v12 =	vld [tilespmem:s9+$0x100F0];
	v16 =	vadd.s32 v17, v18  }
.LBB2_49:
0x333: {  	p2 =	sne.s32 s10, $0xFFFFFC40;
	v17 =	vld [tilespmem:s9+$0x101F1];
	v11 =	vadd.s32 v11, v16  }
0x334: {  	v16 =	vld [tilespmem:s9+$0x102F2];
	v11 =	vadd.s32 v13, v11  }
0x335: {  	v13 =	vld [tilespmem:s9+$0x103F3];
	v11 =	vadd.s32 v14, v11  }
0x336: {  	v14 =	vld [tilespmem:s9+$0x104F4];
	v11 =	vadd.s32 v15, v11  }
0x337: {  	v15 =	vld [tilespmem:s9+$0x105F5];
	v11 =	vperm.xlane v11, v5;
	v18, _, _ =	vpop (xrf0);
	s5 =	spop (v2sf)  }
0x338: {  	v12 =	vadd.s32 v12, v17;
	v17 =	vld [tilespmem:s9+$0x106F6];
	(v2sf) =	vpush v18, $0xF;
	s5 =	sadd.s32 s5, s6  }
0x339: {  	v12 =	vadd.s32 v16, v12;
	v16 =	vld [tilespmem:s9+$0x107F7];
	(xrf0) =	vadd.scan.msk.s32 $0xffff, v11;
	s6 =	sadd.s32 $0x80000000, s5  }
0x33a: {  	v11 =	vadd.s32 v13, v12;
	v12 =	vld [tilespmem:s9+$0x108F8];
	v10 =	vadd.s32 s6, v10  }
0x33b: {  	v11 =	vadd.s32 v14, v11;
	v14 =	vld [tilespmem:s9+$0x109F9];
	v10 =	vperm.xlane v10, v5  }
0x33c: {  	v11 =	vadd.s32 v15, v11;
	v15 =	vld [tilespmem:s9+$0x10AFA]  }
0x33d: {  	v11 =	vadd.s32 v17, v11;
	v17 =	vld [tilespmem:s9+$0x10BFB];
	[tilespmem:s20+$0x11170] =	vst v10;
	vm0 =	vge.s32 v10, v8;
	s20 =	smov.u32 s3;
	s3 =	smov.u32 s9  }
.Ltmp20:
0x33e: {  	v18 =	vadd.s32 v16, v11;
	v11 =	vld [tilespmem:s3+$0x10CFC];
	v16 =	vmpcnt.ones.xlane vm0;
	(pc) =	sbr.rel @p2 .LBB2_49-.Ltmp20, $4  }
0x33f: {  	v12 =	vadd.s32 v12, v18;
	v13 =	vld [tilespmem:s3+$0x10DFD];
	v10, _, _ =	vpop (xrf0)  }
0x340: {  	v12 =	vadd.s32 v14, v12;
	v14 =	vld [tilespmem:s3+$0x10EFE];
	v18 =	vxor.u32 $0x80000000, v10;
	v9 =	vadd.s32 v9, v16  }
0x341: {  	s9 =	sshra.s32 s10, $0x2;
	v16 =	vadd.s32 v15, v12;
	v15 =	vld [tilespmem:s3+$0x10FFF];
	(xrf0) =	vmax.scan.msk.u32 $0xffff, v18  }
0x342: {  	s10 =	sadd.s32 $0xFFFFFFC0, s10;
	v12 =	vld [tilespmem:s9+$0x100F0];
	v16 =	vadd.s32 v17, v16  }
0x343: {  	v11 =	vadd.s32 v11, v16  }
0x344: {  	v11 =	vadd.s32 v13, v11  }
0x345: {  	v11 =	vadd.s32 v14, v11  }
0x346: {  	v11 =	vadd.s32 v15, v11  }
0x347: {  	v11 =	vperm.xlane v11, v5;
	_ =	sdelay $0x1  }
0x348: {  	(xrf0) =	vadd.scan.msk.s32 $0xffff, v11;
	_ =	sdelay $0x3  }
0x349: {  	v11 =	vld [tilespmem:s9+$0x101F1]  }
0x34a: {  	v45 =	vld [tilespmem:s9+$0x102F2];
	v47, _, _ =	vpop (xrf0)  }
0x34b: {  	v46 =	vld [tilespmem:s9+$0x103F3];
	v17, _, _ =	vpop (xrf0)  }
0x34c: {  	v48 =	vld [tilespmem:s9+$0x104F4];
	v19 =	vxor.u32 $0x80000000, v17  }
0x34d: {  	v18 =	vld [tilespmem:s9+$0x105F5];
	s5 =	spop (v2sf);
	(xrf0) =	vmax.scan.msk.u32 $0xffff, v19  }
0x34e: {  	v49 =	vld [tilespmem:s9+$0x106F6];
	s5 =	sadd.s32 s5, s6;
	v11 =	vadd.s32 v12, v11  }
0x34f: {  	v50 =	vld [tilespmem:s9+$0x107F7];
	s5 =	sadd.s32 $0x80000000, s5;
	v11 =	vadd.s32 v45, v11  }
0x350: {  	v51 =	vld [tilespmem:s9+$0x108F8];
	v10 =	vadd.s32 s5, v10;
	v11 =	vadd.s32 v46, v11  }
0x351: {  	v52 =	vld [tilespmem:s9+$0x109F9];
	v10 =	vperm.xlane v10, v5;
	v11 =	vadd.s32 v48, v11  }
0x352: {  	v53 =	vld [tilespmem:s9+$0x10AFA];
	(v2sf) =	vpush v47, $0xF;
	v11 =	vadd.s32 v18, v11  }
0x353: {  	v54 =	vld [tilespmem:s9+$0x10BFB];
	[tilespmem:s20+$0x11170] =	vst v10;
	v11 =	vadd.s32 v49, v11;
	v55, _, _ =	vpop (xrf0)  }
0x354: {  	v56 =	vld [tilespmem:s9+$0x10CFC];
	v11 =	vadd.s32 v50, v11;
	(v2sf) =	vpush v55, $0xF  }
0x355: {  	v57 =	vld [tilespmem:s9+$0x10DFD];
	v11 =	vadd.s32 v51, v11  }
0x356: {  	v58 =	vld [tilespmem:s9+$0x10EFE];
	v11 =	vadd.s32 v52, v11  }
0x357: {  	v59 =	vld [tilespmem:s9+$0x10FFF];
	v11 =	vadd.s32 v53, v11  }
0x358: {  	v11 =	vadd.s32 v54, v11  }
0x359: {  	v11 =	vadd.s32 v56, v11  }
0x35a: {  	v11 =	vadd.s32 v57, v11  }
0x35b: {  	v11 =	vadd.s32 v58, v11  }
0x35c: {  	v11 =	vadd.s32 v59, v11  }
0x35d: {  	v11 =	vperm.xlane v11, v5;
	_ =	sdelay $0x1  }
0x35e: {  	(xrf0) =	vadd.scan.msk.s32 $0xffff, v11;
	_ =	sdelay $0x1  }
0x35f: {  	s1 =	spop (v2sf)  }
0x360: {  	s5 =	sadd.s32 s1, s5  }
0x361: {  	s5 =	sadd.s32 $0x80000000, s5;
	s10 =	spop (v2sf)  }
0x362: {  	s6 =	sadd.s32 s10, s5  }
0x363: {  	v11 =	vadd.s32 s5, v17;
	v60, _, _ =	vpop (xrf0);
	s11 =	sadd.s32 $0x80000000, s6  }
0x364: {  	v11 =	vperm.xlane v11, v5;
	v61 =	vadd.s32 s11, v60  }
0x365: {  	vm0 =	vge.s32 v10, v8;
	v10 =	vperm.xlane v61, v5  }
0x366: {  	v62 =	vmpcnt.ones.xlane vm0;
	vm14 =	vge.s32 v11, v8  }
0x367: {  	v63 =	vmpcnt.ones.xlane vm14;
	vm15 =	vge.s32 v10, v8  }
0x368: {  	v8 =	vadd.s32 v9, v62;
	v9 =	vmpcnt.ones.xlane vm15  }
0x369: {  	v8 =	vadd.s32 v8, v63  }
0x36a: {  	v12 =	vxor.u32 $0x80000000, v60;
	v8 =	vadd.s32 v8, v9  }
0x36b: {  	(xrf0) =	vmax.scan.msk.u32 $0xffff, v12;
	v8 =	vxor.u32 $0x80000000, v8  }
0x36c: {  	(xrf0) =	vmax.scan.msk.u32 $0xffff, v8;
	_ =	sdelay $0x4  }
0x36d: {  	v8, _, _ =	vpop (xrf0)  }
0x36e: {  	(v2sf) =	vpush v8, $0xF;
	v8, _, _ =	vpop (xrf0)  }
0x36f: {  	(v2sf) =	vpush v8, $0xF;
	_ =	sdelay $0xd  }
0x370: {  	s20 =	spop (v2sf)  }
0x371: {  	s5 =	spop (v2sf)  }
0x372: {  	s6 =	sxor.u32 $0x80000000, s5  }
0x373: {  	p2 =	slt.s32 s6, $0xFF  }
0x374: {  	s6 =	simm.s32 @!p2 $0xFF  }
0x375: {  	v8 =	vmov s6;
	_ =	sdelay $0x2  }
0x376: {  	[tilespmem:s3+$0x11170] =	vst v11  }
0x377: {  	[tilespmem:s9+$0x11170] =	vst v10;
	s3 =	sadd.s32 $0x7FFFFFFF, s5;
	s5 =	simm.s32 $0x10040  }
0x378: {  	v8 =	vld.idx.msk [tilespmem:v8+s14+$0x0], $0xffff;
	[tilespmem:s5+$0xFFFFFFC0] =	vst v2  }
0x379: {  	[tilespmem:s5+$0x30] =	vst v2  }
0x37a: {  	[tilespmem:s5+$0x20] =	vst v2  }
0x37b: {  	[tilespmem:s5+$0x10] =	vst v2  }
0x37c: {  	[tilespmem:s5+$0x0] =	vst v2  }
0x37d: {  	[tilespmem:s5+$0xFFFFFFF0] =	vst v2  }
0x37e: {  	s6 =	simm.s32 $0x0;
	[tilespmem:s5+$0xFFFFFFE0] =	vst v2  }
.LBB2_51:
0x37f: {  	s6 =	sadd.s32 $0x8, s6;
	[tilespmem:s5+$0xFFFFFFD0] =	vst v2;
	s5 =	sadd.s32 $0x80, s5  }
0x380: {  	[tilespmem:s5+$0xFFFFFFC0] =	vst v2;
	p2 =	slt.u32 s6, $0x100  }
0x381: {  	[tilespmem:s5+$0x30] =	vst v2  }
.Ltmp21:
0x382: {  	[tilespmem:s5+$0x20] =	vst v2;
	(pc) =	sbr.rel @p2 .LBB2_51-.Ltmp21, $4  }
0x383: {  	[tilespmem:s5+$0x10] =	vst v2  }
0x384: {  	[tilespmem:s5+$0x0] =	vst v2  }
0x385: {  	[tilespmem:s5+$0xFFFFFFF0] =	vst v2  }
0x386: {  	[tilespmem:s5+$0xFFFFFFE0] =	vst v2  }
0x387: {  	v8 =	vxor.u32 $0x80000000, v8  }
0x388: {  	(xrf0) =	vmax.scan.msk.u32 $0xffff, v8;
	_ =	sdelay $0x5  }
0x389: {  	v8, _, _ =	vpop (xrf0)  }
0x38a: {  	(v2sf) =	vpush v8, $0xF;
	_ =	sdelay $0xa  }
.Ltmp22:
0x38b: {  	_ = 	snop;
	(pc) =	sbr.rel @p1 .LBB2_58-.Ltmp22, $4  }
0x38c: {  	s20 =	sshll.u32 s3, $0x10  }
0x38d: {  	s31 =	sadd.s32 s31, s20  }
0x38e: {  	[tilespmem:s5+$0xFFFFFFD0] =	vst v2;
	s5 =	sadd.s32 $0x10000, s31  }
0x38f: {  	v9 =	vmov s5;
	v8 =	vmov s31;
	s6 =	spop (v2sf)  }
0x390: {  	s5 =	simm.s32 $0x111A0  }
0x391: {  	v10 =	vld [tilespmem:s5+$0x10];
	_ =	sdelay $0x3  }
0x392: {  	v11 =	vld [tilespmem:s5+$0xFFFFFFF0]  }
0x393: {  	v12 =	vld [tilespmem:s5+$0xFFFFFFE0]  }
0x394: {  	v15 =	vld [tilespmem:s5+$0x0];
	_ =	sdelay $0x1  }
0x395: {  	v14 =	vld.idx.msk [tilespmem:v10+s2+$0x0], $0xffff  }
0x396: {  	p3 =	sgt.s32 s28, $0x4  }
.Ltmp23:
0x397: {  	_ = 	snop;
	(pc) =	sbr.rel @!p3 .LBB2_54-.Ltmp23, $4  }
0x398: {  	_ = 	snop  }
0x399: {  	v11 =	vld.idx.msk [tilespmem:v11+s2+$0x0], $0xffff  }
0x39a: {  	s9 =	simm.s32 $0x0;
	s20 =	simm.s32 $0x10;
	v13 =	vld.idx.msk [tilespmem:v12+s2+$0x0], $0xffff;
	v16 =	vshra.s32 v14, $0x1F  }
0x39b: {  	s10 =	simm.s32 $0x111E0;
	p2 =	por $0x0, $0x0;
	s5 =	simm.s32 $0x30;
	v12 =	vld.idx.msk [tilespmem:v15+s2+$0x0], $0xffff;
	v10 =	vor.u32 s9, v0;
	v18 =	vor.u32 $0x80000000, v16  }
0x39c: {  	v14 =	vxor.u32 v14, v18;
	v16 =	vor.u32 s5, v0  }
0x39d: {  	vm0 =	vlt.s32 v16, v7;
	vm1 =	vge.u32 v14, v8  }
0x39e: {  	v17 =	vld [tilespmem:s10+$0x10];
	v15 =	vshra.s32 v11, $0x1F;
	vm0 =	vmand vm0, vm1  }
0x39f: {  	v20 =	vld [tilespmem:s10+$0xFFFFFFF0];
	vm1 =	vlt.u32 v14, v9;
	v14 =	vshrl.u32 v14, $0x8;
	v18 =	vshra.s32 v13, $0x1F  }
0x3a0: {  	vm0 =	vmand vm1, vm0;
	v14 =	vand.u32 $0xFF, v14;
	v15 =	vor.u32 $0x80000000, v15  }
0x3a1: {  	v16 =	vshra.s32 v12, $0x1F;
	v18 =	vor.u32 $0x80000000, v18;
	v11 =	vxor.u32 v11, v15;
	v15 =	vld [tilespmem:s10+$0xFFFFFFE0]  }
0x3a2: {  	s11 =	simm.s32 $0x20;
	v19 =	vadd.s32 v3, v14;
	v13 =	vxor.u32 v13, v18;
	v14 =	vor.u32 $0x80000000, v16  }
0x3a3: {  	v21 =	vld [tilespmem:s10+$0x0];
	v16 =	vor.u32 s20, v0;
	v18 =	vor.u32 s11, v0;
	vm2 =	vge.u32 v11, v8  }
0x3a4: {  	v23 =	vshrl.u32 v11, $0x8;
	vm15 =	vlt.u32 v11, v9;
	v12 =	vxor.u32 v12, v14  }
0x3a5: {  	vm1 =	vge.u32 v13, v8;
	v22 =	vshrl.u32 v13, $0x8;
	vm4 =	vlt.s32 v16, v7  }
0x3a6: {  	vm5 =	vlt.s32 v18, v7;
	vm3 =	vge.u32 v12, v8;
	v24 =	vshrl.u32 v12, $0x8;
	v14 =	vld.idx.msk [tilespmem:v17+s2+$0x0], $0xffff  }
0x3a7: {  	p3 =	sgt.s32 s28, $0x8;
	vm4 =	vmand vm4, vm2;
	vm2 =	vlt.s32 v10, v7;
	v10 =	vand.u32 $0xFF, v23;
	v11 =	vld.idx.msk [tilespmem:v20+s2+$0x0], $0xffff  }
.Ltmp24:
0x3a8: {  	v17 =	vand.u32 $0xFF, v22;
	vm3 =	vmand vm5, vm3;
	vm1 =	vmand vm2, vm1;
	[tilespmem:v19+s13+$0x0] =	vst.idx.add.s32.msk vm0, v4;
	(pc) =	sbr.rel @!p3 .LBB2_70-.Ltmp24, $4  }
0x3a9: {  	vm2 =	vlt.u32 v13, v9;
	vm0 =	vlt.u32 v12, v9;
	v19 =	vand.u32 $0xFF, v24;
	v13 =	vld.idx.msk [tilespmem:v15+s2+$0x0], $0xffff  }
0x3aa: {  	vm2 =	vmand vm2, vm1;
	vm1 =	vmand vm15, vm4;
	v16 =	vadd.s32 v3, v17  }
0x3ab: {  	s9 =	simm.s32 $0x40;
	s5 =	simm.s32 $0x70;
	p2 =	por $0x1, $0x1;
	v12 =	vld.idx.msk [tilespmem:v21+s2+$0x0], $0xffff;
	vm0 =	vmand vm0, vm3;
	v17 =	vadd.s32 v3, v19;
	v18 =	vshra.s32 v14, $0x1F  }
0x3ac: {  	s10 =	simm.s32 $0x8;
	s20 =	simm.s32 $0x50;
	s11 =	simm.s32 $0x11220;
	v15 =	vadd.s32 v3, v10;
	v10 =	vor.u32 s9, v0;
	v18 =	vor.u32 $0x80000000, v18  }
.LBB2_69:
0x3ad: {  	v19 =	vld [tilespmem:s11+$0x10];
	s10 =	sadd.s32 $0x4, s10;
	v20 =	vshra.s32 v11, $0x1F;
	s1 =	sadd.s32 $0x20, s9;
	v14 =	vxor.u32 v14, v18;
	v18 =	vor.u32 s5, v0  }
0x3ae: {  	v22 =	vshra.s32 v13, $0x1F;
	v21 =	vld [tilespmem:s11+$0xFFFFFFF0];
	p3 =	slt.s32 s10, s28;
	vm3 =	vlt.s32 v18, v7;
	vm4 =	vge.u32 v14, v8  }
0x3af: {  	v18 =	vld [tilespmem:s11+$0x0];
	vm3 =	vmand vm3, vm4;
	vm4 =	vlt.u32 v14, v9;
	v14 =	vshrl.u32 v14, $0x8  }
0x3b0: {  	v24 =	vshra.s32 v12, $0x1F;
	v23 =	vld [tilespmem:s11+$0xFFFFFFE0];
	vm3 =	vmand vm4, vm3;
	v14 =	vand.u32 $0xFF, v14  }
0x3b1: {  	v22 =	vor.u32 $0x80000000, v22;
	v20 =	vor.u32 $0x80000000, v20;
	v25 =	vadd.s32 v3, v14;
	[tilespmem:v16+s13+$0x0] =	vst.idx.add.s32.msk vm2, v4  }
0x3b2: {  	v20 =	vxor.u32 v11, v20;
	v11 =	vor.u32 $0x80000000, v24;
	v16 =	vxor.u32 v13, v22;
	[tilespmem:v15+s13+$0x0] =	vst.idx.add.s32.msk vm1, v4  }
0x3b3: {  	v13 =	vor.u32 s20, v0;
	v15 =	vxor.u32 v12, v11;
	v11 =	vor.u32 s1, v0;
	[tilespmem:v17+s13+$0x0] =	vst.idx.add.s32.msk vm0, v4  }
0x3b4: {  	vm1 =	vge.u32 v20, v8;
	vm0 =	vge.u32 v16, v8;
	vm2 =	vge.u32 v15, v8  }
0x3b5: {  	v12 =	vshrl.u32 v16, $0x8;
	v17 =	vshrl.u32 v20, $0x8;
	v14 =	vld.idx.msk [tilespmem:v19+s2+$0x0], $0xffff;
	v19 =	vshrl.u32 v15, $0x8  }
0x3b6: {  	vm4 =	vlt.s32 v13, v7;
	v22 =	vand.u32 $0xFF, v12;
	vm5 =	vlt.s32 v11, v7;
	[tilespmem:v25+s13+$0x0] =	vst.idx.add.s32.msk vm3, v4  }
0x3b7: {  	vm1 =	vmand vm4, vm1;
	vm4 =	vmand vm5, vm2;
	vm3 =	vlt.s32 v10, v7;
	v11 =	vld.idx.msk [tilespmem:v21+s2+$0x0], $0xffff  }
.Ltmp25:
0x3b8: {  	vm2 =	vlt.u32 v16, v9;
	vm0 =	vmand vm3, vm0;
	vm3 =	vlt.u32 v20, v9;
	v13 =	vld.idx.msk [tilespmem:v23+s2+$0x0], $0xffff;
	(pc) =	sbr.rel @p3 .LBB2_69-.Ltmp25, $4  }
0x3b9: {  	vm5 =	vlt.u32 v15, v9;
	v10 =	vand.u32 $0xFF, v17;
	v17 =	vand.u32 $0xFF, v19;
	v12 =	vld.idx.msk [tilespmem:v18+s2+$0x0], $0xffff  }
0x3ba: {  	vm2 =	vmand vm2, vm0;
	vm1 =	vmand vm3, vm1;
	vm0 =	vmand vm5, vm4  }
0x3bb: {  	s9 =	sadd.s32 $0x40, s9;
	v16 =	vadd.s32 v3, v22;
	v15 =	vadd.s32 v3, v10;
	v18 =	vshra.s32 v14, $0x1F  }
0x3bc: {  	s5 =	sadd.s32 $0x30, s9;
	s11 =	sadd.s32 $0x40, s11;
	s20 =	sadd.s32 $0x10, s9;
	v10 =	vor.u32 s9, v0;
	v17 =	vadd.s32 v3, v17;
	v18 =	vor.u32 $0x80000000, v18  }
.LBB2_70:
0x3bd: {  	v14 =	vxor.u32 v14, v18;
	v54 =	vor.u32 s5, v0  }
0x3be: {  	v19 =	vshra.s32 v11, $0x1F;
	v58 =	vor.u32 s20, v0;
	vm11 =	vlt.s32 v10, v7  }
0x3bf: {  	vm3 =	vlt.s32 v54, v7;
	vm4 =	vge.u32 v14, v8;
	v55 =	vshra.s32 v13, $0x1F  }
0x3c0: {  	s1 =	sadd.s32 $0x20, s9;
	vm8 =	vlt.u32 v14, v9;
	v14 =	vshrl.u32 v14, $0x8;
	v19 =	vor.u32 $0x80000000, v19  }
0x3c1: {  	v60 =	vor.u32 s1, v0;
	vm5 =	vlt.s32 v58, v7;
	vm3 =	vmand vm3, vm4  }
0x3c2: {  	v14 =	vand.u32 $0xFF, v14;
	v18 =	vor.u32 $0x80000000, v55;
	v11 =	vxor.u32 v11, v19  }
0x3c3: {  	vm7 =	vlt.s32 v60, v7;
	v20 =	vshra.s32 v12, $0x1F;
	vm3 =	vmand vm8, vm3  }
0x3c4: {  	v14 =	vadd.s32 v3, v14;
	v56 =	vxor.u32 v13, v18;
	vm9 =	vge.u32 v11, v8  }
0x3c5: {  	v61 =	vshrl.u32 v11, $0x8;
	vm13 =	vlt.u32 v11, v9;
	v57 =	vor.u32 $0x80000000, v20  }
0x3c6: {  	vm4 =	vmand vm5, vm9;
	vm10 =	vge.u32 v56, v8;
	v10 =	vshrl.u32 v56, $0x8  }
0x3c7: {  	vm12 =	vlt.u32 v56, v9;
	v11 =	vand.u32 $0xFF, v61;
	v59 =	vxor.u32 v12, v57  }
0x3c8: {  	vm5 =	vmand vm11, vm10;
	v10 =	vand.u32 $0xFF, v10;
	vm4 =	vmand vm13, vm4  }
0x3c9: {  	v11 =	vadd.s32 v3, v11;
	vm6 =	vge.u32 v59, v8;
	vm5 =	vmand vm12, vm5  }
0x3ca: {  	v62 =	vshrl.u32 v59, $0x8;
	vm14 =	vlt.u32 v59, v9;
	vm6 =	vmand vm7, vm6  }
0x3cb: {  	[tilespmem:v16+s13+$0x0] =	vst.idx.add.s32.msk @p2 vm2, v4;
	v10 =	vadd.s32 v3, v10;
	v63 =	vand.u32 $0xFF, v62;
	vm15 =	vmand vm14, vm6  }
0x3cc: {  	[tilespmem:v15+s13+$0x0] =	vst.idx.add.s32.msk @p2 vm1, v4;
	v12 =	vadd.s32 v3, v63  }
0x3cd: {  	[tilespmem:v17+s13+$0x0] =	vst.idx.add.s32.msk @p2 vm0, v4  }
0x3ce: {  	[tilespmem:v14+s13+$0x0] =	vst.idx.add.s32.msk vm3, v4  }
0x3cf: {  	[tilespmem:v11+s13+$0x0] =	vst.idx.add.s32.msk vm4, v4  }
0x3d0: {  	[tilespmem:v10+s13+$0x0] =	vst.idx.add.s32.msk vm5, v4  }
0x3d1: {  	[tilespmem:v12+s13+$0x0] =	vst.idx.add.s32.msk vm15, v4  }
.LBB2_58:
.Ltmp26:
0x3d2: {  	(pc) =	sbr.rel @p0 .LBB2_61-.Ltmp26, $1  }
0x3d3: {  	_ =	sdelay $0x3  }
0x3d4: {  	s5 =	sadd.s32 $0x11180, s30;
	s9 =	sshll.u32 s28, $0x4;
	s10 =	smov.u32 s28  }
.LBB2_60:
0x3d5: {  	v10 =	vld [tilespmem:s5+$0x0];
	_ =	sdelay $0x7  }
0x3d6: {  	v10 =	vld.idx.msk [tilespmem:v10+s2+$0x0], $0xffff;
	_ =	sdelay $0x4  }
0x3d7: {  	v11 =	vshra.s32 v10, $0x1F  }
0x3d8: {  	v11 =	vor.u32 $0x80000000, v11  }
0x3d9: {  	v10 =	vxor.u32 v10, v11;
	v11 =	vor.u32 s9, v0  }
0x3da: {  	vm0 =	vlt.s32 v11, v7;
	vm1 =	vge.u32 v10, v8  }
0x3db: {  	vm15 =	vlt.u32 v10, v9;
	v10 =	vshrl.u32 v10, $0x8;
	vm0 =	vmand vm0, vm1  }
0x3dc: {  	s10 =	sadd.s32 $0x1, s10;
	v10 =	vand.u32 $0xFF, v10;
	vm0 =	vmand vm15, vm0  }
0x3dd: {  	p2 =	slt.s32 s10, s26;
	v10 =	vadd.s32 v3, v10  }
.Ltmp27:
0x3de: {  	_ = 	snop;
	(pc) =	sbr.rel @p2 .LBB2_60-.Ltmp27, $2  }
0x3df: {  	_ =	sdelay $0x2  }
0x3e0: {  	s5 =	sadd.s32 $0x10, s5;
	s9 =	sadd.s32 $0x10, s9;
	[tilespmem:v10+s13+$0x0] =	vst.idx.add.s32.msk vm0, v4  }
.LBB2_61:
0x3e1: {  	s9 =	simm.s32 $0x0  }
0x3e2: {  	v10 =	vld [tilespmem:s9+$0x100F0]  }
0x3e3: {  	v11 =	vld [tilespmem:s9+$0x101F1]  }
0x3e4: {  	v12 =	vld [tilespmem:s9+$0x102F2]  }
0x3e5: {  	v13 =	vld [tilespmem:s9+$0x103F3]  }
0x3e6: {  	v14 =	vld [tilespmem:s9+$0x104F4]  }
0x3e7: {  	v15 =	vld [tilespmem:s9+$0x105F5]  }
0x3e8: {  	v16 =	vld [tilespmem:s9+$0x106F6]  }
0x3e9: {  	v17 =	vld [tilespmem:s9+$0x107F7]  }
0x3ea: {  	v18 =	vld [tilespmem:s9+$0x108F8]  }
0x3eb: {  	v19 =	vld [tilespmem:s9+$0x109F9]  }
0x3ec: {  	v20 =	vld [tilespmem:s9+$0x10AFA]  }
0x3ed: {  	v21 =	vld [tilespmem:s9+$0x10BFB]  }
0x3ee: {  	v22 =	vld [tilespmem:s9+$0x10CFC];
	v10 =	vadd.s32 v10, v11  }
0x3ef: {  	v23 =	vld [tilespmem:s9+$0x10DFD];
	v10 =	vadd.s32 v12, v10  }
0x3f0: {  	v24 =	vld [tilespmem:s9+$0x10EFE];
	v10 =	vadd.s32 v13, v10  }
0x3f1: {  	s20 =	simm.s32 $0xFFFFFFF0;
	v11 =	vld [tilespmem:s9+$0x10FFF];
	v10 =	vadd.s32 v14, v10  }
0x3f2: {  	v12 =	vld [tilespmem:s20+$0x100F0];
	v10 =	vadd.s32 v15, v10  }
0x3f3: {  	v13 =	vld [tilespmem:s20+$0x101F1];
	v10 =	vadd.s32 v16, v10  }
0x3f4: {  	v14 =	vld [tilespmem:s20+$0x102F2];
	v10 =	vadd.s32 v17, v10  }
0x3f5: {  	v15 =	vld [tilespmem:s20+$0x103F3];
	v10 =	vadd.s32 v18, v10  }
0x3f6: {  	v16 =	vld [tilespmem:s20+$0x104F4];
	v10 =	vadd.s32 v19, v10  }
0x3f7: {  	v17 =	vld [tilespmem:s20+$0x105F5];
	v10 =	vadd.s32 v20, v10  }
0x3f8: {  	v18 =	vld [tilespmem:s20+$0x106F6];
	v12 =	vadd.s32 v12, v13;
	v10 =	vadd.s32 v21, v10  }
0x3f9: {  	v19 =	vld [tilespmem:s20+$0x107F7];
	v12 =	vadd.s32 v14, v12;
	v10 =	vadd.s32 v22, v10  }
0x3fa: {  	v13 =	vld [tilespmem:s20+$0x108F8];
	v12 =	vadd.s32 v15, v12;
	v10 =	vadd.s32 v23, v10  }
0x3fb: {  	v14 =	vld [tilespmem:s20+$0x109F9];
	v12 =	vadd.s32 v16, v12;
	v10 =	vadd.s32 v24, v10  }
0x3fc: {  	v15 =	vld [tilespmem:s20+$0x10AFA];
	v12 =	vadd.s32 v17, v12;
	v10 =	vadd.s32 v11, v10  }
0x3fd: {  	v16 =	vld [tilespmem:s20+$0x10BFB];
	v11 =	vadd.s32 v18, v12;
	v10 =	vperm.xlane v10, v5  }
0x3fe: {  	v17 =	vld [tilespmem:s20+$0x10CFC];
	v11 =	vadd.s32 v19, v11  }
0x3ff: {  	v12 =	vld [tilespmem:s20+$0x10DFD];
	v11 =	vadd.s32 v13, v11;
	(xrf0) =	vadd.scan.msk.s32 $0xffff, v10  }
0x400: {  	v18 =	vld [tilespmem:s20+$0x10EFE];
	v10 =	vadd.s32 v14, v11  }
0x401: {  	v10 =	vadd.s32 v15, v10  }
0x402: {  	v10 =	vadd.s32 v16, v10  }
0x403: {  	v10 =	vadd.s32 v17, v10  }
0x404: {  	v10 =	vadd.s32 v12, v10  }
0x405: {  	p2 =	sgt.s32 s3, $0xFE;
	s3 =	simm.s32 $0xFFFFFFE0;
	v13 =	vld [tilespmem:s20+$0x10FFF];
	v10 =	vadd.s32 v18, v10;
	v18, _, _ =	vpop (xrf0)  }
0x406: {  	v11 =	vld [tilespmem:s3+$0x100F0];
	v19 =	vxor.u32 $0x80000000, v18  }
0x407: {  	v14 =	vld [tilespmem:s3+$0x101F1];
	(xrf0) =	vmax.scan.msk.u32 $0xffff, v19  }
0x408: {  	v15 =	vld [tilespmem:s3+$0x102F2]  }
0x409: {  	v16 =	vld [tilespmem:s3+$0x103F3]  }
0x40a: {  	v12 =	vld [tilespmem:s3+$0x104F4]  }
0x40b: {  	v17 =	vld [tilespmem:s3+$0x105F5];
	v10 =	vadd.s32 v13, v10  }
0x40c: {  	v11 =	vadd.s32 v11, v14;
	v13 =	vld [tilespmem:s3+$0x106F6];
	v10 =	vperm.xlane v10, v5  }
0x40d: {  	v14 =	vld [tilespmem:s3+$0x107F7];
	v11 =	vadd.s32 v15, v11;
	v19, _, _ =	vpop (xrf0)  }
0x40e: {  	(xrf0) =	vadd.scan.msk.s32 $0xffff, v10;
	v10 =	vadd.s32 v16, v11;
	(v2sf) =	vpush v19, $0xF  }
0x40f: {  	s1 =	sxor.u32 $0x80000000, s6;
	s6 =	simm.s32 $0x0;
	v10 =	vadd.s32 v12, v10  }
0x410: {  	v15 =	vld [tilespmem:s3+$0x108F8];
	v11 =	vadd.s32 s6, v18;
	v10 =	vadd.s32 v17, v10  }
0x411: {  	v16 =	vld [tilespmem:s3+$0x109F9];
	v12 =	vperm.xlane v11, v5;
	v10 =	vadd.s32 v13, v10  }
0x412: {  	s1 =	simm.s32 @p2 $0x0;
	v18 =	vld [tilespmem:s3+$0x10AFA];
	v10 =	vadd.s32 v14, v10  }
0x413: {  	s0 =	ssub.s32 s0, s1;
	v17 =	vld [tilespmem:s3+$0x10BFB];
	[tilespmem:s9+$0x11170] =	vst v12  }
0x414: {  	v8 =	vmov s0;
	v11 =	vld [tilespmem:s3+$0x10CFC]  }
0x415: {  	vm0 =	vge.s32 v12, v8;
	v13 =	vld [tilespmem:s3+$0x10DFD];
	v12 =	vadd.s32 v15, v10;
	v10, _, _ =	vpop (xrf0)  }
0x416: {  	v63 =	vmpcnt.ones.xlane vm0;
	v14 =	vld [tilespmem:s3+$0x10EFE];
	v12 =	vadd.s32 v16, v12;
	v16 =	vxor.u32 $0x80000000, v10  }
0x417: {  	v9 =	vimm.s32 $0x0;
	s9 =	simm.s32 $0xFFFFFFD0;
	v15 =	vld [tilespmem:s3+$0x10FFF];
	v18 =	vadd.s32 v18, v12;
	(xrf0) =	vmax.scan.msk.u32 $0xffff, v16  }
0x418: {  	s10 =	simm.s32 $0xFFFFFF00;
	v9 =	vadd.s32 v9, v63;
	v12 =	vld [tilespmem:s9+$0x100F0];
	v16 =	vadd.s32 v17, v18  }
.LBB2_62:
0x419: {  	p2 =	sne.s32 s10, $0xFFFFFC40;
	v17 =	vld [tilespmem:s9+$0x101F1];
	v11 =	vadd.s32 v11, v16  }
0x41a: {  	v16 =	vld [tilespmem:s9+$0x102F2];
	v11 =	vadd.s32 v13, v11  }
0x41b: {  	v13 =	vld [tilespmem:s9+$0x103F3];
	v11 =	vadd.s32 v14, v11  }
0x41c: {  	v14 =	vld [tilespmem:s9+$0x104F4];
	v11 =	vadd.s32 v15, v11  }
0x41d: {  	v15 =	vld [tilespmem:s9+$0x105F5];
	v11 =	vperm.xlane v11, v5;
	v18, _, _ =	vpop (xrf0);
	s1 =	spop (v2sf)  }
0x41e: {  	v12 =	vadd.s32 v12, v17;
	v17 =	vld [tilespmem:s9+$0x106F6];
	(v2sf) =	vpush v18, $0xF;
	s1 =	sadd.s32 s1, s6  }
0x41f: {  	v12 =	vadd.s32 v16, v12;
	v16 =	vld [tilespmem:s9+$0x107F7];
	(xrf0) =	vadd.scan.msk.s32 $0xffff, v11;
	s6 =	sadd.s32 $0x80000000, s1  }
0x420: {  	v11 =	vadd.s32 v13, v12;
	v12 =	vld [tilespmem:s9+$0x108F8];
	v10 =	vadd.s32 s6, v10  }
0x421: {  	v11 =	vadd.s32 v14, v11;
	v14 =	vld [tilespmem:s9+$0x109F9];
	v10 =	vperm.xlane v10, v5  }
0x422: {  	v11 =	vadd.s32 v15, v11;
	v15 =	vld [tilespmem:s9+$0x10AFA]  }
0x423: {  	v11 =	vadd.s32 v17, v11;
	v17 =	vld [tilespmem:s9+$0x10BFB];
	[tilespmem:s20+$0x11170] =	vst v10;
	vm0 =	vge.s32 v10, v8;
	s20 =	smov.u32 s3;
	s3 =	smov.u32 s9  }
.Ltmp28:
0x424: {  	v18 =	vadd.s32 v16, v11;
	v11 =	vld [tilespmem:s3+$0x10CFC];
	v16 =	vmpcnt.ones.xlane vm0;
	(pc) =	sbr.rel @p2 .LBB2_62-.Ltmp28, $4  }
0x425: {  	v12 =	vadd.s32 v12, v18;
	v13 =	vld [tilespmem:s3+$0x10DFD];
	v10, _, _ =	vpop (xrf0)  }
0x426: {  	v12 =	vadd.s32 v14, v12;
	v14 =	vld [tilespmem:s3+$0x10EFE];
	v18 =	vxor.u32 $0x80000000, v10;
	v9 =	vadd.s32 v9, v16  }
0x427: {  	s9 =	sshra.s32 s10, $0x2;
	v16 =	vadd.s32 v15, v12;
	v15 =	vld [tilespmem:s3+$0x10FFF];
	(xrf0) =	vmax.scan.msk.u32 $0xffff, v18  }
0x428: {  	s10 =	sadd.s32 $0xFFFFFFC0, s10;
	v12 =	vld [tilespmem:s9+$0x100F0];
	v16 =	vadd.s32 v17, v16  }
0x429: {  	v11 =	vadd.s32 v11, v16  }
0x42a: {  	v11 =	vadd.s32 v13, v11  }
0x42b: {  	v11 =	vadd.s32 v14, v11  }
0x42c: {  	v11 =	vadd.s32 v15, v11  }
0x42d: {  	v11 =	vperm.xlane v11, v5;
	_ =	sdelay $0x1  }
0x42e: {  	(xrf0) =	vadd.scan.msk.s32 $0xffff, v11;
	_ =	sdelay $0x3  }
0x42f: {  	v11 =	vld [tilespmem:s9+$0x101F1]  }
0x430: {  	v45 =	vld [tilespmem:s9+$0x102F2];
	v47, _, _ =	vpop (xrf0)  }
0x431: {  	v46 =	vld [tilespmem:s9+$0x103F3];
	v17, _, _ =	vpop (xrf0)  }
0x432: {  	v48 =	vld [tilespmem:s9+$0x104F4];
	v19 =	vxor.u32 $0x80000000, v17  }
0x433: {  	v18 =	vld [tilespmem:s9+$0x105F5];
	s1 =	spop (v2sf);
	(xrf0) =	vmax.scan.msk.u32 $0xffff, v19  }
0x434: {  	v49 =	vld [tilespmem:s9+$0x106F6];
	s1 =	sadd.s32 s1, s6;
	v11 =	vadd.s32 v12, v11  }
0x435: {  	v50 =	vld [tilespmem:s9+$0x107F7];
	s1 =	sadd.s32 $0x80000000, s1;
	v11 =	vadd.s32 v45, v11  }
0x436: {  	v51 =	vld [tilespmem:s9+$0x108F8];
	v10 =	vadd.s32 s1, v10;
	v11 =	vadd.s32 v46, v11  }
0x437: {  	v52 =	vld [tilespmem:s9+$0x109F9];
	v10 =	vperm.xlane v10, v5;
	v11 =	vadd.s32 v48, v11  }
0x438: {  	v53 =	vld [tilespmem:s9+$0x10AFA];
	(v2sf) =	vpush v47, $0xF;
	v11 =	vadd.s32 v18, v11  }
0x439: {  	v54 =	vld [tilespmem:s9+$0x10BFB];
	[tilespmem:s20+$0x11170] =	vst v10;
	v11 =	vadd.s32 v49, v11;
	v55, _, _ =	vpop (xrf0)  }
0x43a: {  	v56 =	vld [tilespmem:s9+$0x10CFC];
	v11 =	vadd.s32 v50, v11;
	(v2sf) =	vpush v55, $0xF  }
0x43b: {  	v57 =	vld [tilespmem:s9+$0x10DFD];
	v11 =	vadd.s32 v51, v11  }
0x43c: {  	v58 =	vld [tilespmem:s9+$0x10EFE];
	v11 =	vadd.s32 v52, v11  }
0x43d: {  	v59 =	vld [tilespmem:s9+$0x10FFF];
	v11 =	vadd.s32 v53, v11  }
0x43e: {  	v11 =	vadd.s32 v54, v11  }
0x43f: {  	v11 =	vadd.s32 v56, v11  }
0x440: {  	v11 =	vadd.s32 v57, v11  }
0x441: {  	v11 =	vadd.s32 v58, v11  }
0x442: {  	v11 =	vadd.s32 v59, v11  }
0x443: {  	v11 =	vperm.xlane v11, v5;
	_ =	sdelay $0x1  }
0x444: {  	(xrf0) =	vadd.scan.msk.s32 $0xffff, v11;
	_ =	sdelay $0x1  }
0x445: {  	s5 =	spop (v2sf)  }
0x446: {  	s1 =	sadd.s32 s5, s1  }
0x447: {  	s1 =	sadd.s32 $0x80000000, s1;
	s10 =	spop (v2sf)  }
0x448: {  	s5 =	sadd.s32 s10, s1  }
0x449: {  	v11 =	vadd.s32 s1, v17;
	v60, _, _ =	vpop (xrf0);
	s11 =	sadd.s32 $0x80000000, s5  }
0x44a: {  	v11 =	vperm.xlane v11, v5;
	v61 =	vadd.s32 s11, v60  }
0x44b: {  	vm0 =	vge.s32 v10, v8;
	v10 =	vperm.xlane v61, v5  }
0x44c: {  	v62 =	vmpcnt.ones.xlane vm0;
	vm14 =	vge.s32 v11, v8  }
0x44d: {  	v63 =	vmpcnt.ones.xlane vm14;
	vm15 =	vge.s32 v10, v8  }
0x44e: {  	v8 =	vadd.s32 v9, v62;
	v9 =	vmpcnt.ones.xlane vm15  }
0x44f: {  	v8 =	vadd.s32 v8, v63  }
0x450: {  	v12 =	vxor.u32 $0x80000000, v60;
	v8 =	vadd.s32 v8, v9  }
0x451: {  	(xrf0) =	vmax.scan.msk.u32 $0xffff, v12;
	v8 =	vxor.u32 $0x80000000, v8  }
0x452: {  	(xrf0) =	vmax.scan.msk.u32 $0xffff, v8;
	_ =	sdelay $0x4  }
0x453: {  	v8, _, _ =	vpop (xrf0)  }
0x454: {  	(v2sf) =	vpush v8, $0xF;
	v8, _, _ =	vpop (xrf0)  }
0x455: {  	(v2sf) =	vpush v8, $0xF;
	_ =	sdelay $0xd  }
0x456: {  	s20 =	spop (v2sf)  }
0x457: {  	s1 =	spop (v2sf)  }
0x458: {  	s5 =	sxor.u32 $0x80000000, s1  }
0x459: {  	p2 =	slt.s32 s5, $0xFF  }
0x45a: {  	s5 =	simm.s32 @!p2 $0xFF  }
0x45b: {  	v8 =	vmov s5;
	_ =	sdelay $0x2  }
0x45c: {  	[tilespmem:s3+$0x11170] =	vst v11  }
0x45d: {  	[tilespmem:s9+$0x11170] =	vst v10;
	s5 =	simm.s32 $0x10040  }
0x45e: {  	v8 =	vld.idx.msk [tilespmem:v8+s14+$0x0], $0xffff;
	[tilespmem:s5+$0xFFFFFFC0] =	vst v2  }
0x45f: {  	[tilespmem:s5+$0x30] =	vst v2  }
0x460: {  	[tilespmem:s5+$0x20] =	vst v2  }
0x461: {  	[tilespmem:s5+$0x10] =	vst v2  }
0x462: {  	[tilespmem:s5+$0x0] =	vst v2  }
0x463: {  	[tilespmem:s5+$0xFFFFFFF0] =	vst v2  }
0x464: {  	s6 =	simm.s32 $0x0;
	s3 =	sadd.s32 $0x7FFFFFFF, s1;
	[tilespmem:s5+$0xFFFFFFE0] =	vst v2  }
.LBB2_64:
0x465: {  	s6 =	sadd.s32 $0x8, s6;
	[tilespmem:s5+$0xFFFFFFD0] =	vst v2;
	s5 =	sadd.s32 $0x80, s5  }
0x466: {  	[tilespmem:s5+$0xFFFFFFC0] =	vst v2;
	p2 =	slt.u32 s6, $0x100  }
0x467: {  	[tilespmem:s5+$0x30] =	vst v2  }
.Ltmp29:
0x468: {  	[tilespmem:s5+$0x20] =	vst v2;
	(pc) =	sbr.rel @p2 .LBB2_64-.Ltmp29, $4  }
0x469: {  	[tilespmem:s5+$0x10] =	vst v2  }
0x46a: {  	[tilespmem:s5+$0x0] =	vst v2  }
0x46b: {  	[tilespmem:s5+$0xFFFFFFF0] =	vst v2  }
0x46c: {  	[tilespmem:s5+$0xFFFFFFE0] =	vst v2  }
0x46d: {  	v8 =	vxor.u32 $0x80000000, v8  }
0x46e: {  	(xrf0) =	vmax.scan.msk.u32 $0xffff, v8;
	_ =	sdelay $0x5  }
0x46f: {  	v8, _, _ =	vpop (xrf0)  }
0x470: {  	(v2sf) =	vpush v8, $0xF;
	_ =	sdelay $0xa  }
.Ltmp30:
0x471: {  	_ = 	snop;
	(pc) =	sbr.rel @p1 .LBB2_71-.Ltmp30, $4  }
0x472: {  	s1 =	sshll.u32 s3, $0x8  }
0x473: {  	s31 =	sadd.s32 s31, s1  }
0x474: {  	s1 =	sadd.s32 $0x100, s31  }
0x475: {  	[tilespmem:s5+$0xFFFFFFD0] =	vst v2;
	v9 =	vmov s1;
	v8 =	vmov s31;
	s6 =	spop (v2sf)  }
0x476: {  	s5 =	simm.s32 $0x111A0  }
0x477: {  	v10 =	vld [tilespmem:s5+$0x10];
	_ =	sdelay $0x2  }
0x478: {  	v11 =	vld [tilespmem:s5+$0xFFFFFFF0]  }
0x479: {  	v12 =	vld [tilespmem:s5+$0xFFFFFFE0]  }
0x47a: {  	v14 =	vld [tilespmem:s5+$0x0];
	_ =	sdelay $0x2  }
0x47b: {  	p3 =	sgt.s32 s28, $0x4;
	v13 =	vld.idx.msk [tilespmem:v10+s2+$0x0], $0xffff  }
.Ltmp31:
0x47c: {  	_ = 	snop;
	(pc) =	sbr.rel @!p3 .LBB2_67-.Ltmp31, $4  }
0x47d: {  	_ = 	snop  }
0x47e: {  	v10 =	vld.idx.msk [tilespmem:v11+s2+$0x0], $0xffff  }
0x47f: {  	v12 =	vld.idx.msk [tilespmem:v12+s2+$0x0], $0xffff  }
0x480: {  	s9 =	simm.s32 $0x0;
	p2 =	por $0x0, $0x0;
	s5 =	simm.s32 $0x111E0;
	v11 =	vld.idx.msk [tilespmem:v14+s2+$0x0], $0xffff;
	v17 =	vshra.s32 v13, $0x1F  }
0x481: {  	v14 =	vor.u32 s9, v0;
	s1 =	simm.s32 $0x30;
	v15 =	vor.u32 $0x80000000, v17  }
0x482: {  	v16 =	vld [tilespmem:s5+$0x10];
	v13 =	vxor.u32 v13, v15;
	v15 =	vor.u32 s1, v0;
	vm6 =	vlt.s32 v14, v7  }
0x483: {  	v17 =	vshra.s32 v10, $0x1F;
	vm0 =	vlt.s32 v15, v7;
	vm1 =	vge.u32 v13, v8;
	v15 =	vld [tilespmem:s5+$0xFFFFFFF0]  }
0x484: {  	v20 =	vld [tilespmem:s5+$0xFFFFFFE0];
	v17 =	vor.u32 $0x80000000, v17;
	v18 =	vshra.s32 v12, $0x1F;
	vm0 =	vmand vm0, vm1  }
0x485: {  	vm1 =	vlt.u32 v13, v9;
	v19 =	vshra.s32 v11, $0x1F;
	v18 =	vor.u32 $0x80000000, v18  }
0x486: {  	v13 =	vand.u32 $0xFF, v13;
	v12 =	vxor.u32 v12, v18;
	v18 =	vor.u32 $0x80000000, v19;
	v19 =	vld [tilespmem:s5+$0x0]  }
0x487: {  	s11 =	simm.s32 $0x10;
	s20 =	simm.s32 $0x20;
	vm0 =	vmand vm1, vm0;
	v21 =	vadd.s32 v3, v13;
	v17 =	vxor.u32 v10, v17  }
0x488: {  	v10 =	vor.u32 s11, v0;
	v13 =	vor.u32 s20, v0;
	vm2 =	vge.u32 v17, v8  }
0x489: {  	vm3 =	vlt.s32 v10, v7;
	vm4 =	vlt.s32 v13, v7;
	vm14 =	vlt.u32 v17, v9  }
0x48a: {  	p3 =	sgt.s32 s28, $0x8;
	v11 =	vxor.u32 v11, v18;
	vm1 =	vge.u32 v12, v8;
	vm2 =	vmand vm3, vm2;
	v13 =	vld.idx.msk [tilespmem:v16+s2+$0x0], $0xffff  }
.Ltmp32:
0x48b: {  	vm13 =	vlt.u32 v12, v9;
	v14 =	vand.u32 $0xFF, v12;
	vm5 =	vge.u32 v11, v8;
	v10 =	vld.idx.msk [tilespmem:v15+s2+$0x0], $0xffff;
	(pc) =	sbr.rel @!p3 .LBB2_86-.Ltmp32, $4  }
0x48c: {  	vm1 =	vmand vm6, vm1;
	vm15 =	vlt.u32 v11, v9;
	v18 =	vand.u32 $0xFF, v11;
	v12 =	vld.idx.msk [tilespmem:v20+s2+$0x0], $0xffff  }
0x48d: {  	vm3 =	vmand vm4, vm5;
	v16 =	vand.u32 $0xFF, v17;
	vm1 =	vmand vm13, vm1;
	[tilespmem:v21+s13+$0x0] =	vst.idx.add.s32.msk vm0, v4  }
0x48e: {  	s10 =	simm.s32 $0x8;
	vm0 =	vmand vm14, vm2;
	v15 =	vadd.s32 v3, v14;
	v14 =	vadd.s32 v3, v16;
	v11 =	vld.idx.msk [tilespmem:v19+s2+$0x0], $0xffff  }
0x48f: {  	s9 =	simm.s32 $0x40;
	p2 =	por $0x1, $0x1;
	s11 =	simm.s32 $0x11220;
	vm2 =	vmand vm15, vm3;
	v16 =	vadd.s32 v3, v18;
	v17 =	vshra.s32 v13, $0x1F  }
.LBB2_85:
0x490: {  	v18 =	vld [tilespmem:s11+$0x10];
	s10 =	sadd.s32 $0x4, s10;
	v19 =	vor.u32 s9, v0;
	s1 =	sadd.s32 $0x10, s9;
	v20 =	vshra.s32 v10, $0x1F;
	s5 =	sadd.s32 $0x30, s9;
	v17 =	vor.u32 $0x80000000, v17  }
0x491: {  	s20 =	sadd.s32 $0x20, s9;
	v21 =	vld [tilespmem:s11+$0xFFFFFFF0];
	p3 =	slt.s32 s10, s28;
	v20 =	vor.u32 $0x80000000, v20;
	v13 =	vxor.u32 v13, v17;
	v17 =	vor.u32 s5, v0  }
0x492: {  	v23 =	vshra.s32 v12, $0x1F;
	v22 =	vld [tilespmem:s11+$0x0];
	vm3 =	vlt.s32 v17, v7;
	vm4 =	vge.u32 v13, v8  }
0x493: {  	v24 =	vshra.s32 v11, $0x1F;
	v17 =	vld [tilespmem:s11+$0xFFFFFFE0];
	vm3 =	vmand vm3, vm4;
	vm4 =	vlt.u32 v13, v9  }
0x494: {  	v23 =	vor.u32 $0x80000000, v23;
	v13 =	vand.u32 $0xFF, v13;
	vm3 =	vmand vm4, vm3;
	[tilespmem:v15+s13+$0x0] =	vst.idx.add.s32.msk vm1, v4  }
0x495: {  	v15 =	vxor.u32 v12, v23;
	v12 =	vor.u32 $0x80000000, v24;
	v23 =	vadd.s32 v3, v13;
	[tilespmem:v14+s13+$0x0] =	vst.idx.add.s32.msk vm0, v4  }
0x496: {  	v14 =	vxor.u32 v10, v20;
	v10 =	vor.u32 s1, v0;
	v20 =	vxor.u32 v11, v12;
	[tilespmem:v16+s13+$0x0] =	vst.idx.add.s32.msk vm2, v4  }
0x497: {  	vm0 =	vge.u32 v15, v8;
	v11 =	vor.u32 s20, v0;
	vm1 =	vge.u32 v14, v8  }
0x498: {  	vm2 =	vlt.s32 v10, v7;
	vm4 =	vlt.s32 v11, v7;
	vm5 =	vge.u32 v20, v8;
	v13 =	vld.idx.msk [tilespmem:v18+s2+$0x0], $0xffff  }
0x499: {  	vm6 =	vlt.s32 v19, v7;
	vm2 =	vmand vm2, vm1;
	vm4 =	vmand vm4, vm5;
	v10 =	vld.idx.msk [tilespmem:v21+s2+$0x0], $0xffff  }
.Ltmp33:
0x49a: {  	vm0 =	vmand vm6, vm0;
	vm1 =	vlt.u32 v15, v9;
	vm5 =	vlt.u32 v14, v9;
	[tilespmem:v23+s13+$0x0] =	vst.idx.add.s32.msk vm3, v4;
	(pc) =	sbr.rel @p3 .LBB2_85-.Ltmp33, $4  }
0x49b: {  	v15 =	vand.u32 $0xFF, v15;
	v14 =	vand.u32 $0xFF, v14;
	vm3 =	vlt.u32 v20, v9;
	v12 =	vld.idx.msk [tilespmem:v17+s2+$0x0], $0xffff  }
0x49c: {  	v16 =	vand.u32 $0xFF, v20;
	vm1 =	vmand vm1, vm0;
	vm0 =	vmand vm5, vm2;
	v11 =	vld.idx.msk [tilespmem:v22+s2+$0x0], $0xffff  }
0x49d: {  	v15 =	vadd.s32 v3, v15;
	v14 =	vadd.s32 v3, v14;
	vm2 =	vmand vm3, vm4  }
0x49e: {  	s9 =	sadd.s32 $0x40, s9;
	s11 =	sadd.s32 $0x40, s11;
	v16 =	vadd.s32 v3, v16;
	v17 =	vshra.s32 v13, $0x1F  }
.LBB2_86:
0x49f: {  	v18 =	vor.u32 s9, v0;
	v19 =	vshra.s32 v10, $0x1F;
	s1 =	sadd.s32 $0x30, s9;
	v17 =	vor.u32 $0x80000000, v17  }
0x4a0: {  	s20 =	sadd.s32 $0x10, s9;
	s5 =	sadd.s32 $0x20, s9;
	v19 =	vor.u32 $0x80000000, v19;
	v13 =	vxor.u32 v13, v17;
	v59 =	vor.u32 s1, v0  }
0x4a1: {  	v20 =	vshra.s32 v12, $0x1F;
	v62 =	vor.u32 s20, v0;
	v63 =	vor.u32 s5, v0  }
0x4a2: {  	vm8 =	vlt.s32 v18, v7;
	vm3 =	vlt.s32 v59, v7;
	vm4 =	vge.u32 v13, v8  }
0x4a3: {  	vm13 =	vlt.u32 v13, v9;
	v20 =	vor.u32 $0x80000000, v20;
	v13 =	vand.u32 $0xFF, v13  }
0x4a4: {  	v10 =	vxor.u32 v10, v19;
	vm6 =	vlt.s32 v62, v7;
	vm7 =	vlt.s32 v63, v7  }
0x4a5: {  	v60 =	vshra.s32 v11, $0x1F;
	vm3 =	vmand vm3, vm4;
	v61 =	vxor.u32 v12, v20  }
0x4a6: {  	vm5 =	vge.u32 v10, v8;
	v13 =	vadd.s32 v3, v13;
	vm3 =	vmand vm13, vm3  }
0x4a7: {  	v17 =	vor.u32 $0x80000000, v60;
	vm14 =	vge.u32 v61, v8;
	vm5 =	vmand vm6, vm5  }
0x4a8: {  	vm12 =	vlt.u32 v61, v9;
	vm13 =	vlt.u32 v10, v9;
	v12 =	vand.u32 $0xFF, v61  }
0x4a9: {  	v10 =	vand.u32 $0xFF, v10;
	v11 =	vxor.u32 v11, v17;
	vm4 =	vmand vm8, vm14  }
0x4aa: {  	vm5 =	vmand vm13, vm5;
	v10 =	vadd.s32 v3, v10;
	vm15 =	vge.u32 v11, v8  }
0x4ab: {  	vm4 =	vmand vm12, vm4;
	vm14 =	vlt.u32 v11, v9;
	vm6 =	vmand vm7, vm15  }
0x4ac: {  	[tilespmem:v15+s13+$0x0] =	vst.idx.add.s32.msk @p2 vm1, v4;
	v12 =	vadd.s32 v3, v12;
	v11 =	vand.u32 $0xFF, v11;
	vm15 =	vmand vm14, vm6  }
0x4ad: {  	[tilespmem:v14+s13+$0x0] =	vst.idx.add.s32.msk @p2 vm0, v4;
	v11 =	vadd.s32 v3, v11  }
0x4ae: {  	[tilespmem:v16+s13+$0x0] =	vst.idx.add.s32.msk @p2 vm2, v4  }
0x4af: {  	[tilespmem:v13+s13+$0x0] =	vst.idx.add.s32.msk vm3, v4  }
0x4b0: {  	[tilespmem:v10+s13+$0x0] =	vst.idx.add.s32.msk vm5, v4  }
0x4b1: {  	[tilespmem:v12+s13+$0x0] =	vst.idx.add.s32.msk vm4, v4  }
0x4b2: {  	[tilespmem:v11+s13+$0x0] =	vst.idx.add.s32.msk vm15, v4  }
.LBB2_71:
.Ltmp34:
0x4b3: {  	(pc) =	sbr.rel @p0 .LBB2_74-.Ltmp34, $1  }
0x4b4: {  	_ =	sdelay $0x3  }
0x4b5: {  	s5 =	sadd.s32 $0x11180, s30;
	s9 =	sshll.u32 s28, $0x4;
	s10 =	smov.u32 s28  }
.LBB2_73:
0x4b6: {  	v10 =	vld [tilespmem:s5+$0x0];
	_ =	sdelay $0x7  }
0x4b7: {  	v10 =	vld.idx.msk [tilespmem:v10+s2+$0x0], $0xffff;
	_ =	sdelay $0x4  }
0x4b8: {  	v11 =	vshra.s32 v10, $0x1F  }
0x4b9: {  	v11 =	vor.u32 $0x80000000, v11  }
0x4ba: {  	v10 =	vxor.u32 v10, v11;
	v11 =	vor.u32 s9, v0  }
0x4bb: {  	vm0 =	vlt.s32 v11, v7;
	vm1 =	vge.u32 v10, v8  }
0x4bc: {  	vm15 =	vlt.u32 v10, v9;
	vm0 =	vmand vm0, vm1  }
0x4bd: {  	s10 =	sadd.s32 $0x1, s10;
	v10 =	vand.u32 $0xFF, v10;
	vm0 =	vmand vm15, vm0  }
0x4be: {  	p2 =	slt.s32 s10, s26;
	v10 =	vadd.s32 v3, v10  }
.Ltmp35:
0x4bf: {  	_ = 	snop;
	(pc) =	sbr.rel @p2 .LBB2_73-.Ltmp35, $2  }
0x4c0: {  	_ =	sdelay $0x2  }
0x4c1: {  	s5 =	sadd.s32 $0x10, s5;
	s9 =	sadd.s32 $0x10, s9;
	[tilespmem:v10+s13+$0x0] =	vst.idx.add.s32.msk vm0, v4  }
.LBB2_74:
0x4c2: {  	s9 =	simm.s32 $0x0  }
0x4c3: {  	v10 =	vld [tilespmem:s9+$0x100F0]  }
0x4c4: {  	v11 =	vld [tilespmem:s9+$0x101F1]  }
0x4c5: {  	v12 =	vld [tilespmem:s9+$0x102F2]  }
0x4c6: {  	v13 =	vld [tilespmem:s9+$0x103F3]  }
0x4c7: {  	v14 =	vld [tilespmem:s9+$0x104F4]  }
0x4c8: {  	v15 =	vld [tilespmem:s9+$0x105F5]  }
0x4c9: {  	v16 =	vld [tilespmem:s9+$0x106F6]  }
0x4ca: {  	v17 =	vld [tilespmem:s9+$0x107F7]  }
0x4cb: {  	v18 =	vld [tilespmem:s9+$0x108F8]  }
0x4cc: {  	v19 =	vld [tilespmem:s9+$0x109F9]  }
0x4cd: {  	v20 =	vld [tilespmem:s9+$0x10AFA]  }
0x4ce: {  	v21 =	vld [tilespmem:s9+$0x10BFB]  }
0x4cf: {  	v22 =	vld [tilespmem:s9+$0x10CFC];
	v10 =	vadd.s32 v10, v11  }
0x4d0: {  	v23 =	vld [tilespmem:s9+$0x10DFD];
	v10 =	vadd.s32 v12, v10  }
0x4d1: {  	v24 =	vld [tilespmem:s9+$0x10EFE];
	v10 =	vadd.s32 v13, v10  }
0x4d2: {  	s20 =	simm.s32 $0xFFFFFFF0;
	v11 =	vld [tilespmem:s9+$0x10FFF];
	v10 =	vadd.s32 v14, v10  }
0x4d3: {  	v12 =	vld [tilespmem:s20+$0x100F0];
	v10 =	vadd.s32 v15, v10  }
0x4d4: {  	v13 =	vld [tilespmem:s20+$0x101F1];
	v10 =	vadd.s32 v16, v10  }
0x4d5: {  	v14 =	vld [tilespmem:s20+$0x102F2];
	v10 =	vadd.s32 v17, v10  }
0x4d6: {  	v15 =	vld [tilespmem:s20+$0x103F3];
	v10 =	vadd.s32 v18, v10  }
0x4d7: {  	v16 =	vld [tilespmem:s20+$0x104F4];
	v10 =	vadd.s32 v19, v10  }
0x4d8: {  	v17 =	vld [tilespmem:s20+$0x105F5];
	v10 =	vadd.s32 v20, v10  }
0x4d9: {  	v18 =	vld [tilespmem:s20+$0x106F6];
	v12 =	vadd.s32 v12, v13;
	v10 =	vadd.s32 v21, v10  }
0x4da: {  	v19 =	vld [tilespmem:s20+$0x107F7];
	v12 =	vadd.s32 v14, v12;
	v10 =	vadd.s32 v22, v10  }
0x4db: {  	v13 =	vld [tilespmem:s20+$0x108F8];
	v12 =	vadd.s32 v15, v12;
	v10 =	vadd.s32 v23, v10  }
0x4dc: {  	v14 =	vld [tilespmem:s20+$0x109F9];
	v12 =	vadd.s32 v16, v12;
	v10 =	vadd.s32 v24, v10  }
0x4dd: {  	v15 =	vld [tilespmem:s20+$0x10AFA];
	v12 =	vadd.s32 v17, v12;
	v10 =	vadd.s32 v11, v10  }
0x4de: {  	v16 =	vld [tilespmem:s20+$0x10BFB];
	v11 =	vadd.s32 v18, v12;
	v10 =	vperm.xlane v10, v5  }
0x4df: {  	v17 =	vld [tilespmem:s20+$0x10CFC];
	v11 =	vadd.s32 v19, v11  }
0x4e0: {  	v12 =	vld [tilespmem:s20+$0x10DFD];
	v11 =	vadd.s32 v13, v11;
	(xrf0) =	vadd.scan.msk.s32 $0xffff, v10  }
0x4e1: {  	v18 =	vld [tilespmem:s20+$0x10EFE];
	v10 =	vadd.s32 v14, v11  }
0x4e2: {  	v10 =	vadd.s32 v15, v10  }
0x4e3: {  	v10 =	vadd.s32 v16, v10  }
0x4e4: {  	v10 =	vadd.s32 v17, v10  }
0x4e5: {  	v10 =	vadd.s32 v12, v10  }
0x4e6: {  	p2 =	sgt.s32 s3, $0xFE;
	s3 =	simm.s32 $0xFFFFFFE0;
	v13 =	vld [tilespmem:s20+$0x10FFF];
	v10 =	vadd.s32 v18, v10;
	v18, _, _ =	vpop (xrf0)  }
0x4e7: {  	v11 =	vld [tilespmem:s3+$0x100F0];
	v19 =	vxor.u32 $0x80000000, v18  }
0x4e8: {  	v14 =	vld [tilespmem:s3+$0x101F1];
	(xrf0) =	vmax.scan.msk.u32 $0xffff, v19  }
0x4e9: {  	v15 =	vld [tilespmem:s3+$0x102F2]  }
0x4ea: {  	v16 =	vld [tilespmem:s3+$0x103F3]  }
0x4eb: {  	v12 =	vld [tilespmem:s3+$0x104F4]  }
0x4ec: {  	v17 =	vld [tilespmem:s3+$0x105F5];
	v10 =	vadd.s32 v13, v10  }
0x4ed: {  	v11 =	vadd.s32 v11, v14;
	v13 =	vld [tilespmem:s3+$0x106F6];
	v10 =	vperm.xlane v10, v5  }
0x4ee: {  	v14 =	vld [tilespmem:s3+$0x107F7];
	v11 =	vadd.s32 v15, v11;
	v19, _, _ =	vpop (xrf0)  }
0x4ef: {  	(xrf0) =	vadd.scan.msk.s32 $0xffff, v10;
	v10 =	vadd.s32 v16, v11;
	(v2sf) =	vpush v19, $0xF  }
0x4f0: {  	s1 =	sxor.u32 $0x80000000, s6;
	s6 =	simm.s32 $0x0;
	v10 =	vadd.s32 v12, v10  }
0x4f1: {  	v15 =	vld [tilespmem:s3+$0x108F8];
	v11 =	vadd.s32 s6, v18;
	v10 =	vadd.s32 v17, v10  }
0x4f2: {  	v16 =	vld [tilespmem:s3+$0x109F9];
	v12 =	vperm.xlane v11, v5;
	v10 =	vadd.s32 v13, v10  }
0x4f3: {  	s1 =	simm.s32 @p2 $0x0;
	v18 =	vld [tilespmem:s3+$0x10AFA];
	v10 =	vadd.s32 v14, v10  }
0x4f4: {  	s0 =	ssub.s32 s0, s1;
	v17 =	vld [tilespmem:s3+$0x10BFB];
	[tilespmem:s9+$0x11170] =	vst v12  }
0x4f5: {  	v8 =	vmov s0;
	v11 =	vld [tilespmem:s3+$0x10CFC]  }
0x4f6: {  	vm0 =	vge.s32 v12, v8;
	v13 =	vld [tilespmem:s3+$0x10DFD];
	v12 =	vadd.s32 v15, v10;
	v10, _, _ =	vpop (xrf0)  }
0x4f7: {  	v63 =	vmpcnt.ones.xlane vm0;
	v14 =	vld [tilespmem:s3+$0x10EFE];
	v12 =	vadd.s32 v16, v12;
	v16 =	vxor.u32 $0x80000000, v10  }
0x4f8: {  	v9 =	vimm.s32 $0x0;
	s9 =	simm.s32 $0xFFFFFFD0;
	v15 =	vld [tilespmem:s3+$0x10FFF];
	v18 =	vadd.s32 v18, v12;
	(xrf0) =	vmax.scan.msk.u32 $0xffff, v16  }
0x4f9: {  	s10 =	simm.s32 $0xFFFFFF00;
	v9 =	vadd.s32 v9, v63;
	v12 =	vld [tilespmem:s9+$0x100F0];
	v16 =	vadd.s32 v17, v18  }
.LBB2_75:
0x4fa: {  	p2 =	sne.s32 s10, $0xFFFFFC40;
	v17 =	vld [tilespmem:s9+$0x101F1];
	v11 =	vadd.s32 v11, v16  }
0x4fb: {  	v16 =	vld [tilespmem:s9+$0x102F2];
	v11 =	vadd.s32 v13, v11  }
0x4fc: {  	v13 =	vld [tilespmem:s9+$0x103F3];
	v11 =	vadd.s32 v14, v11  }
0x4fd: {  	v14 =	vld [tilespmem:s9+$0x104F4];
	v11 =	vadd.s32 v15, v11  }
0x4fe: {  	v15 =	vld [tilespmem:s9+$0x105F5];
	v11 =	vperm.xlane v11, v5;
	v18, _, _ =	vpop (xrf0);
	s1 =	spop (v2sf)  }
0x4ff: {  	v12 =	vadd.s32 v12, v17;
	v17 =	vld [tilespmem:s9+$0x106F6];
	(v2sf) =	vpush v18, $0xF;
	s1 =	sadd.s32 s1, s6  }
0x500: {  	v12 =	vadd.s32 v16, v12;
	v16 =	vld [tilespmem:s9+$0x107F7];
	(xrf0) =	vadd.scan.msk.s32 $0xffff, v11;
	s6 =	sadd.s32 $0x80000000, s1  }
0x501: {  	v11 =	vadd.s32 v13, v12;
	v12 =	vld [tilespmem:s9+$0x108F8];
	v10 =	vadd.s32 s6, v10  }
0x502: {  	v11 =	vadd.s32 v14, v11;
	v14 =	vld [tilespmem:s9+$0x109F9];
	v10 =	vperm.xlane v10, v5  }
0x503: {  	v11 =	vadd.s32 v15, v11;
	v15 =	vld [tilespmem:s9+$0x10AFA]  }
0x504: {  	v11 =	vadd.s32 v17, v11;
	v17 =	vld [tilespmem:s9+$0x10BFB];
	[tilespmem:s20+$0x11170] =	vst v10;
	vm0 =	vge.s32 v10, v8;
	s20 =	smov.u32 s3;
	s3 =	smov.u32 s9  }
.Ltmp36:
0x505: {  	v18 =	vadd.s32 v16, v11;
	v11 =	vld [tilespmem:s3+$0x10CFC];
	v16 =	vmpcnt.ones.xlane vm0;
	(pc) =	sbr.rel @p2 .LBB2_75-.Ltmp36, $4  }
0x506: {  	v12 =	vadd.s32 v12, v18;
	v13 =	vld [tilespmem:s3+$0x10DFD];
	v10, _, _ =	vpop (xrf0)  }
0x507: {  	v12 =	vadd.s32 v14, v12;
	v14 =	vld [tilespmem:s3+$0x10EFE];
	v18 =	vxor.u32 $0x80000000, v10;
	v9 =	vadd.s32 v9, v16  }
0x508: {  	s9 =	sshra.s32 s10, $0x2;
	v16 =	vadd.s32 v15, v12;
	v15 =	vld [tilespmem:s3+$0x10FFF];
	(xrf0) =	vmax.scan.msk.u32 $0xffff, v18  }
0x509: {  	s10 =	sadd.s32 $0xFFFFFFC0, s10;
	v12 =	vld [tilespmem:s9+$0x100F0];
	v16 =	vadd.s32 v17, v16  }
0x50a: {  	v11 =	vadd.s32 v11, v16  }
0x50b: {  	v11 =	vadd.s32 v13, v11  }
0x50c: {  	v11 =	vadd.s32 v14, v11  }
0x50d: {  	v11 =	vadd.s32 v15, v11  }
0x50e: {  	v11 =	vperm.xlane v11, v5;
	_ =	sdelay $0x1  }
0x50f: {  	(xrf0) =	vadd.scan.msk.s32 $0xffff, v11;
	_ =	sdelay $0x3  }
0x510: {  	v11 =	vld [tilespmem:s9+$0x101F1]  }
0x511: {  	v45 =	vld [tilespmem:s9+$0x102F2];
	v47, _, _ =	vpop (xrf0)  }
0x512: {  	v46 =	vld [tilespmem:s9+$0x103F3];
	v17, _, _ =	vpop (xrf0)  }
0x513: {  	v48 =	vld [tilespmem:s9+$0x104F4];
	v19 =	vxor.u32 $0x80000000, v17  }
0x514: {  	v18 =	vld [tilespmem:s9+$0x105F5];
	s1 =	spop (v2sf);
	(xrf0) =	vmax.scan.msk.u32 $0xffff, v19  }
0x515: {  	v49 =	vld [tilespmem:s9+$0x106F6];
	s1 =	sadd.s32 s1, s6;
	v11 =	vadd.s32 v12, v11  }
0x516: {  	v50 =	vld [tilespmem:s9+$0x107F7];
	s1 =	sadd.s32 $0x80000000, s1;
	v11 =	vadd.s32 v45, v11  }
0x517: {  	v51 =	vld [tilespmem:s9+$0x108F8];
	v10 =	vadd.s32 s1, v10;
	v11 =	vadd.s32 v46, v11  }
0x518: {  	v52 =	vld [tilespmem:s9+$0x109F9];
	v10 =	vperm.xlane v10, v5;
	v11 =	vadd.s32 v48, v11  }
0x519: {  	v53 =	vld [tilespmem:s9+$0x10AFA];
	(v2sf) =	vpush v47, $0xF;
	v11 =	vadd.s32 v18, v11  }
0x51a: {  	v54 =	vld [tilespmem:s9+$0x10BFB];
	[tilespmem:s20+$0x11170] =	vst v10;
	v11 =	vadd.s32 v49, v11;
	v55, _, _ =	vpop (xrf0)  }
0x51b: {  	v56 =	vld [tilespmem:s9+$0x10CFC];
	v11 =	vadd.s32 v50, v11;
	(v2sf) =	vpush v55, $0xF  }
0x51c: {  	v57 =	vld [tilespmem:s9+$0x10DFD];
	v11 =	vadd.s32 v51, v11  }
0x51d: {  	v58 =	vld [tilespmem:s9+$0x10EFE];
	v11 =	vadd.s32 v52, v11  }
0x51e: {  	v59 =	vld [tilespmem:s9+$0x10FFF];
	v11 =	vadd.s32 v53, v11  }
0x51f: {  	v11 =	vadd.s32 v54, v11  }
0x520: {  	v11 =	vadd.s32 v56, v11  }
0x521: {  	v11 =	vadd.s32 v57, v11  }
0x522: {  	v11 =	vadd.s32 v58, v11  }
0x523: {  	v11 =	vadd.s32 v59, v11  }
0x524: {  	v11 =	vperm.xlane v11, v5;
	_ =	sdelay $0x1  }
0x525: {  	(xrf0) =	vadd.scan.msk.s32 $0xffff, v11;
	_ =	sdelay $0x1  }
0x526: {  	s5 =	spop (v2sf)  }
0x527: {  	s1 =	sadd.s32 s5, s1  }
0x528: {  	s1 =	sadd.s32 $0x80000000, s1;
	s6 =	spop (v2sf)  }
0x529: {  	s5 =	sadd.s32 s6, s1  }
0x52a: {  	v11 =	vadd.s32 s1, v17;
	v60, _, _ =	vpop (xrf0);
	s10 =	sadd.s32 $0x80000000, s5  }
0x52b: {  	v11 =	vperm.xlane v11, v5;
	v61 =	vadd.s32 s10, v60  }
0x52c: {  	vm0 =	vge.s32 v10, v8;
	v10 =	vperm.xlane v61, v5  }
0x52d: {  	v62 =	vmpcnt.ones.xlane vm0;
	vm14 =	vge.s32 v11, v8  }
0x52e: {  	v63 =	vmpcnt.ones.xlane vm14;
	vm15 =	vge.s32 v10, v8  }
0x52f: {  	v8 =	vadd.s32 v9, v62;
	v9 =	vmpcnt.ones.xlane vm15  }
0x530: {  	v8 =	vadd.s32 v8, v63  }
0x531: {  	v12 =	vxor.u32 $0x80000000, v60;
	v8 =	vadd.s32 v8, v9  }
0x532: {  	(xrf0) =	vmax.scan.msk.u32 $0xffff, v12;
	v8 =	vxor.u32 $0x80000000, v8  }
0x533: {  	(xrf0) =	vmax.scan.msk.u32 $0xffff, v8;
	_ =	sdelay $0x4  }
0x534: {  	v8, _, _ =	vpop (xrf0)  }
0x535: {  	(v2sf) =	vpush v8, $0xF;
	v8, _, _ =	vpop (xrf0)  }
0x536: {  	(v2sf) =	vpush v8, $0xF;
	_ =	sdelay $0xd  }
0x537: {  	s11 =	spop (v2sf)  }
0x538: {  	s1 =	spop (v2sf)  }
0x539: {  	s5 =	sxor.u32 $0x80000000, s1  }
0x53a: {  	p2 =	slt.s32 s5, $0xFF  }
0x53b: {  	s5 =	simm.s32 @!p2 $0xFF  }
0x53c: {  	v8 =	vmov s5;
	_ =	sdelay $0x2  }
0x53d: {  	[tilespmem:s3+$0x11170] =	vst v11  }
0x53e: {  	[tilespmem:s9+$0x11170] =	vst v10  }
0x53f: {  	v8 =	vld.idx.msk [tilespmem:v8+s14+$0x0], $0xffff;
	_ =	sdelay $0x4  }
0x540: {  	v8 =	vxor.u32 $0x80000000, v8  }
0x541: {  	(xrf0) =	vmax.scan.msk.u32 $0xffff, v8;
	_ =	sdelay $0x5  }
0x542: {  	v8, _, _ =	vpop (xrf0)  }
0x543: {  	(v2sf) =	vpush v8, $0xF;
	_ =	sdelay $0xe  }
.Ltmp37:
0x544: {  	s1 =	sadd.s32 $0x7FFFFFFF, s1;
	s20 =	spop (v2sf);
	(pc) =	sbr.rel @p1 .LBB2_77-.Ltmp37, $4  }
0x545: {  	p2 =	sgt.s32 s1, $0xFE;
	s3 =	sxor.u32 $0x80000000, s20  }
0x546: {  	s3 =	simm.s32 @p2 $0x0  }
0x547: {  	s1 =	sadd.s32 s31, s1;
	s0 =	ssub.s32 s0, s3  }
0x548: {  	v8 =	vmov s1;
	v9 =	vmov s0  }
0x549: {  	s3 =	simm.s32 $0x111A0  }
0x54a: {  	v11 =	vld [tilespmem:s3+$0x10]  }
0x54b: {  	v10 =	vld [tilespmem:s3+$0xFFFFFFF0];
	_ =	sdelay $0x4  }
0x54c: {  	v12 =	vld [tilespmem:s3+$0xFFFFFFE0]  }
0x54d: {  	v15 =	vld [tilespmem:s3+$0x0]  }
0x54e: {  	v14 =	vld.idx.msk [tilespmem:v11+s2+$0x0], $0xffff  }
0x54f: {  	v16 =	vld.idx.msk [tilespmem:v10+s2+$0x0], $0xffff;
	_ =	sdelay $0x3  }
0x550: {  	s1 =	simm.s32 $0x10;
	v17 =	vshra.s32 v14, $0x1F  }
0x551: {  	s20 =	simm.s32 $0x30;
	v18 =	vor.u32 s1, v0;
	v19 =	vld.idx.msk [tilespmem:v12+s2+$0x0], $0xffff;
	v20 =	vshra.s32 v16, $0x1F;
	v17 =	vor.u32 $0x80000000, v17  }
0x552: {  	v21 =	vor.u32 s20, v0;
	v20 =	vor.u32 $0x80000000, v20;
	v14 =	vxor.u32 v14, v17  }
0x553: {  	vm3 =	vlt.s32 v21, v7;
	v17 =	vxor.u32 v16, v20;
	vm0 =	veq.s32 v14, v8  }
0x554: {  	vm5 =	vlt.s32 v18, v7;
	v16 =	vld.idx.msk [tilespmem:v15+s2+$0x0], $0xffff;
	vm1 =	veq.s32 v17, v8;
	vm0 =	vmand vm3, vm0  }
0x555: {  	vm1 =	vmand vm5, vm1;
	v18 =	vsel vm0, $0x1, v2  }
0x556: {  	v60 =	vshra.s32 v19, $0x1F;
	v61 =	vsel vm1, $0x1, v2;
	(xrf0) =	vadd.scan.msk.s32 $0xffff, v18  }
0x557: {  	v13 =	vimm.s32 $0x0;
	s0 =	simm.s32 $0x0;
	s31 =	simm.s32 $0x20;
	v18 =	vor.u32 $0x80000000, v60;
	(xrf0) =	vadd.scan.msk.s32 $0xffff, v61  }
0x558: {  	p2 =	sgt.s32 s28, $0x4;
	v62 =	vor.u32 s31, v0;
	v63 =	vor.u32 s0, v0;
	v24 =	vxor.u32 v19, v18  }
.Ltmp38:
0x559: {  	vm2 =	vlt.s32 v63, v7;
	v18 =	vshra.s32 v16, $0x1F;
	vm4 =	veq.s32 v24, v8;
	(pc) =	sbr.rel @!p2 .LBB2_88-.Ltmp38, $4  }
0x55a: {  	vm12 =	vlt.s32 v62, v7;
	v18 =	vor.u32 $0x80000000, v18;
	vm11 =	vmand vm2, vm4  }
0x55b: {  	vm4 =	vgt.u32 v14, v8;
	v16 =	vxor.u32 v16, v18;
	v19 =	vmpcnt.ones.xlane vm11  }
0x55c: {  	vm9 =	vmand vm3, vm4;
	v18 =	vsel vm11, $0x1, v2;
	vm3 =	veq.s32 v16, v8;
	v28, _, _ =	vpop (xrf0)  }
0x55d: {  	p1 =	por $0x0, $0x0;
	s0 =	simm.s32 $0x40;
	s3 =	simm.s32 $0x111E0;
	v29 =	vmpcnt.ones.xlane vm1;
	vm10 =	vmand vm12, vm3;
	(xrf0) =	vadd.scan.msk.s32 $0xffff, v18;
	v26 =	vadd.s32 v13, v19;
	v27, _, _ =	vpop (xrf0)  }
0x55e: {  	_ = 	snop  }
0x55f: {  	v19 =	vld [tilespmem:s3+$0xFFFFFFF0]  }
0x560: {  	v30 =	vsel vm10, $0x1, v2  }
0x561: {  	s1 =	simm.s32 $0x50;
	vm3 =	vgt.u32 v16, v8;
	s5 =	simm.s32 $0x60;
	s6 =	simm.s32 $0x70;
	v20 =	vld [tilespmem:s3+$0x10];
	vm4 =	vgt.u32 v17, v8;
	v34 =	vor.u32 s0, v0;
	(xrf0) =	vadd.scan.msk.s32 $0xffff, v30  }
0x562: {  	v18 =	vor.u32 s1, v0;
	v21 =	vor.u32 s5, v0;
	v25 =	vor.u32 s6, v0  }
0x563: {  	vm7 =	vmand vm5, vm4;
	vm8 =	vmand vm12, vm3;
	vm3 =	vgt.u32 v24, v8;
	v23, _, _ =	vpop (xrf0)  }
0x564: {  	v22 =	vld [tilespmem:s3+$0xFFFFFFE0];
	v29 =	vadd.s32 v26, v29;
	v30 =	vmpcnt.ones.xlane vm0;
	v23 =	vadd.s32 v13, v23  }
0x565: {  	vm6 =	vlt.s32 v21, v7;
	vm4 =	vle.s32 v23, v9;
	v23 =	vmpcnt.ones.xlane vm10  }
0x566: {  	v21 =	vld [tilespmem:s3+$0x0];
	vm2 =	vmand vm2, vm3;
	vm5 =	vlt.s32 v18, v7;
	vm12 =	vlt.s32 v25, v7  }
0x567: {  	v25 =	vadd.s32 v26, v27;
	v18, _, _ =	vpop (xrf0);
	vm3 =	vmand vm11, vm4;
	v33 =	vld.idx.msk [tilespmem:v19+s2+$0x0], $0xffff;
	v23 =	vadd.s32 v29, v23  }
0x568: {  	v18 =	vadd.s32 v29, v18;
	vm4 =	vmor vm2, vm3;
	v28 =	vadd.s32 v23, v28  }
0x569: {  	vm2 =	vlt.s32 v34, v7;
	v32 =	vmpcnt.ones.xlane vm4;
	vm3 =	vle.s32 v28, v9;
	v28 =	vld.idx.msk [tilespmem:v20+s2+$0x0], $0xffff  }
0x56a: {  	v31 =	vsel vm4, $0x1, v2;
	v23 =	vadd.s32 v23, v30;
	vm0 =	vmand vm0, vm3  }
0x56b: {  	v30 =	vadd.s32 v13, v32;
	vm3 =	vmor vm9, vm0;
	vm0 =	vle.s32 v25, v9  }
0x56c: {  	v59 =	vld.idx.msk [tilespmem:v22+s2+$0x0], $0xffff;
	(xrf0) =	vadd.scan.msk.s32 $0xffff, v31;
	vm9 =	vle.s32 v18, v9;
	v18 =	vshra.s32 v33, $0x1F;
	v26 =	vsel vm3, $0x1, v2  }
0x56d: {  	v25 =	vmpcnt.ones.xlane vm3;
	vm0 =	vmand vm1, vm0;
	vm1 =	vmand vm10, vm9  }
0x56e: {  	v18 =	vor.u32 $0x80000000, v18;
	vm7 =	vmor vm7, vm0;
	v27 =	vshra.s32 v28, $0x1F  }
0x56f: {  	v60 =	vld.idx.msk [tilespmem:v21+s2+$0x0], $0xffff;
	(xrf0) =	vadd.scan.msk.s32 $0xffff, v26;
	vm8 =	vmor vm8, vm1;
	v29 =	vsel vm7, $0x1, v2;
	v27 =	vor.u32 $0x80000000, v27  }
0x570: {  	v18 =	vxor.u32 v33, v18;
	(xrf0) =	vadd.scan.msk.s32 $0xffff, v29;
	v31 =	vxor.u32 v28, v27;
	v27 =	vsel vm8, $0x1, v2  }
0x571: {  	v26 =	vshra.s32 v59, $0x1F;
	vm1 =	veq.s32 v18, v8;
	vm0 =	veq.s32 v31, v8;
	(xrf0) =	vadd.scan.msk.s32 $0xffff, v27  }
0x572: {  	v26 =	vor.u32 $0x80000000, v26;
	vm1 =	vmand vm5, vm1;
	v61, _, _ =	vpop (xrf0);
	vm0 =	vmand vm12, vm0  }
0x573: {  	v37 =	vxor.u32 v59, v26;
	v26 =	vadd.s32 v61, v13;
	v27 =	vsel vm0, $0x1, v2  }
0x574: {  	v36 =	vshra.s32 v60, $0x1F;
	v28 =	vmpcnt.ones.xlane vm7;
	v35 =	vsel vm1, $0x1, v2;
	(xrf0) =	vadd.scan.msk.s32 $0xffff, v27  }
0x575: {  	v29 =	vmpcnt.ones.xlane vm8;
	vm9 =	veq.s32 v37, v8;
	vm10 =	vgt.u32 v31, v8;
	v38, _, _ =	vpop (xrf0);
	(xrf0) =	vadd.scan.msk.s32 $0xffff, v35  }
0x576: {  	p2 =	sgt.s32 s28, $0x8;
	v33 =	vadd.s32 $0xFFFFFFFF, v26;
	vm11 =	vmand vm2, vm9;
	v27 =	vadd.s32 v30, v28;
	v26, _, _ =	vpop (xrf0)  }
.Ltmp39:
0x577: {  	vm9 =	vmand vm12, vm10;
	v28 =	vsel vm11, $0x1, v2;
	v35 =	vadd.s32 v27, v29;
	v62, _, _ =	vpop (xrf0);
	(pc) =	sbr.rel @!p2 .LBB2_90-.Ltmp39, $4  }
0x578: {  	v26 =	vadd.s32 v26, v30;
	v30 =	vor.u32 $0x80000000, v36;
	v27 =	vadd.s32 v62, v27  }
0x579: {  	v63 =	vmpcnt.ones.xlane vm11;
	v29 =	vmpcnt.ones.xlane vm1;
	(xrf0) =	vadd.scan.msk.s32 $0xffff, v28;
	v30 =	vxor.u32 v60, v30  }
0x57a: {  	s0 =	simm.s32 $0x8;
	v36 =	vadd.s32 v38, v35;
	vm10 =	veq.s32 v30, v8;
	v32 =	vadd.s32 $0xFFFFFFFF, v27;
	v28, _, _ =	vpop (xrf0)  }
0x57b: {  	p1 =	por $0x1, $0x1;
	s6 =	simm.s32 $0x11220;
	s3 =	simm.s32 $0x80;
	[tilespmem:v33+s16+$0x0] =	vst.idx.msk vm4, v24;
	v34 =	vadd.s32 $0xFFFFFFFF, v26;
	v26 =	vadd.s32 v23, v63;
	vm10 =	vmand vm6, vm10;
	v27, _, _ =	vpop (xrf0)  }
.LBB2_91:
0x57c: {  	s1 =	sadd.s32 $0x10, s3;
	v38 =	vld [tilespmem:s6+$0xFFFFFFF0];
	s5 =	sadd.s32 $0x30, s3;
	s0 =	sadd.s32 $0x4, s0;
	vm12 =	vgt.u32 v30, v8;
	v36 =	vadd.s32 $0xFFFFFFFF, v36;
	v35 =	vadd.s32 v35, v25;
	v24 =	vmovc v37  }
0x57d: {  	vm13 =	vgt.u32 v18, v8;
	v25 =	vor.u32 s1, v0;
	s1 =	sadd.s32 $0x20, s3;
	v37 =	vld [tilespmem:s6+$0x10];
	v39 =	vor.u32 s5, v0;
	p2 =	slt.s32 s0, s28  }
0x57e: {  	vm13 =	vmand vm5, vm13;
	v41 =	vor.u32 s1, v0;
	[tilespmem:v33+s17+$0x0] =	vst.idx.msk vm4, v12;
	v12 =	vmov v22;
	v22 =	vld [tilespmem:s6+$0xFFFFFFE0]  }
0x57f: {  	vm12 =	vmand vm6, vm12;
	v33 =	vld [tilespmem:s6+$0x0];
	vm6 =	vlt.s32 v41, v7;
	v40, _, _ =	vpop (xrf0);
	[tilespmem:v32+s16+$0x0] =	vst.idx.msk vm8, v16;
	v16 =	vmov v30  }
0x580: {  	vm4 =	vgt.u32 v24, v8;
	v30 =	vsel vm10, $0x1, v2;
	v23 =	vadd.s32 v23, v40;
	[tilespmem:v34+s16+$0x0] =	vst.idx.msk vm7, v17  }
0x581: {  	v17 =	vmpcnt.ones.xlane vm10;
	vm5 =	vle.s32 v23, v9;
	(xrf0) =	vadd.scan.msk.s32 $0xffff, v30;
	[tilespmem:v36+s16+$0x0] =	vst.idx.msk vm3, v14;
	v14 =	vmovc v31  }
0x582: {  	v29 =	vadd.s32 v26, v29;
	vm2 =	vmand vm2, vm4;
	vm4 =	vmand vm11, vm5;
	[tilespmem:v34+s17+$0x0] =	vst.idx.msk vm7, v10;
	v10 =	vmovc v19  }
0x583: {  	v23 =	vmpcnt.ones.xlane vm0;
	v17 =	vadd.s32 v29, v17;
	v19 =	vmovc v38;
	vm4 =	vmor vm2, vm4;
	[tilespmem:v32+s17+$0x0] =	vst.idx.msk vm8, v15  }
0x584: {  	v28 =	vadd.s32 v17, v28;
	v30 =	vld.idx.msk [tilespmem:v38+s2+$0x0], $0xffff;
	v15 =	vsel vm4, $0x1, v2;
	v31 =	vmpcnt.ones.xlane vm4;
	[tilespmem:v36+s17+$0x0] =	vst.idx.msk vm3, v11  }
0x585: {  	v23 =	vadd.s32 v17, v23;
	v36 =	vor.u32 s3, v0;
	vm3 =	vle.s32 v28, v9;
	v32 =	vld.idx.msk [tilespmem:v37+s2+$0x0], $0xffff;
	(xrf0) =	vadd.scan.msk.s32 $0xffff, v15  }
0x586: {  	v11 =	vmovc v20;
	vm2 =	vlt.s32 v36, v7;
	vm0 =	vmand vm0, vm3;
	v28 =	vld.idx.msk [tilespmem:v22+s2+$0x0], $0xffff;
	v34 =	vadd.s32 v35, v31  }
0x587: {  	vm14 =	vlt.s32 v39, v7;
	vm5 =	vlt.s32 v25, v7;
	vm3 =	vmor vm9, vm0;
	v36 =	vld.idx.msk [tilespmem:v33+s2+$0x0], $0xffff;
	v15, _, _ =	vpop (xrf0)  }
0x588: {  	v27 =	vadd.s32 v26, v27;
	v20 =	vmovc v37;
	v26 =	vsel vm3, $0x1, v2;
	v25 =	vadd.s32 v29, v15;
	v15 =	vmovc v21  }
0x589: {  	vm0 =	vle.s32 v27, v9;
	v21 =	vmovc v33;
	vm7 =	vle.s32 v25, v9;
	v25 =	vmpcnt.ones.xlane vm3;
	(xrf0) =	vadd.scan.msk.s32 $0xffff, v26  }
0x58a: {  	v17 =	vmovc v18;
	vm0 =	vmand vm1, vm0;
	v26 =	vshra.s32 v30, $0x1F;
	vm1 =	vmand vm10, vm7  }
0x58b: {  	v18 =	vor.u32 $0x80000000, v26;
	v26 =	vshra.s32 v32, $0x1F;
	vm7 =	vmor vm13, vm0;
	v27, _, _ =	vpop (xrf0)  }
0x58c: {  	v29 =	vshra.s32 v28, $0x1F;
	v26 =	vor.u32 $0x80000000, v26;
	v33 =	vsel vm7, $0x1, v2  }
0x58d: {  	vm8 =	vmor vm12, vm1;
	v38 =	vshra.s32 v36, $0x1F;
	v31 =	vxor.u32 v32, v26;
	(xrf0) =	vadd.scan.msk.s32 $0xffff, v33  }
0x58e: {  	v18 =	vxor.u32 v30, v18;
	v26 =	vsel vm8, $0x1, v2;
	vm0 =	veq.s32 v31, v8  }
0x58f: {  	v30 =	vmpcnt.ones.xlane vm7;
	vm1 =	veq.s32 v18, v8;
	vm0 =	vmand vm14, vm0;
	(xrf0) =	vadd.scan.msk.s32 $0xffff, v26;
	v39, _, _ =	vpop (xrf0)  }
0x590: {  	v32 =	vmpcnt.ones.xlane vm8;
	vm1 =	vmand vm5, vm1;
	v26 =	vsel vm0, $0x1, v2  }
0x591: {  	v29 =	vor.u32 $0x80000000, v29;
	v33 =	vsel vm1, $0x1, v2;
	(xrf0) =	vadd.scan.msk.s32 $0xffff, v26;
	v26 =	vadd.s32 v34, v30  }
0x592: {  	v37 =	vxor.u32 v28, v29;
	v28 =	vadd.s32 v27, v35;
	(xrf0) =	vadd.scan.msk.s32 $0xffff, v33;
	v35 =	vadd.s32 v26, v32  }
0x593: {  	vm10 =	vgt.u32 v31, v8;
	vm9 =	veq.s32 v37, v8;
	v33 =	vadd.s32 $0xFFFFFFFF, v28;
	v27, _, _ =	vpop (xrf0)  }
.Ltmp40:
0x594: {  	vm11 =	vmand vm2, vm9;
	vm9 =	vmand vm14, vm10;
	v27 =	vadd.s32 v27, v34;
	(pc) =	sbr.rel @p2 .LBB2_91-.Ltmp40, $4  }
0x595: {  	v29 =	vmpcnt.ones.xlane vm1;
	v30 =	vor.u32 $0x80000000, v38;
	v34 =	vsel vm11, $0x1, v2;
	v32, _, _ =	vpop (xrf0)  }
0x596: {  	v38 =	vmpcnt.ones.xlane vm11;
	v30 =	vxor.u32 v36, v30;
	(xrf0) =	vadd.scan.msk.s32 $0xffff, v34;
	v26 =	vadd.s32 v32, v26  }
0x597: {  	vm10 =	veq.s32 v30, v8;
	v34 =	vadd.s32 $0xFFFFFFFF, v27;
	v28, _, _ =	vpop (xrf0);
	v32 =	vadd.s32 $0xFFFFFFFF, v26  }
0x598: {  	s6 =	sadd.s32 $0x40, s6;
	s3 =	sadd.s32 $0x40, s3;
	v36 =	vadd.s32 v39, v35;
	vm10 =	vmand vm6, vm10;
	v26 =	vadd.s32 v23, v38;
	v27, _, _ =	vpop (xrf0);
	[tilespmem:v33+s16+$0x0] =	vst.idx.msk vm4, v24  }
0x599: {  	v39 =	vmov v12;
	v38 =	vmov v14  }
0x59a: {  	v42 =	vmovc v10;
	v40 =	vmovc v15;
	v41 =	vmov v11;
	v24 =	vmov v37;
	v12 =	vmov v22  }
0x59b: {  	vm12 =	vmmov vm6;
	v14 =	vmovc v31;
	v10 =	vmovc v19;
	v11 =	vmov v20;
	v15 =	vmov v21  }
.LBB2_93:
0x59c: {  	v19 =	vsel vm10, $0x1, v2  }
0x59d: {  	vm6 =	vgt.u32 v18, v8;
	(xrf0) =	vadd.scan.msk.s32 $0xffff, v19  }
0x59e: {  	v48, _, _ =	vpop (xrf0);
	v20 =	vmpcnt.ones.xlane vm10;
	v49 =	vadd.s32 v26, v29;
	vm15 =	vgt.u32 v30, v8  }
0x59f: {  	v22 =	vadd.s32 v26, v27;
	vm6 =	vmand vm5, vm6;
	v19 =	vadd.s32 v23, v48  }
0x5a0: {  	vm5 =	vgt.u32 v24, v8;
	vm13 =	vle.s32 v19, v9;
	v20 =	vadd.s32 v49, v20  }
0x5a1: {  	vm2 =	vmand vm2, vm5;
	vm14 =	vmand vm11, vm13;
	v21 =	vadd.s32 v20, v28  }
0x5a2: {  	vm11 =	vmand vm12, vm15;
	vm12 =	vle.s32 v22, v9;
	vm13 =	vle.s32 v21, v9  }
0x5a3: {  	vm5 =	vmor vm2, vm14;
	vm1 =	vmand vm1, vm12;
	vm2 =	vmand vm0, vm13;
	v51, _, _ =	vpop (xrf0)  }
0x5a4: {  	v50 =	vsel vm5, $0x1, v2;
	vm2 =	vmor vm9, vm2;
	v19 =	vadd.s32 v49, v51  }
0x5a5: {  	vm1 =	vmor vm6, vm1;
	(xrf0) =	vadd.scan.msk.s32 $0xffff, v50;
	v52 =	vsel vm2, $0x1, v2;
	vm14 =	vle.s32 v19, v9  }
0x5a6: {  	v53 =	vsel vm1, $0x1, v2;
	(xrf0) =	vadd.scan.msk.s32 $0xffff, v52;
	vm9 =	vmand vm10, vm14  }
0x5a7: {  	(xrf0) =	vadd.scan.msk.s32 $0xffff, v53;
	vm15 =	vmor vm11, vm9  }
0x5a8: {  	v54 =	vsel vm15, $0x1, v2  }
0x5a9: {  	(xrf0) =	vadd.scan.msk.s32 $0xffff, v54  }
0x5aa: {  	v22 =	vadd.s32 @p1 v35, v25;
	v55 =	vmpcnt.ones.xlane vm5  }
0x5ab: {  	[tilespmem:v33+s17+$0x0] =	vst.idx.msk @p1 vm4, v39;
	v13 =	vpsel p1, v22, v13;
	v19 =	vadd.s32 @p1 $0xFFFFFFFF, v36;
	v21, _, _ =	vpop (xrf0)  }
0x5ac: {  	[tilespmem:v32+s16+$0x0] =	vst.idx.msk @p1 vm8, v16;
	v58 =	vadd.s32 v13, v55;
	v13 =	vadd.s32 v21, v13;
	v57, _, _ =	vpop (xrf0)  }
0x5ad: {  	[tilespmem:v34+s16+$0x0] =	vst.idx.msk @p1 vm7, v17;
	v56 =	vmpcnt.ones.xlane vm1;
	v13 =	vadd.s32 $0xFFFFFFFF, v13;
	v59, _, _ =	vpop (xrf0)  }
0x5ae: {  	[tilespmem:v34+s17+$0x0] =	vst.idx.msk @p1 vm7, v42;
	v60 =	vmpcnt.ones.xlane vm15;
	v16 =	vadd.s32 v59, v58  }
0x5af: {  	[tilespmem:v32+s17+$0x0] =	vst.idx.msk @p1 vm8, v40;
	v22 =	vadd.s32 v58, v56;
	v16 =	vadd.s32 $0xFFFFFFFF, v16;
	v61, _, _ =	vpop (xrf0)  }
0x5b0: {  	[tilespmem:v19+s16+$0x0] =	vst.idx.msk @p1 vm3, v38;
	v17 =	vadd.s32 v22, v60;
	v23 =	vadd.s32 v61, v22  }
0x5b1: {  	[tilespmem:v19+s17+$0x0] =	vst.idx.msk @p1 vm3, v41;
	v22 =	vadd.s32 v57, v17;
	v62 =	vadd.s32 $0xFFFFFFFF, v23  }
0x5b2: {  	[tilespmem:v13+s16+$0x0] =	vst.idx.msk vm5, v24;
	v63 =	vadd.s32 $0xFFFFFFFF, v22  }
0x5b3: {  	[tilespmem:v13+s17+$0x0] =	vst.idx.msk vm5, v12  }
0x5b4: {  	[tilespmem:v16+s16+$0x0] =	vst.idx.msk vm1, v18  }
.Ltmp41:
0x5b5: {  	[tilespmem:v16+s17+$0x0] =	vst.idx.msk vm1, v10;
	(pc) =	sbr.rel .LBB2_78-.Ltmp41, $4  }
0x5b6: {  	[tilespmem:v62+s16+$0x0] =	vst.idx.msk vm15, v30  }
0x5b7: {  	v12 =	vmpcnt.ones.xlane vm0;
	v13 =	vmpcnt.ones.xlane vm2;
	[tilespmem:v63+s16+$0x0] =	vst.idx.msk vm2, v14  }
0x5b8: {  	[tilespmem:v62+s17+$0x0] =	vst.idx.msk vm15, v15  }
0x5b9: {  	v10 =	vadd.s32 v20, v12;
	v12 =	vadd.s32 v17, v13;
	[tilespmem:v63+s17+$0x0] =	vst.idx.msk vm2, v11  }
.LBB2_17:
0x5ba: {  	s3 =	simm.s32 $0x10040  }
0x5bb: {  	[tilespmem:s3+$0xFFFFFFC0] =	vst v2  }
0x5bc: {  	[tilespmem:s3+$0x30] =	vst v2  }
0x5bd: {  	[tilespmem:s3+$0x20] =	vst v2  }
0x5be: {  	[tilespmem:s3+$0x10] =	vst v2  }
0x5bf: {  	[tilespmem:s3+$0x0] =	vst v2  }
0x5c0: {  	[tilespmem:s3+$0xFFFFFFF0] =	vst v2  }
0x5c1: {  	s5 =	simm.s32 $0x0;
	[tilespmem:s3+$0xFFFFFFE0] =	vst v2  }
.LBB2_18:
0x5c2: {  	s5 =	sadd.s32 $0x8, s5;
	[tilespmem:s3+$0xFFFFFFD0] =	vst v2;
	s3 =	sadd.s32 $0x80, s3  }
0x5c3: {  	[tilespmem:s3+$0xFFFFFFC0] =	vst v2;
	p0 =	slt.u32 s5, $0x100  }
0x5c4: {  	[tilespmem:s3+$0x30] =	vst v2  }
.Ltmp42:
0x5c5: {  	[tilespmem:s3+$0x20] =	vst v2;
	(pc) =	sbr.rel @p0 .LBB2_18-.Ltmp42, $4  }
0x5c6: {  	[tilespmem:s3+$0x10] =	vst v2  }
0x5c7: {  	[tilespmem:s3+$0x0] =	vst v2  }
0x5c8: {  	[tilespmem:s3+$0xFFFFFFF0] =	vst v2  }
0x5c9: {  	[tilespmem:s3+$0xFFFFFFE0] =	vst v2  }
0x5ca: {  	[tilespmem:s3+$0xFFFFFFD0] =	vst v2;
	s30 =	simm.s32 $0x40  }
0x5cb: {  	v9 =	vld [tilespmem:s30+$0x30]  }
0x5cc: {  	v10 =	vld [tilespmem:s30+$0xFFFFFFD0]  }
0x5cd: {  	v11 =	vld [tilespmem:s30+$0xFFFFFFE0]  }
0x5ce: {  	v13 =	vld [tilespmem:s30+$0x0]  }
0x5cf: {  	v14 =	vld [tilespmem:s30+$0x10]  }
0x5d0: {  	v18 =	vld [tilespmem:s30+$0xFFFFFFC0];
	_ =	sdelay $0x1  }
0x5d1: {  	s1 =	sadd.s32 $0x1000000, s31  }
0x5d2: {  	v7 =	vmov s1;
	v12 =	vld [tilespmem:s30+$0xFFFFFFF0]  }
0x5d3: {  	v15 =	vshra.s32 v9, $0x1F;
	v16 =	vshra.s32 v10, $0x1F;
	v19 =	vshra.s32 v11, $0x1F  }
0x5d4: {  	v20 =	vshra.s32 v13, $0x1F;
	v21 =	vshra.s32 v14, $0x1F;
	v23 =	vshra.s32 v18, $0x1F  }
0x5d5: {  	v15 =	vor.u32 $0x80000000, v15;
	v16 =	vor.u32 $0x80000000, v16;
	v20 =	vor.u32 $0x80000000, v20  }
0x5d6: {  	v21 =	vor.u32 $0x80000000, v21;
	v23 =	vor.u32 $0x80000000, v23;
	v9 =	vxor.u32 v9, v15  }
0x5d7: {  	v15 =	vshra.s32 v12, $0x1F;
	v16 =	vxor.u32 v10, v16;
	v18 =	vxor.u32 v18, v23  }
0x5d8: {  	v20 =	vxor.u32 v13, v20;
	v21 =	vxor.u32 v14, v21;
	vm0 =	vge.u32 v9, v8  }
0x5d9: {  	vm1 =	vlt.u32 v9, v7;
	v9 =	vshrl.u32 v9, $0x10;
	v15 =	vor.u32 $0x80000000, v15  }
0x5da: {  	v17 =	vld [tilespmem:s30+$0x20];
	v13 =	vshrl.u32 v16, $0x10;
	v63 =	vshrl.u32 v20, $0x10;
	vm2 =	vge.u32 v16, v8  }
0x5db: {  	vm3 =	vlt.u32 v16, v7;
	vm6 =	vge.u32 v20, v8;
	vm9 =	vlt.u32 v20, v7  }
0x5dc: {  	vm11 =	vlt.u32 v21, v7;
	vm10 =	vmand vm0, vm1;
	v9 =	vand.u32 $0xFF, v9  }
0x5dd: {  	v15 =	vxor.u32 v12, v15;
	v12 =	vshrl.u32 v18, $0x10;
	vm0 =	vge.u32 v18, v8  }
0x5de: {  	vm1 =	vlt.u32 v18, v7;
	v13 =	vand.u32 $0xFF, v13;
	v16 =	vand.u32 $0xFF, v63  }
0x5df: {  	v22 =	vadd.s32 v3, v9;
	v9 =	vor.u32 $0x80000000, v19;
	v19 =	vshra.s32 v17, $0x1F  }
0x5e0: {  	v12 =	vand.u32 $0xFF, v12;
	vm5 =	vge.u32 v15, v8;
	vm8 =	vlt.u32 v15, v7  }
0x5e1: {  	v10 =	vor.u32 $0x80000000, v19;
	v19 =	vxor.u32 v11, v9;
	v11 =	vshrl.u32 v21, $0x10  }
0x5e2: {  	v14 =	vshrl.u32 v19, $0x10;
	v9 =	vxor.u32 v17, v10;
	v17 =	vshrl.u32 v15, $0x10  }
0x5e3: {  	vm4 =	vge.u32 v19, v8;
	vm7 =	vlt.u32 v19, v7;
	v10 =	vshrl.u32 v9, $0x10  }
0x5e4: {  	s3 =	simm.s32 $0x0;
	s6 =	simm.s32 $0xC0;
	v14 =	vand.u32 $0xFF, v14;
	v15 =	vand.u32 $0xFF, v17;
	[tilespmem:v22+s13+$0x0] =	vst.idx.add.s32.msk vm10, v4;
	vm10 =	vge.u32 v21, v8  }
.LBB2_20:
0x5e5: {  	v17 =	vld [tilespmem:s6+$0x30];
	s3 =	sadd.s32 $0x8, s3;
	v11 =	vand.u32 $0xFF, v11;
	vm14 =	vge.u32 v9, v8;
	vm15 =	vlt.u32 v9, v7  }
0x5e6: {  	vm12 =	vmand vm0, vm1;
	v12 =	vadd.s32 v3, v12;
	v10 =	vand.u32 $0xFF, v10;
	v9 =	vld [tilespmem:s6+$0xFFFFFFD0];
	p0 =	slt.u32 s3, $0xFF8  }
0x5e7: {  	vm13 =	vmand vm2, vm3;
	v13 =	vadd.s32 v3, v13;
	vm4 =	vmand vm4, vm7;
	v18 =	vld [tilespmem:s6+$0xFFFFFFE0]  }
0x5e8: {  	v14 =	vadd.s32 v3, v14;
	vm3 =	vmand vm5, vm8;
	v15 =	vadd.s32 v3, v15;
	v19 =	vld [tilespmem:s6+$0xFFFFFFF0]  }
0x5e9: {  	vm2 =	vmand vm6, vm9;
	v16 =	vadd.s32 v3, v16;
	vm1 =	vmand vm10, vm11;
	v20 =	vld [tilespmem:s6+$0x0]  }
0x5ea: {  	v11 =	vadd.s32 v3, v11;
	vm0 =	vmand vm14, vm15;
	v21 =	vld [tilespmem:s6+$0x10];
	v22 =	vshra.s32 v17, $0x1F  }
0x5eb: {  	v10 =	vadd.s32 v3, v10;
	v23 =	vshra.s32 v9, $0x1F;
	v24 =	vld [tilespmem:s6+$0x20];
	v22 =	vor.u32 $0x80000000, v22  }
0x5ec: {  	v25 =	vld [tilespmem:s6+$0xFFFFFFC0];
	v23 =	vor.u32 $0x80000000, v23;
	v26 =	vshra.s32 v18, $0x1F;
	v17 =	vxor.u32 v17, v22  }
0x5ed: {  	vm5 =	vge.u32 v17, v8;
	vm6 =	vlt.u32 v17, v7;
	v17 =	vshrl.u32 v17, $0x10;
	[tilespmem:v12+s13+$0x0] =	vst.idx.add.s32.msk vm12, v4  }
0x5ee: {  	v12 =	vshra.s32 v19, $0x1F;
	vm5 =	vmand vm5, vm6;
	v17 =	vand.u32 $0xFF, v17;
	[tilespmem:v13+s13+$0x0] =	vst.idx.add.s32.msk vm13, v4  }
0x5ef: {  	v13 =	vshra.s32 v20, $0x1F;
	v22 =	vshra.s32 v21, $0x1F;
	v17 =	vadd.s32 v3, v17;
	[tilespmem:v14+s13+$0x0] =	vst.idx.add.s32.msk vm4, v4  }
0x5f0: {  	v12 =	vor.u32 $0x80000000, v12;
	v14 =	vor.u32 $0x80000000, v26;
	v26 =	vshra.s32 v24, $0x1F;
	[tilespmem:v15+s13+$0x0] =	vst.idx.add.s32.msk vm3, v4  }
0x5f1: {  	v13 =	vor.u32 $0x80000000, v13;
	v22 =	vor.u32 $0x80000000, v22;
	v15 =	vshra.s32 v25, $0x1F;
	[tilespmem:v16+s13+$0x0] =	vst.idx.add.s32.msk vm2, v4  }
0x5f2: {  	v16 =	vxor.u32 v9, v23;
	v9 =	vor.u32 $0x80000000, v26;
	v15 =	vor.u32 $0x80000000, v15;
	[tilespmem:v11+s13+$0x0] =	vst.idx.add.s32.msk vm1, v4  }
0x5f3: {  	v14 =	vxor.u32 v18, v14;
	v18 =	vxor.u32 v19, v12;
	v15 =	vxor.u32 v25, v15  }
0x5f4: {  	v19 =	vxor.u32 v20, v13;
	v20 =	vxor.u32 v21, v22;
	v12 =	vshrl.u32 v15, $0x10;
	[tilespmem:v17+s13+$0x0] =	vst.idx.add.s32.msk vm5, v4  }
0x5f5: {  	v13 =	vshrl.u32 v16, $0x10;
	v9 =	vxor.u32 v24, v9;
	v17 =	vshrl.u32 v14, $0x10;
	[tilespmem:v10+s13+$0x0] =	vst.idx.add.s32.msk vm0, v4  }
0x5f6: {  	v21 =	vshrl.u32 v18, $0x10;
	v22 =	vshrl.u32 v19, $0x10;
	v11 =	vshrl.u32 v20, $0x10  }
0x5f7: {  	vm1 =	vlt.u32 v15, v7;
	vm0 =	vge.u32 v15, v8;
	v10 =	vshrl.u32 v9, $0x10  }
.Ltmp43:
0x5f8: {  	vm2 =	vge.u32 v16, v8;
	vm3 =	vlt.u32 v16, v7;
	v12 =	vand.u32 $0xFF, v12;
	(pc) =	sbr.rel @p0 .LBB2_20-.Ltmp43, $4  }
0x5f9: {  	vm4 =	vge.u32 v14, v8;
	vm7 =	vlt.u32 v14, v7;
	v13 =	vand.u32 $0xFF, v13  }
0x5fa: {  	vm8 =	vlt.u32 v18, v7;
	vm5 =	vge.u32 v18, v8;
	v14 =	vand.u32 $0xFF, v17  }
0x5fb: {  	vm6 =	vge.u32 v19, v8;
	vm9 =	vlt.u32 v19, v7;
	v15 =	vand.u32 $0xFF, v21  }
0x5fc: {  	s6 =	sadd.s32 $0x80, s6;
	v16 =	vand.u32 $0xFF, v22;
	vm10 =	vge.u32 v20, v8;
	vm11 =	vlt.u32 v20, v7  }
0x5fd: {  	vm0 =	vmand vm0, vm1  }
0x5fe: {  	v12 =	vadd.s32 v3, v12;
	vm1 =	vmand vm2, vm3  }
0x5ff: {  	v13 =	vadd.s32 v3, v13;
	vm2 =	vmand vm4, vm7  }
0x600: {  	v11 =	vand.u32 $0xFF, v11;
	v14 =	vadd.s32 v3, v14;
	vm3 =	vmand vm5, vm8  }
0x601: {  	vm15 =	vge.u32 v9, v8;
	v8 =	vadd.s32 v3, v15;
	vm12 =	vmand vm6, vm9  }
0x602: {  	vm13 =	vlt.u32 v9, v7;
	v7 =	vadd.s32 v3, v16;
	vm14 =	vmand vm10, vm11  }
0x603: {  	v9 =	vand.u32 $0xFF, v10;
	v10 =	vadd.s32 v3, v11;
	vm4 =	vmand vm15, vm13;
	[tilespmem:v12+s13+$0x0] =	vst.idx.add.s32.msk vm0, v4  }
0x604: {  	v9 =	vadd.s32 v3, v9;
	[tilespmem:v13+s13+$0x0] =	vst.idx.add.s32.msk vm1, v4  }
0x605: {  	[tilespmem:v14+s13+$0x0] =	vst.idx.add.s32.msk vm2, v4  }
0x606: {  	[tilespmem:v8+s13+$0x0] =	vst.idx.add.s32.msk vm3, v4  }
0x607: {  	[tilespmem:v7+s13+$0x0] =	vst.idx.add.s32.msk vm12, v4  }
0x608: {  	[tilespmem:v10+s13+$0x0] =	vst.idx.add.s32.msk vm14, v4  }
0x609: {  	s9 =	simm.s32 $0x0;
	[tilespmem:v9+s13+$0x0] =	vst.idx.add.s32.msk vm4, v4  }
0x60a: {  	v9 =	vld [tilespmem:s9+$0x100F0]  }
0x60b: {  	v10 =	vld [tilespmem:s9+$0x101F1]  }
0x60c: {  	v11 =	vld [tilespmem:s9+$0x102F2]  }
0x60d: {  	v12 =	vld [tilespmem:s9+$0x103F3]  }
0x60e: {  	v13 =	vld [tilespmem:s9+$0x104F4]  }
0x60f: {  	v14 =	vld [tilespmem:s9+$0x105F5]  }
0x610: {  	v15 =	vld [tilespmem:s9+$0x106F6]  }
0x611: {  	v16 =	vld [tilespmem:s9+$0x107F7]  }
0x612: {  	v17 =	vld [tilespmem:s9+$0x108F8]  }
0x613: {  	v18 =	vld [tilespmem:s9+$0x109F9]  }
0x614: {  	v19 =	vld [tilespmem:s9+$0x10AFA]  }
0x615: {  	v20 =	vld [tilespmem:s9+$0x10BFB]  }
0x616: {  	v21 =	vld [tilespmem:s9+$0x10CFC];
	v9 =	vadd.s32 v9, v10  }
0x617: {  	v22 =	vld [tilespmem:s9+$0x10DFD];
	v9 =	vadd.s32 v11, v9  }
0x618: {  	v23 =	vld [tilespmem:s9+$0x10EFE];
	v9 =	vadd.s32 v12, v9  }
0x619: {  	s20 =	simm.s32 $0xFFFFFFF0;
	v10 =	vld [tilespmem:s9+$0x10FFF];
	v9 =	vadd.s32 v13, v9  }
0x61a: {  	v11 =	vld [tilespmem:s20+$0x100F0];
	v9 =	vadd.s32 v14, v9  }
0x61b: {  	v12 =	vld [tilespmem:s20+$0x101F1];
	v9 =	vadd.s32 v15, v9  }
0x61c: {  	v13 =	vld [tilespmem:s20+$0x102F2];
	v9 =	vadd.s32 v16, v9  }
0x61d: {  	v14 =	vld [tilespmem:s20+$0x103F3];
	v9 =	vadd.s32 v17, v9  }
0x61e: {  	v15 =	vld [tilespmem:s20+$0x104F4];
	v9 =	vadd.s32 v18, v9  }
0x61f: {  	v16 =	vld [tilespmem:s20+$0x105F5];
	v9 =	vadd.s32 v19, v9  }
0x620: {  	v17 =	vld [tilespmem:s20+$0x106F6];
	v11 =	vadd.s32 v11, v12;
	v9 =	vadd.s32 v20, v9  }
0x621: {  	v61 =	vld [tilespmem:s20+$0x107F7];
	v11 =	vadd.s32 v13, v11;
	v9 =	vadd.s32 v21, v9  }
0x622: {  	v12 =	vld [tilespmem:s20+$0x108F8];
	v11 =	vadd.s32 v14, v11;
	v9 =	vadd.s32 v22, v9  }
0x623: {  	v13 =	vld [tilespmem:s20+$0x109F9];
	v11 =	vadd.s32 v15, v11;
	v9 =	vadd.s32 v23, v9  }
0x624: {  	v14 =	vld [tilespmem:s20+$0x10AFA];
	v11 =	vadd.s32 v16, v11;
	v9 =	vadd.s32 v10, v9  }
0x625: {  	v15 =	vld [tilespmem:s20+$0x10BFB];
	v10 =	vadd.s32 v17, v11;
	v9 =	vperm.xlane v9, v5  }
0x626: {  	v16 =	vld [tilespmem:s20+$0x10CFC];
	v10 =	vadd.s32 v61, v10  }
0x627: {  	v11 =	vld [tilespmem:s20+$0x10DFD];
	v10 =	vadd.s32 v12, v10;
	(xrf0) =	vadd.scan.msk.s32 $0xffff, v9  }
0x628: {  	v17 =	vld [tilespmem:s20+$0x10EFE];
	v9 =	vadd.s32 v13, v10  }
0x629: {  	v9 =	vadd.s32 v14, v9  }
0x62a: {  	v9 =	vadd.s32 v15, v9  }
0x62b: {  	v9 =	vadd.s32 v16, v9  }
0x62c: {  	v9 =	vadd.s32 v11, v9  }
0x62d: {  	s3 =	simm.s32 $0xFFFFFFE0;
	v12 =	vld [tilespmem:s20+$0x10FFF];
	v9 =	vadd.s32 v17, v9;
	v17, _, _ =	vpop (xrf0)  }
0x62e: {  	v10 =	vld [tilespmem:s3+$0x100F0];
	v62 =	vxor.u32 $0x80000000, v17  }
0x62f: {  	v13 =	vld [tilespmem:s3+$0x101F1];
	(xrf0) =	vmax.scan.msk.u32 $0xffff, v62  }
0x630: {  	v14 =	vld [tilespmem:s3+$0x102F2]  }
0x631: {  	v15 =	vld [tilespmem:s3+$0x103F3]  }
0x632: {  	v11 =	vld [tilespmem:s3+$0x104F4]  }
0x633: {  	v16 =	vld [tilespmem:s3+$0x105F5];
	v9 =	vadd.s32 v12, v9  }
0x634: {  	v10 =	vadd.s32 v10, v13;
	v12 =	vld [tilespmem:s3+$0x106F6];
	v9 =	vperm.xlane v9, v5  }
0x635: {  	v13 =	vld [tilespmem:s3+$0x107F7];
	v10 =	vadd.s32 v14, v10;
	v18, _, _ =	vpop (xrf0)  }
0x636: {  	(xrf0) =	vadd.scan.msk.s32 $0xffff, v9;
	v9 =	vadd.s32 v15, v10;
	(v2sf) =	vpush v18, $0xF  }
0x637: {  	s6 =	simm.s32 $0x0;
	v9 =	vadd.s32 v11, v9  }
0x638: {  	v14 =	vld [tilespmem:s3+$0x108F8];
	v10 =	vadd.s32 s6, v17;
	v9 =	vadd.s32 v16, v9  }
0x639: {  	v15 =	vld [tilespmem:s3+$0x109F9];
	v11 =	vperm.xlane v10, v5;
	v9 =	vadd.s32 v12, v9  }
0x63a: {  	v17 =	vld [tilespmem:s3+$0x10AFA];
	v9 =	vadd.s32 v13, v9  }
0x63b: {  	s0 =	ssub.s32 $0x40, s0;
	v16 =	vld [tilespmem:s3+$0x10BFB];
	[tilespmem:s9+$0x11170] =	vst v11  }
0x63c: {  	v7 =	vmov s0;
	v10 =	vld [tilespmem:s3+$0x10CFC]  }
0x63d: {  	vm15 =	vge.s32 v11, v7;
	v12 =	vld [tilespmem:s3+$0x10DFD];
	v11 =	vadd.s32 v14, v9;
	v9, _, _ =	vpop (xrf0)  }
0x63e: {  	v63 =	vmpcnt.ones.xlane vm15;
	v13 =	vld [tilespmem:s3+$0x10EFE];
	v11 =	vadd.s32 v15, v11;
	v15 =	vxor.u32 $0x80000000, v9  }
0x63f: {  	v8 =	vimm.s32 $0x0;
	s9 =	simm.s32 $0xFFFFFFD0;
	v14 =	vld [tilespmem:s3+$0x10FFF];
	v17 =	vadd.s32 v17, v11;
	(xrf0) =	vmax.scan.msk.u32 $0xffff, v15  }
0x640: {  	s10 =	simm.s32 $0xFFFFFF00;
	v8 =	vadd.s32 v8, v63;
	v11 =	vld [tilespmem:s9+$0x100F0];
	v15 =	vadd.s32 v16, v17  }
.LBB2_22:
0x641: {  	p0 =	sne.s32 s10, $0xFFFFFC40;
	v16 =	vld [tilespmem:s9+$0x101F1];
	v10 =	vadd.s32 v10, v15  }
0x642: {  	v15 =	vld [tilespmem:s9+$0x102F2];
	v10 =	vadd.s32 v12, v10  }
0x643: {  	v12 =	vld [tilespmem:s9+$0x103F3];
	v10 =	vadd.s32 v13, v10  }
0x644: {  	v13 =	vld [tilespmem:s9+$0x104F4];
	v10 =	vadd.s32 v14, v10  }
0x645: {  	v14 =	vld [tilespmem:s9+$0x105F5];
	v10 =	vperm.xlane v10, v5;
	v17, _, _ =	vpop (xrf0);
	s1 =	spop (v2sf)  }
0x646: {  	v11 =	vadd.s32 v11, v16;
	v16 =	vld [tilespmem:s9+$0x106F6];
	(v2sf) =	vpush v17, $0xF;
	s1 =	sadd.s32 s1, s6  }
0x647: {  	v11 =	vadd.s32 v15, v11;
	v15 =	vld [tilespmem:s9+$0x107F7];
	(xrf0) =	vadd.scan.msk.s32 $0xffff, v10;
	s6 =	sadd.s32 $0x80000000, s1  }
0x648: {  	v10 =	vadd.s32 v12, v11;
	v11 =	vld [tilespmem:s9+$0x108F8];
	v9 =	vadd.s32 s6, v9  }
0x649: {  	v10 =	vadd.s32 v13, v10;
	v13 =	vld [tilespmem:s9+$0x109F9];
	v9 =	vperm.xlane v9, v5  }
0x64a: {  	v10 =	vadd.s32 v14, v10;
	v14 =	vld [tilespmem:s9+$0x10AFA]  }
0x64b: {  	v10 =	vadd.s32 v16, v10;
	v16 =	vld [tilespmem:s9+$0x10BFB];
	[tilespmem:s20+$0x11170] =	vst v9;
	vm0 =	vge.s32 v9, v7;
	s20 =	smov.u32 s3;
	s3 =	smov.u32 s9  }
.Ltmp44:
0x64c: {  	v17 =	vadd.s32 v15, v10;
	v10 =	vld [tilespmem:s3+$0x10CFC];
	v15 =	vmpcnt.ones.xlane vm0;
	(pc) =	sbr.rel @p0 .LBB2_22-.Ltmp44, $4  }
0x64d: {  	v11 =	vadd.s32 v11, v17;
	v12 =	vld [tilespmem:s3+$0x10DFD];
	v9, _, _ =	vpop (xrf0)  }
0x64e: {  	v11 =	vadd.s32 v13, v11;
	v13 =	vld [tilespmem:s3+$0x10EFE];
	v17 =	vxor.u32 $0x80000000, v9;
	v8 =	vadd.s32 v8, v15  }
0x64f: {  	s9 =	sshra.s32 s10, $0x2;
	v15 =	vadd.s32 v14, v11;
	v14 =	vld [tilespmem:s3+$0x10FFF];
	(xrf0) =	vmax.scan.msk.u32 $0xffff, v17  }
0x650: {  	s10 =	sadd.s32 $0xFFFFFFC0, s10;
	v11 =	vld [tilespmem:s9+$0x100F0];
	v15 =	vadd.s32 v16, v15  }
0x651: {  	v10 =	vadd.s32 v10, v15  }
0x652: {  	v10 =	vadd.s32 v12, v10  }
0x653: {  	v10 =	vadd.s32 v13, v10  }
0x654: {  	v10 =	vadd.s32 v14, v10  }
0x655: {  	v10 =	vperm.xlane v10, v5;
	_ =	sdelay $0x1  }
0x656: {  	(xrf0) =	vadd.scan.msk.s32 $0xffff, v10;
	_ =	sdelay $0x3  }
0x657: {  	v42 =	vld [tilespmem:s9+$0x101F1]  }
0x658: {  	v43 =	vld [tilespmem:s9+$0x102F2];
	v45, _, _ =	vpop (xrf0)  }
0x659: {  	v44 =	vld [tilespmem:s9+$0x103F3];
	v16, _, _ =	vpop (xrf0)  }
0x65a: {  	v46 =	vld [tilespmem:s9+$0x104F4];
	v18 =	vxor.u32 $0x80000000, v16  }
0x65b: {  	v17 =	vld [tilespmem:s9+$0x105F5];
	s1 =	spop (v2sf);
	(xrf0) =	vmax.scan.msk.u32 $0xffff, v18  }
0x65c: {  	v47 =	vld [tilespmem:s9+$0x106F6];
	s1 =	sadd.s32 s1, s6;
	v10 =	vadd.s32 v11, v42  }
0x65d: {  	v48 =	vld [tilespmem:s9+$0x107F7];
	s1 =	sadd.s32 $0x80000000, s1;
	v10 =	vadd.s32 v43, v10  }
0x65e: {  	v49 =	vld [tilespmem:s9+$0x108F8];
	v9 =	vadd.s32 s1, v9;
	v10 =	vadd.s32 v44, v10  }
0x65f: {  	v50 =	vld [tilespmem:s9+$0x109F9];
	v9 =	vperm.xlane v9, v5;
	v10 =	vadd.s32 v46, v10  }
0x660: {  	v51 =	vld [tilespmem:s9+$0x10AFA];
	(v2sf) =	vpush v45, $0xF;
	v10 =	vadd.s32 v17, v10  }
0x661: {  	v52 =	vld [tilespmem:s9+$0x10BFB];
	[tilespmem:s20+$0x11170] =	vst v9;
	v10 =	vadd.s32 v47, v10;
	v53, _, _ =	vpop (xrf0)  }
0x662: {  	v54 =	vld [tilespmem:s9+$0x10CFC];
	v10 =	vadd.s32 v48, v10;
	(v2sf) =	vpush v53, $0xF  }
0x663: {  	v55 =	vld [tilespmem:s9+$0x10DFD];
	v10 =	vadd.s32 v49, v10  }
0x664: {  	v56 =	vld [tilespmem:s9+$0x10EFE];
	v10 =	vadd.s32 v50, v10  }
0x665: {  	v57 =	vld [tilespmem:s9+$0x10FFF];
	v10 =	vadd.s32 v51, v10  }
0x666: {  	v10 =	vadd.s32 v52, v10  }
0x667: {  	v10 =	vadd.s32 v54, v10  }
0x668: {  	v10 =	vadd.s32 v55, v10  }
0x669: {  	v10 =	vadd.s32 v56, v10  }
0x66a: {  	v10 =	vadd.s32 v57, v10  }
0x66b: {  	v10 =	vperm.xlane v10, v5;
	_ =	sdelay $0x1  }
0x66c: {  	(xrf0) =	vadd.scan.msk.s32 $0xffff, v10;
	_ =	sdelay $0x1  }
0x66d: {  	s5 =	spop (v2sf)  }
0x66e: {  	s1 =	sadd.s32 s5, s1  }
0x66f: {  	s1 =	sadd.s32 $0x80000000, s1;
	s28 =	spop (v2sf)  }
0x670: {  	s5 =	sadd.s32 s28, s1  }
0x671: {  	v58 =	vadd.s32 s1, v16;
	v59, _, _ =	vpop (xrf0);
	s29 =	sadd.s32 $0x80000000, s5  }
0x672: {  	v10 =	vperm.xlane v58, v5;
	v60 =	vadd.s32 s29, v59  }
0x673: {  	vm0 =	vge.s32 v9, v7;
	v61 =	vperm.xlane v60, v5  }
0x674: {  	v62 =	vmpcnt.ones.xlane vm0;
	vm14 =	vge.s32 v10, v7  }
0x675: {  	v63 =	vmpcnt.ones.xlane vm14;
	vm15 =	vge.s32 v61, v7  }
0x676: {  	v7 =	vadd.s32 v8, v62;
	v8 =	vmpcnt.ones.xlane vm15  }
0x677: {  	v7 =	vadd.s32 v7, v63  }
0x678: {  	v11 =	vxor.u32 $0x80000000, v59;
	v7 =	vadd.s32 v7, v8  }
0x679: {  	(xrf0) =	vmax.scan.msk.u32 $0xffff, v11;
	v7 =	vxor.u32 $0x80000000, v7  }
0x67a: {  	(xrf0) =	vmax.scan.msk.u32 $0xffff, v7;
	_ =	sdelay $0x4  }
0x67b: {  	v7, _, _ =	vpop (xrf0)  }
0x67c: {  	(v2sf) =	vpush v7, $0xF;
	v7, _, _ =	vpop (xrf0)  }
0x67d: {  	(v2sf) =	vpush v7, $0xF;
	_ =	sdelay $0xd  }
0x67e: {  	s30 =	spop (v2sf)  }
0x67f: {  	s1 =	spop (v2sf)  }
0x680: {  	s5 =	sxor.u32 $0x80000000, s1  }
0x681: {  	p0 =	slt.s32 s5, $0xFF  }
0x682: {  	s5 =	simm.s32 @!p0 $0xFF  }
0x683: {  	v7 =	vmov s5;
	_ =	sdelay $0x2  }
0x684: {  	[tilespmem:s3+$0x11170] =	vst v10  }
0x685: {  	[tilespmem:s9+$0x11170] =	vst v61;
	s5 =	simm.s32 $0x10040  }
0x686: {  	v7 =	vld.idx.msk [tilespmem:v7+s14+$0x0], $0xffff;
	[tilespmem:s5+$0xFFFFFFC0] =	vst v2  }
0x687: {  	[tilespmem:s5+$0x30] =	vst v2  }
0x688: {  	[tilespmem:s5+$0x20] =	vst v2  }
0x689: {  	[tilespmem:s5+$0x10] =	vst v2  }
0x68a: {  	[tilespmem:s5+$0x0] =	vst v2  }
0x68b: {  	[tilespmem:s5+$0xFFFFFFF0] =	vst v2  }
0x68c: {  	s6 =	simm.s32 $0x0;
	s3 =	sadd.s32 $0x7FFFFFFF, s1;
	[tilespmem:s5+$0xFFFFFFE0] =	vst v2  }
.LBB2_24:
0x68d: {  	s6 =	sadd.s32 $0x8, s6;
	[tilespmem:s5+$0xFFFFFFD0] =	vst v2;
	s5 =	sadd.s32 $0x80, s5  }
0x68e: {  	[tilespmem:s5+$0xFFFFFFC0] =	vst v2;
	p0 =	slt.u32 s6, $0x100  }
0x68f: {  	[tilespmem:s5+$0x30] =	vst v2  }
.Ltmp45:
0x690: {  	[tilespmem:s5+$0x20] =	vst v2;
	(pc) =	sbr.rel @p0 .LBB2_24-.Ltmp45, $4  }
0x691: {  	[tilespmem:s5+$0x10] =	vst v2  }
0x692: {  	[tilespmem:s5+$0x0] =	vst v2  }
0x693: {  	[tilespmem:s5+$0xFFFFFFF0] =	vst v2  }
0x694: {  	[tilespmem:s5+$0xFFFFFFE0] =	vst v2  }
0x695: {  	s1 =	sshll.u32 s3, $0x10  }
0x696: {  	[tilespmem:s5+$0xFFFFFFD0] =	vst v2;
	s26 =	sadd.s32 s31, s1;
	s31 =	simm.s32 $0x40  }
0x697: {  	v10 =	vld [tilespmem:s31+$0x30]  }
0x698: {  	v11 =	vld [tilespmem:s31+$0xFFFFFFD0]  }
0x699: {  	v12 =	vld [tilespmem:s31+$0xFFFFFFE0]  }
0x69a: {  	v14 =	vld [tilespmem:s31+$0x0]  }
0x69b: {  	v15 =	vld [tilespmem:s31+$0x10]  }
0x69c: {  	v18 =	vld [tilespmem:s31+$0x20]  }
0x69d: {  	v19 =	vld [tilespmem:s31+$0xFFFFFFC0]  }
0x69e: {  	s1 =	sadd.s32 $0x10000, s26  }
0x69f: {  	v9 =	vmov s26;
	v13 =	vld [tilespmem:s31+$0xFFFFFFF0];
	v8 =	vmov s1  }
0x6a0: {  	v16 =	vshra.s32 v10, $0x1F;
	v17 =	vshra.s32 v11, $0x1F;
	v20 =	vshra.s32 v12, $0x1F  }
0x6a1: {  	v21 =	vshra.s32 v14, $0x1F;
	v22 =	vshra.s32 v15, $0x1F;
	v61 =	vshra.s32 v18, $0x1F  }
0x6a2: {  	v24 =	vshra.s32 v19, $0x1F;
	v16 =	vor.u32 $0x80000000, v16;
	v17 =	vor.u32 $0x80000000, v17  }
0x6a3: {  	v21 =	vor.u32 $0x80000000, v21;
	v22 =	vor.u32 $0x80000000, v22;
	v24 =	vor.u32 $0x80000000, v24  }
0x6a4: {  	v10 =	vxor.u32 v10, v16;
	v16 =	vshra.s32 v13, $0x1F;
	v17 =	vxor.u32 v11, v17  }
0x6a5: {  	v11 =	vor.u32 $0x80000000, v61;
	v19 =	vxor.u32 v19, v24;
	v21 =	vxor.u32 v14, v21  }
0x6a6: {  	v22 =	vxor.u32 v15, v22;
	vm0 =	vge.u32 v10, v9;
	vm1 =	vlt.u32 v10, v8  }
0x6a7: {  	v10 =	vshrl.u32 v10, $0x8;
	v16 =	vor.u32 $0x80000000, v16;
	v14 =	vshrl.u32 v17, $0x8  }
0x6a8: {  	v63 =	vshrl.u32 v21, $0x8;
	vm2 =	vge.u32 v17, v9;
	vm3 =	vlt.u32 v17, v8  }
0x6a9: {  	vm6 =	vge.u32 v21, v9;
	vm9 =	vlt.u32 v21, v8;
	vm11 =	vlt.u32 v22, v8  }
0x6aa: {  	vm10 =	vmand vm0, vm1;
	v10 =	vand.u32 $0xFF, v10;
	v16 =	vxor.u32 v13, v16  }
0x6ab: {  	v13 =	vshrl.u32 v19, $0x8;
	vm0 =	vge.u32 v19, v9;
	vm1 =	vlt.u32 v19, v8  }
0x6ac: {  	v14 =	vand.u32 $0xFF, v14;
	v17 =	vand.u32 $0xFF, v63;
	v23 =	vadd.s32 v3, v10  }
0x6ad: {  	v10 =	vor.u32 $0x80000000, v20;
	v13 =	vand.u32 $0xFF, v13;
	vm5 =	vge.u32 v16, v9  }
0x6ae: {  	vm8 =	vlt.u32 v16, v8;
	v62 =	vxor.u32 v12, v10;
	v10 =	vxor.u32 v18, v11  }
0x6af: {  	v18 =	vshrl.u32 v16, $0x8;
	v12 =	vshrl.u32 v22, $0x8;
	v15 =	vshrl.u32 v62, $0x8  }
0x6b0: {  	v11 =	vshrl.u32 v10, $0x8;
	vm4 =	vge.u32 v62, v9;
	vm7 =	vlt.u32 v62, v8  }
0x6b1: {  	s6 =	simm.s32 $0x0;
	s9 =	simm.s32 $0xC0;
	v16 =	vand.u32 $0xFF, v18;
	v15 =	vand.u32 $0xFF, v15;
	[tilespmem:v23+s13+$0x0] =	vst.idx.add.s32.msk vm10, v4;
	vm10 =	vge.u32 v22, v9  }
.LBB2_26:
0x6b2: {  	v18 =	vld [tilespmem:s9+$0x30];
	s6 =	sadd.s32 $0x8, s6;
	v12 =	vand.u32 $0xFF, v12;
	vm14 =	vge.u32 v10, v9;
	vm15 =	vlt.u32 v10, v8  }
0x6b3: {  	vm12 =	vmand vm0, vm1;
	v13 =	vadd.s32 v3, v13;
	v11 =	vand.u32 $0xFF, v11;
	v10 =	vld [tilespmem:s9+$0xFFFFFFD0];
	p0 =	slt.u32 s6, $0xFF8  }
0x6b4: {  	vm13 =	vmand vm2, vm3;
	v14 =	vadd.s32 v3, v14;
	vm4 =	vmand vm4, vm7;
	v19 =	vld [tilespmem:s9+$0xFFFFFFE0]  }
0x6b5: {  	v15 =	vadd.s32 v3, v15;
	vm3 =	vmand vm5, vm8;
	v16 =	vadd.s32 v3, v16;
	v20 =	vld [tilespmem:s9+$0xFFFFFFF0]  }
0x6b6: {  	vm2 =	vmand vm6, vm9;
	v17 =	vadd.s32 v3, v17;
	vm1 =	vmand vm10, vm11;
	v21 =	vld [tilespmem:s9+$0x0]  }
0x6b7: {  	v12 =	vadd.s32 v3, v12;
	vm0 =	vmand vm14, vm15;
	v22 =	vld [tilespmem:s9+$0x10];
	v23 =	vshra.s32 v18, $0x1F  }
0x6b8: {  	v11 =	vadd.s32 v3, v11;
	v24 =	vshra.s32 v10, $0x1F;
	v25 =	vld [tilespmem:s9+$0x20];
	v23 =	vor.u32 $0x80000000, v23  }
0x6b9: {  	v26 =	vld [tilespmem:s9+$0xFFFFFFC0];
	v24 =	vor.u32 $0x80000000, v24;
	v27 =	vshra.s32 v19, $0x1F;
	v18 =	vxor.u32 v18, v23  }
0x6ba: {  	vm5 =	vge.u32 v18, v9;
	vm6 =	vlt.u32 v18, v8;
	v18 =	vshrl.u32 v18, $0x8;
	[tilespmem:v13+s13+$0x0] =	vst.idx.add.s32.msk vm12, v4  }
0x6bb: {  	v13 =	vshra.s32 v20, $0x1F;
	vm5 =	vmand vm5, vm6;
	v18 =	vand.u32 $0xFF, v18;
	[tilespmem:v14+s13+$0x0] =	vst.idx.add.s32.msk vm13, v4  }
0x6bc: {  	v14 =	vshra.s32 v21, $0x1F;
	v23 =	vshra.s32 v22, $0x1F;
	v18 =	vadd.s32 v3, v18;
	[tilespmem:v15+s13+$0x0] =	vst.idx.add.s32.msk vm4, v4  }
0x6bd: {  	v13 =	vor.u32 $0x80000000, v13;
	v15 =	vor.u32 $0x80000000, v27;
	v27 =	vshra.s32 v25, $0x1F;
	[tilespmem:v16+s13+$0x0] =	vst.idx.add.s32.msk vm3, v4  }
0x6be: {  	v14 =	vor.u32 $0x80000000, v14;
	v23 =	vor.u32 $0x80000000, v23;
	v16 =	vshra.s32 v26, $0x1F;
	[tilespmem:v17+s13+$0x0] =	vst.idx.add.s32.msk vm2, v4  }
0x6bf: {  	v17 =	vxor.u32 v10, v24;
	v10 =	vor.u32 $0x80000000, v27;
	v16 =	vor.u32 $0x80000000, v16;
	[tilespmem:v12+s13+$0x0] =	vst.idx.add.s32.msk vm1, v4  }
0x6c0: {  	v15 =	vxor.u32 v19, v15;
	v19 =	vxor.u32 v20, v13;
	v16 =	vxor.u32 v26, v16  }
0x6c1: {  	v20 =	vxor.u32 v21, v14;
	v21 =	vxor.u32 v22, v23;
	v13 =	vshrl.u32 v16, $0x8;
	[tilespmem:v18+s13+$0x0] =	vst.idx.add.s32.msk vm5, v4  }
0x6c2: {  	v14 =	vshrl.u32 v17, $0x8;
	v10 =	vxor.u32 v25, v10;
	v18 =	vshrl.u32 v15, $0x8;
	[tilespmem:v11+s13+$0x0] =	vst.idx.add.s32.msk vm0, v4  }
0x6c3: {  	v22 =	vshrl.u32 v19, $0x8;
	v23 =	vshrl.u32 v20, $0x8;
	v12 =	vshrl.u32 v21, $0x8  }
0x6c4: {  	vm1 =	vlt.u32 v16, v8;
	vm0 =	vge.u32 v16, v9;
	v11 =	vshrl.u32 v10, $0x8  }
.Ltmp46:
0x6c5: {  	vm2 =	vge.u32 v17, v9;
	vm3 =	vlt.u32 v17, v8;
	v13 =	vand.u32 $0xFF, v13;
	(pc) =	sbr.rel @p0 .LBB2_26-.Ltmp46, $4  }
0x6c6: {  	vm4 =	vge.u32 v15, v9;
	vm7 =	vlt.u32 v15, v8;
	v14 =	vand.u32 $0xFF, v14  }
0x6c7: {  	vm8 =	vlt.u32 v19, v8;
	vm5 =	vge.u32 v19, v9;
	v15 =	vand.u32 $0xFF, v18  }
0x6c8: {  	vm6 =	vge.u32 v20, v9;
	vm9 =	vlt.u32 v20, v8;
	v16 =	vand.u32 $0xFF, v22  }
0x6c9: {  	s9 =	sadd.s32 $0x80, s9;
	v17 =	vand.u32 $0xFF, v23;
	vm10 =	vge.u32 v21, v9;
	vm11 =	vlt.u32 v21, v8  }
0x6ca: {  	vm0 =	vmand vm0, vm1  }
0x6cb: {  	v13 =	vadd.s32 v3, v13;
	vm1 =	vmand vm2, vm3  }
0x6cc: {  	v14 =	vadd.s32 v3, v14;
	vm2 =	vmand vm4, vm7  }
0x6cd: {  	v12 =	vand.u32 $0xFF, v12;
	v15 =	vadd.s32 v3, v15;
	vm3 =	vmand vm5, vm8  }
0x6ce: {  	vm15 =	vge.u32 v10, v9;
	v9 =	vadd.s32 v3, v16;
	vm12 =	vmand vm6, vm9  }
0x6cf: {  	vm13 =	vlt.u32 v10, v8;
	v8 =	vadd.s32 v3, v17;
	vm14 =	vmand vm10, vm11  }
0x6d0: {  	v10 =	vand.u32 $0xFF, v11;
	v11 =	vadd.s32 v3, v12;
	vm4 =	vmand vm15, vm13;
	[tilespmem:v13+s13+$0x0] =	vst.idx.add.s32.msk vm0, v4  }
0x6d1: {  	v10 =	vadd.s32 v3, v10;
	[tilespmem:v14+s13+$0x0] =	vst.idx.add.s32.msk vm1, v4  }
0x6d2: {  	[tilespmem:v15+s13+$0x0] =	vst.idx.add.s32.msk vm2, v4  }
0x6d3: {  	[tilespmem:v9+s13+$0x0] =	vst.idx.add.s32.msk vm3, v4  }
0x6d4: {  	[tilespmem:v8+s13+$0x0] =	vst.idx.add.s32.msk vm12, v4  }
0x6d5: {  	[tilespmem:v11+s13+$0x0] =	vst.idx.add.s32.msk vm14, v4  }
0x6d6: {  	s9 =	simm.s32 $0x0;
	[tilespmem:v10+s13+$0x0] =	vst.idx.add.s32.msk vm4, v4  }
0x6d7: {  	v9 =	vld [tilespmem:s9+$0x100F0]  }
0x6d8: {  	v10 =	vld [tilespmem:s9+$0x101F1]  }
0x6d9: {  	v11 =	vld [tilespmem:s9+$0x102F2]  }
0x6da: {  	v12 =	vld [tilespmem:s9+$0x103F3]  }
0x6db: {  	v13 =	vld [tilespmem:s9+$0x104F4]  }
0x6dc: {  	v14 =	vld [tilespmem:s9+$0x105F5]  }
0x6dd: {  	v15 =	vld [tilespmem:s9+$0x106F6]  }
0x6de: {  	v16 =	vld [tilespmem:s9+$0x107F7]  }
0x6df: {  	v17 =	vld [tilespmem:s9+$0x108F8]  }
0x6e0: {  	v18 =	vld [tilespmem:s9+$0x109F9]  }
0x6e1: {  	v19 =	vld [tilespmem:s9+$0x10AFA]  }
0x6e2: {  	v20 =	vld [tilespmem:s9+$0x10BFB]  }
0x6e3: {  	v21 =	vld [tilespmem:s9+$0x10CFC];
	v9 =	vadd.s32 v9, v10  }
0x6e4: {  	v22 =	vld [tilespmem:s9+$0x10DFD];
	v9 =	vadd.s32 v11, v9  }
0x6e5: {  	v23 =	vld [tilespmem:s9+$0x10EFE];
	v9 =	vadd.s32 v12, v9  }
0x6e6: {  	s20 =	simm.s32 $0xFFFFFFF0;
	v10 =	vld [tilespmem:s9+$0x10FFF];
	v9 =	vadd.s32 v13, v9  }
0x6e7: {  	v11 =	vld [tilespmem:s20+$0x100F0];
	v9 =	vadd.s32 v14, v9  }
0x6e8: {  	v12 =	vld [tilespmem:s20+$0x101F1];
	v9 =	vadd.s32 v15, v9  }
0x6e9: {  	v13 =	vld [tilespmem:s20+$0x102F2];
	v9 =	vadd.s32 v16, v9  }
0x6ea: {  	v14 =	vld [tilespmem:s20+$0x103F3];
	v9 =	vadd.s32 v17, v9  }
0x6eb: {  	v15 =	vld [tilespmem:s20+$0x104F4];
	v9 =	vadd.s32 v18, v9  }
0x6ec: {  	v7 =	vxor.u32 $0x80000000, v7;
	v16 =	vld [tilespmem:s20+$0x105F5];
	v9 =	vadd.s32 v19, v9  }
0x6ed: {  	(xrf0) =	vmax.scan.msk.u32 $0xffff, v7;
	v17 =	vld [tilespmem:s20+$0x106F6];
	v11 =	vadd.s32 v11, v12;
	v9 =	vadd.s32 v20, v9  }
0x6ee: {  	v61 =	vld [tilespmem:s20+$0x107F7];
	v11 =	vadd.s32 v13, v11;
	v9 =	vadd.s32 v21, v9  }
0x6ef: {  	v12 =	vld [tilespmem:s20+$0x108F8];
	v11 =	vadd.s32 v14, v11;
	v9 =	vadd.s32 v22, v9  }
0x6f0: {  	v13 =	vld [tilespmem:s20+$0x109F9];
	v11 =	vadd.s32 v15, v11;
	v9 =	vadd.s32 v23, v9  }
0x6f1: {  	v14 =	vld [tilespmem:s20+$0x10AFA];
	v11 =	vadd.s32 v16, v11;
	v9 =	vadd.s32 v10, v9  }
0x6f2: {  	v15 =	vld [tilespmem:s20+$0x10BFB];
	v10 =	vadd.s32 v17, v11;
	v9 =	vperm.xlane v9, v5  }
0x6f3: {  	v7, _, _ =	vpop (xrf0);
	v16 =	vld [tilespmem:s20+$0x10CFC];
	v10 =	vadd.s32 v61, v10  }
0x6f4: {  	(v2sf) =	vpush v7, $0xF;
	v11 =	vld [tilespmem:s20+$0x10DFD];
	v10 =	vadd.s32 v12, v10;
	(xrf0) =	vadd.scan.msk.s32 $0xffff, v9  }
0x6f5: {  	v17 =	vld [tilespmem:s20+$0x10EFE];
	v9 =	vadd.s32 v13, v10  }
0x6f6: {  	v9 =	vadd.s32 v14, v9  }
0x6f7: {  	v9 =	vadd.s32 v15, v9  }
0x6f8: {  	v9 =	vadd.s32 v16, v9  }
0x6f9: {  	v9 =	vadd.s32 v11, v9  }
0x6fa: {  	p0 =	sgt.s32 s3, $0xFE;
	s3 =	simm.s32 $0xFFFFFFE0;
	v12 =	vld [tilespmem:s20+$0x10FFF];
	v9 =	vadd.s32 v17, v9;
	v17, _, _ =	vpop (xrf0)  }
0x6fb: {  	v10 =	vld [tilespmem:s3+$0x100F0];
	v62 =	vxor.u32 $0x80000000, v17  }
0x6fc: {  	v13 =	vld [tilespmem:s3+$0x101F1];
	(xrf0) =	vmax.scan.msk.u32 $0xffff, v62  }
0x6fd: {  	v14 =	vld [tilespmem:s3+$0x102F2]  }
0x6fe: {  	v15 =	vld [tilespmem:s3+$0x103F3]  }
0x6ff: {  	v11 =	vld [tilespmem:s3+$0x104F4]  }
0x700: {  	v16 =	vld [tilespmem:s3+$0x105F5];
	v9 =	vadd.s32 v12, v9  }
0x701: {  	v10 =	vadd.s32 v10, v13;
	v12 =	vld [tilespmem:s3+$0x106F6];
	v9 =	vperm.xlane v9, v5  }
0x702: {  	v13 =	vld [tilespmem:s3+$0x107F7];
	v10 =	vadd.s32 v14, v10;
	v18, _, _ =	vpop (xrf0)  }
0x703: {  	s1 =	spop (v2sf);
	(xrf0) =	vadd.scan.msk.s32 $0xffff, v9;
	v9 =	vadd.s32 v15, v10;
	(v2sf) =	vpush v18, $0xF  }
0x704: {  	s6 =	simm.s32 $0x0;
	v9 =	vadd.s32 v11, v9  }
0x705: {  	v14 =	vld [tilespmem:s3+$0x108F8];
	v10 =	vadd.s32 s6, v17;
	v9 =	vadd.s32 v16, v9  }
0x706: {  	s1 =	sxor.u32 $0x80000000, s1;
	v15 =	vld [tilespmem:s3+$0x109F9];
	v11 =	vperm.xlane v10, v5;
	v9 =	vadd.s32 v12, v9  }
0x707: {  	s1 =	simm.s32 @p0 $0x0;
	v17 =	vld [tilespmem:s3+$0x10AFA];
	v9 =	vadd.s32 v13, v9  }
0x708: {  	s0 =	ssub.s32 s0, s1;
	v16 =	vld [tilespmem:s3+$0x10BFB];
	[tilespmem:s9+$0x11170] =	vst v11  }
0x709: {  	v7 =	vmov s0;
	v10 =	vld [tilespmem:s3+$0x10CFC]  }
0x70a: {  	vm15 =	vge.s32 v11, v7;
	v12 =	vld [tilespmem:s3+$0x10DFD];
	v11 =	vadd.s32 v14, v9;
	v9, _, _ =	vpop (xrf0)  }
0x70b: {  	v63 =	vmpcnt.ones.xlane vm15;
	v13 =	vld [tilespmem:s3+$0x10EFE];
	v11 =	vadd.s32 v15, v11;
	v15 =	vxor.u32 $0x80000000, v9  }
0x70c: {  	v8 =	vimm.s32 $0x0;
	s9 =	simm.s32 $0xFFFFFFD0;
	v14 =	vld [tilespmem:s3+$0x10FFF];
	v17 =	vadd.s32 v17, v11;
	(xrf0) =	vmax.scan.msk.u32 $0xffff, v15  }
0x70d: {  	s10 =	simm.s32 $0xFFFFFF00;
	v8 =	vadd.s32 v8, v63;
	v11 =	vld [tilespmem:s9+$0x100F0];
	v15 =	vadd.s32 v16, v17  }
.LBB2_28:
0x70e: {  	p0 =	sne.s32 s10, $0xFFFFFC40;
	v16 =	vld [tilespmem:s9+$0x101F1];
	v10 =	vadd.s32 v10, v15  }
0x70f: {  	v15 =	vld [tilespmem:s9+$0x102F2];
	v10 =	vadd.s32 v12, v10  }
0x710: {  	v12 =	vld [tilespmem:s9+$0x103F3];
	v10 =	vadd.s32 v13, v10  }
0x711: {  	v13 =	vld [tilespmem:s9+$0x104F4];
	v10 =	vadd.s32 v14, v10  }
0x712: {  	v14 =	vld [tilespmem:s9+$0x105F5];
	v10 =	vperm.xlane v10, v5;
	v17, _, _ =	vpop (xrf0);
	s1 =	spop (v2sf)  }
0x713: {  	v11 =	vadd.s32 v11, v16;
	v16 =	vld [tilespmem:s9+$0x106F6];
	(v2sf) =	vpush v17, $0xF;
	s1 =	sadd.s32 s1, s6  }
0x714: {  	v11 =	vadd.s32 v15, v11;
	v15 =	vld [tilespmem:s9+$0x107F7];
	(xrf0) =	vadd.scan.msk.s32 $0xffff, v10;
	s6 =	sadd.s32 $0x80000000, s1  }
0x715: {  	v10 =	vadd.s32 v12, v11;
	v11 =	vld [tilespmem:s9+$0x108F8];
	v9 =	vadd.s32 s6, v9  }
0x716: {  	v10 =	vadd.s32 v13, v10;
	v13 =	vld [tilespmem:s9+$0x109F9];
	v9 =	vperm.xlane v9, v5  }
0x717: {  	v10 =	vadd.s32 v14, v10;
	v14 =	vld [tilespmem:s9+$0x10AFA]  }
0x718: {  	v10 =	vadd.s32 v16, v10;
	v16 =	vld [tilespmem:s9+$0x10BFB];
	[tilespmem:s20+$0x11170] =	vst v9;
	vm0 =	vge.s32 v9, v7;
	s20 =	smov.u32 s3;
	s3 =	smov.u32 s9  }
.Ltmp47:
0x719: {  	v17 =	vadd.s32 v15, v10;
	v10 =	vld [tilespmem:s3+$0x10CFC];
	v15 =	vmpcnt.ones.xlane vm0;
	(pc) =	sbr.rel @p0 .LBB2_28-.Ltmp47, $4  }
0x71a: {  	v11 =	vadd.s32 v11, v17;
	v12 =	vld [tilespmem:s3+$0x10DFD];
	v9, _, _ =	vpop (xrf0)  }
0x71b: {  	v11 =	vadd.s32 v13, v11;
	v13 =	vld [tilespmem:s3+$0x10EFE];
	v17 =	vxor.u32 $0x80000000, v9;
	v8 =	vadd.s32 v8, v15  }
0x71c: {  	s9 =	sshra.s32 s10, $0x2;
	v15 =	vadd.s32 v14, v11;
	v14 =	vld [tilespmem:s3+$0x10FFF];
	(xrf0) =	vmax.scan.msk.u32 $0xffff, v17  }
0x71d: {  	s10 =	sadd.s32 $0xFFFFFFC0, s10;
	v11 =	vld [tilespmem:s9+$0x100F0];
	v15 =	vadd.s32 v16, v15  }
0x71e: {  	v10 =	vadd.s32 v10, v15  }
0x71f: {  	v10 =	vadd.s32 v12, v10  }
0x720: {  	v10 =	vadd.s32 v13, v10  }
0x721: {  	v10 =	vadd.s32 v14, v10  }
0x722: {  	v10 =	vperm.xlane v10, v5;
	_ =	sdelay $0x1  }
0x723: {  	(xrf0) =	vadd.scan.msk.s32 $0xffff, v10;
	_ =	sdelay $0x3  }
0x724: {  	v42 =	vld [tilespmem:s9+$0x101F1]  }
0x725: {  	v43 =	vld [tilespmem:s9+$0x102F2];
	v45, _, _ =	vpop (xrf0)  }
0x726: {  	v44 =	vld [tilespmem:s9+$0x103F3];
	v16, _, _ =	vpop (xrf0)  }
0x727: {  	v46 =	vld [tilespmem:s9+$0x104F4];
	v18 =	vxor.u32 $0x80000000, v16  }
0x728: {  	v17 =	vld [tilespmem:s9+$0x105F5];
	s1 =	spop (v2sf);
	(xrf0) =	vmax.scan.msk.u32 $0xffff, v18  }
0x729: {  	v47 =	vld [tilespmem:s9+$0x106F6];
	s1 =	sadd.s32 s1, s6;
	v10 =	vadd.s32 v11, v42  }
0x72a: {  	v48 =	vld [tilespmem:s9+$0x107F7];
	s1 =	sadd.s32 $0x80000000, s1;
	v10 =	vadd.s32 v43, v10  }
0x72b: {  	v49 =	vld [tilespmem:s9+$0x108F8];
	v9 =	vadd.s32 s1, v9;
	v10 =	vadd.s32 v44, v10  }
0x72c: {  	v50 =	vld [tilespmem:s9+$0x109F9];
	v9 =	vperm.xlane v9, v5;
	v10 =	vadd.s32 v46, v10  }
0x72d: {  	v51 =	vld [tilespmem:s9+$0x10AFA];
	(v2sf) =	vpush v45, $0xF;
	v10 =	vadd.s32 v17, v10  }
0x72e: {  	v52 =	vld [tilespmem:s9+$0x10BFB];
	[tilespmem:s20+$0x11170] =	vst v9;
	v10 =	vadd.s32 v47, v10;
	v53, _, _ =	vpop (xrf0)  }
0x72f: {  	v54 =	vld [tilespmem:s9+$0x10CFC];
	v10 =	vadd.s32 v48, v10;
	(v2sf) =	vpush v53, $0xF  }
0x730: {  	v55 =	vld [tilespmem:s9+$0x10DFD];
	v10 =	vadd.s32 v49, v10  }
0x731: {  	v56 =	vld [tilespmem:s9+$0x10EFE];
	v10 =	vadd.s32 v50, v10  }
0x732: {  	v57 =	vld [tilespmem:s9+$0x10FFF];
	v10 =	vadd.s32 v51, v10  }
0x733: {  	v10 =	vadd.s32 v52, v10  }
0x734: {  	v10 =	vadd.s32 v54, v10  }
0x735: {  	v10 =	vadd.s32 v55, v10  }
0x736: {  	v10 =	vadd.s32 v56, v10  }
0x737: {  	v10 =	vadd.s32 v57, v10  }
0x738: {  	v10 =	vperm.xlane v10, v5;
	_ =	sdelay $0x1  }
0x739: {  	(xrf0) =	vadd.scan.msk.s32 $0xffff, v10;
	_ =	sdelay $0x1  }
0x73a: {  	s5 =	spop (v2sf)  }
0x73b: {  	s1 =	sadd.s32 s5, s1  }
0x73c: {  	s1 =	sadd.s32 $0x80000000, s1;
	s29 =	spop (v2sf)  }
0x73d: {  	s5 =	sadd.s32 s29, s1  }
0x73e: {  	v58 =	vadd.s32 s1, v16;
	v59, _, _ =	vpop (xrf0);
	s30 =	sadd.s32 $0x80000000, s5  }
0x73f: {  	v10 =	vperm.xlane v58, v5;
	v60 =	vadd.s32 s30, v59  }
0x740: {  	vm0 =	vge.s32 v9, v7;
	v61 =	vperm.xlane v60, v5  }
0x741: {  	v62 =	vmpcnt.ones.xlane vm0;
	vm14 =	vge.s32 v10, v7  }
0x742: {  	v63 =	vmpcnt.ones.xlane vm14;
	vm15 =	vge.s32 v61, v7  }
0x743: {  	v7 =	vadd.s32 v8, v62;
	v8 =	vmpcnt.ones.xlane vm15  }
0x744: {  	v7 =	vadd.s32 v7, v63  }
0x745: {  	v11 =	vxor.u32 $0x80000000, v59;
	v7 =	vadd.s32 v7, v8  }
0x746: {  	(xrf0) =	vmax.scan.msk.u32 $0xffff, v11;
	v7 =	vxor.u32 $0x80000000, v7  }
0x747: {  	(xrf0) =	vmax.scan.msk.u32 $0xffff, v7;
	_ =	sdelay $0x4  }
0x748: {  	v7, _, _ =	vpop (xrf0)  }
0x749: {  	(v2sf) =	vpush v7, $0xF;
	v7, _, _ =	vpop (xrf0)  }
0x74a: {  	(v2sf) =	vpush v7, $0xF;
	_ =	sdelay $0xd  }
0x74b: {  	s31 =	spop (v2sf)  }
0x74c: {  	s1 =	spop (v2sf)  }
0x74d: {  	s5 =	sxor.u32 $0x80000000, s1  }
0x74e: {  	p0 =	slt.s32 s5, $0xFF  }
0x74f: {  	s5 =	simm.s32 @!p0 $0xFF  }
0x750: {  	v7 =	vmov s5;
	_ =	sdelay $0x2  }
0x751: {  	[tilespmem:s3+$0x11170] =	vst v10  }
0x752: {  	[tilespmem:s9+$0x11170] =	vst v61;
	s5 =	simm.s32 $0x10040  }
0x753: {  	v7 =	vld.idx.msk [tilespmem:v7+s14+$0x0], $0xffff;
	[tilespmem:s5+$0xFFFFFFC0] =	vst v2  }
0x754: {  	[tilespmem:s5+$0x30] =	vst v2  }
0x755: {  	[tilespmem:s5+$0x20] =	vst v2  }
0x756: {  	[tilespmem:s5+$0x10] =	vst v2  }
0x757: {  	[tilespmem:s5+$0x0] =	vst v2  }
0x758: {  	[tilespmem:s5+$0xFFFFFFF0] =	vst v2  }
0x759: {  	s6 =	simm.s32 $0x0;
	s3 =	sadd.s32 $0x7FFFFFFF, s1;
	[tilespmem:s5+$0xFFFFFFE0] =	vst v2  }
.LBB2_30:
0x75a: {  	s6 =	sadd.s32 $0x8, s6;
	[tilespmem:s5+$0xFFFFFFD0] =	vst v2;
	s5 =	sadd.s32 $0x80, s5  }
0x75b: {  	[tilespmem:s5+$0xFFFFFFC0] =	vst v2;
	p0 =	slt.u32 s6, $0x100  }
0x75c: {  	[tilespmem:s5+$0x30] =	vst v2  }
.Ltmp48:
0x75d: {  	[tilespmem:s5+$0x20] =	vst v2;
	(pc) =	sbr.rel @p0 .LBB2_30-.Ltmp48, $4  }
0x75e: {  	[tilespmem:s5+$0x10] =	vst v2  }
0x75f: {  	[tilespmem:s5+$0x0] =	vst v2  }
0x760: {  	[tilespmem:s5+$0xFFFFFFF0] =	vst v2  }
0x761: {  	[tilespmem:s5+$0xFFFFFFE0] =	vst v2  }
0x762: {  	[tilespmem:s5+$0xFFFFFFD0] =	vst v2;
	s31 =	simm.s32 $0x40  }
0x763: {  	v10 =	vld [tilespmem:s31+$0x30]  }
0x764: {  	v11 =	vld [tilespmem:s31+$0xFFFFFFD0]  }
0x765: {  	v12 =	vld [tilespmem:s31+$0xFFFFFFE0]  }
0x766: {  	v14 =	vld [tilespmem:s31+$0x0]  }
0x767: {  	v15 =	vld [tilespmem:s31+$0x10]  }
0x768: {  	s1 =	sshll.u32 s3, $0x8;
	v18 =	vld [tilespmem:s31+$0x20]  }
0x769: {  	s26 =	sadd.s32 s26, s1;
	v19 =	vld [tilespmem:s31+$0xFFFFFFC0]  }
0x76a: {  	s1 =	sadd.s32 $0x100, s26  }
0x76b: {  	v13 =	vld [tilespmem:s31+$0xFFFFFFF0];
	v8 =	vmov s26;
	v9 =	vmov s1  }
0x76c: {  	v16 =	vshra.s32 v10, $0x1F;
	v17 =	vshra.s32 v11, $0x1F;
	v20 =	vshra.s32 v12, $0x1F  }
0x76d: {  	v21 =	vshra.s32 v14, $0x1F;
	v22 =	vshra.s32 v15, $0x1F;
	v62 =	vshra.s32 v18, $0x1F  }
0x76e: {  	v24 =	vshra.s32 v19, $0x1F;
	v16 =	vor.u32 $0x80000000, v16;
	v17 =	vor.u32 $0x80000000, v17  }
0x76f: {  	v20 =	vor.u32 $0x80000000, v20;
	v22 =	vor.u32 $0x80000000, v22;
	v24 =	vor.u32 $0x80000000, v24  }
0x770: {  	v10 =	vxor.u32 v10, v16;
	v16 =	vshra.s32 v13, $0x1F;
	v17 =	vxor.u32 v11, v17  }
0x771: {  	v20 =	vxor.u32 v12, v20;
	v19 =	vxor.u32 v19, v24;
	v12 =	vxor.u32 v15, v22  }
0x772: {  	vm0 =	vge.u32 v10, v8;
	vm1 =	vlt.u32 v10, v9;
	v10 =	vand.u32 $0xFF, v10  }
0x773: {  	vm3 =	vge.u32 v19, v8;
	vm9 =	vlt.u32 v19, v9;
	vm4 =	vlt.u32 v17, v9  }
0x774: {  	vm2 =	vge.u32 v20, v8;
	vm6 =	vlt.u32 v20, v9;
	vm8 =	vge.u32 v12, v8  }
0x775: {  	vm12 =	vlt.u32 v12, v9;
	vm0 =	vmand vm0, vm1;
	v23 =	vadd.s32 v3, v10  }
0x776: {  	v10 =	vor.u32 $0x80000000, v16;
	v16 =	vor.u32 $0x80000000, v21;
	v21 =	vor.u32 $0x80000000, v62  }
0x777: {  	vm1 =	vge.u32 v17, v8;
	v63 =	vxor.u32 v13, v10;
	v14 =	vxor.u32 v14, v16  }
0x778: {  	v10 =	vand.u32 $0xFF, v19;
	v11 =	vxor.u32 v18, v21;
	v13 =	vand.u32 $0xFF, v17  }
0x779: {  	v16 =	vand.u32 $0xFF, v20;
	vm7 =	vge.u32 v63, v8;
	vm10 =	vlt.u32 v63, v9  }
0x77a: {  	vm5 =	vge.u32 v14, v8;
	vm11 =	vlt.u32 v14, v9;
	vm13 =	vge.u32 v11, v8  }
0x77b: {  	s6 =	simm.s32 $0x0;
	s9 =	simm.s32 $0xC0;
	vm14 =	vlt.u32 v11, v9;
	v15 =	vand.u32 $0xFF, v63;
	v14 =	vand.u32 $0xFF, v14;
	[tilespmem:v23+s13+$0x0] =	vst.idx.add.s32.msk vm0, v4  }
.LBB2_32:
0x77c: {  	v17 =	vld [tilespmem:s9+$0x30];
	s6 =	sadd.s32 $0x8, s6;
	vm9 =	vmand vm3, vm9;
	v12 =	vand.u32 $0xFF, v12;
	v11 =	vand.u32 $0xFF, v11  }
0x77d: {  	vm15 =	vmand vm1, vm4;
	vm4 =	vmand vm2, vm6;
	vm3 =	vmand vm7, vm10;
	v18 =	vld [tilespmem:s9+$0xFFFFFFD0];
	p0 =	slt.u32 s6, $0xFF8  }
0x77e: {  	vm2 =	vmand vm5, vm11;
	vm1 =	vmand vm8, vm12;
	vm0 =	vmand vm13, vm14;
	v19 =	vld [tilespmem:s9+$0xFFFFFFE0]  }
0x77f: {  	v10 =	vadd.s32 v3, v10;
	v13 =	vadd.s32 v3, v13;
	v16 =	vadd.s32 v3, v16;
	v20 =	vld [tilespmem:s9+$0xFFFFFFF0]  }
0x780: {  	v15 =	vadd.s32 v3, v15;
	v14 =	vadd.s32 v3, v14;
	v12 =	vadd.s32 v3, v12;
	v21 =	vld [tilespmem:s9+$0x0]  }
0x781: {  	v24 =	vadd.s32 v3, v11;
	v22 =	vld [tilespmem:s9+$0x10];
	v23 =	vshra.s32 v17, $0x1F  }
0x782: {  	v11 =	vshra.s32 v18, $0x1F;
	v25 =	vld [tilespmem:s9+$0x20];
	v23 =	vor.u32 $0x80000000, v23  }
0x783: {  	v26 =	vld [tilespmem:s9+$0xFFFFFFC0];
	v11 =	vor.u32 $0x80000000, v11;
	v27 =	vshra.s32 v19, $0x1F;
	v17 =	vxor.u32 v17, v23  }
0x784: {  	v23 =	vshra.s32 v20, $0x1F;
	vm5 =	vge.u32 v17, v8;
	vm6 =	vlt.u32 v17, v9;
	[tilespmem:v10+s13+$0x0] =	vst.idx.add.s32.msk vm9, v4  }
0x785: {  	v17 =	vand.u32 $0xFF, v17;
	v10 =	vshra.s32 v21, $0x1F;
	vm5 =	vmand vm5, vm6;
	[tilespmem:v13+s13+$0x0] =	vst.idx.add.s32.msk vm15, v4  }
0x786: {  	v13 =	vor.u32 $0x80000000, v27;
	v17 =	vadd.s32 v3, v17;
	v27 =	vshra.s32 v22, $0x1F;
	[tilespmem:v16+s13+$0x0] =	vst.idx.add.s32.msk vm4, v4  }
0x787: {  	v16 =	vor.u32 $0x80000000, v23;
	v10 =	vor.u32 $0x80000000, v10;
	v23 =	vshra.s32 v25, $0x1F;
	[tilespmem:v15+s13+$0x0] =	vst.idx.add.s32.msk vm3, v4  }
0x788: {  	v27 =	vor.u32 $0x80000000, v27;
	v15 =	vshra.s32 v26, $0x1F;
	v23 =	vor.u32 $0x80000000, v23;
	[tilespmem:v14+s13+$0x0] =	vst.idx.add.s32.msk vm2, v4  }
0x789: {  	v14 =	vor.u32 $0x80000000, v15;
	v15 =	vxor.u32 v18, v11;
	v18 =	vxor.u32 v19, v13;
	[tilespmem:v12+s13+$0x0] =	vst.idx.add.s32.msk vm1, v4  }
0x78a: {  	v19 =	vxor.u32 v21, v10;
	v13 =	vxor.u32 v26, v14;
	v14 =	vxor.u32 v20, v16  }
0x78b: {  	v12 =	vxor.u32 v22, v27;
	v11 =	vxor.u32 v25, v23;
	v10 =	vand.u32 $0xFF, v13;
	[tilespmem:v17+s13+$0x0] =	vst.idx.add.s32.msk vm5, v4  }
0x78c: {  	vm1 =	vge.u32 v15, v8;
	vm3 =	vge.u32 v13, v8;
	vm9 =	vlt.u32 v13, v9  }
.Ltmp49:
0x78d: {  	vm4 =	vlt.u32 v15, v9;
	vm2 =	vge.u32 v18, v8;
	vm6 =	vlt.u32 v18, v9;
	(pc) =	sbr.rel @p0 .LBB2_32-.Ltmp49, $4  }
0x78e: {  	vm7 =	vge.u32 v14, v8;
	vm10 =	vlt.u32 v14, v9;
	vm5 =	vge.u32 v19, v8  }
0x78f: {  	vm11 =	vlt.u32 v19, v9;
	vm8 =	vge.u32 v12, v8;
	vm12 =	vlt.u32 v12, v9  }
0x790: {  	vm13 =	vge.u32 v11, v8;
	vm14 =	vlt.u32 v11, v9;
	v13 =	vand.u32 $0xFF, v15;
	[tilespmem:v24+s13+$0x0] =	vst.idx.add.s32.msk vm0, v4  }
0x791: {  	s9 =	sadd.s32 $0x80, s9;
	v16 =	vand.u32 $0xFF, v18;
	v15 =	vand.u32 $0xFF, v14;
	v14 =	vand.u32 $0xFF, v19  }
0x792: {  	vm0 =	vmand vm3, vm9  }
0x793: {  	vm1 =	vmand vm1, vm4;
	v8 =	vadd.s32 v3, v10  }
0x794: {  	vm2 =	vmand vm2, vm6;
	v9 =	vadd.s32 v3, v13  }
0x795: {  	vm10 =	vmand vm7, vm10;
	v10 =	vadd.s32 v3, v16  }
0x796: {  	vm11 =	vmand vm5, vm11;
	v13 =	vadd.s32 v3, v15  }
0x797: {  	v12 =	vand.u32 $0xFF, v12;
	vm12 =	vmand vm8, vm12;
	v14 =	vadd.s32 v3, v14  }
0x798: {  	v11 =	vand.u32 $0xFF, v11;
	vm14 =	vmand vm13, vm14;
	v12 =	vadd.s32 v3, v12;
	[tilespmem:v8+s13+$0x0] =	vst.idx.add.s32.msk vm0, v4  }
0x799: {  	v8 =	vadd.s32 v3, v11;
	[tilespmem:v9+s13+$0x0] =	vst.idx.add.s32.msk vm1, v4  }
0x79a: {  	[tilespmem:v10+s13+$0x0] =	vst.idx.add.s32.msk vm2, v4  }
0x79b: {  	[tilespmem:v13+s13+$0x0] =	vst.idx.add.s32.msk vm10, v4  }
0x79c: {  	[tilespmem:v14+s13+$0x0] =	vst.idx.add.s32.msk vm11, v4  }
0x79d: {  	[tilespmem:v12+s13+$0x0] =	vst.idx.add.s32.msk vm12, v4  }
0x79e: {  	s9 =	simm.s32 $0x0;
	[tilespmem:v8+s13+$0x0] =	vst.idx.add.s32.msk vm14, v4  }
0x79f: {  	v9 =	vld [tilespmem:s9+$0x100F0]  }
0x7a0: {  	v10 =	vld [tilespmem:s9+$0x101F1]  }
0x7a1: {  	v11 =	vld [tilespmem:s9+$0x102F2]  }
0x7a2: {  	v12 =	vld [tilespmem:s9+$0x103F3]  }
0x7a3: {  	v13 =	vld [tilespmem:s9+$0x104F4]  }
0x7a4: {  	v14 =	vld [tilespmem:s9+$0x105F5]  }
0x7a5: {  	v15 =	vld [tilespmem:s9+$0x106F6]  }
0x7a6: {  	v16 =	vld [tilespmem:s9+$0x107F7]  }
0x7a7: {  	v17 =	vld [tilespmem:s9+$0x108F8]  }
0x7a8: {  	v18 =	vld [tilespmem:s9+$0x109F9]  }
0x7a9: {  	v19 =	vld [tilespmem:s9+$0x10AFA]  }
0x7aa: {  	v20 =	vld [tilespmem:s9+$0x10BFB]  }
0x7ab: {  	v21 =	vld [tilespmem:s9+$0x10CFC];
	v9 =	vadd.s32 v9, v10  }
0x7ac: {  	v22 =	vld [tilespmem:s9+$0x10DFD];
	v9 =	vadd.s32 v11, v9  }
0x7ad: {  	v23 =	vld [tilespmem:s9+$0x10EFE];
	v9 =	vadd.s32 v12, v9  }
0x7ae: {  	s20 =	simm.s32 $0xFFFFFFF0;
	v10 =	vld [tilespmem:s9+$0x10FFF];
	v9 =	vadd.s32 v13, v9  }
0x7af: {  	v11 =	vld [tilespmem:s20+$0x100F0];
	v9 =	vadd.s32 v14, v9  }
0x7b0: {  	v12 =	vld [tilespmem:s20+$0x101F1];
	v9 =	vadd.s32 v15, v9  }
0x7b1: {  	v13 =	vld [tilespmem:s20+$0x102F2];
	v9 =	vadd.s32 v16, v9  }
0x7b2: {  	v14 =	vld [tilespmem:s20+$0x103F3];
	v9 =	vadd.s32 v17, v9  }
0x7b3: {  	v15 =	vld [tilespmem:s20+$0x104F4];
	v9 =	vadd.s32 v18, v9  }
0x7b4: {  	v7 =	vxor.u32 $0x80000000, v7;
	v16 =	vld [tilespmem:s20+$0x105F5];
	v9 =	vadd.s32 v19, v9  }
0x7b5: {  	(xrf0) =	vmax.scan.msk.u32 $0xffff, v7;
	v17 =	vld [tilespmem:s20+$0x106F6];
	v11 =	vadd.s32 v11, v12;
	v9 =	vadd.s32 v20, v9  }
0x7b6: {  	v61 =	vld [tilespmem:s20+$0x107F7];
	v11 =	vadd.s32 v13, v11;
	v9 =	vadd.s32 v21, v9  }
0x7b7: {  	v12 =	vld [tilespmem:s20+$0x108F8];
	v11 =	vadd.s32 v14, v11;
	v9 =	vadd.s32 v22, v9  }
0x7b8: {  	v13 =	vld [tilespmem:s20+$0x109F9];
	v11 =	vadd.s32 v15, v11;
	v9 =	vadd.s32 v23, v9  }
0x7b9: {  	v14 =	vld [tilespmem:s20+$0x10AFA];
	v11 =	vadd.s32 v16, v11;
	v9 =	vadd.s32 v10, v9  }
0x7ba: {  	v15 =	vld [tilespmem:s20+$0x10BFB];
	v10 =	vadd.s32 v17, v11;
	v9 =	vperm.xlane v9, v5  }
0x7bb: {  	v7, _, _ =	vpop (xrf0);
	v16 =	vld [tilespmem:s20+$0x10CFC];
	v10 =	vadd.s32 v61, v10  }
0x7bc: {  	(v2sf) =	vpush v7, $0xF;
	v11 =	vld [tilespmem:s20+$0x10DFD];
	v10 =	vadd.s32 v12, v10;
	(xrf0) =	vadd.scan.msk.s32 $0xffff, v9  }
0x7bd: {  	v17 =	vld [tilespmem:s20+$0x10EFE];
	v9 =	vadd.s32 v13, v10  }
0x7be: {  	v9 =	vadd.s32 v14, v9  }
0x7bf: {  	v9 =	vadd.s32 v15, v9  }
0x7c0: {  	v9 =	vadd.s32 v16, v9  }
0x7c1: {  	v9 =	vadd.s32 v11, v9  }
0x7c2: {  	p0 =	sgt.s32 s3, $0xFE;
	s3 =	simm.s32 $0xFFFFFFE0;
	v12 =	vld [tilespmem:s20+$0x10FFF];
	v9 =	vadd.s32 v17, v9;
	v17, _, _ =	vpop (xrf0)  }
0x7c3: {  	v10 =	vld [tilespmem:s3+$0x100F0];
	v62 =	vxor.u32 $0x80000000, v17  }
0x7c4: {  	v13 =	vld [tilespmem:s3+$0x101F1];
	(xrf0) =	vmax.scan.msk.u32 $0xffff, v62  }
0x7c5: {  	v14 =	vld [tilespmem:s3+$0x102F2]  }
0x7c6: {  	v15 =	vld [tilespmem:s3+$0x103F3]  }
0x7c7: {  	v11 =	vld [tilespmem:s3+$0x104F4]  }
0x7c8: {  	v16 =	vld [tilespmem:s3+$0x105F5];
	v9 =	vadd.s32 v12, v9  }
0x7c9: {  	v10 =	vadd.s32 v10, v13;
	v12 =	vld [tilespmem:s3+$0x106F6];
	v9 =	vperm.xlane v9, v5  }
0x7ca: {  	v13 =	vld [tilespmem:s3+$0x107F7];
	v10 =	vadd.s32 v14, v10;
	v18, _, _ =	vpop (xrf0)  }
0x7cb: {  	s1 =	spop (v2sf);
	(xrf0) =	vadd.scan.msk.s32 $0xffff, v9;
	v9 =	vadd.s32 v15, v10;
	(v2sf) =	vpush v18, $0xF  }
0x7cc: {  	s6 =	simm.s32 $0x0;
	v9 =	vadd.s32 v11, v9  }
0x7cd: {  	v14 =	vld [tilespmem:s3+$0x108F8];
	v10 =	vadd.s32 s6, v17;
	v9 =	vadd.s32 v16, v9  }
0x7ce: {  	s1 =	sxor.u32 $0x80000000, s1;
	v15 =	vld [tilespmem:s3+$0x109F9];
	v11 =	vperm.xlane v10, v5;
	v9 =	vadd.s32 v12, v9  }
0x7cf: {  	s1 =	simm.s32 @p0 $0x0;
	v17 =	vld [tilespmem:s3+$0x10AFA];
	v9 =	vadd.s32 v13, v9  }
0x7d0: {  	s0 =	ssub.s32 s0, s1;
	v16 =	vld [tilespmem:s3+$0x10BFB];
	[tilespmem:s9+$0x11170] =	vst v11  }
0x7d1: {  	v7 =	vmov s0;
	v10 =	vld [tilespmem:s3+$0x10CFC]  }
0x7d2: {  	vm15 =	vge.s32 v11, v7;
	v12 =	vld [tilespmem:s3+$0x10DFD];
	v11 =	vadd.s32 v14, v9;
	v9, _, _ =	vpop (xrf0)  }
0x7d3: {  	v63 =	vmpcnt.ones.xlane vm15;
	v13 =	vld [tilespmem:s3+$0x10EFE];
	v11 =	vadd.s32 v15, v11;
	v15 =	vxor.u32 $0x80000000, v9  }
0x7d4: {  	v8 =	vimm.s32 $0x0;
	s9 =	simm.s32 $0xFFFFFFD0;
	v14 =	vld [tilespmem:s3+$0x10FFF];
	v17 =	vadd.s32 v17, v11;
	(xrf0) =	vmax.scan.msk.u32 $0xffff, v15  }
0x7d5: {  	s10 =	simm.s32 $0xFFFFFF00;
	v8 =	vadd.s32 v8, v63;
	v11 =	vld [tilespmem:s9+$0x100F0];
	v15 =	vadd.s32 v16, v17  }
.LBB2_34:
0x7d6: {  	p0 =	sne.s32 s10, $0xFFFFFC40;
	v16 =	vld [tilespmem:s9+$0x101F1];
	v10 =	vadd.s32 v10, v15  }
0x7d7: {  	v15 =	vld [tilespmem:s9+$0x102F2];
	v10 =	vadd.s32 v12, v10  }
0x7d8: {  	v12 =	vld [tilespmem:s9+$0x103F3];
	v10 =	vadd.s32 v13, v10  }
0x7d9: {  	v13 =	vld [tilespmem:s9+$0x104F4];
	v10 =	vadd.s32 v14, v10  }
0x7da: {  	v14 =	vld [tilespmem:s9+$0x105F5];
	v10 =	vperm.xlane v10, v5;
	v17, _, _ =	vpop (xrf0);
	s1 =	spop (v2sf)  }
0x7db: {  	v11 =	vadd.s32 v11, v16;
	v16 =	vld [tilespmem:s9+$0x106F6];
	(v2sf) =	vpush v17, $0xF;
	s1 =	sadd.s32 s1, s6  }
0x7dc: {  	v11 =	vadd.s32 v15, v11;
	v15 =	vld [tilespmem:s9+$0x107F7];
	(xrf0) =	vadd.scan.msk.s32 $0xffff, v10;
	s6 =	sadd.s32 $0x80000000, s1  }
0x7dd: {  	v10 =	vadd.s32 v12, v11;
	v11 =	vld [tilespmem:s9+$0x108F8];
	v9 =	vadd.s32 s6, v9  }
0x7de: {  	v10 =	vadd.s32 v13, v10;
	v13 =	vld [tilespmem:s9+$0x109F9];
	v9 =	vperm.xlane v9, v5  }
0x7df: {  	v10 =	vadd.s32 v14, v10;
	v14 =	vld [tilespmem:s9+$0x10AFA]  }
0x7e0: {  	v10 =	vadd.s32 v16, v10;
	v16 =	vld [tilespmem:s9+$0x10BFB];
	[tilespmem:s20+$0x11170] =	vst v9;
	vm0 =	vge.s32 v9, v7;
	s20 =	smov.u32 s3;
	s3 =	smov.u32 s9  }
.Ltmp50:
0x7e1: {  	v17 =	vadd.s32 v15, v10;
	v10 =	vld [tilespmem:s3+$0x10CFC];
	v15 =	vmpcnt.ones.xlane vm0;
	(pc) =	sbr.rel @p0 .LBB2_34-.Ltmp50, $4  }
0x7e2: {  	v11 =	vadd.s32 v11, v17;
	v12 =	vld [tilespmem:s3+$0x10DFD];
	v9, _, _ =	vpop (xrf0)  }
0x7e3: {  	v11 =	vadd.s32 v13, v11;
	v13 =	vld [tilespmem:s3+$0x10EFE];
	v17 =	vxor.u32 $0x80000000, v9;
	v8 =	vadd.s32 v8, v15  }
0x7e4: {  	s9 =	sshra.s32 s10, $0x2;
	v15 =	vadd.s32 v14, v11;
	v14 =	vld [tilespmem:s3+$0x10FFF];
	(xrf0) =	vmax.scan.msk.u32 $0xffff, v17  }
0x7e5: {  	s10 =	sadd.s32 $0xFFFFFFC0, s10;
	v11 =	vld [tilespmem:s9+$0x100F0];
	v15 =	vadd.s32 v16, v15  }
0x7e6: {  	v10 =	vadd.s32 v10, v15  }
0x7e7: {  	v10 =	vadd.s32 v12, v10  }
0x7e8: {  	v10 =	vadd.s32 v13, v10  }
0x7e9: {  	v10 =	vadd.s32 v14, v10  }
0x7ea: {  	v10 =	vperm.xlane v10, v5;
	_ =	sdelay $0x1  }
0x7eb: {  	(xrf0) =	vadd.scan.msk.s32 $0xffff, v10;
	_ =	sdelay $0x3  }
0x7ec: {  	v10 =	vld [tilespmem:s9+$0x101F1]  }
0x7ed: {  	v12 =	vld [tilespmem:s9+$0x102F2];
	v14, _, _ =	vpop (xrf0)  }
0x7ee: {  	v13 =	vld [tilespmem:s9+$0x103F3];
	v16, _, _ =	vpop (xrf0)  }
0x7ef: {  	v15 =	vld [tilespmem:s9+$0x104F4];
	v18 =	vxor.u32 $0x80000000, v16  }
0x7f0: {  	v17 =	vld [tilespmem:s9+$0x105F5];
	s1 =	spop (v2sf);
	(xrf0) =	vmax.scan.msk.u32 $0xffff, v18  }
0x7f1: {  	v19 =	vld [tilespmem:s9+$0x106F6];
	s1 =	sadd.s32 s1, s6;
	v10 =	vadd.s32 v11, v10  }
0x7f2: {  	s1 =	sadd.s32 $0x80000000, s1;
	v11 =	vld [tilespmem:s9+$0x107F7];
	v10 =	vadd.s32 v12, v10  }
0x7f3: {  	v9 =	vadd.s32 s1, v9;
	v12 =	vld [tilespmem:s9+$0x108F8];
	v10 =	vadd.s32 v13, v10  }
0x7f4: {  	v9 =	vperm.xlane v9, v5;
	v13 =	vld [tilespmem:s9+$0x109F9];
	v10 =	vadd.s32 v15, v10  }
0x7f5: {  	(v2sf) =	vpush v14, $0xF;
	v15 =	vld [tilespmem:s9+$0x10AFA];
	v10 =	vadd.s32 v17, v10  }
0x7f6: {  	v14 =	vld [tilespmem:s9+$0x10BFB];
	[tilespmem:s20+$0x11170] =	vst v9;
	v10 =	vadd.s32 v19, v10;
	v17, _, _ =	vpop (xrf0)  }
0x7f7: {  	v10 =	vadd.s32 v11, v10;
	v11 =	vld [tilespmem:s9+$0x10CFC];
	(v2sf) =	vpush v17, $0xF  }
0x7f8: {  	v10 =	vadd.s32 v12, v10;
	v12 =	vld [tilespmem:s9+$0x10DFD]  }
0x7f9: {  	v10 =	vadd.s32 v13, v10;
	v13 =	vld [tilespmem:s9+$0x10EFE]  }
0x7fa: {  	v10 =	vadd.s32 v15, v10;
	v15 =	vld [tilespmem:s9+$0x10FFF]  }
0x7fb: {  	v10 =	vadd.s32 v14, v10  }
0x7fc: {  	v10 =	vadd.s32 v11, v10  }
0x7fd: {  	v10 =	vadd.s32 v12, v10  }
0x7fe: {  	v10 =	vadd.s32 v13, v10  }
0x7ff: {  	v10 =	vadd.s32 v15, v10  }
0x800: {  	v10 =	vperm.xlane v10, v5;
	_ =	sdelay $0x1  }
0x801: {  	(xrf0) =	vadd.scan.msk.s32 $0xffff, v10;
	_ =	sdelay $0x1  }
0x802: {  	s5 =	spop (v2sf)  }
0x803: {  	s1 =	sadd.s32 s5, s1  }
0x804: {  	s1 =	sadd.s32 $0x80000000, s1;
	s20 =	spop (v2sf)  }
0x805: {  	s5 =	sadd.s32 s20, s1  }
0x806: {  	v10 =	vadd.s32 s1, v16;
	v11, _, _ =	vpop (xrf0);
	s30 =	sadd.s32 $0x80000000, s5  }
0x807: {  	v10 =	vperm.xlane v10, v5;
	v12 =	vadd.s32 s30, v11  }
0x808: {  	vm0 =	vge.s32 v9, v7;
	v9 =	vperm.xlane v12, v5  }
0x809: {  	v12 =	vmpcnt.ones.xlane vm0;
	vm0 =	vge.s32 v10, v7  }
0x80a: {  	v13 =	vmpcnt.ones.xlane vm0;
	vm0 =	vge.s32 v9, v7  }
0x80b: {  	v7 =	vadd.s32 v8, v12;
	v8 =	vmpcnt.ones.xlane vm0  }
0x80c: {  	v7 =	vadd.s32 v7, v13  }
0x80d: {  	v11 =	vxor.u32 $0x80000000, v11;
	v7 =	vadd.s32 v7, v8  }
0x80e: {  	(xrf0) =	vmax.scan.msk.u32 $0xffff, v11;
	v7 =	vxor.u32 $0x80000000, v7  }
0x80f: {  	(xrf0) =	vmax.scan.msk.u32 $0xffff, v7;
	_ =	sdelay $0x4  }
0x810: {  	v7, _, _ =	vpop (xrf0)  }
0x811: {  	(v2sf) =	vpush v7, $0xF;
	v7, _, _ =	vpop (xrf0)  }
0x812: {  	(v2sf) =	vpush v7, $0xF;
	_ =	sdelay $0xd  }
0x813: {  	s31 =	spop (v2sf)  }
0x814: {  	s1 =	spop (v2sf)  }
0x815: {  	s5 =	sxor.u32 $0x80000000, s1  }
0x816: {  	p0 =	slt.s32 s5, $0xFF  }
0x817: {  	s5 =	simm.s32 @!p0 $0xFF  }
0x818: {  	v7 =	vmov s5;
	_ =	sdelay $0x2  }
0x819: {  	[tilespmem:s3+$0x11170] =	vst v10  }
0x81a: {  	[tilespmem:s9+$0x11170] =	vst v9  }
0x81b: {  	v7 =	vld.idx.msk [tilespmem:v7+s14+$0x0], $0xffff;
	_ =	sdelay $0x4  }
0x81c: {  	v7 =	vxor.u32 $0x80000000, v7  }
0x81d: {  	(xrf0) =	vmax.scan.msk.u32 $0xffff, v7;
	_ =	sdelay $0x1  }
0x81e: {  	s5 =	simm.s32 $0x20  }
0x81f: {  	v8 =	vld [tilespmem:s5+$0x0]  }
0x820: {  	v9 =	vld [tilespmem:s5+$0x10]  }
0x821: {  	v10 =	vld [tilespmem:s5+$0xFFFFFFE0]  }
0x822: {  	s11 =	simm.s32 $0x20;
	s10 =	simm.s32 $0x10;
	v11 =	vld [tilespmem:s5+$0xFFFFFFF0];
	v7, _, _ =	vpop (xrf0)  }
0x823: {  	v24 =	vor.u32 s10, v0;
	v58 =	vor.u32 s11, v0;
	s9 =	simm.s32 $0x0;
	(v2sf) =	vpush v7, $0xF  }
0x824: {  	v19 =	vimm.s32 $0x0;
	s3 =	simm.s32 $0x50;
	v12 =	vmov s11;
	v14 =	vmov s9  }
0x825: {  	v28 =	vmov s3;
	vm3 =	vlt.u32 v12, $0x10000;
	vm4 =	vlt.u32 v14, $0x10000  }
0x826: {  	s1 =	sadd.s32 $0x7FFFFFFF, s1;
	v14 =	vshra.s32 v8, $0x1F;
	v12 =	vshra.s32 v9, $0x1F;
	v15 =	vshra.s32 v10, $0x1F  }
0x827: {  	s20 =	simm.s32 $0x30;
	s6 =	sadd.s32 s26, s1;
	v16 =	vshra.s32 v11, $0x1F;
	v14 =	vor.u32 $0x80000000, v14;
	v12 =	vor.u32 $0x80000000, v12  }
0x828: {  	v18 =	vxor.u32 v9, v12;
	v9 =	vmov s20;
	v7 =	vmov s6  }
0x829: {  	v14 =	vxor.u32 v8, v14;
	vm2 =	vlt.u32 v9, $0x10000;
	vm0 =	veq.s32 v18, v7  }
0x82a: {  	s31 =	simm.s32 $0x60;
	v12 =	vor.u32 $0x80000000, v15;
	vm5 =	veq.s32 v14, v7;
	vm1 =	vmand vm2, vm0  }
0x82b: {  	v23 =	vld [tilespmem:s31+$0xFFFFFFE0];
	v15 =	vxor.u32 v10, v12;
	vm0 =	vmand vm3, vm5;
	v9 =	vsel vm1, $0x1, v2  }
0x82c: {  	v8 =	vor.u32 $0x80000000, v16;
	vm5 =	veq.s32 v15, v7;
	v10 =	vsel vm0, $0x1, v2;
	(xrf0) =	vadd.scan.msk.s32 $0xffff, v9  }
0x82d: {  	v13 =	vmov s10;
	v16 =	vxor.u32 v11, v8;
	vm5 =	vmand vm4, vm5;
	(xrf0) =	vadd.scan.msk.s32 $0xffff, v10  }
0x82e: {  	vm7 =	vlt.u32 v13, $0x10000;
	s26 =	simm.s32 $0x40;
	vm6 =	veq.s32 v16, v7;
	v8 =	vsel vm5, $0x1, v2  }
0x82f: {  	v59 =	vor.u32 s20, v0;
	v30 =	vmov s26;
	vm6 =	vmand vm7, vm6;
	(xrf0) =	vadd.scan.msk.s32 $0xffff, v8  }
0x830: {  	v31 =	vshra.s32 v23, $0x1F;
	v9 =	vsel vm6, $0x1, v2;
	v10 =	vmpcnt.ones.xlane vm5  }
0x831: {  	vm8 =	vgt.u32 v15, v7;
	vm9 =	vgt.u32 v14, v7;
	(xrf0) =	vadd.scan.msk.s32 $0xffff, v9;
	v9 =	vmpcnt.ones.xlane vm6  }
0x832: {  	vm10 =	vgt.u32 v18, v7;
	vm9 =	vmand vm3, vm9;
	v10 =	vadd.s32 v19, v10;
	v12, _, _ =	vpop (xrf0);
	s30 =	spop (v2sf)  }
0x833: {  	p0 =	sgt.s32 s1, $0xFE;
	vm2 =	vmand vm2, vm10;
	v11 =	vmpcnt.ones.xlane vm0;
	v9 =	vadd.s32 v10, v9;
	v13, _, _ =	vpop (xrf0);
	s1 =	sxor.u32 $0x80000000, s30  }
0x834: {  	vm4 =	vmand vm4, vm8;
	vm8 =	vgt.u32 v16, v7;
	v13 =	vadd.s32 v9, v13;
	s1 =	simm.s32 @p0 $0x0  }
0x835: {  	vm10 =	vlt.u32 v30, $0x10000;
	vm3 =	vmand vm7, vm8;
	v17, _, _ =	vpop (xrf0);
	v9 =	vadd.s32 v9, v11;
	s0 =	ssub.s32 s0, s1  }
0x836: {  	v11 =	vadd.s32 v19, v17;
	v12 =	vadd.s32 v9, v12;
	v8 =	vmov s0  }
0x837: {  	vm7 =	vle.s32 v13, v8;
	v13, _, _ =	vpop (xrf0);
	vm8 =	vle.s32 v11, v8;
	v11 =	vmpcnt.ones.xlane vm1  }
0x838: {  	vm5 =	vmand vm5, vm8;
	v10 =	vadd.s32 v10, v13;
	vm8 =	vle.s32 v12, v8  }
0x839: {  	v22 =	vld [tilespmem:s31+$0x10];
	s0 =	simm.s32 $0x60;
	vm0 =	vmand vm0, vm7;
	vm4 =	vmor vm4, vm5;
	vm5 =	vle.s32 v10, v8  }
0x83a: {  	vm1 =	vmand vm1, vm8;
	v21 =	vadd.s32 v9, v11;
	v11 =	vmov s0  }
0x83b: {  	v27 =	vld [tilespmem:s31+$0xFFFFFFF0];
	v10 =	vmpcnt.ones.xlane vm4;
	vm5 =	vmand vm6, vm5;
	vm1 =	vmor vm2, vm1  }
0x83c: {  	v13 =	vld [tilespmem:s31+$0x0];
	v12 =	vsel vm4, $0x1, v2;
	vm2 =	vmor vm9, vm0;
	vm0 =	vmmov vm4  }
0x83d: {  	vm6 =	vlt.u32 v28, $0x10000;
	vm8 =	vlt.u32 v11, $0x10000;
	vm3 =	vmor vm3, vm5  }
0x83e: {  	v11 =	vshra.s32 v22, $0x1F;
	v20 =	vsel vm1, $0x1, v2;
	v25 =	vmpcnt.ones.xlane vm3  }
0x83f: {  	v55 =	vsel vm2, $0x1, v2;
	v29 =	vadd.s32 v19, v10;
	v10 =	vmpcnt.ones.xlane vm2  }
0x840: {  	v11 =	vor.u32 $0x80000000, v11;
	(xrf0) =	vadd.scan.msk.s32 $0xffff, v20;
	v20 =	vshra.s32 v27, $0x1F;
	v25 =	vadd.s32 v29, v25  }
0x841: {  	(xrf0) =	vadd.scan.msk.s32 $0xffff, v55;
	v20 =	vor.u32 $0x80000000, v20;
	v56 =	vadd.s32 v25, v10;
	v10 =	vshra.s32 v13, $0x1F  }
0x842: {  	s28 =	simm.s32 $0x70;
	v17 =	vsel vm3, $0x1, v2;
	(xrf0) =	vadd.scan.msk.s32 $0xffff, v12;
	v12 =	vxor.u32 v27, v20;
	v10 =	vor.u32 $0x80000000, v10  }
0x843: {  	v10 =	vxor.u32 v13, v10;
	v13 =	vxor.u32 v22, v11;
	v11 =	vmov s28  }
0x844: {  	vm12 =	veq.s32 v12, v7;
	vm7 =	vlt.u32 v11, $0x10000;
	vm5 =	veq.s32 v13, v7  }
0x845: {  	v22 =	vor.u32 $0x80000000, v31;
	vm4 =	veq.s32 v10, v7;
	vm5 =	vmand vm7, vm5  }
0x846: {  	v11 =	vxor.u32 v23, v22;
	vm4 =	vmand vm8, vm4;
	v23 =	vsel vm5, $0x1, v2  }
0x847: {  	vm14 =	veq.s32 v11, v7;
	vm11 =	vgt.u32 v11, v7;
	v22 =	vsel vm4, $0x1, v2;
	(xrf0) =	vadd.scan.msk.s32 $0xffff, v23  }
0x848: {  	vm9 =	vmand vm10, vm14;
	vm11 =	vmand vm10, vm11;
	vm10 =	vmand vm6, vm12;
	(xrf0) =	vadd.scan.msk.s32 $0xffff, v17  }
0x849: {  	v9 =	vor.u32 s9, v0;
	v20, _, _ =	vpop (xrf0);
	v23 =	vsel vm9, $0x1, v2;
	(xrf0) =	vadd.scan.msk.s32 $0xffff, v22;
	v22 =	vsel vm10, $0x1, v2  }
0x84a: {  	v26 =	vmpcnt.ones.xlane vm1;
	vm13 =	vgt.u32 v10, v7;
	v20 =	vadd.s32 v20, v56;
	(xrf0) =	vadd.scan.msk.s32 $0xffff, v23  }
0x84b: {  	vm8 =	vmand vm8, vm13;
	v20 =	vadd.s32 $0xFFFFFFFF, v20;
	vm12 =	vgt.u32 v12, v7;
	v17, _, _ =	vpop (xrf0)  }
0x84c: {  	v57 =	vmpcnt.ones.xlane vm9;
	v17 =	vadd.s32 v17, v25;
	v23 =	vmpcnt.ones.xlane vm4;
	(xrf0) =	vadd.scan.msk.s32 $0xffff, v22;
	v22, _, _ =	vpop (xrf0)  }
0x84d: {  	vm14 =	vgt.u32 v13, v7;
	v60 =	vmpcnt.ones.xlane vm10;
	v25 =	vadd.s32 $0xFFFFFFFF, v17;
	v61, _, _ =	vpop (xrf0)  }
0x84e: {  	vm12 =	vmand vm6, vm12;
	v27 =	vadd.s32 v21, v57;
	v19 =	vadd.s32 v22, v19;
	v22, _, _ =	vpop (xrf0)  }
0x84f: {  	vm7 =	vmand vm7, vm14;
	v17 =	vadd.s32 v56, v26;
	v30 =	vadd.s32 v27, v60;
	v32, _, _ =	vpop (xrf0)  }
0x850: {  	[tilespmem:v20+s16+$0x0] =	vst.idx.msk vm1, v18;
	v18 =	vadd.s32 v30, v23;
	v19 =	vadd.s32 $0xFFFFFFFF, v19;
	v22 =	vadd.s32 v22, v29;
	v23, _, _ =	vpop (xrf0)  }
0x851: {  	v62 =	vadd.s32 v30, v32;
	v63 =	vadd.s32 $0xFFFFFFFF, v22;
	v21 =	vadd.s32 v21, v23  }
0x852: {  	[tilespmem:v25+s16+$0x0] =	vst.idx.msk vm2, v14;
	v22 =	vmpcnt.ones.xlane vm5;
	vm13 =	vle.s32 v62, v8;
	v14, _, _ =	vpop (xrf0);
	vm6 =	vle.s32 v21, v8  }
0x853: {  	[tilespmem:v25+s17+$0x0] =	vst.idx.msk vm2, v58;
	v23 =	vadd.s32 v18, v61;
	v14 =	vadd.s32 v27, v14;
	vm2 =	vmand vm9, vm6  }
0x854: {  	[tilespmem:v20+s17+$0x0] =	vst.idx.msk vm1, v59;
	vm15 =	vle.s32 v23, v8;
	vm6 =	vmor vm11, vm2;
	vm2 =	vle.s32 v14, v8  }
0x855: {  	vm4 =	vmand vm4, vm13;
	[tilespmem:v19+s16+$0x0] =	vst.idx.msk vm0, v15;
	v21 =	vmpcnt.ones.xlane vm6;
	vm1 =	vmand vm10, vm2  }
0x856: {  	vm2 =	vmand vm5, vm15;
	[tilespmem:v63+s16+$0x0] =	vst.idx.msk vm3, v16;
	v20 =	vsel vm6, $0x1, v2;
	vm1 =	vmor vm12, vm1  }
0x857: {  	s29 =	simm.s32 $0xA0;
	s20 =	simm.s32 $0x80;
	s6 =	simm.s32 $0x4;
	v15 =	vmovc v17;
	vm2 =	vmor vm7, vm2;
	[tilespmem:v63+s17+$0x0] =	vst.idx.msk vm3, v24;
	vm3 =	vmor vm8, vm4;
	v16 =	vsel vm1, $0x1, v2  }
.LBB2_36:
0x858: {  	s9 =	sadd.s32 $0x20, s20;
	v23 =	vld [tilespmem:s29+$0x0];
	s6 =	sadd.s32 $0x4, s6;
	v14 =	vsel vm2, $0x1, v2;
	v22 =	vadd.s32 v18, v22;
	[tilespmem:v19+s17+$0x0] =	vst.idx.msk vm0, v9;
	vm0 =	vmmov vm6  }
0x859: {  	v9 =	vor.u32 s26, v0;
	s26 =	smov.u32 s20;
	v18 =	vmov s9;
	v19 =	vld [tilespmem:s29+$0x10];
	p0 =	slt.u32 s6, $0xFFC;
	(xrf0) =	vadd.scan.msk.s32 $0xffff, v14  }
0x85a: {  	v25 =	vmpcnt.ones.xlane vm1;
	v26 =	vmpcnt.ones.xlane vm2;
	v14 =	vor.u32 s3, v0;
	s3 =	sadd.s32 $0x10, s20;
	v24 =	vld [tilespmem:s29+$0xFFFFFFE0]  }
0x85b: {  	v21 =	vadd.s32 v17, v21;
	v17 =	vmpcnt.ones.xlane vm3;
	v28 =	vmov s3;
	v27 =	vld [tilespmem:s29+$0xFFFFFFF0]  }
0x85c: {  	v29 =	vmov s20;
	v25 =	vadd.s32 v21, v25;
	vm6 =	vlt.u32 v28, $0x10000  }
0x85d: {  	vm9 =	vlt.u32 v29, $0x10000;
	v28 =	vsel vm3, $0x1, v2;
	v17 =	vadd.s32 v25, v17  }
0x85e: {  	vm8 =	vlt.u32 v18, $0x10000;
	v29 =	vshra.s32 v23, $0x1F;
	v18 =	vshra.s32 v19, $0x1F;
	(xrf0) =	vadd.scan.msk.s32 $0xffff, v28  }
0x85f: {  	v29 =	vor.u32 $0x80000000, v29;
	v28 =	vshra.s32 v24, $0x1F;
	v18 =	vor.u32 $0x80000000, v18;
	v30, _, _ =	vpop (xrf0)  }
0x860: {  	s1 =	sadd.s32 $0x30, s20;
	v23 =	vxor.u32 v23, v29;
	v31 =	vshra.s32 v27, $0x1F;
	v29 =	vxor.u32 v19, v18  }
0x861: {  	vm4 =	veq.s32 v23, v7;
	v19 =	vmov s1;
	v18 =	vor.u32 $0x80000000, v31  }
0x862: {  	v28 =	vor.u32 $0x80000000, v28;
	vm7 =	vlt.u32 v19, $0x10000;
	vm5 =	veq.s32 v29, v7  }
0x863: {  	v24 =	vxor.u32 v24, v28;
	vm4 =	vmand vm8, vm4;
	vm5 =	vmand vm7, vm5  }
0x864: {  	vm10 =	veq.s32 v24, v7;
	v19 =	vsel vm4, $0x1, v2;
	v28 =	vsel vm5, $0x1, v2;
	(xrf0) =	vadd.scan.msk.s32 $0xffff, v20;
	v20, _, _ =	vpop (xrf0)  }
0x865: {  	vm11 =	vgt.u32 v24, v7;
	v27 =	vxor.u32 v27, v18;
	vm10 =	vmand vm9, vm10;
	(xrf0) =	vadd.scan.msk.s32 $0xffff, v28  }
0x866: {  	vm12 =	veq.s32 v27, v7;
	v18 =	vsel vm10, $0x1, v2;
	v28 =	vmpcnt.ones.xlane vm10;
	(xrf0) =	vadd.scan.msk.s32 $0xffff, v16  }
0x867: {  	vm11 =	vmand vm9, vm11;
	vm9 =	vmand vm6, vm12;
	v16 =	vadd.s32 v30, v17;
	(xrf0) =	vadd.scan.msk.s32 $0xffff, v19  }
0x868: {  	v31 =	vadd.s32 v20, v25;
	v19 =	vsel vm9, $0x1, v2;
	v16 =	vadd.s32 $0xFFFFFFFF, v16;
	(xrf0) =	vadd.scan.msk.s32 $0xffff, v18  }
0x869: {  	v20 =	vmpcnt.ones.xlane vm4;
	v25 =	vadd.s32 $0xFFFFFFFF, v31;
	v17 =	vadd.s32 v17, v26;
	(xrf0) =	vadd.scan.msk.s32 $0xffff, v19  }
0x86a: {  	vm12 =	vgt.u32 v27, v7;
	v26 =	vor.u32 s0, v0;
	v30 =	vor.u32 s28, v0;
	s0 =	smov.u32 s9;
	s28 =	smov.u32 s1;
	v18, _, _ =	vpop (xrf0)  }
0x86b: {  	vm13 =	vgt.u32 v23, v7;
	v33 =	vmpcnt.ones.xlane vm9;
	v32, _, _ =	vpop (xrf0);
	v18 =	vadd.s32 v18, v15  }
0x86c: {  	vm8 =	vmand vm8, vm13;
	v28 =	vadd.s32 v22, v28;
	v19 =	vadd.s32 $0xFFFFFFFF, v18;
	v15, _, _ =	vpop (xrf0)  }
0x86d: {  	vm12 =	vmand vm6, vm12;
	v18 =	vadd.s32 v28, v33;
	v31, _, _ =	vpop (xrf0);
	v15 =	vadd.s32 v15, v21;
	[tilespmem:v16+s16+$0x0] =	vst.idx.msk vm2, v13  }
0x86e: {  	v13 =	vadd.s32 v18, v31;
	v18 =	vadd.s32 v18, v20;
	v20, _, _ =	vpop (xrf0);
	v15 =	vadd.s32 $0xFFFFFFFF, v15;
	[tilespmem:v25+s16+$0x0] =	vst.idx.msk vm3, v10  }
0x86f: {  	v21 =	vadd.s32 v22, v20;
	vm13 =	vle.s32 v13, v8;
	v13 =	vadd.s32 v18, v32;
	v20, _, _ =	vpop (xrf0)  }
0x870: {  	vm14 =	vgt.u32 v29, v7;
	v22 =	vmpcnt.ones.xlane vm5;
	vm6 =	vle.s32 v21, v8;
	[tilespmem:v25+s17+$0x0] =	vst.idx.msk vm3, v26  }
.Ltmp51:
0x871: {  	vm7 =	vmand vm7, vm14;
	v10 =	vmovc v23;
	v20 =	vadd.s32 v28, v20;
	vm3 =	vmand vm10, vm6;
	[tilespmem:v19+s16+$0x0] =	vst.idx.msk vm0, v11;
	(pc) =	sbr.rel @p0 .LBB2_36-.Ltmp51, $4  }
0x872: {  	vm10 =	vle.s32 v13, v8;
	vm6 =	vmor vm11, vm3;
	vm3 =	vle.s32 v20, v8;
	[tilespmem:v16+s17+$0x0] =	vst.idx.msk vm2, v30  }
0x873: {  	v11 =	vmovc v24;
	vm2 =	vmand vm5, vm10;
	v13 =	vmovc v29;
	v21 =	vmpcnt.ones.xlane vm6;
	vm3 =	vmand vm9, vm3;
	[tilespmem:v15+s16+$0x0] =	vst.idx.msk vm1, v12  }
0x874: {  	vm4 =	vmand vm4, vm13;
	vm2 =	vmor vm7, vm2;
	v12 =	vmovc v27;
	[tilespmem:v15+s17+$0x0] =	vst.idx.msk vm1, v14;
	vm1 =	vmor vm12, vm3;
	v15 =	vmovc v17  }
0x875: {  	s20 =	sadd.s32 $0x40, s20;
	s29 =	sadd.s32 $0x40, s29;
	v20 =	vsel vm6, $0x1, v2;
	vm3 =	vmor vm8, vm4;
	v16 =	vsel vm1, $0x1, v2  }
0x876: {  	v7 =	vsel vm2, $0x1, v2  }
0x877: {  	(xrf0) =	vadd.scan.msk.s32 $0xffff, v7;
	v7 =	vsel vm3, $0x1, v2  }
0x878: {  	(xrf0) =	vadd.scan.msk.s32 $0xffff, v7;
	_ =	sdelay $0x1  }
0x879: {  	v7 =	vmpcnt.ones.xlane vm1;
	(xrf0) =	vadd.scan.msk.s32 $0xffff, v20  }
0x87a: {  	v8 =	vadd.s32 v17, v21;
	v14 =	vmpcnt.ones.xlane vm3  }
0x87b: {  	v7 =	vadd.s32 v8, v7;
	(xrf0) =	vadd.scan.msk.s32 $0xffff, v16  }
0x87c: {  	v14 =	vadd.s32 v7, v14;
	v58, _, _ =	vpop (xrf0)  }
0x87d: {  	v59, _, _ =	vpop (xrf0);
	v14 =	vadd.s32 v58, v14  }
0x87e: {  	v7 =	vadd.s32 v59, v7;
	v14 =	vadd.s32 $0xFFFFFFFF, v14  }
0x87f: {  	v60, _, _ =	vpop (xrf0);
	v7 =	vadd.s32 $0xFFFFFFFF, v7  }
0x880: {  	v15 =	vadd.s32 v60, v15  }
0x881: {  	v61, _, _ =	vpop (xrf0);
	v15 =	vadd.s32 $0xFFFFFFFF, v15  }
0x882: {  	[tilespmem:v19+s17+$0x0] =	vst.idx.msk vm0, v9;
	v8 =	vadd.s32 v61, v8  }
0x883: {  	v8 =	vadd.s32 $0xFFFFFFFF, v8;
	[tilespmem:v14+s16+$0x0] =	vst.idx.msk vm2, v13  }
0x884: {  	v62 =	vor.u32 s0, v0;
	[tilespmem:v7+s16+$0x0] =	vst.idx.msk vm3, v10  }
0x885: {  	[tilespmem:v7+s17+$0x0] =	vst.idx.msk vm3, v62  }
.Ltmp52:
0x886: {  	v7 =	vor.u32 s28, v0;
	[tilespmem:v15+s16+$0x0] =	vst.idx.msk vm6, v11;
	(pc) =	sbr.rel .LBB2_81-.Ltmp52, $4  }
0x887: {  	[tilespmem:v14+s17+$0x0] =	vst.idx.msk vm2, v7  }
0x888: {  	v63 =	vor.u32 s26, v0;
	[tilespmem:v8+s16+$0x0] =	vst.idx.msk vm1, v12  }
0x889: {  	v7 =	vor.u32 s3, v0;
	[tilespmem:v15+s17+$0x0] =	vst.idx.msk vm6, v63  }
0x88a: {  	vm4 =	vmmov vm6;
	[tilespmem:v8+s17+$0x0] =	vst.idx.msk vm1, v7  }
.LBB2_77:
0x88b: {  	v10 =	vimm.s32 $0x0;
	v12 =	vimm.s32 $0x0  }
.LBB2_78:
.Ltmp53:
0x88c: {  	(pc) =	sbr.rel @p0 .LBB2_81-.Ltmp53, $1  }
0x88d: {  	_ =	sdelay $0x3  }
0x88e: {  	s0 =	sadd.s32 $0x11180, s30  }
.LBB2_80:
0x88f: {  	v11 =	vld [tilespmem:s0+$0x0];
	_ =	sdelay $0x7  }
0x890: {  	v13 =	vld.idx.msk [tilespmem:v11+s2+$0x0], $0xffff;
	_ =	sdelay $0x4  }
0x891: {  	v14 =	vshra.s32 v13, $0x1F  }
0x892: {  	v14 =	vor.u32 $0x80000000, v14  }
0x893: {  	v13 =	vxor.u32 v13, v14;
	v14 =	vor.u32 s29, v0  }
0x894: {  	vm0 =	vlt.s32 v14, v7;
	vm1 =	veq.s32 v13, v8  }
0x895: {  	vm1 =	vmand vm0, vm1  }
0x896: {  	v14 =	vsel vm1, $0x1, v2  }
0x897: {  	(xrf0) =	vadd.scan.msk.s32 $0xffff, v14;
	_ =	sdelay $0x5  }
0x898: {  	v14, _, _ =	vpop (xrf0)  }
0x899: {  	v14 =	vadd.s32 v10, v14  }
0x89a: {  	vm2 =	vgt.u32 v13, v8;
	vm3 =	vle.s32 v14, v9  }
0x89b: {  	vm0 =	vmand vm0, vm2;
	vm15 =	vmand vm1, vm3  }
0x89c: {  	vm0 =	vmor vm0, vm15  }
0x89d: {  	v14 =	vsel vm0, $0x1, v2  }
0x89e: {  	(xrf0) =	vadd.scan.msk.s32 $0xffff, v14;
	_ =	sdelay $0x5  }
0x89f: {  	v14, _, _ =	vpop (xrf0)  }
0x8a0: {  	v14 =	vadd.s32 v14, v12  }
0x8a1: {  	s28 =	sadd.s32 $0x1, s28;
	v14 =	vadd.s32 $0xFFFFFFFF, v14  }
0x8a2: {  	p0 =	slt.s32 s28, s26  }
.Ltmp54:
0x8a3: {  	_ = 	snop;
	(pc) =	sbr.rel @p0 .LBB2_80-.Ltmp54, $4  }
0x8a4: {  	_ = 	snop  }
0x8a5: {  	v15 =	vmpcnt.ones.xlane vm1;
	v16 =	vmpcnt.ones.xlane vm0  }
0x8a6: {  	[tilespmem:v14+s16+$0x0] =	vst.idx.msk vm0, v13  }
0x8a7: {  	s0 =	sadd.s32 $0x10, s0;
	s29 =	sadd.s32 $0x10, s29;
	v10 =	vadd.s32 v10, v15;
	v12 =	vadd.s32 v12, v16;
	[tilespmem:v14+s17+$0x0] =	vst.idx.msk vm0, v11  }
.Ltmp55:
0x8a8: {  	_ = 	snop;
	(pc) =	sbr.rel .LBB2_81-.Ltmp55, $1  }
0x8a9: {  	_ =	sdelay $0x3  }
.LBB2_44:
.Ltmp56:
0x8aa: {  	(pc) =	sbr.rel .LBB2_57-.Ltmp56, $2  }
0x8ab: {  	_ =	sdelay $0x2  }
0x8ac: {  	_ = 	snop  }
.LBB2_54:
.Ltmp57:
0x8ad: {  	(pc) =	sbr.rel .LBB2_70-.Ltmp57, $2  }
0x8ae: {  	_ =	sdelay $0x2  }
0x8af: {  	_ = 	snop  }
.LBB2_67:
.Ltmp58:
0x8b0: {  	(pc) =	sbr.rel .LBB2_86-.Ltmp58, $2  }
0x8b1: {  	_ =	sdelay $0x2  }
0x8b2: {  	_ = 	snop  }
.LBB2_88:
.Ltmp59:
0x8b3: {  	(pc) =	sbr.rel .LBB2_93-.Ltmp59, $2  }
0x8b4: {  	_ =	sdelay $0x2  }
0x8b5: {  	v30 =	vmov v16;
	v18 =	vmov v17;
	v23 =	vimm.s32 $0x0  }
.LBB2_90:
.Ltmp60:
0x8b6: {  	(pc) =	sbr.rel .LBB2_93-.Ltmp60, $4  }
0x8b7: {  	_ = 	snop  }
0x8b8: {  	v39 =	vmov v12;
	v38 =	vmov v14  }
0x8b9: {  	v42 =	vmovc v10;
	v40 =	vmovc v15;
	v41 =	vmov v11;
	v24 =	vmov v37;
	v12 =	vmov v22  }
0x8ba: {  	vm12 =	vmmov vm6;
	v14 =	vmovc v31;
	v10 =	vmovc v19;
	v11 =	vmov v20;
	v15 =	vmov v21  }
.LBB2_83:
0x8bb: {  	_ =	sfence.sel $0x180000  }
0x8bc: {  	[bflag:$0x0] =	sbarrier.arrive $0xFFFF  }
0x8bd: {  	_ =	strace $0x90000047  }
0x8be: {  	s0 =	stileid.u32;
	[bflag:$0x2] =	sbarrier.arrive $0xFFFF  }
0x8bf: {  	p0 =	sne.s32 s0, $0x0;
	s0 =	rddreg [dreg:$0x2]  }
0x8c0: {  	s0 =	sadd.s32 @!p0 $0x100000, s0  }
0x8c1: {  	[sflag:s0] =	ssyncadd.tile.s32 @!p0 $0x1;
	_ =	shalt  }
.Lfunc_end2:
_tile_overlayer_lowered:
.L_overlay_start_2:
0x8c2: {  	(tag) =	ssettag $0x2  }
0x8c3: {  	s0 =	rddreg [dreg:$0x0];
	s2 =	stileid.u32  }
0x8c4: {  	s1 =	rddreg [dreg:$0x1];
	p0 =	sne.s32 s2, $0x0  }
0x8c5: {  	s3 =	rddreg [dreg:$0x2];
	[bflag:$0x3] =	sbarrier.arrive $0xFFFF;
	s2 =	simm.s32 @!p0 $0x1C02  }
0x8c6: {  	[timem:s3], [sflag:s2] =	dma.local @!p0 [hbm:s0], s1  }
0x8c7: {  	s0 =	simm.s32 @!p0 $0x2  }
0x8c8: {  	_ =	swait.ge @!p0 [sflag:s0], s1  }
0x8c9: {  	s1 =	ssub.s32 @!p0 $0x0, s1;
	[sflag:s0] =	ssyncset.done @!p0 $0x0  }
0x8ca: {  	[sflag:s0] =	ssyncadd.s32 @!p0 s1  }
0x8cb: {  	[bflag:$0x3] =	sbarrier.arrive $0xFFFF  }
0x8cc: {  	_ =	shalt  }

</sc_bundles>
